<compile_context>
chip_gen: v7x
topology: tpu7x:2x2x1
jax: 0.10.2.dev20260603
libtpu: 0.0.44.dev20260713+nightly
codegen_flags: <defaults>
</compile_context>

<pallas_src>
import functools

import jax
import jax.numpy as jnp
from jax import lax
from jax.experimental import pallas as pl
from jax.experimental.pallas import tpu as pltpu
from jax.experimental.pallas import tpu_sc as plsc

_B = 16384
_D = 64
_N = 1000000
_HALF = 524288
_W = 1024
_NBLK = _HALF // _W
_LASTBLK = (_N - 1) // _W
_NC = 2
_NS = 16
_NW = _NC * _NS
_BPW = _B // _NW
_L = 16
_CH = 256
_NCH = _BPW // _CH
_GPC = _CH // _L


def _relayout_body(e1, e2, r1, r2, out_e, out_r):
    out_e[...] = jnp.concatenate([e1[...].T, e2[...].T], axis=1)
    out_r[...] = jnp.concatenate([r1[...].T, r2[...].T], axis=1)


_relayout = pl.pallas_call(
    _relayout_body,
    grid=(_NBLK,),
    in_specs=[
        pl.BlockSpec((_D, _W), lambda j: (0, j)),
        pl.BlockSpec((_D, _W), lambda j: (0, jnp.minimum(j + _NBLK, _LASTBLK))),
        pl.BlockSpec((_D, _W), lambda j: (0, j)),
        pl.BlockSpec((_D, _W), lambda j: (0, jnp.minimum(j + _NBLK, _LASTBLK))),
    ],
    out_specs=[
        pl.BlockSpec((_W, 2 * _D), lambda j: (j, 0)),
        pl.BlockSpec((_W, 2 * _D), lambda j: (j, 0)),
    ],
    out_shape=[
        jax.ShapeDtypeStruct((_HALF, 2 * _D), jnp.float32),
        jax.ShapeDtypeStruct((_HALF, 2 * _D), jnp.float32),
    ],
    compiler_params=pltpu.CompilerParams(
        dimension_semantics=("arbitrary",)),
)


def _distmult_body(subj_hbm, obj_hbm, rel_hbm, ent_hbm, relt_hbm, out_hbm,
                   idx_s, idx_o, idx_r, row_s, row_o, row_r,
                   rows_s, rows_o, rows_r, out_v,
                   sem_s, sem_o, sem_r):
    wid = lax.axis_index("s") * _NC + lax.axis_index("c")
    base = wid * _BPW

    pltpu.sync_copy(subj_hbm.at[pl.ds(base, _BPW)], idx_s)
    pltpu.sync_copy(obj_hbm.at[pl.ds(base, _BPW)], idx_o)
    pltpu.sync_copy(rel_hbm.at[pl.ds(base, _BPW)], idx_r)

    def fold(g, carry):
        sl = pl.ds(g * _L, _L)
        row_s[sl] = idx_s[sl] & (_HALF - 1)
        row_o[sl] = idx_o[sl] & (_HALF - 1)
        row_r[sl] = idx_r[sl] & (_HALF - 1)
        return carry

    lax.fori_loop(0, _BPW // _L, fold, 0)

    lane = lax.iota(jnp.int32, _L)

    for c in range(_NCH):
        csl = pl.ds(c * _CH, _CH)
        cs = pltpu.async_copy(ent_hbm.at[row_s.at[csl]], rows_s, sem_s)
        co = pltpu.async_copy(ent_hbm.at[row_o.at[csl]], rows_o, sem_o)
        cr = pltpu.async_copy(relt_hbm.at[row_r.at[csl]], rows_r, sem_r)
        cs.wait()
        co.wait()
        cr.wait()

        def group(g, carry):
            row = g * _L + lane
            off = c * _CH + g * _L
            col_s = lax.shift_right_logical(idx_s[pl.ds(off, _L)], 19) * _D
            col_o = lax.shift_right_logical(idx_o[pl.ds(off, _L)], 19) * _D
            col_r = lax.shift_right_logical(idx_r[pl.ds(off, _L)], 19) * _D
            acc = jnp.zeros((_L,), jnp.float32)
            for d in range(_D):
                s = plsc.load_gather(rows_s, [row, col_s + d])
                o = plsc.load_gather(rows_o, [row, col_o + d])
                r = plsc.load_gather(rows_r, [row, col_r + d])
                acc = acc + s * r * o
            out_v[pl.ds(off, _L)] = acc
            return carry

        lax.fori_loop(0, _GPC, group, 0)

    pltpu.sync_copy(out_v, out_hbm.at[pl.ds(base, _BPW)])


_distmult_sc = functools.partial(
    pl.kernel,
    mesh=plsc.VectorSubcoreMesh(core_axis_name="c", subcore_axis_name="s"),
    out_type=jax.ShapeDtypeStruct((_B,), jnp.float32),
    scratch_types=[
        pltpu.VMEM((_BPW,), jnp.int32),
        pltpu.VMEM((_BPW,), jnp.int32),
        pltpu.VMEM((_BPW,), jnp.int32),
        pltpu.VMEM((_BPW,), jnp.int32),
        pltpu.VMEM((_BPW,), jnp.int32),
        pltpu.VMEM((_BPW,), jnp.int32),
        pltpu.VMEM((_CH, 2 * _D), jnp.float32),
        pltpu.VMEM((_CH, 2 * _D), jnp.float32),
        pltpu.VMEM((_CH, 2 * _D), jnp.float32),
        pltpu.VMEM((_BPW,), jnp.float32),
        pltpu.SemaphoreType.DMA,
        pltpu.SemaphoreType.DMA,
        pltpu.SemaphoreType.DMA,
    ],
    compiler_params=pltpu.CompilerParams(needs_layout_passes=False),
)(_distmult_body)


def kernel(triples, entity_table, relation_table):
    t = triples.astype(jnp.int32)
    ent_t, rel_t = entity_table.T, relation_table.T
    ent_r, rel_r = _relayout(ent_t, ent_t, rel_t, rel_t)
    scores = _distmult_sc(t[:, 0], t[:, 1], t[:, 2], ent_r, rel_r)
    return scores.reshape(_B, 1)

# --- scband reference (transcript-rebuilt; emitter-appended) ---
"""Pipeline reference for scband-dist-mult-64407329571717 (READ-ONLY COPY).

The authoritative reference and input builder live on the scoring server;
editing this copy changes nothing except your own understanding.
"""

import jax, jax.numpy as jnp
import numpy as np

NUM_NODES = 1000000
NUM_RELATIONS = 1000000
EMB = 64
BATCH = 16384

def setup_inputs(seed: int = 0) -> dict:
    key = jax.random.key(seed)
    k1, k2, k3 = jax.random.split(key, 3)
    triples = jax.random.randint(k1, (BATCH, 3), 0, NUM_NODES, dtype=jnp.int64 if jax.config.jax_enable_x64 else jnp.int32)
    # xavier_normal for embedding weight [num, dim]: std = sqrt(2/(num+dim))
    ent_std = float(np.sqrt(2.0 / (NUM_NODES + EMB)))
    rel_std = float(np.sqrt(2.0 / (NUM_RELATIONS + EMB)))
    entity_table = jax.random.normal(k2, (NUM_NODES, EMB), dtype=jnp.float32) * ent_std
    relation_table = jax.random.normal(k3, (NUM_RELATIONS, EMB), dtype=jnp.float32) * rel_std
    return {"triples": triples, "entity_table": entity_table, "relation_table": relation_table}

def reference(triples, entity_table, relation_table):
    subj = jnp.take(entity_table, triples[:, 0], axis=0)
    obj = jnp.take(entity_table, triples[:, 1], axis=0)
    rel = jnp.take(relation_table, triples[:, 2], axis=0)
    # dropout=0 -> identity
    scores = jnp.sum(subj * rel * obj, axis=1, keepdims=True)
    return scores

if __name__ == "__main__":
    import jax
    _d = setup_inputs()
    print(jax.jit(kernel)(*tuple(_d.values())))

</pallas_src>

<mosaic_0001>
#map = affine_map<(d0, d1) -> (0)>
#map1 = affine_map<(d0, d1) -> (0, 0)>
module attributes {stable_mosaic.version = 14 : i64} {
  func.func @_distmult_body(%arg0: i32, %arg1: i32, %arg2: memref<16384xi32, #tpu.memory_space<hbm>>, %arg3: memref<16384xi32, #tpu.memory_space<hbm>>, %arg4: memref<16384xi32, #tpu.memory_space<hbm>>, %arg5: memref<524288x128xf32, #tpu.memory_space<hbm>>, %arg6: memref<524288x128xf32, #tpu.memory_space<hbm>>, %arg7: memref<16384xf32, #tpu.memory_space<hbm>>, %arg8: memref<512xi32, #tpu.memory_space<vmem>>, %arg9: memref<512xi32, #tpu.memory_space<vmem>>, %arg10: memref<512xi32, #tpu.memory_space<vmem>>, %arg11: memref<512xi32, #tpu.memory_space<vmem>>, %arg12: memref<512xi32, #tpu.memory_space<vmem>>, %arg13: memref<512xi32, #tpu.memory_space<vmem>>, %arg14: memref<256x128xf32, #tpu.memory_space<vmem>>, %arg15: memref<256x128xf32, #tpu.memory_space<vmem>>, %arg16: memref<256x128xf32, #tpu.memory_space<vmem>>, %arg17: memref<512xf32, #tpu.memory_space<vmem>>, %arg18: memref<!tpu.dma_semaphore, #tpu.memory_space<semaphore_mem>>, %arg19: memref<!tpu.dma_semaphore, #tpu.memory_space<semaphore_mem>>, %arg20: memref<!tpu.dma_semaphore, #tpu.memory_space<semaphore_mem>>) attributes {dimension_semantics = [#tpu.dimension_semantics<core_parallel>, #tpu.dimension_semantics<subcore_parallel>], iteration_bounds = array<i64: 2, 16>, scalar_prefetch = 0 : i64, scratch_operands = 13 : i64, tpu.core_type = #tpu.core_type<sc_vector_subcore>, window_params = [{transform_indices = #map}, {transform_indices = #map}, {transform_indices = #map}, {transform_indices = #map1}, {transform_indices = #map1}, {transform_indices = #map}]} {
    %mul3A = arith.constant 2 : i32
    %mul3A_0 = arith.muli %arg1, %mul3A : i32
    %add3A = arith.addi %mul3A_0, %arg0 : i32
    %mul3A_1 = arith.constant 512 : i32
    %mul3A_2 = arith.muli %add3A, %mul3A_1 : i32
    "tpu.region"() ({
      %run_scoped3A = tpu.sem_alloc : memref<!tpu.dma_semaphore, #tpu.memory_space<semaphore_mem>>
      %dma_start3A_78 = tpu.memref_slice %arg2[%mul3A_2] : memref<16384xi32, #tpu.memory_space<hbm>> -> memref<512xi32, #tpu.memory_space<hbm>>
      %dma_start3A_79 = tpu.memref_slice %arg2[%mul3A_2] : memref<16384xi32, #tpu.memory_space<hbm>> -> memref<512xi32, #tpu.memory_space<hbm>>
      tpu.enqueue_dma source(%dma_start3A_79 : memref<512xi32, #tpu.memory_space<hbm>>) target(%arg8 : memref<512xi32, #tpu.memory_space<vmem>>) target_semaphore(%run_scoped3A : memref<!tpu.dma_semaphore, #tpu.memory_space<semaphore_mem>>)
      %dma_wait3A_80 = tpu.memref_slice %arg2[%mul3A_2] : memref<16384xi32, #tpu.memory_space<hbm>> -> memref<512xi32, #tpu.memory_space<hbm>>
      %dma_wait3A_81 = tpu.memref_slice %arg2[%mul3A_2] : memref<16384xi32, #tpu.memory_space<hbm>> -> memref<512xi32, #tpu.memory_space<hbm>>
      tpu.wait_dma2 semaphore(%run_scoped3A : memref<!tpu.dma_semaphore, #tpu.memory_space<semaphore_mem>>) src(%dma_wait3A_81 : memref<512xi32, #tpu.memory_space<hbm>>) dst(%arg8 : memref<512xi32, #tpu.memory_space<vmem>>)
      tpu.yield
    }) : () -> ()
    "tpu.region"() ({
      %run_scoped3A = tpu.sem_alloc : memref<!tpu.dma_semaphore, #tpu.memory_space<semaphore_mem>>
      %dma_start3A_78 = tpu.memref_slice %arg3[%mul3A_2] : memref<16384xi32, #tpu.memory_space<hbm>> -> memref<512xi32, #tpu.memory_space<hbm>>
      %dma_start3A_79 = tpu.memref_slice %arg3[%mul3A_2] : memref<16384xi32, #tpu.memory_space<hbm>> -> memref<512xi32, #tpu.memory_space<hbm>>
      tpu.enqueue_dma source(%dma_start3A_79 : memref<512xi32, #tpu.memory_space<hbm>>) target(%arg9 : memref<512xi32, #tpu.memory_space<vmem>>) target_semaphore(%run_scoped3A : memref<!tpu.dma_semaphore, #tpu.memory_space<semaphore_mem>>)
      %dma_wait3A_80 = tpu.memref_slice %arg3[%mul3A_2] : memref<16384xi32, #tpu.memory_space<hbm>> -> memref<512xi32, #tpu.memory_space<hbm>>
      %dma_wait3A_81 = tpu.memref_slice %arg3[%mul3A_2] : memref<16384xi32, #tpu.memory_space<hbm>> -> memref<512xi32, #tpu.memory_space<hbm>>
      tpu.wait_dma2 semaphore(%run_scoped3A : memref<!tpu.dma_semaphore, #tpu.memory_space<semaphore_mem>>) src(%dma_wait3A_81 : memref<512xi32, #tpu.memory_space<hbm>>) dst(%arg9 : memref<512xi32, #tpu.memory_space<vmem>>)
      tpu.yield
    }) : () -> ()
    "tpu.region"() ({
      %run_scoped3A = tpu.sem_alloc : memref<!tpu.dma_semaphore, #tpu.memory_space<semaphore_mem>>
      %dma_start3A_78 = tpu.memref_slice %arg4[%mul3A_2] : memref<16384xi32, #tpu.memory_space<hbm>> -> memref<512xi32, #tpu.memory_space<hbm>>
      %dma_start3A_79 = tpu.memref_slice %arg4[%mul3A_2] : memref<16384xi32, #tpu.memory_space<hbm>> -> memref<512xi32, #tpu.memory_space<hbm>>
      tpu.enqueue_dma source(%dma_start3A_79 : memref<512xi32, #tpu.memory_space<hbm>>) target(%arg10 : memref<512xi32, #tpu.memory_space<vmem>>) target_semaphore(%run_scoped3A : memref<!tpu.dma_semaphore, #tpu.memory_space<semaphore_mem>>)
      %dma_wait3A_80 = tpu.memref_slice %arg4[%mul3A_2] : memref<16384xi32, #tpu.memory_space<hbm>> -> memref<512xi32, #tpu.memory_space<hbm>>
      %dma_wait3A_81 = tpu.memref_slice %arg4[%mul3A_2] : memref<16384xi32, #tpu.memory_space<hbm>> -> memref<512xi32, #tpu.memory_space<hbm>>
      tpu.wait_dma2 semaphore(%run_scoped3A : memref<!tpu.dma_semaphore, #tpu.memory_space<semaphore_mem>>) src(%dma_wait3A_81 : memref<512xi32, #tpu.memory_space<hbm>>) dst(%arg10 : memref<512xi32, #tpu.memory_space<vmem>>)
      tpu.yield
    }) : () -> ()
    %scan3A = arith.constant 0 : i32
    %scan3A_3 = arith.constant 0 : i32
    %scan3A_4 = arith.constant 32 : i32
    %scan3A_5 = arith.addi %scan3A_3, %scan3A_4 : i32
    %scan3A_6 = arith.constant 1 : i32
    scf.for %scan3A_78 = %scan3A_3 to %scan3A_5 step %scan3A_6  : i32 {
      %mul3A_79 = arith.constant 16 : i32
      %mul3A_80 = arith.muli %scan3A_78, %mul3A_79 : i32
      %get3A = arith.index_cast %mul3A_80 : i32 to index
      %get3A_81 = tpu.vector_load %arg8[%get3A] {strides = array<i32>} : memref<512xi32, #tpu.memory_space<vmem>>, vector<16xi32>,
      %and3A = arith.constant 524287 : i32
      %and3A_82 = vector.broadcast %and3A : i32 to vector<16xi32>
      %and3A_83 = arith.andi %get3A_81, %and3A_82 : vector<16xi32>
      %swap3A = arith.index_cast %mul3A_80 : i32 to index
      %swap3A_84 = tpu.vector_load %arg11[%swap3A] {strides = array<i32>} : memref<512xi32, #tpu.memory_space<vmem>>, vector<16xi32>,
      tpu.vector_store %arg11[%swap3A], %and3A_83 {strides = array<i32>} : memref<512xi32, #tpu.memory_space<vmem>>, vector<16xi32>,
      %get3A_85 = arith.index_cast %mul3A_80 : i32 to index
      %get3A_86 = tpu.vector_load %arg9[%get3A_85] {strides = array<i32>} : memref<512xi32, #tpu.memory_space<vmem>>, vector<16xi32>,
      %and3A_87 = arith.constant 524287 : i32
      %and3A_88 = vector.broadcast %and3A_87 : i32 to vector<16xi32>
      %and3A_89 = arith.andi %get3A_86, %and3A_88 : vector<16xi32>
      %swap3A_90 = arith.index_cast %mul3A_80 : i32 to index
      %swap3A_91 = tpu.vector_load %arg12[%swap3A_90] {strides = array<i32>} : memref<512xi32, #tpu.memory_space<vmem>>, vector<16xi32>,
      tpu.vector_store %arg12[%swap3A_90], %and3A_89 {strides = array<i32>} : memref<512xi32, #tpu.memory_space<vmem>>, vector<16xi32>,
      %get3A_92 = arith.index_cast %mul3A_80 : i32 to index
      %get3A_93 = tpu.vector_load %arg10[%get3A_92] {strides = array<i32>} : memref<512xi32, #tpu.memory_space<vmem>>, vector<16xi32>,
      %and3A_94 = arith.constant 524287 : i32
      %and3A_95 = vector.broadcast %and3A_94 : i32 to vector<16xi32>
      %and3A_96 = arith.andi %get3A_93, %and3A_95 : vector<16xi32>
      %swap3A_97 = arith.index_cast %mul3A_80 : i32 to index
      %swap3A_98 = tpu.vector_load %arg13[%swap3A_97] {strides = array<i32>} : memref<512xi32, #tpu.memory_space<vmem>>, vector<16xi32>,
      tpu.vector_store %arg13[%swap3A_97], %and3A_96 {strides = array<i32>} : memref<512xi32, #tpu.memory_space<vmem>>, vector<16xi32>,
    }
    %scan3A_7 = arith.constant 32 : i32
    %iota3A = tpu.iota {dimensions = array<i32: 0>} : vector<16xi32>
    %dma_start3A = arith.constant 0 : i32
    %dma_start3A_8 = tpu.memref_slice %arg11[%dma_start3A] : memref<512xi32, #tpu.memory_space<vmem>> -> memref<256xi32, #tpu.memory_space<vmem>>
    %dma_start3A_9 = arith.constant 0 : i32
    %dma_start3A_10 = arith.constant 0 : i32
    %dma_start3A_11 = tpu.memref_slice %arg5[%dma_start3A_9, %dma_start3A_10] : memref<524288x128xf32, #tpu.memory_space<hbm>> -> memref<524288x128xf32, #tpu.memory_space<hbm>>
    tpu.enqueue_indirect_dma source(%dma_start3A_11 : memref<524288x128xf32, #tpu.memory_space<hbm>>) target(%arg14 : memref<256x128xf32, #tpu.memory_space<vmem>>) offsets(%dma_start3A_8 : memref<256xi32, #tpu.memory_space<vmem>>) semaphore(%arg18 : memref<!tpu.dma_semaphore, #tpu.memory_space<semaphore_mem>>)
    %dma_start3A_12 = arith.constant 0 : i32
    %dma_start3A_13 = tpu.memref_slice %arg12[%dma_start3A_12] : memref<512xi32, #tpu.memory_space<vmem>> -> memref<256xi32, #tpu.memory_space<vmem>>
    %dma_start3A_14 = arith.constant 0 : i32
    %dma_start3A_15 = arith.constant 0 : i32
    %dma_start3A_16 = tpu.memref_slice %arg5[%dma_start3A_14, %dma_start3A_15] : memref<524288x128xf32, #tpu.memory_space<hbm>> -> memref<524288x128xf32, #tpu.memory_space<hbm>>
    tpu.enqueue_indirect_dma source(%dma_start3A_16 : memref<524288x128xf32, #tpu.memory_space<hbm>>) target(%arg15 : memref<256x128xf32, #tpu.memory_space<vmem>>) offsets(%dma_start3A_13 : memref<256xi32, #tpu.memory_space<vmem>>) semaphore(%arg19 : memref<!tpu.dma_semaphore, #tpu.memory_space<semaphore_mem>>)
    %dma_start3A_17 = arith.constant 0 : i32
    %dma_start3A_18 = tpu.memref_slice %arg13[%dma_start3A_17] : memref<512xi32, #tpu.memory_space<vmem>> -> memref<256xi32, #tpu.memory_space<vmem>>
    %dma_start3A_19 = arith.constant 0 : i32
    %dma_start3A_20 = arith.constant 0 : i32
    %dma_start3A_21 = tpu.memref_slice %arg6[%dma_start3A_19, %dma_start3A_20] : memref<524288x128xf32, #tpu.memory_space<hbm>> -> memref<524288x128xf32, #tpu.memory_space<hbm>>
    tpu.enqueue_indirect_dma source(%dma_start3A_21 : memref<524288x128xf32, #tpu.memory_space<hbm>>) target(%arg16 : memref<256x128xf32, #tpu.memory_space<vmem>>) offsets(%dma_start3A_18 : memref<256xi32, #tpu.memory_space<vmem>>) semaphore(%arg20 : memref<!tpu.dma_semaphore, #tpu.memory_space<semaphore_mem>>)
    %dma_wait3A = arith.constant 0 : i32
    %dma_wait3A_22 = tpu.memref_slice %arg11[%dma_wait3A] : memref<512xi32, #tpu.memory_space<vmem>> -> memref<256xi32, #tpu.memory_space<vmem>>
    %dma_wait3A_23 = arith.constant 0 : i32
    %dma_wait3A_24 = arith.constant 0 : i32
    %dma_wait3A_25 = tpu.memref_slice %arg5[%dma_wait3A_23, %dma_wait3A_24] : memref<524288x128xf32, #tpu.memory_space<hbm>> -> memref<524288x128xf32, #tpu.memory_space<hbm>>
    tpu.wait_indirect_dma semaphore(%arg18 : memref<!tpu.dma_semaphore, #tpu.memory_space<semaphore_mem>>) src(%dma_wait3A_25 : memref<524288x128xf32, #tpu.memory_space<hbm>>) dst(%arg14 : memref<256x128xf32, #tpu.memory_space<vmem>>)
    %dma_wait3A_26 = arith.constant 0 : i32
    %dma_wait3A_27 = tpu.memref_slice %arg12[%dma_wait3A_26] : memref<512xi32, #tpu.memory_space<vmem>> -> memref<256xi32, #tpu.memory_space<vmem>>
    %dma_wait3A_28 = arith.constant 0 : i32
    %dma_wait3A_29 = arith.constant 0 : i32
    %dma_wait3A_30 = tpu.memref_slice %arg5[%dma_wait3A_28, %dma_wait3A_29] : memref<524288x128xf32, #tpu.memory_space<hbm>> -> memref<524288x128xf32, #tpu.memory_space<hbm>>
    tpu.wait_indirect_dma semaphore(%arg19 : memref<!tpu.dma_semaphore, #tpu.memory_space<semaphore_mem>>) src(%dma_wait3A_30 : memref<524288x128xf32, #tpu.memory_space<hbm>>) dst(%arg15 : memref<256x128xf32, #tpu.memory_space<vmem>>)
    %dma_wait3A_31 = arith.constant 0 : i32
    %dma_wait3A_32 = tpu.memref_slice %arg13[%dma_wait3A_31] : memref<512xi32, #tpu.memory_space<vmem>> -> memref<256xi32, #tpu.memory_space<vmem>>
    %dma_wait3A_33 = arith.constant 0 : i32
    %dma_wait3A_34 = arith.constant 0 : i32
    %dma_wait3A_35 = tpu.memref_slice %arg6[%dma_wait3A_33, %dma_wait3A_34] : memref<524288x128xf32, #tpu.memory_space<hbm>> -> memref<524288x128xf32, #tpu.memory_space<hbm>>
    tpu.wait_indirect_dma semaphore(%arg20 : memref<!tpu.dma_semaphore, #tpu.memory_space<semaphore_mem>>) src(%dma_wait3A_35 : memref<524288x128xf32, #tpu.memory_space<hbm>>) dst(%arg16 : memref<256x128xf32, #tpu.memory_space<vmem>>)
    %scan3A_36 = arith.constant 0 : i32
    %scan3A_37 = arith.constant 0 : i32
    %scan3A_38 = arith.constant 16 : i32
    %scan3A_39 = arith.addi %scan3A_37, %scan3A_38 : i32
    %scan3A_40 = arith.constant 1 : i32
    scf.for %scan3A_78 = %scan3A_37 to %scan3A_39 step %scan3A_40  : i32 {
      %mul3A_79 = arith.constant 16 : i32
      %mul3A_80 = arith.muli %scan3A_78, %mul3A_79 : i32
      %add3A_81 = vector.broadcast %mul3A_80 : i32 to vector<16xi32>
      %add3A_82 = arith.addi %add3A_81, %iota3A : vector<16xi32>
      %mul3A_83 = arith.constant 16 : i32
      %mul3A_84 = arith.muli %scan3A_78, %mul3A_83 : i32
      %add3A_85 = arith.constant 0 : i32
      %add3A_86 = arith.addi %add3A_85, %mul3A_84 : i32
      %get3A = arith.index_cast %add3A_86 : i32 to index
      %get3A_87 = tpu.vector_load %arg8[%get3A] {strides = array<i32>} : memref<512xi32, #tpu.memory_space<vmem>>, vector<16xi32>,
      %shift_right_logical3A = arith.constant 19 : i32
      %shift_right_logical3A_88 = vector.broadcast %shift_right_logical3A : i32 to vector<16xi32>
      %shift_right_logical3A_89 = arith.shrui %get3A_87, %shift_right_logical3A_88 : vector<16xi32>
      %mul3A_90 = arith.constant 64 : i32
      %mul3A_91 = vector.broadcast %mul3A_90 : i32 to vector<16xi32>
      %mul3A_92 = arith.muli %shift_right_logical3A_89, %mul3A_91 : vector<16xi32>
      %get3A_93 = arith.index_cast %add3A_86 : i32 to index
      %get3A_94 = tpu.vector_load %arg9[%get3A_93] {strides = array<i32>} : memref<512xi32, #tpu.memory_space<vmem>>, vector<16xi32>,
      %shift_right_logical3A_95 = arith.constant 19 : i32
      %shift_right_logical3A_96 = vector.broadcast %shift_right_logical3A_95 : i32 to vector<16xi32>
      %shift_right_logical3A_97 = arith.shrui %get3A_94, %shift_right_logical3A_96 : vector<16xi32>
      %mul3A_98 = arith.constant 64 : i32
      %mul3A_99 = vector.broadcast %mul3A_98 : i32 to vector<16xi32>
      %mul3A_100 = arith.muli %shift_right_logical3A_97, %mul3A_99 : vector<16xi32>
      %get3A_101 = arith.index_cast %add3A_86 : i32 to index
      %get3A_102 = tpu.vector_load %arg10[%get3A_101] {strides = array<i32>} : memref<512xi32, #tpu.memory_space<vmem>>, vector<16xi32>,
      %shift_right_logical3A_103 = arith.constant 19 : i32
      %shift_right_logical3A_104 = vector.broadcast %shift_right_logical3A_103 : i32 to vector<16xi32>
      %shift_right_logical3A_105 = arith.shrui %get3A_102, %shift_right_logical3A_104 : vector<16xi32>
      %mul3A_106 = arith.constant 64 : i32
      %mul3A_107 = vector.broadcast %mul3A_106 : i32 to vector<16xi32>
      %mul3A_108 = arith.muli %shift_right_logical3A_105, %mul3A_107 : vector<16xi32>
      %broadcast_in_dim3A = arith.constant 0.000000e+00 : f32
      %broadcast_in_dim3A_109 = vector.broadcast %broadcast_in_dim3A : f32 to vector<16xf32>
      %add3A_110 = arith.constant 0 : i32
      %add3A_111 = vector.broadcast %add3A_110 : i32 to vector<16xi32>
      %add3A_112 = arith.addi %mul3A_92, %add3A_111 : vector<16xi32>
      %gather3A = tpu.vector_load_idx %arg14[%add3A_82, %add3A_112] : memref<256x128xf32, #tpu.memory_space<vmem>>[vector<16xi32>, vector<16xi32>], vector<16xf32>,
      %add3A_113 = arith.constant 0 : i32
      %add3A_114 = vector.broadcast %add3A_113 : i32 to vector<16xi32>
      %add3A_115 = arith.addi %mul3A_100, %add3A_114 : vector<16xi32>
      %gather3A_116 = tpu.vector_load_idx %arg15[%add3A_82, %add3A_115] : memref<256x128xf32, #tpu.memory_space<vmem>>[vector<16xi32>, vector<16xi32>], vector<16xf32>,
      %add3A_117 = arith.constant 0 : i32
      %add3A_118 = vector.broadcast %add3A_117 : i32 to vector<16xi32>
      %add3A_119 = arith.addi %mul3A_108, %add3A_118 : vector<16xi32>
      %gather3A_120 = tpu.vector_load_idx %arg16[%add3A_82, %add3A_119] : memref<256x128xf32, #tpu.memory_space<vmem>>[vector<16xi32>, vector<16xi32>], vector<16xf32>,
      %mul3A_121 = arith.mulf %gather3A, %gather3A_120 : vector<16xf32>
      %mul3A_122 = arith.mulf %mul3A_121, %gather3A_116 : vector<16xf32>
      %add3A_123 = arith.addf %broadcast_in_dim3A_109, %mul3A_122 : vector<16xf32>
      %add3A_124 = arith.constant 1 : i32
      %add3A_125 = vector.broadcast %add3A_124 : i32 to vector<16xi32>
      %add3A_126 = arith.addi %mul3A_92, %add3A_125 : vector<16xi32>
      %gather3A_127 = tpu.vector_load_idx %arg14[%add3A_82, %add3A_126] : memref<256x128xf32, #tpu.memory_space<vmem>>[vector<16xi32>, vector<16xi32>], vector<16xf32>,
      %add3A_128 = arith.constant 1 : i32
      %add3A_129 = vector.broadcast %add3A_128 : i32 to vector<16xi32>
      %add3A_130 = arith.addi %mul3A_100, %add3A_129 : vector<16xi32>
      %gather3A_131 = tpu.vector_load_idx %arg15[%add3A_82, %add3A_130] : memref<256x128xf32, #tpu.memory_space<vmem>>[vector<16xi32>, vector<16xi32>], vector<16xf32>,
      %add3A_132 = arith.constant 1 : i32
      %add3A_133 = vector.broadcast %add3A_132 : i32 to vector<16xi32>
      %add3A_134 = arith.addi %mul3A_108, %add3A_133 : vector<16xi32>
      %gather3A_135 = tpu.vector_load_idx %arg16[%add3A_82, %add3A_134] : memref<256x128xf32, #tpu.memory_space<vmem>>[vector<16xi32>, vector<16xi32>], vector<16xf32>,
      %mul3A_136 = arith.mulf %gather3A_127, %gather3A_135 : vector<16xf32>
      %mul3A_137 = arith.mulf %mul3A_136, %gather3A_131 : vector<16xf32>
      %add3A_138 = arith.addf %add3A_123, %mul3A_137 : vector<16xf32>
      %add3A_139 = arith.constant 2 : i32
      %add3A_140 = vector.broadcast %add3A_139 : i32 to vector<16xi32>
      %add3A_141 = arith.addi %mul3A_92, %add3A_140 : vector<16xi32>
      %gather3A_142 = tpu.vector_load_idx %arg14[%add3A_82, %add3A_141] : memref<256x128xf32, #tpu.memory_space<vmem>>[vector<16xi32>, vector<16xi32>], vector<16xf32>,
      %add3A_143 = arith.constant 2 : i32
      %add3A_144 = vector.broadcast %add3A_143 : i32 to vector<16xi32>
      %add3A_145 = arith.addi %mul3A_100, %add3A_144 : vector<16xi32>
      %gather3A_146 = tpu.vector_load_idx %arg15[%add3A_82, %add3A_145] : memref<256x128xf32, #tpu.memory_space<vmem>>[vector<16xi32>, vector<16xi32>], vector<16xf32>,
      %add3A_147 = arith.constant 2 : i32
      %add3A_148 = vector.broadcast %add3A_147 : i32 to vector<16xi32>
      %add3A_149 = arith.addi %mul3A_108, %add3A_148 : vector<16xi32>
      %gather3A_150 = tpu.vector_load_idx %arg16[%add3A_82, %add3A_149] : memref<256x128xf32, #tpu.memory_space<vmem>>[vector<16xi32>, vector<16xi32>], vector<16xf32>,
      %mul3A_151 = arith.mulf %gather3A_142, %gather3A_150 : vector<16xf32>
      %mul3A_152 = arith.mulf %mul3A_151, %gather3A_146 : vector<16xf32>
      %add3A_153 = arith.addf %add3A_138, %mul3A_152 : vector<16xf32>
      %add3A_154 = arith.constant 3 : i32
      %add3A_155 = vector.broadcast %add3A_154 : i32 to vector<16xi32>
      %add3A_156 = arith.addi %mul3A_92, %add3A_155 : vector<16xi32>
      %gather3A_157 = tpu.vector_load_idx %arg14[%add3A_82, %add3A_156] : memref<256x128xf32, #tpu.memory_space<vmem>>[vector<16xi32>, vector<16xi32>], vector<16xf32>,
      %add3A_158 = arith.constant 3 : i32
      %add3A_159 = vector.broadcast %add3A_158 : i32 to vector<16xi32>
      %add3A_160 = arith.addi %mul3A_100, %add3A_159 : vector<16xi32>
      %gather3A_161 = tpu.vector_load_idx %arg15[%add3A_82, %add3A_160] : memref<256x128xf32, #tpu.memory_space<vmem>>[vector<16xi32>, vector<16xi32>], vector<16xf32>,
      %add3A_162 = arith.constant 3 : i32
      %add3A_163 = vector.broadcast %add3A_162 : i32 to vector<16xi32>
      %add3A_164 = arith.addi %mul3A_108, %add3A_163 : vector<16xi32>
      %gather3A_165 = tpu.vector_load_idx %arg16[%add3A_82, %add3A_164] : memref<256x128xf32, #tpu.memory_space<vmem>>[vector<16xi32>, vector<16xi32>], vector<16xf32>,
      %mul3A_166 = arith.mulf %gather3A_157, %gather3A_165 : vector<16xf32>
      %mul3A_167 = arith.mulf %mul3A_166, %gather3A_161 : vector<16xf32>
      %add3A_168 = arith.addf %add3A_153, %mul3A_167 : vector<16xf32>
      %add3A_169 = arith.constant 4 : i32
      %add3A_170 = vector.broadcast %add3A_169 : i32 to vector<16xi32>
      %add3A_171 = arith.addi %mul3A_92, %add3A_170 : vector<16xi32>
      %gather3A_172 = tpu.vector_load_idx %arg14[%add3A_82, %add3A_171] : memref<256x128xf32, #tpu.memory_space<vmem>>[vector<16xi32>, vector<16xi32>], vector<16xf32>,
      %add3A_173 = arith.constant 4 : i32
      %add3A_174 = vector.broadcast %add3A_173 : i32 to vector<16xi32>
      %add3A_175 = arith.addi %mul3A_100, %add3A_174 : vector<16xi32>
      %gather3A_176 = tpu.vector_load_idx %arg15[%add3A_82, %add3A_175] : memref<256x128xf32, #tpu.memory_space<vmem>>[vector<16xi32>, vector<16xi32>], vector<16xf32>,
      %add3A_177 = arith.constant 4 : i32
      %add3A_178 = vector.broadcast %add3A_177 : i32 to vector<16xi32>
      %add3A_179 = arith.addi %mul3A_108, %add3A_178 : vector<16xi32>
      %gather3A_180 = tpu.vector_load_idx %arg16[%add3A_82, %add3A_179] : memref<256x128xf32, #tpu.memory_space<vmem>>[vector<16xi32>, vector<16xi32>], vector<16xf32>,
      %mul3A_181 = arith.mulf %gather3A_172, %gather3A_180 : vector<16xf32>
      %mul3A_182 = arith.mulf %mul3A_181, %gather3A_176 : vector<16xf32>
      %add3A_183 = arith.addf %add3A_168, %mul3A_182 : vector<16xf32>
      %add3A_184 = arith.constant 5 : i32
      %add3A_185 = vector.broadcast %add3A_184 : i32 to vector<16xi32>
      %add3A_186 = arith.addi %mul3A_92, %add3A_185 : vector<16xi32>
      %gather3A_187 = tpu.vector_load_idx %arg14[%add3A_82, %add3A_186] : memref<256x128xf32, #tpu.memory_space<vmem>>[vector<16xi32>, vector<16xi32>], vector<16xf32>,
      %add3A_188 = arith.constant 5 : i32
      %add3A_189 = vector.broadcast %add3A_188 : i32 to vector<16xi32>
      %add3A_190 = arith.addi %mul3A_100, %add3A_189 : vector<16xi32>
      %gather3A_191 = tpu.vector_load_idx %arg15[%add3A_82, %add3A_190] : memref<256x128xf32, #tpu.memory_space<vmem>>[vector<16xi32>, vector<16xi32>], vector<16xf32>,
      %add3A_192 = arith.constant 5 : i32
      %add3A_193 = vector.broadcast %add3A_192 : i32 to vector<16xi32>
      %add3A_194 = arith.addi %mul3A_108, %add3A_193 : vector<16xi32>
      %gather3A_195 = tpu.vector_load_idx %arg16[%add3A_82, %add3A_194] : memref<256x128xf32, #tpu.memory_space<vmem>>[vector<16xi32>, vector<16xi32>], vector<16xf32>,
      %mul3A_196 = arith.mulf %gather3A_187, %gather3A_195 : vector<16xf32>
      %mul3A_197 = arith.mulf %mul3A_196, %gather3A_191 : vector<16xf32>
      %add3A_198 = arith.addf %add3A_183, %mul3A_197 : vector<16xf32>
      %add3A_199 = arith.constant 6 : i32
      %add3A_200 = vector.broadcast %add3A_199 : i32 to vector<16xi32>
      %add3A_201 = arith.addi %mul3A_92, %add3A_200 : vector<16xi32>
      %gather3A_202 = tpu.vector_load_idx %arg14[%add3A_82, %add3A_201] : memref<256x128xf32, #tpu.memory_space<vmem>>[vector<16xi32>, vector<16xi32>], vector<16xf32>,
      %add3A_203 = arith.constant 6 : i32
      %add3A_204 = vector.broadcast %add3A_203 : i32 to vector<16xi32>
      %add3A_205 = arith.addi %mul3A_100, %add3A_204 : vector<16xi32>
      %gather3A_206 = tpu.vector_load_idx %arg15[%add3A_82, %add3A_205] : memref<256x128xf32, #tpu.memory_space<vmem>>[vector<16xi32>, vector<16xi32>], vector<16xf32>,
      %add3A_207 = arith.constant 6 : i32
      %add3A_208 = vector.broadcast %add3A_207 : i32 to vector<16xi32>
      %add3A_209 = arith.addi %mul3A_108, %add3A_208 : vector<16xi32>
      %gather3A_210 = tpu.vector_load_idx %arg16[%add3A_82, %add3A_209] : memref<256x128xf32, #tpu.memory_space<vmem>>[vector<16xi32>, vector<16xi32>], vector<16xf32>,
      %mul3A_211 = arith.mulf %gather3A_202, %gather3A_210 : vector<16xf32>
      %mul3A_212 = arith.mulf %mul3A_211, %gather3A_206 : vector<16xf32>
      %add3A_213 = arith.addf %add3A_198, %mul3A_212 : vector<16xf32>
      %add3A_214 = arith.constant 7 : i32
      %add3A_215 = vector.broadcast %add3A_214 : i32 to vector<16xi32>
      %add3A_216 = arith.addi %mul3A_92, %add3A_215 : vector<16xi32>
      %gather3A_217 = tpu.vector_load_idx %arg14[%add3A_82, %add3A_216] : memref<256x128xf32, #tpu.memory_space<vmem>>[vector<16xi32>, vector<16xi32>], vector<16xf32>,
      %add3A_218 = arith.constant 7 : i32
      %add3A_219 = vector.broadcast %add3A_218 : i32 to vector<16xi32>
      %add3A_220 = arith.addi %mul3A_100, %add3A_219 : vector<16xi32>
      %gather3A_221 = tpu.vector_load_idx %arg15[%add3A_82, %add3A_220] : memref<256x128xf32, #tpu.memory_space<vmem>>[vector<16xi32>, vector<16xi32>], vector<16xf32>,
      %add3A_222 = arith.constant 7 : i32
      %add3A_223 = vector.broadcast %add3A_222 : i32 to vector<16xi32>
      %add3A_224 = arith.addi %mul3A_108, %add3A_223 : vector<16xi32>
      %gather3A_225 = tpu.vector_load_idx %arg16[%add3A_82, %add3A_224] : memref<256x128xf32, #tpu.memory_space<vmem>>[vector<16xi32>, vector<16xi32>], vector<16xf32>,
      %mul3A_226 = arith.mulf %gather3A_217, %gather3A_225 : vector<16xf32>
      %mul3A_227 = arith.mulf %mul3A_226, %gather3A_221 : vector<16xf32>
      %add3A_228 = arith.addf %add3A_213, %mul3A_227 : vector<16xf32>
      %add3A_229 = arith.constant 8 : i32
      %add3A_230 = vector.broadcast %add3A_229 : i32 to vector<16xi32>
      %add3A_231 = arith.addi %mul3A_92, %add3A_230 : vector<16xi32>
      %gather3A_232 = tpu.vector_load_idx %arg14[%add3A_82, %add3A_231] : memref<256x128xf32, #tpu.memory_space<vmem>>[vector<16xi32>, vector<16xi32>], vector<16xf32>,
      %add3A_233 = arith.constant 8 : i32
      %add3A_234 = vector.broadcast %add3A_233 : i32 to vector<16xi32>
      %add3A_235 = arith.addi %mul3A_100, %add3A_234 : vector<16xi32>
      %gather3A_236 = tpu.vector_load_idx %arg15[%add3A_82, %add3A_235] : memref<256x128xf32, #tpu.memory_space<vmem>>[vector<16xi32>, vector<16xi32>], vector<16xf32>,
      %add3A_237 = arith.constant 8 : i32
      %add3A_238 = vector.broadcast %add3A_237 : i32 to vector<16xi32>
      %add3A_239 = arith.addi %mul3A_108, %add3A_238 : vector<16xi32>
      %gather3A_240 = tpu.vector_load_idx %arg16[%add3A_82, %add3A_239] : memref<256x128xf32, #tpu.memory_space<vmem>>[vector<16xi32>, vector<16xi32>], vector<16xf32>,
      %mul3A_241 = arith.mulf %gather3A_232, %gather3A_240 : vector<16xf32>
      %mul3A_242 = arith.mulf %mul3A_241, %gather3A_236 : vector<16xf32>
      %add3A_243 = arith.addf %add3A_228, %mul3A_242 : vector<16xf32>
      %add3A_244 = arith.constant 9 : i32
      %add3A_245 = vector.broadcast %add3A_244 : i32 to vector<16xi32>
      %add3A_246 = arith.addi %mul3A_92, %add3A_245 : vector<16xi32>
      %gather3A_247 = tpu.vector_load_idx %arg14[%add3A_82, %add3A_246] : memref<256x128xf32, #tpu.memory_space<vmem>>[vector<16xi32>, vector<16xi32>], vector<16xf32>,
      %add3A_248 = arith.constant 9 : i32
      %add3A_249 = vector.broadcast %add3A_248 : i32 to vector<16xi32>
      %add3A_250 = arith.addi %mul3A_100, %add3A_249 : vector<16xi32>
      %gather3A_251 = tpu.vector_load_idx %arg15[%add3A_82, %add3A_250] : memref<256x128xf32, #tpu.memory_space<vmem>>[vector<16xi32>, vector<16xi32>], vector<16xf32>,
      %add3A_252 = arith.constant 9 : i32
      %add3A_253 = vector.broadcast %add3A_252 : i32 to vector<16xi32>
      %add3A_254 = arith.addi %mul3A_108, %add3A_253 : vector<16xi32>
      %gather3A_255 = tpu.vector_load_idx %arg16[%add3A_82, %add3A_254] : memref<256x128xf32, #tpu.memory_space<vmem>>[vector<16xi32>, vector<16xi32>], vector<16xf32>,
      %mul3A_256 = arith.mulf %gather3A_247, %gather3A_255 : vector<16xf32>
      %mul3A_257 = arith.mulf %mul3A_256, %gather3A_251 : vector<16xf32>
      %add3A_258 = arith.addf %add3A_243, %mul3A_257 : vector<16xf32>
      %add3A_259 = arith.constant 10 : i32
      %add3A_260 = vector.broadcast %add3A_259 : i32 to vector<16xi32>
      %add3A_261 = arith.addi %mul3A_92, %add3A_260 : vector<16xi32>
      %gather3A_262 = tpu.vector_load_idx %arg14[%add3A_82, %add3A_261] : memref<256x128xf32, #tpu.memory_space<vmem>>[vector<16xi32>, vector<16xi32>], vector<16xf32>,
      %add3A_263 = arith.constant 10 : i32
      %add3A_264 = vector.broadcast %add3A_263 : i32 to vector<16xi32>
      %add3A_265 = arith.addi %mul3A_100, %add3A_264 : vector<16xi32>
      %gather3A_266 = tpu.vector_load_idx %arg15[%add3A_82, %add3A_265] : memref<256x128xf32, #tpu.memory_space<vmem>>[vector<16xi32>, vector<16xi32>], vector<16xf32>,
      %add3A_267 = arith.constant 10 : i32
      %add3A_268 = vector.broadcast %add3A_267 : i32 to vector<16xi32>
      %add3A_269 = arith.addi %mul3A_108, %add3A_268 : vector<16xi32>
      %gather3A_270 = tpu.vector_load_idx %arg16[%add3A_82, %add3A_269] : memref<256x128xf32, #tpu.memory_space<vmem>>[vector<16xi32>, vector<16xi32>], vector<16xf32>,
      %mul3A_271 = arith.mulf %gather3A_262, %gather3A_270 : vector<16xf32>
      %mul3A_272 = arith.mulf %mul3A_271, %gather3A_266 : vector<16xf32>
      %add3A_273 = arith.addf %add3A_258, %mul3A_272 : vector<16xf32>
      %add3A_274 = arith.constant 11 : i32
      %add3A_275 = vector.broadcast %add3A_274 : i32 to vector<16xi32>
      %add3A_276 = arith.addi %mul3A_92, %add3A_275 : vector<16xi32>
      %gather3A_277 = tpu.vector_load_idx %arg14[%add3A_82, %add3A_276] : memref<256x128xf32, #tpu.memory_space<vmem>>[vector<16xi32>, vector<16xi32>], vector<16xf32>,
      %add3A_278 = arith.constant 11 : i32
      %add3A_279 = vector.broadcast %add3A_278 : i32 to vector<16xi32>
      %add3A_280 = arith.addi %mul3A_100, %add3A_279 : vector<16xi32>
      %gather3A_281 = tpu.vector_load_idx %arg15[%add3A_82, %add3A_280] : memref<256x128xf32, #tpu.memory_space<vmem>>[vector<16xi32>, vector<16xi32>], vector<16xf32>,
      %add3A_282 = arith.constant 11 : i32
      %add3A_283 = vector.broadcast %add3A_282 : i32 to vector<16xi32>
      %add3A_284 = arith.addi %mul3A_108, %add3A_283 : vector<16xi32>
      %gather3A_285 = tpu.vector_load_idx %arg16[%add3A_82, %add3A_284] : memref<256x128xf32, #tpu.memory_space<vmem>>[vector<16xi32>, vector<16xi32>], vector<16xf32>,
      %mul3A_286 = arith.mulf %gather3A_277, %gather3A_285 : vector<16xf32>
      %mul3A_287 = arith.mulf %mul3A_286, %gather3A_281 : vector<16xf32>
      %add3A_288 = arith.addf %add3A_273, %mul3A_287 : vector<16xf32>
      %add3A_289 = arith.constant 12 : i32
      %add3A_290 = vector.broadcast %add3A_289 : i32 to vector<16xi32>
      %add3A_291 = arith.addi %mul3A_92, %add3A_290 : vector<16xi32>
      %gather3A_292 = tpu.vector_load_idx %arg14[%add3A_82, %add3A_291] : memref<256x128xf32, #tpu.memory_space<vmem>>[vector<16xi32>, vector<16xi32>], vector<16xf32>,
      %add3A_293 = arith.constant 12 : i32
      %add3A_294 = vector.broadcast %add3A_293 : i32 to vector<16xi32>
      %add3A_295 = arith.addi %mul3A_100, %add3A_294 : vector<16xi32>
      %gather3A_296 = tpu.vector_load_idx %arg15[%add3A_82, %add3A_295] : memref<256x128xf32, #tpu.memory_space<vmem>>[vector<16xi32>, vector<16xi32>], vector<16xf32>,
      %add3A_297 = arith.constant 12 : i32
      %add3A_298 = vector.broadcast %add3A_297 : i32 to vector<16xi32>
      %add3A_299 = arith.addi %mul3A_108, %add3A_298 : vector<16xi32>
      %gather3A_300 = tpu.vector_load_idx %arg16[%add3A_82, %add3A_299] : memref<256x128xf32, #tpu.memory_space<vmem>>[vector<16xi32>, vector<16xi32>], vector<16xf32>,
      %mul3A_301 = arith.mulf %gather3A_292, %gather3A_300 : vector<16xf32>
      %mul3A_302 = arith.mulf %mul3A_301, %gather3A_296 : vector<16xf32>
      %add3A_303 = arith.addf %add3A_288, %mul3A_302 : vector<16xf32>
      %add3A_304 = arith.constant 13 : i32
      %add3A_305 = vector.broadcast %add3A_304 : i32 to vector<16xi32>
      %add3A_306 = arith.addi %mul3A_92, %add3A_305 : vector<16xi32>
      %gather3A_307 = tpu.vector_load_idx %arg14[%add3A_82, %add3A_306] : memref<256x128xf32, #tpu.memory_space<vmem>>[vector<16xi32>, vector<16xi32>], vector<16xf32>,
      %add3A_308 = arith.constant 13 : i32
      %add3A_309 = vector.broadcast %add3A_308 : i32 to vector<16xi32>
      %add3A_310 = arith.addi %mul3A_100, %add3A_309 : vector<16xi32>
      %gather3A_311 = tpu.vector_load_idx %arg15[%add3A_82, %add3A_310] : memref<256x128xf32, #tpu.memory_space<vmem>>[vector<16xi32>, vector<16xi32>], vector<16xf32>,
      %add3A_312 = arith.constant 13 : i32
      %add3A_313 = vector.broadcast %add3A_312 : i32 to vector<16xi32>
      %add3A_314 = arith.addi %mul3A_108, %add3A_313 : vector<16xi32>
      %gather3A_315 = tpu.vector_load_idx %arg16[%add3A_82, %add3A_314] : memref<256x128xf32, #tpu.memory_space<vmem>>[vector<16xi32>, vector<16xi32>], vector<16xf32>,
      %mul3A_316 = arith.mulf %gather3A_307, %gather3A_315 : vector<16xf32>
      %mul3A_317 = arith.mulf %mul3A_316, %gather3A_311 : vector<16xf32>
      %add3A_318 = arith.addf %add3A_303, %mul3A_317 : vector<16xf32>
      %add3A_319 = arith.constant 14 : i32
      %add3A_320 = vector.broadcast %add3A_319 : i32 to vector<16xi32>
      %add3A_321 = arith.addi %mul3A_92, %add3A_320 : vector<16xi32>
      %gather3A_322 = tpu.vector_load_idx %arg14[%add3A_82, %add3A_321] : memref<256x128xf32, #tpu.memory_space<vmem>>[vector<16xi32>, vector<16xi32>], vector<16xf32>,
      %add3A_323 = arith.constant 14 : i32
      %add3A_324 = vector.broadcast %add3A_323 : i32 to vector<16xi32>
      %add3A_325 = arith.addi %mul3A_100, %add3A_324 : vector<16xi32>
      %gather3A_326 = tpu.vector_load_idx %arg15[%add3A_82, %add3A_325] : memref<256x128xf32, #tpu.memory_space<vmem>>[vector<16xi32>, vector<16xi32>], vector<16xf32>,
      %add3A_327 = arith.constant 14 : i32
      %add3A_328 = vector.broadcast %add3A_327 : i32 to vector<16xi32>
      %add3A_329 = arith.addi %mul3A_108, %add3A_328 : vector<16xi32>
      %gather3A_330 = tpu.vector_load_idx %arg16[%add3A_82, %add3A_329] : memref<256x128xf32, #tpu.memory_space<vmem>>[vector<16xi32>, vector<16xi32>], vector<16xf32>,
      %mul3A_331 = arith.mulf %gather3A_322, %gather3A_330 : vector<16xf32>
      %mul3A_332 = arith.mulf %mul3A_331, %gather3A_326 : vector<16xf32>
      %add3A_333 = arith.addf %add3A_318, %mul3A_332 : vector<16xf32>
      %add3A_334 = arith.constant 15 : i32
      %add3A_335 = vector.broadcast %add3A_334 : i32 to vector<16xi32>
      %add3A_336 = arith.addi %mul3A_92, %add3A_335 : vector<16xi32>
      %gather3A_337 = tpu.vector_load_idx %arg14[%add3A_82, %add3A_336] : memref<256x128xf32, #tpu.memory_space<vmem>>[vector<16xi32>, vector<16xi32>], vector<16xf32>,
      %add3A_338 = arith.constant 15 : i32
      %add3A_339 = vector.broadcast %add3A_338 : i32 to vector<16xi32>
      %add3A_340 = arith.addi %mul3A_100, %add3A_339 : vector<16xi32>
      %gather3A_341 = tpu.vector_load_idx %arg15[%add3A_82, %add3A_340] : memref<256x128xf32, #tpu.memory_space<vmem>>[vector<16xi32>, vector<16xi32>], vector<16xf32>,
      %add3A_342 = arith.constant 15 : i32
      %add3A_343 = vector.broadcast %add3A_342 : i32 to vector<16xi32>
      %add3A_344 = arith.addi %mul3A_108, %add3A_343 : vector<16xi32>
      %gather3A_345 = tpu.vector_load_idx %arg16[%add3A_82, %add3A_344] : memref<256x128xf32, #tpu.memory_space<vmem>>[vector<16xi32>, vector<16xi32>], vector<16xf32>,
      %mul3A_346 = arith.mulf %gather3A_337, %gather3A_345 : vector<16xf32>
      %mul3A_347 = arith.mulf %mul3A_346, %gather3A_341 : vector<16xf32>
      %add3A_348 = arith.addf %add3A_333, %mul3A_347 : vector<16xf32>
      %add3A_349 = arith.constant 16 : i32
      %add3A_350 = vector.broadcast %add3A_349 : i32 to vector<16xi32>
      %add3A_351 = arith.addi %mul3A_92, %add3A_350 : vector<16xi32>
      %gather3A_352 = tpu.vector_load_idx %arg14[%add3A_82, %add3A_351] : memref<256x128xf32, #tpu.memory_space<vmem>>[vector<16xi32>, vector<16xi32>], vector<16xf32>,
      %add3A_353 = arith.constant 16 : i32
      %add3A_354 = vector.broadcast %add3A_353 : i32 to vector<16xi32>
      %add3A_355 = arith.addi %mul3A_100, %add3A_354 : vector<16xi32>
      %gather3A_356 = tpu.vector_load_idx %arg15[%add3A_82, %add3A_355] : memref<256x128xf32, #tpu.memory_space<vmem>>[vector<16xi32>, vector<16xi32>], vector<16xf32>,
      %add3A_357 = arith.constant 16 : i32
      %add3A_358 = vector.broadcast %add3A_357 : i32 to vector<16xi32>
      %add3A_359 = arith.addi %mul3A_108, %add3A_358 : vector<16xi32>
      %gather3A_360 = tpu.vector_load_idx %arg16[%add3A_82, %add3A_359] : memref<256x128xf32, #tpu.memory_space<vmem>>[vector<16xi32>, vector<16xi32>], vector<16xf32>,
      %mul3A_361 = arith.mulf %gather3A_352, %gather3A_360 : vector<16xf32>
      %mul3A_362 = arith.mulf %mul3A_361, %gather3A_356 : vector<16xf32>
      %add3A_363 = arith.addf %add3A_348, %mul3A_362 : vector<16xf32>
      %add3A_364 = arith.constant 17 : i32
      %add3A_365 = vector.broadcast %add3A_364 : i32 to vector<16xi32>
      %add3A_366 = arith.addi %mul3A_92, %add3A_365 : vector<16xi32>
      %gather3A_367 = tpu.vector_load_idx %arg14[%add3A_82, %add3A_366] : memref<256x128xf32, #tpu.memory_space<vmem>>[vector<16xi32>, vector<16xi32>], vector<16xf32>,
      %add3A_368 = arith.constant 17 : i32
      %add3A_369 = vector.broadcast %add3A_368 : i32 to vector<16xi32>
      %add3A_370 = arith.addi %mul3A_100, %add3A_369 : vector<16xi32>
      %gather3A_371 = tpu.vector_load_idx %arg15[%add3A_82, %add3A_370] : memref<256x128xf32, #tpu.memory_space<vmem>>[vector<16xi32>, vector<16xi32>], vector<16xf32>,
      %add3A_372 = arith.constant 17 : i32
      %add3A_373 = vector.broadcast %add3A_372 : i32 to vector<16xi32>
      %add3A_374 = arith.addi %mul3A_108, %add3A_373 : vector<16xi32>
      %gather3A_375 = tpu.vector_load_idx %arg16[%add3A_82, %add3A_374] : memref<256x128xf32, #tpu.memory_space<vmem>>[vector<16xi32>, vector<16xi32>], vector<16xf32>,
      %mul3A_376 = arith.mulf %gather3A_367, %gather3A_375 : vector<16xf32>
      %mul3A_377 = arith.mulf %mul3A_376, %gather3A_371 : vector<16xf32>
      %add3A_378 = arith.addf %add3A_363, %mul3A_377 : vector<16xf32>
      %add3A_379 = arith.constant 18 : i32
      %add3A_380 = vector.broadcast %add3A_379 : i32 to vector<16xi32>
      %add3A_381 = arith.addi %mul3A_92, %add3A_380 : vector<16xi32>
      %gather3A_382 = tpu.vector_load_idx %arg14[%add3A_82, %add3A_381] : memref<256x128xf32, #tpu.memory_space<vmem>>[vector<16xi32>, vector<16xi32>], vector<16xf32>,
      %add3A_383 = arith.constant 18 : i32
      %add3A_384 = vector.broadcast %add3A_383 : i32 to vector<16xi32>
      %add3A_385 = arith.addi %mul3A_100, %add3A_384 : vector<16xi32>
      %gather3A_386 = tpu.vector_load_idx %arg15[%add3A_82, %add3A_385] : memref<256x128xf32, #tpu.memory_space<vmem>>[vector<16xi32>, vector<16xi32>], vector<16xf32>,
      %add3A_387 = arith.constant 18 : i32
      %add3A_388 = vector.broadcast %add3A_387 : i32 to vector<16xi32>
      %add3A_389 = arith.addi %mul3A_108, %add3A_388 : vector<16xi32>
      %gather3A_390 = tpu.vector_load_idx %arg16[%add3A_82, %add3A_389] : memref<256x128xf32, #tpu.memory_space<vmem>>[vector<16xi32>, vector<16xi32>], vector<16xf32>,
      %mul3A_391 = arith.mulf %gather3A_382, %gather3A_390 : vector<16xf32>
      %mul3A_392 = arith.mulf %mul3A_391, %gather3A_386 : vector<16xf32>
      %add3A_393 = arith.addf %add3A_378, %mul3A_392 : vector<16xf32>
      %add3A_394 = arith.constant 19 : i32
      %add3A_395 = vector.broadcast %add3A_394 : i32 to vector<16xi32>
      %add3A_396 = arith.addi %mul3A_92, %add3A_395 : vector<16xi32>
      %gather3A_397 = tpu.vector_load_idx %arg14[%add3A_82, %add3A_396] : memref<256x128xf32, #tpu.memory_space<vmem>>[vector<16xi32>, vector<16xi32>], vector<16xf32>,
      %add3A_398 = arith.constant 19 : i32
      %add3A_399 = vector.broadcast %add3A_398 : i32 to vector<16xi32>
      %add3A_400 = arith.addi %mul3A_100, %add3A_399 : vector<16xi32>
      %gather3A_401 = tpu.vector_load_idx %arg15[%add3A_82, %add3A_400] : memref<256x128xf32, #tpu.memory_space<vmem>>[vector<16xi32>, vector<16xi32>], vector<16xf32>,
      %add3A_402 = arith.constant 19 : i32
      %add3A_403 = vector.broadcast %add3A_402 : i32 to vector<16xi32>
      %add3A_404 = arith.addi %mul3A_108, %add3A_403 : vector<16xi32>
      %gather3A_405 = tpu.vector_load_idx %arg16[%add3A_82, %add3A_404] : memref<256x128xf32, #tpu.memory_space<vmem>>[vector<16xi32>, vector<16xi32>], vector<16xf32>,
      %mul3A_406 = arith.mulf %gather3A_397, %gather3A_405 : vector<16xf32>
      %mul3A_407 = arith.mulf %mul3A_406, %gather3A_401 : vector<16xf32>
      %add3A_408 = arith.addf %add3A_393, %mul3A_407 : vector<16xf32>
      %add3A_409 = arith.constant 20 : i32
      %add3A_410 = vector.broadcast %add3A_409 : i32 to vector<16xi32>
      %add3A_411 = arith.addi %mul3A_92, %add3A_410 : vector<16xi32>
      %gather3A_412 = tpu.vector_load_idx %arg14[%add3A_82, %add3A_411] : memref<256x128xf32, #tpu.memory_space<vmem>>[vector<16xi32>, vector<16xi32>], vector<16xf32>,
      %add3A_413 = arith.constant 20 : i32
      %add3A_414 = vector.broadcast %add3A_413 : i32 to vector<16xi32>
      %add3A_415 = arith.addi %mul3A_100, %add3A_414 : vector<16xi32>
      %gather3A_416 = tpu.vector_load_idx %arg15[%add3A_82, %add3A_415] : memref<256x128xf32, #tpu.memory_space<vmem>>[vector<16xi32>, vector<16xi32>], vector<16xf32>,
      %add3A_417 = arith.constant 20 : i32
      %add3A_418 = vector.broadcast %add3A_417 : i32 to vector<16xi32>
      %add3A_419 = arith.addi %mul3A_108, %add3A_418 : vector<16xi32>
      %gather3A_420 = tpu.vector_load_idx %arg16[%add3A_82, %add3A_419] : memref<256x128xf32, #tpu.memory_space<vmem>>[vector<16xi32>, vector<16xi32>], vector<16xf32>,
      %mul3A_421 = arith.mulf %gather3A_412, %gather3A_420 : vector<16xf32>
      %mul3A_422 = arith.mulf %mul3A_421, %gather3A_416 : vector<16xf32>
      %add3A_423 = arith.addf %add3A_408, %mul3A_422 : vector<16xf32>
      %add3A_424 = arith.constant 21 : i32
      %add3A_425 = vector.broadcast %add3A_424 : i32 to vector<16xi32>
      %add3A_426 = arith.addi %mul3A_92, %add3A_425 : vector<16xi32>
      %gather3A_427 = tpu.vector_load_idx %arg14[%add3A_82, %add3A_426] : memref<256x128xf32, #tpu.memory_space<vmem>>[vector<16xi32>, vector<16xi32>], vector<16xf32>,
      %add3A_428 = arith.constant 21 : i32
      %add3A_429 = vector.broadcast %add3A_428 : i32 to vector<16xi32>
      %add3A_430 = arith.addi %mul3A_100, %add3A_429 : vector<16xi32>
      %gather3A_431 = tpu.vector_load_idx %arg15[%add3A_82, %add3A_430] : memref<256x128xf32, #tpu.memory_space<vmem>>[vector<16xi32>, vector<16xi32>], vector<16xf32>,
      %add3A_432 = arith.constant 21 : i32
      %add3A_433 = vector.broadcast %add3A_432 : i32 to vector<16xi32>
      %add3A_434 = arith.addi %mul3A_108, %add3A_433 : vector<16xi32>
      %gather3A_435 = tpu.vector_load_idx %arg16[%add3A_82, %add3A_434] : memref<256x128xf32, #tpu.memory_space<vmem>>[vector<16xi32>, vector<16xi32>], vector<16xf32>,
      %mul3A_436 = arith.mulf %gather3A_427, %gather3A_435 : vector<16xf32>
      %mul3A_437 = arith.mulf %mul3A_436, %gather3A_431 : vector<16xf32>
      %add3A_438 = arith.addf %add3A_423, %mul3A_437 : vector<16xf32>
      %add3A_439 = arith.constant 22 : i32
      %add3A_440 = vector.broadcast %add3A_439 : i32 to vector<16xi32>
      %add3A_441 = arith.addi %mul3A_92, %add3A_440 : vector<16xi32>
      %gather3A_442 = tpu.vector_load_idx %arg14[%add3A_82, %add3A_441] : memref<256x128xf32, #tpu.memory_space<vmem>>[vector<16xi32>, vector<16xi32>], vector<16xf32>,
      %add3A_443 = arith.constant 22 : i32
      %add3A_444 = vector.broadcast %add3A_443 : i32 to vector<16xi32>
      %add3A_445 = arith.addi %mul3A_100, %add3A_444 : vector<16xi32>
      %gather3A_446 = tpu.vector_load_idx %arg15[%add3A_82, %add3A_445] : memref<256x128xf32, #tpu.memory_space<vmem>>[vector<16xi32>, vector<16xi32>], vector<16xf32>,
      %add3A_447 = arith.constant 22 : i32
      %add3A_448 = vector.broadcast %add3A_447 : i32 to vector<16xi32>
      %add3A_449 = arith.addi %mul3A_108, %add3A_448 : vector<16xi32>
      %gather3A_450 = tpu.vector_load_idx %arg16[%add3A_82, %add3A_449] : memref<256x128xf32, #tpu.memory_space<vmem>>[vector<16xi32>, vector<16xi32>], vector<16xf32>,
      %mul3A_451 = arith.mulf %gather3A_442, %gather3A_450 : vector<16xf32>
      %mul3A_452 = arith.mulf %mul3A_451, %gather3A_446 : vector<16xf32>
      %add3A_453 = arith.addf %add3A_438, %mul3A_452 : vector<16xf32>
      %add3A_454 = arith.constant 23 : i32
      %add3A_455 = vector.broadcast %add3A_454 : i32 to vector<16xi32>
      %add3A_456 = arith.addi %mul3A_92, %add3A_455 : vector<16xi32>
      %gather3A_457 = tpu.vector_load_idx %arg14[%add3A_82, %add3A_456] : memref<256x128xf32, #tpu.memory_space<vmem>>[vector<16xi32>, vector<16xi32>], vector<16xf32>,
      %add3A_458 = arith.constant 23 : i32
      %add3A_459 = vector.broadcast %add3A_458 : i32 to vector<16xi32>
      %add3A_460 = arith.addi %mul3A_100, %add3A_459 : vector<16xi32>
      %gather3A_461 = tpu.vector_load_idx %arg15[%add3A_82, %add3A_460] : memref<256x128xf32, #tpu.memory_space<vmem>>[vector<16xi32>, vector<16xi32>], vector<16xf32>,
      %add3A_462 = arith.constant 23 : i32
      %add3A_463 = vector.broadcast %add3A_462 : i32 to vector<16xi32>
      %add3A_464 = arith.addi %mul3A_108, %add3A_463 : vector<16xi32>
      %gather3A_465 = tpu.vector_load_idx %arg16[%add3A_82, %add3A_464] : memref<256x128xf32, #tpu.memory_space<vmem>>[vector<16xi32>, vector<16xi32>], vector<16xf32>,
      %mul3A_466 = arith.mulf %gather3A_457, %gather3A_465 : vector<16xf32>
      %mul3A_467 = arith.mulf %mul3A_466, %gather3A_461 : vector<16xf32>
      %add3A_468 = arith.addf %add3A_453, %mul3A_467 : vector<16xf32>
      %add3A_469 = arith.constant 24 : i32
      %add3A_470 = vector.broadcast %add3A_469 : i32 to vector<16xi32>
      %add3A_471 = arith.addi %mul3A_92, %add3A_470 : vector<16xi32>
      %gather3A_472 = tpu.vector_load_idx %arg14[%add3A_82, %add3A_471] : memref<256x128xf32, #tpu.memory_space<vmem>>[vector<16xi32>, vector<16xi32>], vector<16xf32>,
      %add3A_473 = arith.constant 24 : i32
      %add3A_474 = vector.broadcast %add3A_473 : i32 to vector<16xi32>
      %add3A_475 = arith.addi %mul3A_100, %add3A_474 : vector<16xi32>
      %gather3A_476 = tpu.vector_load_idx %arg15[%add3A_82, %add3A_475] : memref<256x128xf32, #tpu.memory_space<vmem>>[vector<16xi32>, vector<16xi32>], vector<16xf32>,
      %add3A_477 = arith.constant 24 : i32
      %add3A_478 = vector.broadcast %add3A_477 : i32 to vector<16xi32>
      %add3A_479 = arith.addi %mul3A_108, %add3A_478 : vector<16xi32>
      %gather3A_480 = tpu.vector_load_idx %arg16[%add3A_82, %add3A_479] : memref<256x128xf32, #tpu.memory_space<vmem>>[vector<16xi32>, vector<16xi32>], vector<16xf32>,
      %mul3A_481 = arith.mulf %gather3A_472, %gather3A_480 : vector<16xf32>
      %mul3A_482 = arith.mulf %mul3A_481, %gather3A_476 : vector<16xf32>
      %add3A_483 = arith.addf %add3A_468, %mul3A_482 : vector<16xf32>
      %add3A_484 = arith.constant 25 : i32
      %add3A_485 = vector.broadcast %add3A_484 : i32 to vector<16xi32>
      %add3A_486 = arith.addi %mul3A_92, %add3A_485 : vector<16xi32>
      %gather3A_487 = tpu.vector_load_idx %arg14[%add3A_82, %add3A_486] : memref<256x128xf32, #tpu.memory_space<vmem>>[vector<16xi32>, vector<16xi32>], vector<16xf32>,
      %add3A_488 = arith.constant 25 : i32
      %add3A_489 = vector.broadcast %add3A_488 : i32 to vector<16xi32>
      %add3A_490 = arith.addi %mul3A_100, %add3A_489 : vector<16xi32>
      %gather3A_491 = tpu.vector_load_idx %arg15[%add3A_82, %add3A_490] : memref<256x128xf32, #tpu.memory_space<vmem>>[vector<16xi32>, vector<16xi32>], vector<16xf32>,
      %add3A_492 = arith.constant 25 : i32
      %add3A_493 = vector.broadcast %add3A_492 : i32 to vector<16xi32>
      %add3A_494 = arith.addi %mul3A_108, %add3A_493 : vector<16xi32>
      %gather3A_495 = tpu.vector_load_idx %arg16[%add3A_82, %add3A_494] : memref<256x128xf32, #tpu.memory_space<vmem>>[vector<16xi32>, vector<16xi32>], vector<16xf32>,
      %mul3A_496 = arith.mulf %gather3A_487, %gather3A_495 : vector<16xf32>
      %mul3A_497 = arith.mulf %mul3A_496, %gather3A_491 : vector<16xf32>
      %add3A_498 = arith.addf %add3A_483, %mul3A_497 : vector<16xf32>
      %add3A_499 = arith.constant 26 : i32
      %add3A_500 = vector.broadcast %add3A_499 : i32 to vector<16xi32>
      %add3A_501 = arith.addi %mul3A_92, %add3A_500 : vector<16xi32>
      %gather3A_502 = tpu.vector_load_idx %arg14[%add3A_82, %add3A_501] : memref<256x128xf32, #tpu.memory_space<vmem>>[vector<16xi32>, vector<16xi32>], vector<16xf32>,
      %add3A_503 = arith.constant 26 : i32
      %add3A_504 = vector.broadcast %add3A_503 : i32 to vector<16xi32>
      %add3A_505 = arith.addi %mul3A_100, %add3A_504 : vector<16xi32>
      %gather3A_506 = tpu.vector_load_idx %arg15[%add3A_82, %add3A_505] : memref<256x128xf32, #tpu.memory_space<vmem>>[vector<16xi32>, vector<16xi32>], vector<16xf32>,
      %add3A_507 = arith.constant 26 : i32
      %add3A_508 = vector.broadcast %add3A_507 : i32 to vector<16xi32>
      %add3A_509 = arith.addi %mul3A_108, %add3A_508 : vector<16xi32>
      %gather3A_510 = tpu.vector_load_idx %arg16[%add3A_82, %add3A_509] : memref<256x128xf32, #tpu.memory_space<vmem>>[vector<16xi32>, vector<16xi32>], vector<16xf32>,
      %mul3A_511 = arith.mulf %gather3A_502, %gather3A_510 : vector<16xf32>
      %mul3A_512 = arith.mulf %mul3A_511, %gather3A_506 : vector<16xf32>
      %add3A_513 = arith.addf %add3A_498, %mul3A_512 : vector<16xf32>
      %add3A_514 = arith.constant 27 : i32
      %add3A_515 = vector.broadcast %add3A_514 : i32 to vector<16xi32>
      %add3A_516 = arith.addi %mul3A_92, %add3A_515 : vector<16xi32>
      %gather3A_517 = tpu.vector_load_idx %arg14[%add3A_82, %add3A_516] : memref<256x128xf32, #tpu.memory_space<vmem>>[vector<16xi32>, vector<16xi32>], vector<16xf32>,
      %add3A_518 = arith.constant 27 : i32
      %add3A_519 = vector.broadcast %add3A_518 : i32 to vector<16xi32>
      %add3A_520 = arith.addi %mul3A_100, %add3A_519 : vector<16xi32>
      %gather3A_521 = tpu.vector_load_idx %arg15[%add3A_82, %add3A_520] : memref<256x128xf32, #tpu.memory_space<vmem>>[vector<16xi32>, vector<16xi32>], vector<16xf32>,
      %add3A_522 = arith.constant 27 : i32
      %add3A_523 = vector.broadcast %add3A_522 : i32 to vector<16xi32>
      %add3A_524 = arith.addi %mul3A_108, %add3A_523 : vector<16xi32>
      %gather3A_525 = tpu.vector_load_idx %arg16[%add3A_82, %add3A_524] : memref<256x128xf32, #tpu.memory_space<vmem>>[vector<16xi32>, vector<16xi32>], vector<16xf32>,
      %mul3A_526 = arith.mulf %gather3A_517, %gather3A_525 : vector<16xf32>
      %mul3A_527 = arith.mulf %mul3A_526, %gather3A_521 : vector<16xf32>
      %add3A_528 = arith.addf %add3A_513, %mul3A_527 : vector<16xf32>
      %add3A_529 = arith.constant 28 : i32
      %add3A_530 = vector.broadcast %add3A_529 : i32 to vector<16xi32>
      %add3A_531 = arith.addi %mul3A_92, %add3A_530 : vector<16xi32>
      %gather3A_532 = tpu.vector_load_idx %arg14[%add3A_82, %add3A_531] : memref<256x128xf32, #tpu.memory_space<vmem>>[vector<16xi32>, vector<16xi32>], vector<16xf32>,
      %add3A_533 = arith.constant 28 : i32
      %add3A_534 = vector.broadcast %add3A_533 : i32 to vector<16xi32>
      %add3A_535 = arith.addi %mul3A_100, %add3A_534 : vector<16xi32>
      %gather3A_536 = tpu.vector_load_idx %arg15[%add3A_82, %add3A_535] : memref<256x128xf32, #tpu.memory_space<vmem>>[vector<16xi32>, vector<16xi32>], vector<16xf32>,
      %add3A_537 = arith.constant 28 : i32
      %add3A_538 = vector.broadcast %add3A_537 : i32 to vector<16xi32>
      %add3A_539 = arith.addi %mul3A_108, %add3A_538 : vector<16xi32>
      %gather3A_540 = tpu.vector_load_idx %arg16[%add3A_82, %add3A_539] : memref<256x128xf32, #tpu.memory_space<vmem>>[vector<16xi32>, vector<16xi32>], vector<16xf32>,
      %mul3A_541 = arith.mulf %gather3A_532, %gather3A_540 : vector<16xf32>
      %mul3A_542 = arith.mulf %mul3A_541, %gather3A_536 : vector<16xf32>
      %add3A_543 = arith.addf %add3A_528, %mul3A_542 : vector<16xf32>
      %add3A_544 = arith.constant 29 : i32
      %add3A_545 = vector.broadcast %add3A_544 : i32 to vector<16xi32>
      %add3A_546 = arith.addi %mul3A_92, %add3A_545 : vector<16xi32>
      %gather3A_547 = tpu.vector_load_idx %arg14[%add3A_82, %add3A_546] : memref<256x128xf32, #tpu.memory_space<vmem>>[vector<16xi32>, vector<16xi32>], vector<16xf32>,
      %add3A_548 = arith.constant 29 : i32
      %add3A_549 = vector.broadcast %add3A_548 : i32 to vector<16xi32>
      %add3A_550 = arith.addi %mul3A_100, %add3A_549 : vector<16xi32>
      %gather3A_551 = tpu.vector_load_idx %arg15[%add3A_82, %add3A_550] : memref<256x128xf32, #tpu.memory_space<vmem>>[vector<16xi32>, vector<16xi32>], vector<16xf32>,
      %add3A_552 = arith.constant 29 : i32
      %add3A_553 = vector.broadcast %add3A_552 : i32 to vector<16xi32>
      %add3A_554 = arith.addi %mul3A_108, %add3A_553 : vector<16xi32>
      %gather3A_555 = tpu.vector_load_idx %arg16[%add3A_82, %add3A_554] : memref<256x128xf32, #tpu.memory_space<vmem>>[vector<16xi32>, vector<16xi32>], vector<16xf32>,
      %mul3A_556 = arith.mulf %gather3A_547, %gather3A_555 : vector<16xf32>
      %mul3A_557 = arith.mulf %mul3A_556, %gather3A_551 : vector<16xf32>
      %add3A_558 = arith.addf %add3A_543, %mul3A_557 : vector<16xf32>
      %add3A_559 = arith.constant 30 : i32
      %add3A_560 = vector.broadcast %add3A_559 : i32 to vector<16xi32>
      %add3A_561 = arith.addi %mul3A_92, %add3A_560 : vector<16xi32>
      %gather3A_562 = tpu.vector_load_idx %arg14[%add3A_82, %add3A_561] : memref<256x128xf32, #tpu.memory_space<vmem>>[vector<16xi32>, vector<16xi32>], vector<16xf32>,
      %add3A_563 = arith.constant 30 : i32
      %add3A_564 = vector.broadcast %add3A_563 : i32 to vector<16xi32>
      %add3A_565 = arith.addi %mul3A_100, %add3A_564 : vector<16xi32>
      %gather3A_566 = tpu.vector_load_idx %arg15[%add3A_82, %add3A_565] : memref<256x128xf32, #tpu.memory_space<vmem>>[vector<16xi32>, vector<16xi32>], vector<16xf32>,
      %add3A_567 = arith.constant 30 : i32
      %add3A_568 = vector.broadcast %add3A_567 : i32 to vector<16xi32>
      %add3A_569 = arith.addi %mul3A_108, %add3A_568 : vector<16xi32>
      %gather3A_570 = tpu.vector_load_idx %arg16[%add3A_82, %add3A_569] : memref<256x128xf32, #tpu.memory_space<vmem>>[vector<16xi32>, vector<16xi32>], vector<16xf32>,
      %mul3A_571 = arith.mulf %gather3A_562, %gather3A_570 : vector<16xf32>
      %mul3A_572 = arith.mulf %mul3A_571, %gather3A_566 : vector<16xf32>
      %add3A_573 = arith.addf %add3A_558, %mul3A_572 : vector<16xf32>
      %add3A_574 = arith.constant 31 : i32
      %add3A_575 = vector.broadcast %add3A_574 : i32 to vector<16xi32>
      %add3A_576 = arith.addi %mul3A_92, %add3A_575 : vector<16xi32>
      %gather3A_577 = tpu.vector_load_idx %arg14[%add3A_82, %add3A_576] : memref<256x128xf32, #tpu.memory_space<vmem>>[vector<16xi32>, vector<16xi32>], vector<16xf32>,
      %add3A_578 = arith.constant 31 : i32
      %add3A_579 = vector.broadcast %add3A_578 : i32 to vector<16xi32>
      %add3A_580 = arith.addi %mul3A_100, %add3A_579 : vector<16xi32>
      %gather3A_581 = tpu.vector_load_idx %arg15[%add3A_82, %add3A_580] : memref<256x128xf32, #tpu.memory_space<vmem>>[vector<16xi32>, vector<16xi32>], vector<16xf32>,
      %add3A_582 = arith.constant 31 : i32
      %add3A_583 = vector.broadcast %add3A_582 : i32 to vector<16xi32>
      %add3A_584 = arith.addi %mul3A_108, %add3A_583 : vector<16xi32>
      %gather3A_585 = tpu.vector_load_idx %arg16[%add3A_82, %add3A_584] : memref<256x128xf32, #tpu.memory_space<vmem>>[vector<16xi32>, vector<16xi32>], vector<16xf32>,
      %mul3A_586 = arith.mulf %gather3A_577, %gather3A_585 : vector<16xf32>
      %mul3A_587 = arith.mulf %mul3A_586, %gather3A_581 : vector<16xf32>
      %add3A_588 = arith.addf %add3A_573, %mul3A_587 : vector<16xf32>
      %add3A_589 = arith.constant 32 : i32
      %add3A_590 = vector.broadcast %add3A_589 : i32 to vector<16xi32>
      %add3A_591 = arith.addi %mul3A_92, %add3A_590 : vector<16xi32>
      %gather3A_592 = tpu.vector_load_idx %arg14[%add3A_82, %add3A_591] : memref<256x128xf32, #tpu.memory_space<vmem>>[vector<16xi32>, vector<16xi32>], vector<16xf32>,
      %add3A_593 = arith.constant 32 : i32
      %add3A_594 = vector.broadcast %add3A_593 : i32 to vector<16xi32>
      %add3A_595 = arith.addi %mul3A_100, %add3A_594 : vector<16xi32>
      %gather3A_596 = tpu.vector_load_idx %arg15[%add3A_82, %add3A_595] : memref<256x128xf32, #tpu.memory_space<vmem>>[vector<16xi32>, vector<16xi32>], vector<16xf32>,
      %add3A_597 = arith.constant 32 : i32
      %add3A_598 = vector.broadcast %add3A_597 : i32 to vector<16xi32>
      %add3A_599 = arith.addi %mul3A_108, %add3A_598 : vector<16xi32>
      %gather3A_600 = tpu.vector_load_idx %arg16[%add3A_82, %add3A_599] : memref<256x128xf32, #tpu.memory_space<vmem>>[vector<16xi32>, vector<16xi32>], vector<16xf32>,
      %mul3A_601 = arith.mulf %gather3A_592, %gather3A_600 : vector<16xf32>
      %mul3A_602 = arith.mulf %mul3A_601, %gather3A_596 : vector<16xf32>
      %add3A_603 = arith.addf %add3A_588, %mul3A_602 : vector<16xf32>
      %add3A_604 = arith.constant 33 : i32
      %add3A_605 = vector.broadcast %add3A_604 : i32 to vector<16xi32>
      %add3A_606 = arith.addi %mul3A_92, %add3A_605 : vector<16xi32>
      %gather3A_607 = tpu.vector_load_idx %arg14[%add3A_82, %add3A_606] : memref<256x128xf32, #tpu.memory_space<vmem>>[vector<16xi32>, vector<16xi32>], vector<16xf32>,
      %add3A_608 = arith.constant 33 : i32
      %add3A_609 = vector.broadcast %add3A_608 : i32 to vector<16xi32>
      %add3A_610 = arith.addi %mul3A_100, %add3A_609 : vector<16xi32>
      %gather3A_611 = tpu.vector_load_idx %arg15[%add3A_82, %add3A_610] : memref<256x128xf32, #tpu.memory_space<vmem>>[vector<16xi32>, vector<16xi32>], vector<16xf32>,
      %add3A_612 = arith.constant 33 : i32
      %add3A_613 = vector.broadcast %add3A_612 : i32 to vector<16xi32>
      %add3A_614 = arith.addi %mul3A_108, %add3A_613 : vector<16xi32>
      %gather3A_615 = tpu.vector_load_idx %arg16[%add3A_82, %add3A_614] : memref<256x128xf32, #tpu.memory_space<vmem>>[vector<16xi32>, vector<16xi32>], vector<16xf32>,
      %mul3A_616 = arith.mulf %gather3A_607, %gather3A_615 : vector<16xf32>
      %mul3A_617 = arith.mulf %mul3A_616, %gather3A_611 : vector<16xf32>
      %add3A_618 = arith.addf %add3A_603, %mul3A_617 : vector<16xf32>
      %add3A_619 = arith.constant 34 : i32
      %add3A_620 = vector.broadcast %add3A_619 : i32 to vector<16xi32>
      %add3A_621 = arith.addi %mul3A_92, %add3A_620 : vector<16xi32>
      %gather3A_622 = tpu.vector_load_idx %arg14[%add3A_82, %add3A_621] : memref<256x128xf32, #tpu.memory_space<vmem>>[vector<16xi32>, vector<16xi32>], vector<16xf32>,
      %add3A_623 = arith.constant 34 : i32
      %add3A_624 = vector.broadcast %add3A_623 : i32 to vector<16xi32>
      %add3A_625 = arith.addi %mul3A_100, %add3A_624 : vector<16xi32>
      %gather3A_626 = tpu.vector_load_idx %arg15[%add3A_82, %add3A_625] : memref<256x128xf32, #tpu.memory_space<vmem>>[vector<16xi32>, vector<16xi32>], vector<16xf32>,
      %add3A_627 = arith.constant 34 : i32
      %add3A_628 = vector.broadcast %add3A_627 : i32 to vector<16xi32>
      %add3A_629 = arith.addi %mul3A_108, %add3A_628 : vector<16xi32>
      %gather3A_630 = tpu.vector_load_idx %arg16[%add3A_82, %add3A_629] : memref<256x128xf32, #tpu.memory_space<vmem>>[vector<16xi32>, vector<16xi32>], vector<16xf32>,
      %mul3A_631 = arith.mulf %gather3A_622, %gather3A_630 : vector<16xf32>
      %mul3A_632 = arith.mulf %mul3A_631, %gather3A_626 : vector<16xf32>
      %add3A_633 = arith.addf %add3A_618, %mul3A_632 : vector<16xf32>
      %add3A_634 = arith.constant 35 : i32
      %add3A_635 = vector.broadcast %add3A_634 : i32 to vector<16xi32>
      %add3A_636 = arith.addi %mul3A_92, %add3A_635 : vector<16xi32>
      %gather3A_637 = tpu.vector_load_idx %arg14[%add3A_82, %add3A_636] : memref<256x128xf32, #tpu.memory_space<vmem>>[vector<16xi32>, vector<16xi32>], vector<16xf32>,
      %add3A_638 = arith.constant 35 : i32
      %add3A_639 = vector.broadcast %add3A_638 : i32 to vector<16xi32>
      %add3A_640 = arith.addi %mul3A_100, %add3A_639 : vector<16xi32>
      %gather3A_641 = tpu.vector_load_idx %arg15[%add3A_82, %add3A_640] : memref<256x128xf32, #tpu.memory_space<vmem>>[vector<16xi32>, vector<16xi32>], vector<16xf32>,
      %add3A_642 = arith.constant 35 : i32
      %add3A_643 = vector.broadcast %add3A_642 : i32 to vector<16xi32>
      %add3A_644 = arith.addi %mul3A_108, %add3A_643 : vector<16xi32>
      %gather3A_645 = tpu.vector_load_idx %arg16[%add3A_82, %add3A_644] : memref<256x128xf32, #tpu.memory_space<vmem>>[vector<16xi32>, vector<16xi32>], vector<16xf32>,
      %mul3A_646 = arith.mulf %gather3A_637, %gather3A_645 : vector<16xf32>
      %mul3A_647 = arith.mulf %mul3A_646, %gather3A_641 : vector<16xf32>
      %add3A_648 = arith.addf %add3A_633, %mul3A_647 : vector<16xf32>
      %add3A_649 = arith.constant 36 : i32
      %add3A_650 = vector.broadcast %add3A_649 : i32 to vector<16xi32>
      %add3A_651 = arith.addi %mul3A_92, %add3A_650 : vector<16xi32>
      %gather3A_652 = tpu.vector_load_idx %arg14[%add3A_82, %add3A_651] : memref<256x128xf32, #tpu.memory_space<vmem>>[vector<16xi32>, vector<16xi32>], vector<16xf32>,
      %add3A_653 = arith.constant 36 : i32
      %add3A_654 = vector.broadcast %add3A_653 : i32 to vector<16xi32>
      %add3A_655 = arith.addi %mul3A_100, %add3A_654 : vector<16xi32>
      %gather3A_656 = tpu.vector_load_idx %arg15[%add3A_82, %add3A_655] : memref<256x128xf32, #tpu.memory_space<vmem>>[vector<16xi32>, vector<16xi32>], vector<16xf32>,
      %add3A_657 = arith.constant 36 : i32
      %add3A_658 = vector.broadcast %add3A_657 : i32 to vector<16xi32>
      %add3A_659 = arith.addi %mul3A_108, %add3A_658 : vector<16xi32>
      %gather3A_660 = tpu.vector_load_idx %arg16[%add3A_82, %add3A_659] : memref<256x128xf32, #tpu.memory_space<vmem>>[vector<16xi32>, vector<16xi32>], vector<16xf32>,
      %mul3A_661 = arith.mulf %gather3A_652, %gather3A_660 : vector<16xf32>
      %mul3A_662 = arith.mulf %mul3A_661, %gather3A_656 : vector<16xf32>
      %add3A_663 = arith.addf %add3A_648, %mul3A_662 : vector<16xf32>
      %add3A_664 = arith.constant 37 : i32
      %add3A_665 = vector.broadcast %add3A_664 : i32 to vector<16xi32>
      %add3A_666 = arith.addi %mul3A_92, %add3A_665 : vector<16xi32>
      %gather3A_667 = tpu.vector_load_idx %arg14[%add3A_82, %add3A_666] : memref<256x128xf32, #tpu.memory_space<vmem>>[vector<16xi32>, vector<16xi32>], vector<16xf32>,
      %add3A_668 = arith.constant 37 : i32
      %add3A_669 = vector.broadcast %add3A_668 : i32 to vector<16xi32>
      %add3A_670 = arith.addi %mul3A_100, %add3A_669 : vector<16xi32>
      %gather3A_671 = tpu.vector_load_idx %arg15[%add3A_82, %add3A_670] : memref<256x128xf32, #tpu.memory_space<vmem>>[vector<16xi32>, vector<16xi32>], vector<16xf32>,
      %add3A_672 = arith.constant 37 : i32
      %add3A_673 = vector.broadcast %add3A_672 : i32 to vector<16xi32>
      %add3A_674 = arith.addi %mul3A_108, %add3A_673 : vector<16xi32>
      %gather3A_675 = tpu.vector_load_idx %arg16[%add3A_82, %add3A_674] : memref<256x128xf32, #tpu.memory_space<vmem>>[vector<16xi32>, vector<16xi32>], vector<16xf32>,
      %mul3A_676 = arith.mulf %gather3A_667, %gather3A_675 : vector<16xf32>
      %mul3A_677 = arith.mulf %mul3A_676, %gather3A_671 : vector<16xf32>
      %add3A_678 = arith.addf %add3A_663, %mul3A_677 : vector<16xf32>
      %add3A_679 = arith.constant 38 : i32
      %add3A_680 = vector.broadcast %add3A_679 : i32 to vector<16xi32>
      %add3A_681 = arith.addi %mul3A_92, %add3A_680 : vector<16xi32>
      %gather3A_682 = tpu.vector_load_idx %arg14[%add3A_82, %add3A_681] : memref<256x128xf32, #tpu.memory_space<vmem>>[vector<16xi32>, vector<16xi32>], vector<16xf32>,
      %add3A_683 = arith.constant 38 : i32
      %add3A_684 = vector.broadcast %add3A_683 : i32 to vector<16xi32>
      %add3A_685 = arith.addi %mul3A_100, %add3A_684 : vector<16xi32>
      %gather3A_686 = tpu.vector_load_idx %arg15[%add3A_82, %add3A_685] : memref<256x128xf32, #tpu.memory_space<vmem>>[vector<16xi32>, vector<16xi32>], vector<16xf32>,
      %add3A_687 = arith.constant 38 : i32
      %add3A_688 = vector.broadcast %add3A_687 : i32 to vector<16xi32>
      %add3A_689 = arith.addi %mul3A_108, %add3A_688 : vector<16xi32>
      %gather3A_690 = tpu.vector_load_idx %arg16[%add3A_82, %add3A_689] : memref<256x128xf32, #tpu.memory_space<vmem>>[vector<16xi32>, vector<16xi32>], vector<16xf32>,
      %mul3A_691 = arith.mulf %gather3A_682, %gather3A_690 : vector<16xf32>
      %mul3A_692 = arith.mulf %mul3A_691, %gather3A_686 : vector<16xf32>
      %add3A_693 = arith.addf %add3A_678, %mul3A_692 : vector<16xf32>
      %add3A_694 = arith.constant 39 : i32
      %add3A_695 = vector.broadcast %add3A_694 : i32 to vector<16xi32>
      %add3A_696 = arith.addi %mul3A_92, %add3A_695 : vector<16xi32>
      %gather3A_697 = tpu.vector_load_idx %arg14[%add3A_82, %add3A_696] : memref<256x128xf32, #tpu.memory_space<vmem>>[vector<16xi32>, vector<16xi32>], vector<16xf32>,
      %add3A_698 = arith.constant 39 : i32
      %add3A_699 = vector.broadcast %add3A_698 : i32 to vector<16xi32>
      %add3A_700 = arith.addi %mul3A_100, %add3A_699 : vector<16xi32>
      %gather3A_701 = tpu.vector_load_idx %arg15[%add3A_82, %add3A_700] : memref<256x128xf32, #tpu.memory_space<vmem>>[vector<16xi32>, vector<16xi32>], vector<16xf32>,
      %add3A_702 = arith.constant 39 : i32
      %add3A_703 = vector.broadcast %add3A_702 : i32 to vector<16xi32>
      %add3A_704 = arith.addi %mul3A_108, %add3A_703 : vector<16xi32>
      %gather3A_705 = tpu.vector_load_idx %arg16[%add3A_82, %add3A_704] : memref<256x128xf32, #tpu.memory_space<vmem>>[vector<16xi32>, vector<16xi32>], vector<16xf32>,
      %mul3A_706 = arith.mulf %gather3A_697, %gather3A_705 : vector<16xf32>
      %mul3A_707 = arith.mulf %mul3A_706, %gather3A_701 : vector<16xf32>
      %add3A_708 = arith.addf %add3A_693, %mul3A_707 : vector<16xf32>
      %add3A_709 = arith.constant 40 : i32
      %add3A_710 = vector.broadcast %add3A_709 : i32 to vector<16xi32>
      %add3A_711 = arith.addi %mul3A_92, %add3A_710 : vector<16xi32>
      %gather3A_712 = tpu.vector_load_idx %arg14[%add3A_82, %add3A_711] : memref<256x128xf32, #tpu.memory_space<vmem>>[vector<16xi32>, vector<16xi32>], vector<16xf32>,
      %add3A_713 = arith.constant 40 : i32
      %add3A_714 = vector.broadcast %add3A_713 : i32 to vector<16xi32>
      %add3A_715 = arith.addi %mul3A_100, %add3A_714 : vector<16xi32>
      %gather3A_716 = tpu.vector_load_idx %arg15[%add3A_82, %add3A_715] : memref<256x128xf32, #tpu.memory_space<vmem>>[vector<16xi32>, vector<16xi32>], vector<16xf32>,
      %add3A_717 = arith.constant 40 : i32
      %add3A_718 = vector.broadcast %add3A_717 : i32 to vector<16xi32>
      %add3A_719 = arith.addi %mul3A_108, %add3A_718 : vector<16xi32>
      %gather3A_720 = tpu.vector_load_idx %arg16[%add3A_82, %add3A_719] : memref<256x128xf32, #tpu.memory_space<vmem>>[vector<16xi32>, vector<16xi32>], vector<16xf32>,
      %mul3A_721 = arith.mulf %gather3A_712, %gather3A_720 : vector<16xf32>
      %mul3A_722 = arith.mulf %mul3A_721, %gather3A_716 : vector<16xf32>
      %add3A_723 = arith.addf %add3A_708, %mul3A_722 : vector<16xf32>
      %add3A_724 = arith.constant 41 : i32
      %add3A_725 = vector.broadcast %add3A_724 : i32 to vector<16xi32>
      %add3A_726 = arith.addi %mul3A_92, %add3A_725 : vector<16xi32>
      %gather3A_727 = tpu.vector_load_idx %arg14[%add3A_82, %add3A_726] : memref<256x128xf32, #tpu.memory_space<vmem>>[vector<16xi32>, vector<16xi32>], vector<16xf32>,
      %add3A_728 = arith.constant 41 : i32
      %add3A_729 = vector.broadcast %add3A_728 : i32 to vector<16xi32>
      %add3A_730 = arith.addi %mul3A_100, %add3A_729 : vector<16xi32>
      %gather3A_731 = tpu.vector_load_idx %arg15[%add3A_82, %add3A_730] : memref<256x128xf32, #tpu.memory_space<vmem>>[vector<16xi32>, vector<16xi32>], vector<16xf32>,
      %add3A_732 = arith.constant 41 : i32
      %add3A_733 = vector.broadcast %add3A_732 : i32 to vector<16xi32>
      %add3A_734 = arith.addi %mul3A_108, %add3A_733 : vector<16xi32>
      %gather3A_735 = tpu.vector_load_idx %arg16[%add3A_82, %add3A_734] : memref<256x128xf32, #tpu.memory_space<vmem>>[vector<16xi32>, vector<16xi32>], vector<16xf32>,
      %mul3A_736 = arith.mulf %gather3A_727, %gather3A_735 : vector<16xf32>
      %mul3A_737 = arith.mulf %mul3A_736, %gather3A_731 : vector<16xf32>
      %add3A_738 = arith.addf %add3A_723, %mul3A_737 : vector<16xf32>
      %add3A_739 = arith.constant 42 : i32
      %add3A_740 = vector.broadcast %add3A_739 : i32 to vector<16xi32>
      %add3A_741 = arith.addi %mul3A_92, %add3A_740 : vector<16xi32>
      %gather3A_742 = tpu.vector_load_idx %arg14[%add3A_82, %add3A_741] : memref<256x128xf32, #tpu.memory_space<vmem>>[vector<16xi32>, vector<16xi32>], vector<16xf32>,
      %add3A_743 = arith.constant 42 : i32
      %add3A_744 = vector.broadcast %add3A_743 : i32 to vector<16xi32>
      %add3A_745 = arith.addi %mul3A_100, %add3A_744 : vector<16xi32>
      %gather3A_746 = tpu.vector_load_idx %arg15[%add3A_82, %add3A_745] : memref<256x128xf32, #tpu.memory_space<vmem>>[vector<16xi32>, vector<16xi32>], vector<16xf32>,
      %add3A_747 = arith.constant 42 : i32
      %add3A_748 = vector.broadcast %add3A_747 : i32 to vector<16xi32>
      %add3A_749 = arith.addi %mul3A_108, %add3A_748 : vector<16xi32>
      %gather3A_750 = tpu.vector_load_idx %arg16[%add3A_82, %add3A_749] : memref<256x128xf32, #tpu.memory_space<vmem>>[vector<16xi32>, vector<16xi32>], vector<16xf32>,
      %mul3A_751 = arith.mulf %gather3A_742, %gather3A_750 : vector<16xf32>
      %mul3A_752 = arith.mulf %mul3A_751, %gather3A_746 : vector<16xf32>
      %add3A_753 = arith.addf %add3A_738, %mul3A_752 : vector<16xf32>
      %add3A_754 = arith.constant 43 : i32
      %add3A_755 = vector.broadcast %add3A_754 : i32 to vector<16xi32>
      %add3A_756 = arith.addi %mul3A_92, %add3A_755 : vector<16xi32>
      %gather3A_757 = tpu.vector_load_idx %arg14[%add3A_82, %add3A_756] : memref<256x128xf32, #tpu.memory_space<vmem>>[vector<16xi32>, vector<16xi32>], vector<16xf32>,
      %add3A_758 = arith.constant 43 : i32
      %add3A_759 = vector.broadcast %add3A_758 : i32 to vector<16xi32>
      %add3A_760 = arith.addi %mul3A_100, %add3A_759 : vector<16xi32>
      %gather3A_761 = tpu.vector_load_idx %arg15[%add3A_82, %add3A_760] : memref<256x128xf32, #tpu.memory_space<vmem>>[vector<16xi32>, vector<16xi32>], vector<16xf32>,
      %add3A_762 = arith.constant 43 : i32
      %add3A_763 = vector.broadcast %add3A_762 : i32 to vector<16xi32>
      %add3A_764 = arith.addi %mul3A_108, %add3A_763 : vector<16xi32>
      %gather3A_765 = tpu.vector_load_idx %arg16[%add3A_82, %add3A_764] : memref<256x128xf32, #tpu.memory_space<vmem>>[vector<16xi32>, vector<16xi32>], vector<16xf32>,
      %mul3A_766 = arith.mulf %gather3A_757, %gather3A_765 : vector<16xf32>
      %mul3A_767 = arith.mulf %mul3A_766, %gather3A_761 : vector<16xf32>
      %add3A_768 = arith.addf %add3A_753, %mul3A_767 : vector<16xf32>
      %add3A_769 = arith.constant 44 : i32
      %add3A_770 = vector.broadcast %add3A_769 : i32 to vector<16xi32>
      %add3A_771 = arith.addi %mul3A_92, %add3A_770 : vector<16xi32>
      %gather3A_772 = tpu.vector_load_idx %arg14[%add3A_82, %add3A_771] : memref<256x128xf32, #tpu.memory_space<vmem>>[vector<16xi32>, vector<16xi32>], vector<16xf32>,
      %add3A_773 = arith.constant 44 : i32
      %add3A_774 = vector.broadcast %add3A_773 : i32 to vector<16xi32>
      %add3A_775 = arith.addi %mul3A_100, %add3A_774 : vector<16xi32>
      %gather3A_776 = tpu.vector_load_idx %arg15[%add3A_82, %add3A_775] : memref<256x128xf32, #tpu.memory_space<vmem>>[vector<16xi32>, vector<16xi32>], vector<16xf32>,
      %add3A_777 = arith.constant 44 : i32
      %add3A_778 = vector.broadcast %add3A_777 : i32 to vector<16xi32>
      %add3A_779 = arith.addi %mul3A_108, %add3A_778 : vector<16xi32>
      %gather3A_780 = tpu.vector_load_idx %arg16[%add3A_82, %add3A_779] : memref<256x128xf32, #tpu.memory_space<vmem>>[vector<16xi32>, vector<16xi32>], vector<16xf32>,
      %mul3A_781 = arith.mulf %gather3A_772, %gather3A_780 : vector<16xf32>
      %mul3A_782 = arith.mulf %mul3A_781, %gather3A_776 : vector<16xf32>
      %add3A_783 = arith.addf %add3A_768, %mul3A_782 : vector<16xf32>
      %add3A_784 = arith.constant 45 : i32
      %add3A_785 = vector.broadcast %add3A_784 : i32 to vector<16xi32>
      %add3A_786 = arith.addi %mul3A_92, %add3A_785 : vector<16xi32>
      %gather3A_787 = tpu.vector_load_idx %arg14[%add3A_82, %add3A_786] : memref<256x128xf32, #tpu.memory_space<vmem>>[vector<16xi32>, vector<16xi32>], vector<16xf32>,
      %add3A_788 = arith.constant 45 : i32
      %add3A_789 = vector.broadcast %add3A_788 : i32 to vector<16xi32>
      %add3A_790 = arith.addi %mul3A_100, %add3A_789 : vector<16xi32>
      %gather3A_791 = tpu.vector_load_idx %arg15[%add3A_82, %add3A_790] : memref<256x128xf32, #tpu.memory_space<vmem>>[vector<16xi32>, vector<16xi32>], vector<16xf32>,
      %add3A_792 = arith.constant 45 : i32
      %add3A_793 = vector.broadcast %add3A_792 : i32 to vector<16xi32>
      %add3A_794 = arith.addi %mul3A_108, %add3A_793 : vector<16xi32>
      %gather3A_795 = tpu.vector_load_idx %arg16[%add3A_82, %add3A_794] : memref<256x128xf32, #tpu.memory_space<vmem>>[vector<16xi32>, vector<16xi32>], vector<16xf32>,
      %mul3A_796 = arith.mulf %gather3A_787, %gather3A_795 : vector<16xf32>
      %mul3A_797 = arith.mulf %mul3A_796, %gather3A_791 : vector<16xf32>
      %add3A_798 = arith.addf %add3A_783, %mul3A_797 : vector<16xf32>
      %add3A_799 = arith.constant 46 : i32
      %add3A_800 = vector.broadcast %add3A_799 : i32 to vector<16xi32>
      %add3A_801 = arith.addi %mul3A_92, %add3A_800 : vector<16xi32>
      %gather3A_802 = tpu.vector_load_idx %arg14[%add3A_82, %add3A_801] : memref<256x128xf32, #tpu.memory_space<vmem>>[vector<16xi32>, vector<16xi32>], vector<16xf32>,
      %add3A_803 = arith.constant 46 : i32
      %add3A_804 = vector.broadcast %add3A_803 : i32 to vector<16xi32>
      %add3A_805 = arith.addi %mul3A_100, %add3A_804 : vector<16xi32>
      %gather3A_806 = tpu.vector_load_idx %arg15[%add3A_82, %add3A_805] : memref<256x128xf32, #tpu.memory_space<vmem>>[vector<16xi32>, vector<16xi32>], vector<16xf32>,
      %add3A_807 = arith.constant 46 : i32
      %add3A_808 = vector.broadcast %add3A_807 : i32 to vector<16xi32>
      %add3A_809 = arith.addi %mul3A_108, %add3A_808 : vector<16xi32>
      %gather3A_810 = tpu.vector_load_idx %arg16[%add3A_82, %add3A_809] : memref<256x128xf32, #tpu.memory_space<vmem>>[vector<16xi32>, vector<16xi32>], vector<16xf32>,
      %mul3A_811 = arith.mulf %gather3A_802, %gather3A_810 : vector<16xf32>
      %mul3A_812 = arith.mulf %mul3A_811, %gather3A_806 : vector<16xf32>
      %add3A_813 = arith.addf %add3A_798, %mul3A_812 : vector<16xf32>
      %add3A_814 = arith.constant 47 : i32
      %add3A_815 = vector.broadcast %add3A_814 : i32 to vector<16xi32>
      %add3A_816 = arith.addi %mul3A_92, %add3A_815 : vector<16xi32>
      %gather3A_817 = tpu.vector_load_idx %arg14[%add3A_82, %add3A_816] : memref<256x128xf32, #tpu.memory_space<vmem>>[vector<16xi32>, vector<16xi32>], vector<16xf32>,
      %add3A_818 = arith.constant 47 : i32
      %add3A_819 = vector.broadcast %add3A_818 : i32 to vector<16xi32>
      %add3A_820 = arith.addi %mul3A_100, %add3A_819 : vector<16xi32>
      %gather3A_821 = tpu.vector_load_idx %arg15[%add3A_82, %add3A_820] : memref<256x128xf32, #tpu.memory_space<vmem>>[vector<16xi32>, vector<16xi32>], vector<16xf32>,
      %add3A_822 = arith.constant 47 : i32
      %add3A_823 = vector.broadcast %add3A_822 : i32 to vector<16xi32>
      %add3A_824 = arith.addi %mul3A_108, %add3A_823 : vector<16xi32>
      %gather3A_825 = tpu.vector_load_idx %arg16[%add3A_82, %add3A_824] : memref<256x128xf32, #tpu.memory_space<vmem>>[vector<16xi32>, vector<16xi32>], vector<16xf32>,
      %mul3A_826 = arith.mulf %gather3A_817, %gather3A_825 : vector<16xf32>
      %mul3A_827 = arith.mulf %mul3A_826, %gather3A_821 : vector<16xf32>
      %add3A_828 = arith.addf %add3A_813, %mul3A_827 : vector<16xf32>
      %add3A_829 = arith.constant 48 : i32
      %add3A_830 = vector.broadcast %add3A_829 : i32 to vector<16xi32>
      %add3A_831 = arith.addi %mul3A_92, %add3A_830 : vector<16xi32>
      %gather3A_832 = tpu.vector_load_idx %arg14[%add3A_82, %add3A_831] : memref<256x128xf32, #tpu.memory_space<vmem>>[vector<16xi32>, vector<16xi32>], vector<16xf32>,
      %add3A_833 = arith.constant 48 : i32
      %add3A_834 = vector.broadcast %add3A_833 : i32 to vector<16xi32>
      %add3A_835 = arith.addi %mul3A_100, %add3A_834 : vector<16xi32>
      %gather3A_836 = tpu.vector_load_idx %arg15[%add3A_82, %add3A_835] : memref<256x128xf32, #tpu.memory_space<vmem>>[vector<16xi32>, vector<16xi32>], vector<16xf32>,
      %add3A_837 = arith.constant 48 : i32
      %add3A_838 = vector.broadcast %add3A_837 : i32 to vector<16xi32>
      %add3A_839 = arith.addi %mul3A_108, %add3A_838 : vector<16xi32>
      %gather3A_840 = tpu.vector_load_idx %arg16[%add3A_82, %add3A_839] : memref<256x128xf32, #tpu.memory_space<vmem>>[vector<16xi32>, vector<16xi32>], vector<16xf32>,
      %mul3A_841 = arith.mulf %gather3A_832, %gather3A_840 : vector<16xf32>
      %mul3A_842 = arith.mulf %mul3A_841, %gather3A_836 : vector<16xf32>
      %add3A_843 = arith.addf %add3A_828, %mul3A_842 : vector<16xf32>
      %add3A_844 = arith.constant 49 : i32
      %add3A_845 = vector.broadcast %add3A_844 : i32 to vector<16xi32>
      %add3A_846 = arith.addi %mul3A_92, %add3A_845 : vector<16xi32>
      %gather3A_847 = tpu.vector_load_idx %arg14[%add3A_82, %add3A_846] : memref<256x128xf32, #tpu.memory_space<vmem>>[vector<16xi32>, vector<16xi32>], vector<16xf32>,
      %add3A_848 = arith.constant 49 : i32
      %add3A_849 = vector.broadcast %add3A_848 : i32 to vector<16xi32>
      %add3A_850 = arith.addi %mul3A_100, %add3A_849 : vector<16xi32>
      %gather3A_851 = tpu.vector_load_idx %arg15[%add3A_82, %add3A_850] : memref<256x128xf32, #tpu.memory_space<vmem>>[vector<16xi32>, vector<16xi32>], vector<16xf32>,
      %add3A_852 = arith.constant 49 : i32
      %add3A_853 = vector.broadcast %add3A_852 : i32 to vector<16xi32>
      %add3A_854 = arith.addi %mul3A_108, %add3A_853 : vector<16xi32>
      %gather3A_855 = tpu.vector_load_idx %arg16[%add3A_82, %add3A_854] : memref<256x128xf32, #tpu.memory_space<vmem>>[vector<16xi32>, vector<16xi32>], vector<16xf32>,
      %mul3A_856 = arith.mulf %gather3A_847, %gather3A_855 : vector<16xf32>
      %mul3A_857 = arith.mulf %mul3A_856, %gather3A_851 : vector<16xf32>
      %add3A_858 = arith.addf %add3A_843, %mul3A_857 : vector<16xf32>
      %add3A_859 = arith.constant 50 : i32
      %add3A_860 = vector.broadcast %add3A_859 : i32 to vector<16xi32>
      %add3A_861 = arith.addi %mul3A_92, %add3A_860 : vector<16xi32>
      %gather3A_862 = tpu.vector_load_idx %arg14[%add3A_82, %add3A_861] : memref<256x128xf32, #tpu.memory_space<vmem>>[vector<16xi32>, vector<16xi32>], vector<16xf32>,
      %add3A_863 = arith.constant 50 : i32
      %add3A_864 = vector.broadcast %add3A_863 : i32 to vector<16xi32>
      %add3A_865 = arith.addi %mul3A_100, %add3A_864 : vector<16xi32>
      %gather3A_866 = tpu.vector_load_idx %arg15[%add3A_82, %add3A_865] : memref<256x128xf32, #tpu.memory_space<vmem>>[vector<16xi32>, vector<16xi32>], vector<16xf32>,
      %add3A_867 = arith.constant 50 : i32
      %add3A_868 = vector.broadcast %add3A_867 : i32 to vector<16xi32>
      %add3A_869 = arith.addi %mul3A_108, %add3A_868 : vector<16xi32>
      %gather3A_870 = tpu.vector_load_idx %arg16[%add3A_82, %add3A_869] : memref<256x128xf32, #tpu.memory_space<vmem>>[vector<16xi32>, vector<16xi32>], vector<16xf32>,
      %mul3A_871 = arith.mulf %gather3A_862, %gather3A_870 : vector<16xf32>
      %mul3A_872 = arith.mulf %mul3A_871, %gather3A_866 : vector<16xf32>
      %add3A_873 = arith.addf %add3A_858, %mul3A_872 : vector<16xf32>
      %add3A_874 = arith.constant 51 : i32
      %add3A_875 = vector.broadcast %add3A_874 : i32 to vector<16xi32>
      %add3A_876 = arith.addi %mul3A_92, %add3A_875 : vector<16xi32>
      %gather3A_877 = tpu.vector_load_idx %arg14[%add3A_82, %add3A_876] : memref<256x128xf32, #tpu.memory_space<vmem>>[vector<16xi32>, vector<16xi32>], vector<16xf32>,
      %add3A_878 = arith.constant 51 : i32
      %add3A_879 = vector.broadcast %add3A_878 : i32 to vector<16xi32>
      %add3A_880 = arith.addi %mul3A_100, %add3A_879 : vector<16xi32>
      %gather3A_881 = tpu.vector_load_idx %arg15[%add3A_82, %add3A_880] : memref<256x128xf32, #tpu.memory_space<vmem>>[vector<16xi32>, vector<16xi32>], vector<16xf32>,
      %add3A_882 = arith.constant 51 : i32
      %add3A_883 = vector.broadcast %add3A_882 : i32 to vector<16xi32>
      %add3A_884 = arith.addi %mul3A_108, %add3A_883 : vector<16xi32>
      %gather3A_885 = tpu.vector_load_idx %arg16[%add3A_82, %add3A_884] : memref<256x128xf32, #tpu.memory_space<vmem>>[vector<16xi32>, vector<16xi32>], vector<16xf32>,
      %mul3A_886 = arith.mulf %gather3A_877, %gather3A_885 : vector<16xf32>
      %mul3A_887 = arith.mulf %mul3A_886, %gather3A_881 : vector<16xf32>
      %add3A_888 = arith.addf %add3A_873, %mul3A_887 : vector<16xf32>
      %add3A_889 = arith.constant 52 : i32
      %add3A_890 = vector.broadcast %add3A_889 : i32 to vector<16xi32>
      %add3A_891 = arith.addi %mul3A_92, %add3A_890 : vector<16xi32>
      %gather3A_892 = tpu.vector_load_idx %arg14[%add3A_82, %add3A_891] : memref<256x128xf32, #tpu.memory_space<vmem>>[vector<16xi32>, vector<16xi32>], vector<16xf32>,
      %add3A_893 = arith.constant 52 : i32
      %add3A_894 = vector.broadcast %add3A_893 : i32 to vector<16xi32>
      %add3A_895 = arith.addi %mul3A_100, %add3A_894 : vector<16xi32>
      %gather3A_896 = tpu.vector_load_idx %arg15[%add3A_82, %add3A_895] : memref<256x128xf32, #tpu.memory_space<vmem>>[vector<16xi32>, vector<16xi32>], vector<16xf32>,
      %add3A_897 = arith.constant 52 : i32
      %add3A_898 = vector.broadcast %add3A_897 : i32 to vector<16xi32>
      %add3A_899 = arith.addi %mul3A_108, %add3A_898 : vector<16xi32>
      %gather3A_900 = tpu.vector_load_idx %arg16[%add3A_82, %add3A_899] : memref<256x128xf32, #tpu.memory_space<vmem>>[vector<16xi32>, vector<16xi32>], vector<16xf32>,
      %mul3A_901 = arith.mulf %gather3A_892, %gather3A_900 : vector<16xf32>
      %mul3A_902 = arith.mulf %mul3A_901, %gather3A_896 : vector<16xf32>
      %add3A_903 = arith.addf %add3A_888, %mul3A_902 : vector<16xf32>
      %add3A_904 = arith.constant 53 : i32
      %add3A_905 = vector.broadcast %add3A_904 : i32 to vector<16xi32>
      %add3A_906 = arith.addi %mul3A_92, %add3A_905 : vector<16xi32>
      %gather3A_907 = tpu.vector_load_idx %arg14[%add3A_82, %add3A_906] : memref<256x128xf32, #tpu.memory_space<vmem>>[vector<16xi32>, vector<16xi32>], vector<16xf32>,
      %add3A_908 = arith.constant 53 : i32
      %add3A_909 = vector.broadcast %add3A_908 : i32 to vector<16xi32>
      %add3A_910 = arith.addi %mul3A_100, %add3A_909 : vector<16xi32>
      %gather3A_911 = tpu.vector_load_idx %arg15[%add3A_82, %add3A_910] : memref<256x128xf32, #tpu.memory_space<vmem>>[vector<16xi32>, vector<16xi32>], vector<16xf32>,
      %add3A_912 = arith.constant 53 : i32
      %add3A_913 = vector.broadcast %add3A_912 : i32 to vector<16xi32>
      %add3A_914 = arith.addi %mul3A_108, %add3A_913 : vector<16xi32>
      %gather3A_915 = tpu.vector_load_idx %arg16[%add3A_82, %add3A_914] : memref<256x128xf32, #tpu.memory_space<vmem>>[vector<16xi32>, vector<16xi32>], vector<16xf32>,
      %mul3A_916 = arith.mulf %gather3A_907, %gather3A_915 : vector<16xf32>
      %mul3A_917 = arith.mulf %mul3A_916, %gather3A_911 : vector<16xf32>
      %add3A_918 = arith.addf %add3A_903, %mul3A_917 : vector<16xf32>
      %add3A_919 = arith.constant 54 : i32
      %add3A_920 = vector.broadcast %add3A_919 : i32 to vector<16xi32>
      %add3A_921 = arith.addi %mul3A_92, %add3A_920 : vector<16xi32>
      %gather3A_922 = tpu.vector_load_idx %arg14[%add3A_82, %add3A_921] : memref<256x128xf32, #tpu.memory_space<vmem>>[vector<16xi32>, vector<16xi32>], vector<16xf32>,
      %add3A_923 = arith.constant 54 : i32
      %add3A_924 = vector.broadcast %add3A_923 : i32 to vector<16xi32>
      %add3A_925 = arith.addi %mul3A_100, %add3A_924 : vector<16xi32>
      %gather3A_926 = tpu.vector_load_idx %arg15[%add3A_82, %add3A_925] : memref<256x128xf32, #tpu.memory_space<vmem>>[vector<16xi32>, vector<16xi32>], vector<16xf32>,
      %add3A_927 = arith.constant 54 : i32
      %add3A_928 = vector.broadcast %add3A_927 : i32 to vector<16xi32>
      %add3A_929 = arith.addi %mul3A_108, %add3A_928 : vector<16xi32>
      %gather3A_930 = tpu.vector_load_idx %arg16[%add3A_82, %add3A_929] : memref<256x128xf32, #tpu.memory_space<vmem>>[vector<16xi32>, vector<16xi32>], vector<16xf32>,
      %mul3A_931 = arith.mulf %gather3A_922, %gather3A_930 : vector<16xf32>
      %mul3A_932 = arith.mulf %mul3A_931, %gather3A_926 : vector<16xf32>
      %add3A_933 = arith.addf %add3A_918, %mul3A_932 : vector<16xf32>
      %add3A_934 = arith.constant 55 : i32
      %add3A_935 = vector.broadcast %add3A_934 : i32 to vector<16xi32>
      %add3A_936 = arith.addi %mul3A_92, %add3A_935 : vector<16xi32>
      %gather3A_937 = tpu.vector_load_idx %arg14[%add3A_82, %add3A_936] : memref<256x128xf32, #tpu.memory_space<vmem>>[vector<16xi32>, vector<16xi32>], vector<16xf32>,
      %add3A_938 = arith.constant 55 : i32
      %add3A_939 = vector.broadcast %add3A_938 : i32 to vector<16xi32>
      %add3A_940 = arith.addi %mul3A_100, %add3A_939 : vector<16xi32>
      %gather3A_941 = tpu.vector_load_idx %arg15[%add3A_82, %add3A_940] : memref<256x128xf32, #tpu.memory_space<vmem>>[vector<16xi32>, vector<16xi32>], vector<16xf32>,
      %add3A_942 = arith.constant 55 : i32
      %add3A_943 = vector.broadcast %add3A_942 : i32 to vector<16xi32>
      %add3A_944 = arith.addi %mul3A_108, %add3A_943 : vector<16xi32>
      %gather3A_945 = tpu.vector_load_idx %arg16[%add3A_82, %add3A_944] : memref<256x128xf32, #tpu.memory_space<vmem>>[vector<16xi32>, vector<16xi32>], vector<16xf32>,
      %mul3A_946 = arith.mulf %gather3A_937, %gather3A_945 : vector<16xf32>
      %mul3A_947 = arith.mulf %mul3A_946, %gather3A_941 : vector<16xf32>
      %add3A_948 = arith.addf %add3A_933, %mul3A_947 : vector<16xf32>
      %add3A_949 = arith.constant 56 : i32
      %add3A_950 = vector.broadcast %add3A_949 : i32 to vector<16xi32>
      %add3A_951 = arith.addi %mul3A_92, %add3A_950 : vector<16xi32>
      %gather3A_952 = tpu.vector_load_idx %arg14[%add3A_82, %add3A_951] : memref<256x128xf32, #tpu.memory_space<vmem>>[vector<16xi32>, vector<16xi32>], vector<16xf32>,
      %add3A_953 = arith.constant 56 : i32
      %add3A_954 = vector.broadcast %add3A_953 : i32 to vector<16xi32>
      %add3A_955 = arith.addi %mul3A_100, %add3A_954 : vector<16xi32>
      %gather3A_956 = tpu.vector_load_idx %arg15[%add3A_82, %add3A_955] : memref<256x128xf32, #tpu.memory_space<vmem>>[vector<16xi32>, vector<16xi32>], vector<16xf32>,
      %add3A_957 = arith.constant 56 : i32
      %add3A_958 = vector.broadcast %add3A_957 : i32 to vector<16xi32>
      %add3A_959 = arith.addi %mul3A_108, %add3A_958 : vector<16xi32>
      %gather3A_960 = tpu.vector_load_idx %arg16[%add3A_82, %add3A_959] : memref<256x128xf32, #tpu.memory_space<vmem>>[vector<16xi32>, vector<16xi32>], vector<16xf32>,
      %mul3A_961 = arith.mulf %gather3A_952, %gather3A_960 : vector<16xf32>
      %mul3A_962 = arith.mulf %mul3A_961, %gather3A_956 : vector<16xf32>
      %add3A_963 = arith.addf %add3A_948, %mul3A_962 : vector<16xf32>
      %add3A_964 = arith.constant 57 : i32
      %add3A_965 = vector.broadcast %add3A_964 : i32 to vector<16xi32>
      %add3A_966 = arith.addi %mul3A_92, %add3A_965 : vector<16xi32>
      %gather3A_967 = tpu.vector_load_idx %arg14[%add3A_82, %add3A_966] : memref<256x128xf32, #tpu.memory_space<vmem>>[vector<16xi32>, vector<16xi32>], vector<16xf32>,
      %add3A_968 = arith.constant 57 : i32
      %add3A_969 = vector.broadcast %add3A_968 : i32 to vector<16xi32>
      %add3A_970 = arith.addi %mul3A_100, %add3A_969 : vector<16xi32>
      %gather3A_971 = tpu.vector_load_idx %arg15[%add3A_82, %add3A_970] : memref<256x128xf32, #tpu.memory_space<vmem>>[vector<16xi32>, vector<16xi32>], vector<16xf32>,
      %add3A_972 = arith.constant 57 : i32
      %add3A_973 = vector.broadcast %add3A_972 : i32 to vector<16xi32>
      %add3A_974 = arith.addi %mul3A_108, %add3A_973 : vector<16xi32>
      %gather3A_975 = tpu.vector_load_idx %arg16[%add3A_82, %add3A_974] : memref<256x128xf32, #tpu.memory_space<vmem>>[vector<16xi32>, vector<16xi32>], vector<16xf32>,
      %mul3A_976 = arith.mulf %gather3A_967, %gather3A_975 : vector<16xf32>
      %mul3A_977 = arith.mulf %mul3A_976, %gather3A_971 : vector<16xf32>
      %add3A_978 = arith.addf %add3A_963, %mul3A_977 : vector<16xf32>
      %add3A_979 = arith.constant 58 : i32
      %add3A_980 = vector.broadcast %add3A_979 : i32 to vector<16xi32>
      %add3A_981 = arith.addi %mul3A_92, %add3A_980 : vector<16xi32>
      %gather3A_982 = tpu.vector_load_idx %arg14[%add3A_82, %add3A_981] : memref<256x128xf32, #tpu.memory_space<vmem>>[vector<16xi32>, vector<16xi32>], vector<16xf32>,
      %add3A_983 = arith.constant 58 : i32
      %add3A_984 = vector.broadcast %add3A_983 : i32 to vector<16xi32>
      %add3A_985 = arith.addi %mul3A_100, %add3A_984 : vector<16xi32>
      %gather3A_986 = tpu.vector_load_idx %arg15[%add3A_82, %add3A_985] : memref<256x128xf32, #tpu.memory_space<vmem>>[vector<16xi32>, vector<16xi32>], vector<16xf32>,
      %add3A_987 = arith.constant 58 : i32
      %add3A_988 = vector.broadcast %add3A_987 : i32 to vector<16xi32>
      %add3A_989 = arith.addi %mul3A_108, %add3A_988 : vector<16xi32>
      %gather3A_990 = tpu.vector_load_idx %arg16[%add3A_82, %add3A_989] : memref<256x128xf32, #tpu.memory_space<vmem>>[vector<16xi32>, vector<16xi32>], vector<16xf32>,
      %mul3A_991 = arith.mulf %gather3A_982, %gather3A_990 : vector<16xf32>
      %mul3A_992 = arith.mulf %mul3A_991, %gather3A_986 : vector<16xf32>
      %add3A_993 = arith.addf %add3A_978, %mul3A_992 : vector<16xf32>
      %add3A_994 = arith.constant 59 : i32
      %add3A_995 = vector.broadcast %add3A_994 : i32 to vector<16xi32>
      %add3A_996 = arith.addi %mul3A_92, %add3A_995 : vector<16xi32>
      %gather3A_997 = tpu.vector_load_idx %arg14[%add3A_82, %add3A_996] : memref<256x128xf32, #tpu.memory_space<vmem>>[vector<16xi32>, vector<16xi32>], vector<16xf32>,
      %add3A_998 = arith.constant 59 : i32
      %add3A_999 = vector.broadcast %add3A_998 : i32 to vector<16xi32>
      %add3A_1000 = arith.addi %mul3A_100, %add3A_999 : vector<16xi32>
      %gather3A_1001 = tpu.vector_load_idx %arg15[%add3A_82, %add3A_1000] : memref<256x128xf32, #tpu.memory_space<vmem>>[vector<16xi32>, vector<16xi32>], vector<16xf32>,
      %add3A_1002 = arith.constant 59 : i32
      %add3A_1003 = vector.broadcast %add3A_1002 : i32 to vector<16xi32>
      %add3A_1004 = arith.addi %mul3A_108, %add3A_1003 : vector<16xi32>
      %gather3A_1005 = tpu.vector_load_idx %arg16[%add3A_82, %add3A_1004] : memref<256x128xf32, #tpu.memory_space<vmem>>[vector<16xi32>, vector<16xi32>], vector<16xf32>,
      %mul3A_1006 = arith.mulf %gather3A_997, %gather3A_1005 : vector<16xf32>
      %mul3A_1007 = arith.mulf %mul3A_1006, %gather3A_1001 : vector<16xf32>
      %add3A_1008 = arith.addf %add3A_993, %mul3A_1007 : vector<16xf32>
      %add3A_1009 = arith.constant 60 : i32
      %add3A_1010 = vector.broadcast %add3A_1009 : i32 to vector<16xi32>
      %add3A_1011 = arith.addi %mul3A_92, %add3A_1010 : vector<16xi32>
      %gather3A_1012 = tpu.vector_load_idx %arg14[%add3A_82, %add3A_1011] : memref<256x128xf32, #tpu.memory_space<vmem>>[vector<16xi32>, vector<16xi32>], vector<16xf32>,
      %add3A_1013 = arith.constant 60 : i32
      %add3A_1014 = vector.broadcast %add3A_1013 : i32 to vector<16xi32>
      %add3A_1015 = arith.addi %mul3A_100, %add3A_1014 : vector<16xi32>
      %gather3A_1016 = tpu.vector_load_idx %arg15[%add3A_82, %add3A_1015] : memref<256x128xf32, #tpu.memory_space<vmem>>[vector<16xi32>, vector<16xi32>], vector<16xf32>,
      %add3A_1017 = arith.constant 60 : i32
      %add3A_1018 = vector.broadcast %add3A_1017 : i32 to vector<16xi32>
      %add3A_1019 = arith.addi %mul3A_108, %add3A_1018 : vector<16xi32>
      %gather3A_1020 = tpu.vector_load_idx %arg16[%add3A_82, %add3A_1019] : memref<256x128xf32, #tpu.memory_space<vmem>>[vector<16xi32>, vector<16xi32>], vector<16xf32>,
      %mul3A_1021 = arith.mulf %gather3A_1012, %gather3A_1020 : vector<16xf32>
      %mul3A_1022 = arith.mulf %mul3A_1021, %gather3A_1016 : vector<16xf32>
      %add3A_1023 = arith.addf %add3A_1008, %mul3A_1022 : vector<16xf32>
      %add3A_1024 = arith.constant 61 : i32
      %add3A_1025 = vector.broadcast %add3A_1024 : i32 to vector<16xi32>
      %add3A_1026 = arith.addi %mul3A_92, %add3A_1025 : vector<16xi32>
      %gather3A_1027 = tpu.vector_load_idx %arg14[%add3A_82, %add3A_1026] : memref<256x128xf32, #tpu.memory_space<vmem>>[vector<16xi32>, vector<16xi32>], vector<16xf32>,
      %add3A_1028 = arith.constant 61 : i32
      %add3A_1029 = vector.broadcast %add3A_1028 : i32 to vector<16xi32>
      %add3A_1030 = arith.addi %mul3A_100, %add3A_1029 : vector<16xi32>
      %gather3A_1031 = tpu.vector_load_idx %arg15[%add3A_82, %add3A_1030] : memref<256x128xf32, #tpu.memory_space<vmem>>[vector<16xi32>, vector<16xi32>], vector<16xf32>,
      %add3A_1032 = arith.constant 61 : i32
      %add3A_1033 = vector.broadcast %add3A_1032 : i32 to vector<16xi32>
      %add3A_1034 = arith.addi %mul3A_108, %add3A_1033 : vector<16xi32>
      %gather3A_1035 = tpu.vector_load_idx %arg16[%add3A_82, %add3A_1034] : memref<256x128xf32, #tpu.memory_space<vmem>>[vector<16xi32>, vector<16xi32>], vector<16xf32>,
      %mul3A_1036 = arith.mulf %gather3A_1027, %gather3A_1035 : vector<16xf32>
      %mul3A_1037 = arith.mulf %mul3A_1036, %gather3A_1031 : vector<16xf32>
      %add3A_1038 = arith.addf %add3A_1023, %mul3A_1037 : vector<16xf32>
      %add3A_1039 = arith.constant 62 : i32
      %add3A_1040 = vector.broadcast %add3A_1039 : i32 to vector<16xi32>
      %add3A_1041 = arith.addi %mul3A_92, %add3A_1040 : vector<16xi32>
      %gather3A_1042 = tpu.vector_load_idx %arg14[%add3A_82, %add3A_1041] : memref<256x128xf32, #tpu.memory_space<vmem>>[vector<16xi32>, vector<16xi32>], vector<16xf32>,
      %add3A_1043 = arith.constant 62 : i32
      %add3A_1044 = vector.broadcast %add3A_1043 : i32 to vector<16xi32>
      %add3A_1045 = arith.addi %mul3A_100, %add3A_1044 : vector<16xi32>
      %gather3A_1046 = tpu.vector_load_idx %arg15[%add3A_82, %add3A_1045] : memref<256x128xf32, #tpu.memory_space<vmem>>[vector<16xi32>, vector<16xi32>], vector<16xf32>,
      %add3A_1047 = arith.constant 62 : i32
      %add3A_1048 = vector.broadcast %add3A_1047 : i32 to vector<16xi32>
      %add3A_1049 = arith.addi %mul3A_108, %add3A_1048 : vector<16xi32>
      %gather3A_1050 = tpu.vector_load_idx %arg16[%add3A_82, %add3A_1049] : memref<256x128xf32, #tpu.memory_space<vmem>>[vector<16xi32>, vector<16xi32>], vector<16xf32>,
      %mul3A_1051 = arith.mulf %gather3A_1042, %gather3A_1050 : vector<16xf32>
      %mul3A_1052 = arith.mulf %mul3A_1051, %gather3A_1046 : vector<16xf32>
      %add3A_1053 = arith.addf %add3A_1038, %mul3A_1052 : vector<16xf32>
      %add3A_1054 = arith.constant 63 : i32
      %add3A_1055 = vector.broadcast %add3A_1054 : i32 to vector<16xi32>
      %add3A_1056 = arith.addi %mul3A_92, %add3A_1055 : vector<16xi32>
      %gather3A_1057 = tpu.vector_load_idx %arg14[%add3A_82, %add3A_1056] : memref<256x128xf32, #tpu.memory_space<vmem>>[vector<16xi32>, vector<16xi32>], vector<16xf32>,
      %add3A_1058 = arith.constant 63 : i32
      %add3A_1059 = vector.broadcast %add3A_1058 : i32 to vector<16xi32>
      %add3A_1060 = arith.addi %mul3A_100, %add3A_1059 : vector<16xi32>
      %gather3A_1061 = tpu.vector_load_idx %arg15[%add3A_82, %add3A_1060] : memref<256x128xf32, #tpu.memory_space<vmem>>[vector<16xi32>, vector<16xi32>], vector<16xf32>,
      %add3A_1062 = arith.constant 63 : i32
      %add3A_1063 = vector.broadcast %add3A_1062 : i32 to vector<16xi32>
      %add3A_1064 = arith.addi %mul3A_108, %add3A_1063 : vector<16xi32>
      %gather3A_1065 = tpu.vector_load_idx %arg16[%add3A_82, %add3A_1064] : memref<256x128xf32, #tpu.memory_space<vmem>>[vector<16xi32>, vector<16xi32>], vector<16xf32>,
      %mul3A_1066 = arith.mulf %gather3A_1057, %gather3A_1065 : vector<16xf32>
      %mul3A_1067 = arith.mulf %mul3A_1066, %gather3A_1061 : vector<16xf32>
      %add3A_1068 = arith.addf %add3A_1053, %mul3A_1067 : vector<16xf32>
      %swap3A = arith.index_cast %add3A_86 : i32 to index
      %swap3A_1069 = tpu.vector_load %arg17[%swap3A] {strides = array<i32>} : memref<512xf32, #tpu.memory_space<vmem>>, vector<16xf32>,
      tpu.vector_store %arg17[%swap3A], %add3A_1068 {strides = array<i32>} : memref<512xf32, #tpu.memory_space<vmem>>, vector<16xf32>,
    }
    %scan3A_41 = arith.constant 16 : i32
    %dma_start3A_42 = arith.constant 256 : i32
    %dma_start3A_43 = tpu.memref_slice %arg11[%dma_start3A_42] : memref<512xi32, #tpu.memory_space<vmem>> -> memref<256xi32, #tpu.memory_space<vmem>>
    %dma_start3A_44 = arith.constant 0 : i32
    %dma_start3A_45 = arith.constant 0 : i32
    %dma_start3A_46 = tpu.memref_slice %arg5[%dma_start3A_44, %dma_start3A_45] : memref<524288x128xf32, #tpu.memory_space<hbm>> -> memref<524288x128xf32, #tpu.memory_space<hbm>>
    tpu.enqueue_indirect_dma source(%dma_start3A_46 : memref<524288x128xf32, #tpu.memory_space<hbm>>) target(%arg14 : memref<256x128xf32, #tpu.memory_space<vmem>>) offsets(%dma_start3A_43 : memref<256xi32, #tpu.memory_space<vmem>>) semaphore(%arg18 : memref<!tpu.dma_semaphore, #tpu.memory_space<semaphore_mem>>)
    %dma_start3A_47 = arith.constant 256 : i32
    %dma_start3A_48 = tpu.memref_slice %arg12[%dma_start3A_47] : memref<512xi32, #tpu.memory_space<vmem>> -> memref<256xi32, #tpu.memory_space<vmem>>
    %dma_start3A_49 = arith.constant 0 : i32
    %dma_start3A_50 = arith.constant 0 : i32
    %dma_start3A_51 = tpu.memref_slice %arg5[%dma_start3A_49, %dma_start3A_50] : memref<524288x128xf32, #tpu.memory_space<hbm>> -> memref<524288x128xf32, #tpu.memory_space<hbm>>
    tpu.enqueue_indirect_dma source(%dma_start3A_51 : memref<524288x128xf32, #tpu.memory_space<hbm>>) target(%arg15 : memref<256x128xf32, #tpu.memory_space<vmem>>) offsets(%dma_start3A_48 : memref<256xi32, #tpu.memory_space<vmem>>) semaphore(%arg19 : memref<!tpu.dma_semaphore, #tpu.memory_space<semaphore_mem>>)
    %dma_start3A_52 = arith.constant 256 : i32
    %dma_start3A_53 = tpu.memref_slice %arg13[%dma_start3A_52] : memref<512xi32, #tpu.memory_space<vmem>> -> memref<256xi32, #tpu.memory_space<vmem>>
    %dma_start3A_54 = arith.constant 0 : i32
    %dma_start3A_55 = arith.constant 0 : i32
    %dma_start3A_56 = tpu.memref_slice %arg6[%dma_start3A_54, %dma_start3A_55] : memref<524288x128xf32, #tpu.memory_space<hbm>> -> memref<524288x128xf32, #tpu.memory_space<hbm>>
    tpu.enqueue_indirect_dma source(%dma_start3A_56 : memref<524288x128xf32, #tpu.memory_space<hbm>>) target(%arg16 : memref<256x128xf32, #tpu.memory_space<vmem>>) offsets(%dma_start3A_53 : memref<256xi32, #tpu.memory_space<vmem>>) semaphore(%arg20 : memref<!tpu.dma_semaphore, #tpu.memory_space<semaphore_mem>>)
    %dma_wait3A_57 = arith.constant 256 : i32
    %dma_wait3A_58 = tpu.memref_slice %arg11[%dma_wait3A_57] : memref<512xi32, #tpu.memory_space<vmem>> -> memref<256xi32, #tpu.memory_space<vmem>>
    %dma_wait3A_59 = arith.constant 0 : i32
    %dma_wait3A_60 = arith.constant 0 : i32
    %dma_wait3A_61 = tpu.memref_slice %arg5[%dma_wait3A_59, %dma_wait3A_60] : memref<524288x128xf32, #tpu.memory_space<hbm>> -> memref<524288x128xf32, #tpu.memory_space<hbm>>
    tpu.wait_indirect_dma semaphore(%arg18 : memref<!tpu.dma_semaphore, #tpu.memory_space<semaphore_mem>>) src(%dma_wait3A_61 : memref<524288x128xf32, #tpu.memory_space<hbm>>) dst(%arg14 : memref<256x128xf32, #tpu.memory_space<vmem>>)
    %dma_wait3A_62 = arith.constant 256 : i32
    %dma_wait3A_63 = tpu.memref_slice %arg12[%dma_wait3A_62] : memref<512xi32, #tpu.memory_space<vmem>> -> memref<256xi32, #tpu.memory_space<vmem>>
    %dma_wait3A_64 = arith.constant 0 : i32
    %dma_wait3A_65 = arith.constant 0 : i32
    %dma_wait3A_66 = tpu.memref_slice %arg5[%dma_wait3A_64, %dma_wait3A_65] : memref<524288x128xf32, #tpu.memory_space<hbm>> -> memref<524288x128xf32, #tpu.memory_space<hbm>>
    tpu.wait_indirect_dma semaphore(%arg19 : memref<!tpu.dma_semaphore, #tpu.memory_space<semaphore_mem>>) src(%dma_wait3A_66 : memref<524288x128xf32, #tpu.memory_space<hbm>>) dst(%arg15 : memref<256x128xf32, #tpu.memory_space<vmem>>)
    %dma_wait3A_67 = arith.constant 256 : i32
    %dma_wait3A_68 = tpu.memref_slice %arg13[%dma_wait3A_67] : memref<512xi32, #tpu.memory_space<vmem>> -> memref<256xi32, #tpu.memory_space<vmem>>
    %dma_wait3A_69 = arith.constant 0 : i32
    %dma_wait3A_70 = arith.constant 0 : i32
    %dma_wait3A_71 = tpu.memref_slice %arg6[%dma_wait3A_69, %dma_wait3A_70] : memref<524288x128xf32, #tpu.memory_space<hbm>> -> memref<524288x128xf32, #tpu.memory_space<hbm>>
    tpu.wait_indirect_dma semaphore(%arg20 : memref<!tpu.dma_semaphore, #tpu.memory_space<semaphore_mem>>) src(%dma_wait3A_71 : memref<524288x128xf32, #tpu.memory_space<hbm>>) dst(%arg16 : memref<256x128xf32, #tpu.memory_space<vmem>>)
    %scan3A_72 = arith.constant 0 : i32
    %scan3A_73 = arith.constant 0 : i32
    %scan3A_74 = arith.constant 16 : i32
    %scan3A_75 = arith.addi %scan3A_73, %scan3A_74 : i32
    %scan3A_76 = arith.constant 1 : i32
    scf.for %scan3A_78 = %scan3A_73 to %scan3A_75 step %scan3A_76  : i32 {
      %mul3A_79 = arith.constant 16 : i32
      %mul3A_80 = arith.muli %scan3A_78, %mul3A_79 : i32
      %add3A_81 = vector.broadcast %mul3A_80 : i32 to vector<16xi32>
      %add3A_82 = arith.addi %add3A_81, %iota3A : vector<16xi32>
      %mul3A_83 = arith.constant 16 : i32
      %mul3A_84 = arith.muli %scan3A_78, %mul3A_83 : i32
      %add3A_85 = arith.constant 256 : i32
      %add3A_86 = arith.addi %add3A_85, %mul3A_84 : i32
      %get3A = arith.index_cast %add3A_86 : i32 to index
      %get3A_87 = tpu.vector_load %arg8[%get3A] {strides = array<i32>} : memref<512xi32, #tpu.memory_space<vmem>>, vector<16xi32>,
      %shift_right_logical3A = arith.constant 19 : i32
      %shift_right_logical3A_88 = vector.broadcast %shift_right_logical3A : i32 to vector<16xi32>
      %shift_right_logical3A_89 = arith.shrui %get3A_87, %shift_right_logical3A_88 : vector<16xi32>
      %mul3A_90 = arith.constant 64 : i32
      %mul3A_91 = vector.broadcast %mul3A_90 : i32 to vector<16xi32>
      %mul3A_92 = arith.muli %shift_right_logical3A_89, %mul3A_91 : vector<16xi32>
      %get3A_93 = arith.index_cast %add3A_86 : i32 to index
      %get3A_94 = tpu.vector_load %arg9[%get3A_93] {strides = array<i32>} : memref<512xi32, #tpu.memory_space<vmem>>, vector<16xi32>,
      %shift_right_logical3A_95 = arith.constant 19 : i32
      %shift_right_logical3A_96 = vector.broadcast %shift_right_logical3A_95 : i32 to vector<16xi32>
      %shift_right_logical3A_97 = arith.shrui %get3A_94, %shift_right_logical3A_96 : vector<16xi32>
      %mul3A_98 = arith.constant 64 : i32
      %mul3A_99 = vector.broadcast %mul3A_98 : i32 to vector<16xi32>
      %mul3A_100 = arith.muli %shift_right_logical3A_97, %mul3A_99 : vector<16xi32>
      %get3A_101 = arith.index_cast %add3A_86 : i32 to index
      %get3A_102 = tpu.vector_load %arg10[%get3A_101] {strides = array<i32>} : memref<512xi32, #tpu.memory_space<vmem>>, vector<16xi32>,
      %shift_right_logical3A_103 = arith.constant 19 : i32
      %shift_right_logical3A_104 = vector.broadcast %shift_right_logical3A_103 : i32 to vector<16xi32>
      %shift_right_logical3A_105 = arith.shrui %get3A_102, %shift_right_logical3A_104 : vector<16xi32>
      %mul3A_106 = arith.constant 64 : i32
      %mul3A_107 = vector.broadcast %mul3A_106 : i32 to vector<16xi32>
      %mul3A_108 = arith.muli %shift_right_logical3A_105, %mul3A_107 : vector<16xi32>
      %broadcast_in_dim3A = arith.constant 0.000000e+00 : f32
      %broadcast_in_dim3A_109 = vector.broadcast %broadcast_in_dim3A : f32 to vector<16xf32>
      %add3A_110 = arith.constant 0 : i32
      %add3A_111 = vector.broadcast %add3A_110 : i32 to vector<16xi32>
      %add3A_112 = arith.addi %mul3A_92, %add3A_111 : vector<16xi32>
      %gather3A = tpu.vector_load_idx %arg14[%add3A_82, %add3A_112] : memref<256x128xf32, #tpu.memory_space<vmem>>[vector<16xi32>, vector<16xi32>], vector<16xf32>,
      %add3A_113 = arith.constant 0 : i32
      %add3A_114 = vector.broadcast %add3A_113 : i32 to vector<16xi32>
      %add3A_115 = arith.addi %mul3A_100, %add3A_114 : vector<16xi32>
      %gather3A_116 = tpu.vector_load_idx %arg15[%add3A_82, %add3A_115] : memref<256x128xf32, #tpu.memory_space<vmem>>[vector<16xi32>, vector<16xi32>], vector<16xf32>,
      %add3A_117 = arith.constant 0 : i32
      %add3A_118 = vector.broadcast %add3A_117 : i32 to vector<16xi32>
      %add3A_119 = arith.addi %mul3A_108, %add3A_118 : vector<16xi32>
      %gather3A_120 = tpu.vector_load_idx %arg16[%add3A_82, %add3A_119] : memref<256x128xf32, #tpu.memory_space<vmem>>[vector<16xi32>, vector<16xi32>], vector<16xf32>,
      %mul3A_121 = arith.mulf %gather3A, %gather3A_120 : vector<16xf32>
      %mul3A_122 = arith.mulf %mul3A_121, %gather3A_116 : vector<16xf32>
      %add3A_123 = arith.addf %broadcast_in_dim3A_109, %mul3A_122 : vector<16xf32>
      %add3A_124 = arith.constant 1 : i32
      %add3A_125 = vector.broadcast %add3A_124 : i32 to vector<16xi32>
      %add3A_126 = arith.addi %mul3A_92, %add3A_125 : vector<16xi32>
      %gather3A_127 = tpu.vector_load_idx %arg14[%add3A_82, %add3A_126] : memref<256x128xf32, #tpu.memory_space<vmem>>[vector<16xi32>, vector<16xi32>], vector<16xf32>,
      %add3A_128 = arith.constant 1 : i32
      %add3A_129 = vector.broadcast %add3A_128 : i32 to vector<16xi32>
      %add3A_130 = arith.addi %mul3A_100, %add3A_129 : vector<16xi32>
      %gather3A_131 = tpu.vector_load_idx %arg15[%add3A_82, %add3A_130] : memref<256x128xf32, #tpu.memory_space<vmem>>[vector<16xi32>, vector<16xi32>], vector<16xf32>,
      %add3A_132 = arith.constant 1 : i32
      %add3A_133 = vector.broadcast %add3A_132 : i32 to vector<16xi32>
      %add3A_134 = arith.addi %mul3A_108, %add3A_133 : vector<16xi32>
      %gather3A_135 = tpu.vector_load_idx %arg16[%add3A_82, %add3A_134] : memref<256x128xf32, #tpu.memory_space<vmem>>[vector<16xi32>, vector<16xi32>], vector<16xf32>,
      %mul3A_136 = arith.mulf %gather3A_127, %gather3A_135 : vector<16xf32>
      %mul3A_137 = arith.mulf %mul3A_136, %gather3A_131 : vector<16xf32>
      %add3A_138 = arith.addf %add3A_123, %mul3A_137 : vector<16xf32>
      %add3A_139 = arith.constant 2 : i32
      %add3A_140 = vector.broadcast %add3A_139 : i32 to vector<16xi32>
      %add3A_141 = arith.addi %mul3A_92, %add3A_140 : vector<16xi32>
      %gather3A_142 = tpu.vector_load_idx %arg14[%add3A_82, %add3A_141] : memref<256x128xf32, #tpu.memory_space<vmem>>[vector<16xi32>, vector<16xi32>], vector<16xf32>,
      %add3A_143 = arith.constant 2 : i32
      %add3A_144 = vector.broadcast %add3A_143 : i32 to vector<16xi32>
      %add3A_145 = arith.addi %mul3A_100, %add3A_144 : vector<16xi32>
      %gather3A_146 = tpu.vector_load_idx %arg15[%add3A_82, %add3A_145] : memref<256x128xf32, #tpu.memory_space<vmem>>[vector<16xi32>, vector<16xi32>], vector<16xf32>,
      %add3A_147 = arith.constant 2 : i32
      %add3A_148 = vector.broadcast %add3A_147 : i32 to vector<16xi32>
      %add3A_149 = arith.addi %mul3A_108, %add3A_148 : vector<16xi32>
      %gather3A_150 = tpu.vector_load_idx %arg16[%add3A_82, %add3A_149] : memref<256x128xf32, #tpu.memory_space<vmem>>[vector<16xi32>, vector<16xi32>], vector<16xf32>,
      %mul3A_151 = arith.mulf %gather3A_142, %gather3A_150 : vector<16xf32>
      %mul3A_152 = arith.mulf %mul3A_151, %gather3A_146 : vector<16xf32>
      %add3A_153 = arith.addf %add3A_138, %mul3A_152 : vector<16xf32>
      %add3A_154 = arith.constant 3 : i32
      %add3A_155 = vector.broadcast %add3A_154 : i32 to vector<16xi32>
      %add3A_156 = arith.addi %mul3A_92, %add3A_155 : vector<16xi32>
      %gather3A_157 = tpu.vector_load_idx %arg14[%add3A_82, %add3A_156] : memref<256x128xf32, #tpu.memory_space<vmem>>[vector<16xi32>, vector<16xi32>], vector<16xf32>,
      %add3A_158 = arith.constant 3 : i32
      %add3A_159 = vector.broadcast %add3A_158 : i32 to vector<16xi32>
      %add3A_160 = arith.addi %mul3A_100, %add3A_159 : vector<16xi32>
      %gather3A_161 = tpu.vector_load_idx %arg15[%add3A_82, %add3A_160] : memref<256x128xf32, #tpu.memory_space<vmem>>[vector<16xi32>, vector<16xi32>], vector<16xf32>,
      %add3A_162 = arith.constant 3 : i32
      %add3A_163 = vector.broadcast %add3A_162 : i32 to vector<16xi32>
      %add3A_164 = arith.addi %mul3A_108, %add3A_163 : vector<16xi32>
      %gather3A_165 = tpu.vector_load_idx %arg16[%add3A_82, %add3A_164] : memref<256x128xf32, #tpu.memory_space<vmem>>[vector<16xi32>, vector<16xi32>], vector<16xf32>,
      %mul3A_166 = arith.mulf %gather3A_157, %gather3A_165 : vector<16xf32>
      %mul3A_167 = arith.mulf %mul3A_166, %gather3A_161 : vector<16xf32>
      %add3A_168 = arith.addf %add3A_153, %mul3A_167 : vector<16xf32>
      %add3A_169 = arith.constant 4 : i32
      %add3A_170 = vector.broadcast %add3A_169 : i32 to vector<16xi32>
      %add3A_171 = arith.addi %mul3A_92, %add3A_170 : vector<16xi32>
      %gather3A_172 = tpu.vector_load_idx %arg14[%add3A_82, %add3A_171] : memref<256x128xf32, #tpu.memory_space<vmem>>[vector<16xi32>, vector<16xi32>], vector<16xf32>,
      %add3A_173 = arith.constant 4 : i32
      %add3A_174 = vector.broadcast %add3A_173 : i32 to vector<16xi32>
      %add3A_175 = arith.addi %mul3A_100, %add3A_174 : vector<16xi32>
      %gather3A_176 = tpu.vector_load_idx %arg15[%add3A_82, %add3A_175] : memref<256x128xf32, #tpu.memory_space<vmem>>[vector<16xi32>, vector<16xi32>], vector<16xf32>,
      %add3A_177 = arith.constant 4 : i32
      %add3A_178 = vector.broadcast %add3A_177 : i32 to vector<16xi32>
      %add3A_179 = arith.addi %mul3A_108, %add3A_178 : vector<16xi32>
      %gather3A_180 = tpu.vector_load_idx %arg16[%add3A_82, %add3A_179] : memref<256x128xf32, #tpu.memory_space<vmem>>[vector<16xi32>, vector<16xi32>], vector<16xf32>,
      %mul3A_181 = arith.mulf %gather3A_172, %gather3A_180 : vector<16xf32>
      %mul3A_182 = arith.mulf %mul3A_181, %gather3A_176 : vector<16xf32>
      %add3A_183 = arith.addf %add3A_168, %mul3A_182 : vector<16xf32>
      %add3A_184 = arith.constant 5 : i32
      %add3A_185 = vector.broadcast %add3A_184 : i32 to vector<16xi32>
      %add3A_186 = arith.addi %mul3A_92, %add3A_185 : vector<16xi32>
      %gather3A_187 = tpu.vector_load_idx %arg14[%add3A_82, %add3A_186] : memref<256x128xf32, #tpu.memory_space<vmem>>[vector<16xi32>, vector<16xi32>], vector<16xf32>,
      %add3A_188 = arith.constant 5 : i32
      %add3A_189 = vector.broadcast %add3A_188 : i32 to vector<16xi32>
      %add3A_190 = arith.addi %mul3A_100, %add3A_189 : vector<16xi32>
      %gather3A_191 = tpu.vector_load_idx %arg15[%add3A_82, %add3A_190] : memref<256x128xf32, #tpu.memory_space<vmem>>[vector<16xi32>, vector<16xi32>], vector<16xf32>,
      %add3A_192 = arith.constant 5 : i32
      %add3A_193 = vector.broadcast %add3A_192 : i32 to vector<16xi32>
      %add3A_194 = arith.addi %mul3A_108, %add3A_193 : vector<16xi32>
      %gather3A_195 = tpu.vector_load_idx %arg16[%add3A_82, %add3A_194] : memref<256x128xf32, #tpu.memory_space<vmem>>[vector<16xi32>, vector<16xi32>], vector<16xf32>,
      %mul3A_196 = arith.mulf %gather3A_187, %gather3A_195 : vector<16xf32>
      %mul3A_197 = arith.mulf %mul3A_196, %gather3A_191 : vector<16xf32>
      %add3A_198 = arith.addf %add3A_183, %mul3A_197 : vector<16xf32>
      %add3A_199 = arith.constant 6 : i32
      %add3A_200 = vector.broadcast %add3A_199 : i32 to vector<16xi32>
      %add3A_201 = arith.addi %mul3A_92, %add3A_200 : vector<16xi32>
      %gather3A_202 = tpu.vector_load_idx %arg14[%add3A_82, %add3A_201] : memref<256x128xf32, #tpu.memory_space<vmem>>[vector<16xi32>, vector<16xi32>], vector<16xf32>,
      %add3A_203 = arith.constant 6 : i32
      %add3A_204 = vector.broadcast %add3A_203 : i32 to vector<16xi32>
      %add3A_205 = arith.addi %mul3A_100, %add3A_204 : vector<16xi32>
      %gather3A_206 = tpu.vector_load_idx %arg15[%add3A_82, %add3A_205] : memref<256x128xf32, #tpu.memory_space<vmem>>[vector<16xi32>, vector<16xi32>], vector<16xf32>,
      %add3A_207 = arith.constant 6 : i32
      %add3A_208 = vector.broadcast %add3A_207 : i32 to vector<16xi32>
      %add3A_209 = arith.addi %mul3A_108, %add3A_208 : vector<16xi32>
      %gather3A_210 = tpu.vector_load_idx %arg16[%add3A_82, %add3A_209] : memref<256x128xf32, #tpu.memory_space<vmem>>[vector<16xi32>, vector<16xi32>], vector<16xf32>,
      %mul3A_211 = arith.mulf %gather3A_202, %gather3A_210 : vector<16xf32>
      %mul3A_212 = arith.mulf %mul3A_211, %gather3A_206 : vector<16xf32>
      %add3A_213 = arith.addf %add3A_198, %mul3A_212 : vector<16xf32>
      %add3A_214 = arith.constant 7 : i32
      %add3A_215 = vector.broadcast %add3A_214 : i32 to vector<16xi32>
      %add3A_216 = arith.addi %mul3A_92, %add3A_215 : vector<16xi32>
      %gather3A_217 = tpu.vector_load_idx %arg14[%add3A_82, %add3A_216] : memref<256x128xf32, #tpu.memory_space<vmem>>[vector<16xi32>, vector<16xi32>], vector<16xf32>,
      %add3A_218 = arith.constant 7 : i32
      %add3A_219 = vector.broadcast %add3A_218 : i32 to vector<16xi32>
      %add3A_220 = arith.addi %mul3A_100, %add3A_219 : vector<16xi32>
      %gather3A_221 = tpu.vector_load_idx %arg15[%add3A_82, %add3A_220] : memref<256x128xf32, #tpu.memory_space<vmem>>[vector<16xi32>, vector<16xi32>], vector<16xf32>,
      %add3A_222 = arith.constant 7 : i32
      %add3A_223 = vector.broadcast %add3A_222 : i32 to vector<16xi32>
      %add3A_224 = arith.addi %mul3A_108, %add3A_223 : vector<16xi32>
      %gather3A_225 = tpu.vector_load_idx %arg16[%add3A_82, %add3A_224] : memref<256x128xf32, #tpu.memory_space<vmem>>[vector<16xi32>, vector<16xi32>], vector<16xf32>,
      %mul3A_226 = arith.mulf %gather3A_217, %gather3A_225 : vector<16xf32>
      %mul3A_227 = arith.mulf %mul3A_226, %gather3A_221 : vector<16xf32>
      %add3A_228 = arith.addf %add3A_213, %mul3A_227 : vector<16xf32>
      %add3A_229 = arith.constant 8 : i32
      %add3A_230 = vector.broadcast %add3A_229 : i32 to vector<16xi32>
      %add3A_231 = arith.addi %mul3A_92, %add3A_230 : vector<16xi32>
      %gather3A_232 = tpu.vector_load_idx %arg14[%add3A_82, %add3A_231] : memref<256x128xf32, #tpu.memory_space<vmem>>[vector<16xi32>, vector<16xi32>], vector<16xf32>,
      %add3A_233 = arith.constant 8 : i32
      %add3A_234 = vector.broadcast %add3A_233 : i32 to vector<16xi32>
      %add3A_235 = arith.addi %mul3A_100, %add3A_234 : vector<16xi32>
      %gather3A_236 = tpu.vector_load_idx %arg15[%add3A_82, %add3A_235] : memref<256x128xf32, #tpu.memory_space<vmem>>[vector<16xi32>, vector<16xi32>], vector<16xf32>,
      %add3A_237 = arith.constant 8 : i32
      %add3A_238 = vector.broadcast %add3A_237 : i32 to vector<16xi32>
      %add3A_239 = arith.addi %mul3A_108, %add3A_238 : vector<16xi32>
      %gather3A_240 = tpu.vector_load_idx %arg16[%add3A_82, %add3A_239] : memref<256x128xf32, #tpu.memory_space<vmem>>[vector<16xi32>, vector<16xi32>], vector<16xf32>,
      %mul3A_241 = arith.mulf %gather3A_232, %gather3A_240 : vector<16xf32>
      %mul3A_242 = arith.mulf %mul3A_241, %gather3A_236 : vector<16xf32>
      %add3A_243 = arith.addf %add3A_228, %mul3A_242 : vector<16xf32>
      %add3A_244 = arith.constant 9 : i32
      %add3A_245 = vector.broadcast %add3A_244 : i32 to vector<16xi32>
      %add3A_246 = arith.addi %mul3A_92, %add3A_245 : vector<16xi32>
      %gather3A_247 = tpu.vector_load_idx %arg14[%add3A_82, %add3A_246] : memref<256x128xf32, #tpu.memory_space<vmem>>[vector<16xi32>, vector<16xi32>], vector<16xf32>,
      %add3A_248 = arith.constant 9 : i32
      %add3A_249 = vector.broadcast %add3A_248 : i32 to vector<16xi32>
      %add3A_250 = arith.addi %mul3A_100, %add3A_249 : vector<16xi32>
      %gather3A_251 = tpu.vector_load_idx %arg15[%add3A_82, %add3A_250] : memref<256x128xf32, #tpu.memory_space<vmem>>[vector<16xi32>, vector<16xi32>], vector<16xf32>,
      %add3A_252 = arith.constant 9 : i32
      %add3A_253 = vector.broadcast %add3A_252 : i32 to vector<16xi32>
      %add3A_254 = arith.addi %mul3A_108, %add3A_253 : vector<16xi32>
      %gather3A_255 = tpu.vector_load_idx %arg16[%add3A_82, %add3A_254] : memref<256x128xf32, #tpu.memory_space<vmem>>[vector<16xi32>, vector<16xi32>], vector<16xf32>,
      %mul3A_256 = arith.mulf %gather3A_247, %gather3A_255 : vector<16xf32>
      %mul3A_257 = arith.mulf %mul3A_256, %gather3A_251 : vector<16xf32>
      %add3A_258 = arith.addf %add3A_243, %mul3A_257 : vector<16xf32>
      %add3A_259 = arith.constant 10 : i32
      %add3A_260 = vector.broadcast %add3A_259 : i32 to vector<16xi32>
      %add3A_261 = arith.addi %mul3A_92, %add3A_260 : vector<16xi32>
      %gather3A_262 = tpu.vector_load_idx %arg14[%add3A_82, %add3A_261] : memref<256x128xf32, #tpu.memory_space<vmem>>[vector<16xi32>, vector<16xi32>], vector<16xf32>,
      %add3A_263 = arith.constant 10 : i32
      %add3A_264 = vector.broadcast %add3A_263 : i32 to vector<16xi32>
      %add3A_265 = arith.addi %mul3A_100, %add3A_264 : vector<16xi32>
      %gather3A_266 = tpu.vector_load_idx %arg15[%add3A_82, %add3A_265] : memref<256x128xf32, #tpu.memory_space<vmem>>[vector<16xi32>, vector<16xi32>], vector<16xf32>,
      %add3A_267 = arith.constant 10 : i32
      %add3A_268 = vector.broadcast %add3A_267 : i32 to vector<16xi32>
      %add3A_269 = arith.addi %mul3A_108, %add3A_268 : vector<16xi32>
      %gather3A_270 = tpu.vector_load_idx %arg16[%add3A_82, %add3A_269] : memref<256x128xf32, #tpu.memory_space<vmem>>[vector<16xi32>, vector<16xi32>], vector<16xf32>,
      %mul3A_271 = arith.mulf %gather3A_262, %gather3A_270 : vector<16xf32>
      %mul3A_272 = arith.mulf %mul3A_271, %gather3A_266 : vector<16xf32>
      %add3A_273 = arith.addf %add3A_258, %mul3A_272 : vector<16xf32>
      %add3A_274 = arith.constant 11 : i32
      %add3A_275 = vector.broadcast %add3A_274 : i32 to vector<16xi32>
      %add3A_276 = arith.addi %mul3A_92, %add3A_275 : vector<16xi32>
      %gather3A_277 = tpu.vector_load_idx %arg14[%add3A_82, %add3A_276] : memref<256x128xf32, #tpu.memory_space<vmem>>[vector<16xi32>, vector<16xi32>], vector<16xf32>,
      %add3A_278 = arith.constant 11 : i32
      %add3A_279 = vector.broadcast %add3A_278 : i32 to vector<16xi32>
      %add3A_280 = arith.addi %mul3A_100, %add3A_279 : vector<16xi32>
      %gather3A_281 = tpu.vector_load_idx %arg15[%add3A_82, %add3A_280] : memref<256x128xf32, #tpu.memory_space<vmem>>[vector<16xi32>, vector<16xi32>], vector<16xf32>,
      %add3A_282 = arith.constant 11 : i32
      %add3A_283 = vector.broadcast %add3A_282 : i32 to vector<16xi32>
      %add3A_284 = arith.addi %mul3A_108, %add3A_283 : vector<16xi32>
      %gather3A_285 = tpu.vector_load_idx %arg16[%add3A_82, %add3A_284] : memref<256x128xf32, #tpu.memory_space<vmem>>[vector<16xi32>, vector<16xi32>], vector<16xf32>,
      %mul3A_286 = arith.mulf %gather3A_277, %gather3A_285 : vector<16xf32>
      %mul3A_287 = arith.mulf %mul3A_286, %gather3A_281 : vector<16xf32>
      %add3A_288 = arith.addf %add3A_273, %mul3A_287 : vector<16xf32>
      %add3A_289 = arith.constant 12 : i32
      %add3A_290 = vector.broadcast %add3A_289 : i32 to vector<16xi32>
      %add3A_291 = arith.addi %mul3A_92, %add3A_290 : vector<16xi32>
      %gather3A_292 = tpu.vector_load_idx %arg14[%add3A_82, %add3A_291] : memref<256x128xf32, #tpu.memory_space<vmem>>[vector<16xi32>, vector<16xi32>], vector<16xf32>,
      %add3A_293 = arith.constant 12 : i32
      %add3A_294 = vector.broadcast %add3A_293 : i32 to vector<16xi32>
      %add3A_295 = arith.addi %mul3A_100, %add3A_294 : vector<16xi32>
      %gather3A_296 = tpu.vector_load_idx %arg15[%add3A_82, %add3A_295] : memref<256x128xf32, #tpu.memory_space<vmem>>[vector<16xi32>, vector<16xi32>], vector<16xf32>,
      %add3A_297 = arith.constant 12 : i32
      %add3A_298 = vector.broadcast %add3A_297 : i32 to vector<16xi32>
      %add3A_299 = arith.addi %mul3A_108, %add3A_298 : vector<16xi32>
      %gather3A_300 = tpu.vector_load_idx %arg16[%add3A_82, %add3A_299] : memref<256x128xf32, #tpu.memory_space<vmem>>[vector<16xi32>, vector<16xi32>], vector<16xf32>,
      %mul3A_301 = arith.mulf %gather3A_292, %gather3A_300 : vector<16xf32>
      %mul3A_302 = arith.mulf %mul3A_301, %gather3A_296 : vector<16xf32>
      %add3A_303 = arith.addf %add3A_288, %mul3A_302 : vector<16xf32>
      %add3A_304 = arith.constant 13 : i32
      %add3A_305 = vector.broadcast %add3A_304 : i32 to vector<16xi32>
      %add3A_306 = arith.addi %mul3A_92, %add3A_305 : vector<16xi32>
      %gather3A_307 = tpu.vector_load_idx %arg14[%add3A_82, %add3A_306] : memref<256x128xf32, #tpu.memory_space<vmem>>[vector<16xi32>, vector<16xi32>], vector<16xf32>,
      %add3A_308 = arith.constant 13 : i32
      %add3A_309 = vector.broadcast %add3A_308 : i32 to vector<16xi32>
      %add3A_310 = arith.addi %mul3A_100, %add3A_309 : vector<16xi32>
      %gather3A_311 = tpu.vector_load_idx %arg15[%add3A_82, %add3A_310] : memref<256x128xf32, #tpu.memory_space<vmem>>[vector<16xi32>, vector<16xi32>], vector<16xf32>,
      %add3A_312 = arith.constant 13 : i32
      %add3A_313 = vector.broadcast %add3A_312 : i32 to vector<16xi32>
      %add3A_314 = arith.addi %mul3A_108, %add3A_313 : vector<16xi32>
      %gather3A_315 = tpu.vector_load_idx %arg16[%add3A_82, %add3A_314] : memref<256x128xf32, #tpu.memory_space<vmem>>[vector<16xi32>, vector<16xi32>], vector<16xf32>,
      %mul3A_316 = arith.mulf %gather3A_307, %gather3A_315 : vector<16xf32>
      %mul3A_317 = arith.mulf %mul3A_316, %gather3A_311 : vector<16xf32>
      %add3A_318 = arith.addf %add3A_303, %mul3A_317 : vector<16xf32>
      %add3A_319 = arith.constant 14 : i32
      %add3A_320 = vector.broadcast %add3A_319 : i32 to vector<16xi32>
      %add3A_321 = arith.addi %mul3A_92, %add3A_320 : vector<16xi32>
      %gather3A_322 = tpu.vector_load_idx %arg14[%add3A_82, %add3A_321] : memref<256x128xf32, #tpu.memory_space<vmem>>[vector<16xi32>, vector<16xi32>], vector<16xf32>,
      %add3A_323 = arith.constant 14 : i32
      %add3A_324 = vector.broadcast %add3A_323 : i32 to vector<16xi32>
      %add3A_325 = arith.addi %mul3A_100, %add3A_324 : vector<16xi32>
      %gather3A_326 = tpu.vector_load_idx %arg15[%add3A_82, %add3A_325] : memref<256x128xf32, #tpu.memory_space<vmem>>[vector<16xi32>, vector<16xi32>], vector<16xf32>,
      %add3A_327 = arith.constant 14 : i32
      %add3A_328 = vector.broadcast %add3A_327 : i32 to vector<16xi32>
      %add3A_329 = arith.addi %mul3A_108, %add3A_328 : vector<16xi32>
      %gather3A_330 = tpu.vector_load_idx %arg16[%add3A_82, %add3A_329] : memref<256x128xf32, #tpu.memory_space<vmem>>[vector<16xi32>, vector<16xi32>], vector<16xf32>,
      %mul3A_331 = arith.mulf %gather3A_322, %gather3A_330 : vector<16xf32>
      %mul3A_332 = arith.mulf %mul3A_331, %gather3A_326 : vector<16xf32>
      %add3A_333 = arith.addf %add3A_318, %mul3A_332 : vector<16xf32>
      %add3A_334 = arith.constant 15 : i32
      %add3A_335 = vector.broadcast %add3A_334 : i32 to vector<16xi32>
      %add3A_336 = arith.addi %mul3A_92, %add3A_335 : vector<16xi32>
      %gather3A_337 = tpu.vector_load_idx %arg14[%add3A_82, %add3A_336] : memref<256x128xf32, #tpu.memory_space<vmem>>[vector<16xi32>, vector<16xi32>], vector<16xf32>,
      %add3A_338 = arith.constant 15 : i32
      %add3A_339 = vector.broadcast %add3A_338 : i32 to vector<16xi32>
      %add3A_340 = arith.addi %mul3A_100, %add3A_339 : vector<16xi32>
      %gather3A_341 = tpu.vector_load_idx %arg15[%add3A_82, %add3A_340] : memref<256x128xf32, #tpu.memory_space<vmem>>[vector<16xi32>, vector<16xi32>], vector<16xf32>,
      %add3A_342 = arith.constant 15 : i32
      %add3A_343 = vector.broadcast %add3A_342 : i32 to vector<16xi32>
      %add3A_344 = arith.addi %mul3A_108, %add3A_343 : vector<16xi32>
      %gather3A_345 = tpu.vector_load_idx %arg16[%add3A_82, %add3A_344] : memref<256x128xf32, #tpu.memory_space<vmem>>[vector<16xi32>, vector<16xi32>], vector<16xf32>,
      %mul3A_346 = arith.mulf %gather3A_337, %gather3A_345 : vector<16xf32>
      %mul3A_347 = arith.mulf %mul3A_346, %gather3A_341 : vector<16xf32>
      %add3A_348 = arith.addf %add3A_333, %mul3A_347 : vector<16xf32>
      %add3A_349 = arith.constant 16 : i32
      %add3A_350 = vector.broadcast %add3A_349 : i32 to vector<16xi32>
      %add3A_351 = arith.addi %mul3A_92, %add3A_350 : vector<16xi32>
      %gather3A_352 = tpu.vector_load_idx %arg14[%add3A_82, %add3A_351] : memref<256x128xf32, #tpu.memory_space<vmem>>[vector<16xi32>, vector<16xi32>], vector<16xf32>,
      %add3A_353 = arith.constant 16 : i32
      %add3A_354 = vector.broadcast %add3A_353 : i32 to vector<16xi32>
      %add3A_355 = arith.addi %mul3A_100, %add3A_354 : vector<16xi32>
      %gather3A_356 = tpu.vector_load_idx %arg15[%add3A_82, %add3A_355] : memref<256x128xf32, #tpu.memory_space<vmem>>[vector<16xi32>, vector<16xi32>], vector<16xf32>,
      %add3A_357 = arith.constant 16 : i32
      %add3A_358 = vector.broadcast %add3A_357 : i32 to vector<16xi32>
      %add3A_359 = arith.addi %mul3A_108, %add3A_358 : vector<16xi32>
      %gather3A_360 = tpu.vector_load_idx %arg16[%add3A_82, %add3A_359] : memref<256x128xf32, #tpu.memory_space<vmem>>[vector<16xi32>, vector<16xi32>], vector<16xf32>,
      %mul3A_361 = arith.mulf %gather3A_352, %gather3A_360 : vector<16xf32>
      %mul3A_362 = arith.mulf %mul3A_361, %gather3A_356 : vector<16xf32>
      %add3A_363 = arith.addf %add3A_348, %mul3A_362 : vector<16xf32>
      %add3A_364 = arith.constant 17 : i32
      %add3A_365 = vector.broadcast %add3A_364 : i32 to vector<16xi32>
      %add3A_366 = arith.addi %mul3A_92, %add3A_365 : vector<16xi32>
      %gather3A_367 = tpu.vector_load_idx %arg14[%add3A_82, %add3A_366] : memref<256x128xf32, #tpu.memory_space<vmem>>[vector<16xi32>, vector<16xi32>], vector<16xf32>,
      %add3A_368 = arith.constant 17 : i32
      %add3A_369 = vector.broadcast %add3A_368 : i32 to vector<16xi32>
      %add3A_370 = arith.addi %mul3A_100, %add3A_369 : vector<16xi32>
      %gather3A_371 = tpu.vector_load_idx %arg15[%add3A_82, %add3A_370] : memref<256x128xf32, #tpu.memory_space<vmem>>[vector<16xi32>, vector<16xi32>], vector<16xf32>,
      %add3A_372 = arith.constant 17 : i32
      %add3A_373 = vector.broadcast %add3A_372 : i32 to vector<16xi32>
      %add3A_374 = arith.addi %mul3A_108, %add3A_373 : vector<16xi32>
      %gather3A_375 = tpu.vector_load_idx %arg16[%add3A_82, %add3A_374] : memref<256x128xf32, #tpu.memory_space<vmem>>[vector<16xi32>, vector<16xi32>], vector<16xf32>,
      %mul3A_376 = arith.mulf %gather3A_367, %gather3A_375 : vector<16xf32>
      %mul3A_377 = arith.mulf %mul3A_376, %gather3A_371 : vector<16xf32>
      %add3A_378 = arith.addf %add3A_363, %mul3A_377 : vector<16xf32>
      %add3A_379 = arith.constant 18 : i32
      %add3A_380 = vector.broadcast %add3A_379 : i32 to vector<16xi32>
      %add3A_381 = arith.addi %mul3A_92, %add3A_380 : vector<16xi32>
      %gather3A_382 = tpu.vector_load_idx %arg14[%add3A_82, %add3A_381] : memref<256x128xf32, #tpu.memory_space<vmem>>[vector<16xi32>, vector<16xi32>], vector<16xf32>,
      %add3A_383 = arith.constant 18 : i32
      %add3A_384 = vector.broadcast %add3A_383 : i32 to vector<16xi32>
      %add3A_385 = arith.addi %mul3A_100, %add3A_384 : vector<16xi32>
      %gather3A_386 = tpu.vector_load_idx %arg15[%add3A_82, %add3A_385] : memref<256x128xf32, #tpu.memory_space<vmem>>[vector<16xi32>, vector<16xi32>], vector<16xf32>,
      %add3A_387 = arith.constant 18 : i32
      %add3A_388 = vector.broadcast %add3A_387 : i32 to vector<16xi32>
      %add3A_389 = arith.addi %mul3A_108, %add3A_388 : vector<16xi32>
      %gather3A_390 = tpu.vector_load_idx %arg16[%add3A_82, %add3A_389] : memref<256x128xf32, #tpu.memory_space<vmem>>[vector<16xi32>, vector<16xi32>], vector<16xf32>,
      %mul3A_391 = arith.mulf %gather3A_382, %gather3A_390 : vector<16xf32>
      %mul3A_392 = arith.mulf %mul3A_391, %gather3A_386 : vector<16xf32>
      %add3A_393 = arith.addf %add3A_378, %mul3A_392 : vector<16xf32>
      %add3A_394 = arith.constant 19 : i32
      %add3A_395 = vector.broadcast %add3A_394 : i32 to vector<16xi32>
      %add3A_396 = arith.addi %mul3A_92, %add3A_395 : vector<16xi32>
      %gather3A_397 = tpu.vector_load_idx %arg14[%add3A_82, %add3A_396] : memref<256x128xf32, #tpu.memory_space<vmem>>[vector<16xi32>, vector<16xi32>], vector<16xf32>,
      %add3A_398 = arith.constant 19 : i32
      %add3A_399 = vector.broadcast %add3A_398 : i32 to vector<16xi32>
      %add3A_400 = arith.addi %mul3A_100, %add3A_399 : vector<16xi32>
      %gather3A_401 = tpu.vector_load_idx %arg15[%add3A_82, %add3A_400] : memref<256x128xf32, #tpu.memory_space<vmem>>[vector<16xi32>, vector<16xi32>], vector<16xf32>,
      %add3A_402 = arith.constant 19 : i32
      %add3A_403 = vector.broadcast %add3A_402 : i32 to vector<16xi32>
      %add3A_404 = arith.addi %mul3A_108, %add3A_403 : vector<16xi32>
      %gather3A_405 = tpu.vector_load_idx %arg16[%add3A_82, %add3A_404] : memref<256x128xf32, #tpu.memory_space<vmem>>[vector<16xi32>, vector<16xi32>], vector<16xf32>,
      %mul3A_406 = arith.mulf %gather3A_397, %gather3A_405 : vector<16xf32>
      %mul3A_407 = arith.mulf %mul3A_406, %gather3A_401 : vector<16xf32>
      %add3A_408 = arith.addf %add3A_393, %mul3A_407 : vector<16xf32>
      %add3A_409 = arith.constant 20 : i32
      %add3A_410 = vector.broadcast %add3A_409 : i32 to vector<16xi32>
      %add3A_411 = arith.addi %mul3A_92, %add3A_410 : vector<16xi32>
      %gather3A_412 = tpu.vector_load_idx %arg14[%add3A_82, %add3A_411] : memref<256x128xf32, #tpu.memory_space<vmem>>[vector<16xi32>, vector<16xi32>], vector<16xf32>,
      %add3A_413 = arith.constant 20 : i32
      %add3A_414 = vector.broadcast %add3A_413 : i32 to vector<16xi32>
      %add3A_415 = arith.addi %mul3A_100, %add3A_414 : vector<16xi32>
      %gather3A_416 = tpu.vector_load_idx %arg15[%add3A_82, %add3A_415] : memref<256x128xf32, #tpu.memory_space<vmem>>[vector<16xi32>, vector<16xi32>], vector<16xf32>,
      %add3A_417 = arith.constant 20 : i32
      %add3A_418 = vector.broadcast %add3A_417 : i32 to vector<16xi32>
      %add3A_419 = arith.addi %mul3A_108, %add3A_418 : vector<16xi32>
      %gather3A_420 = tpu.vector_load_idx %arg16[%add3A_82, %add3A_419] : memref<256x128xf32, #tpu.memory_space<vmem>>[vector<16xi32>, vector<16xi32>], vector<16xf32>,
      %mul3A_421 = arith.mulf %gather3A_412, %gather3A_420 : vector<16xf32>
      %mul3A_422 = arith.mulf %mul3A_421, %gather3A_416 : vector<16xf32>
      %add3A_423 = arith.addf %add3A_408, %mul3A_422 : vector<16xf32>
      %add3A_424 = arith.constant 21 : i32
      %add3A_425 = vector.broadcast %add3A_424 : i32 to vector<16xi32>
      %add3A_426 = arith.addi %mul3A_92, %add3A_425 : vector<16xi32>
      %gather3A_427 = tpu.vector_load_idx %arg14[%add3A_82, %add3A_426] : memref<256x128xf32, #tpu.memory_space<vmem>>[vector<16xi32>, vector<16xi32>], vector<16xf32>,
      %add3A_428 = arith.constant 21 : i32
      %add3A_429 = vector.broadcast %add3A_428 : i32 to vector<16xi32>
      %add3A_430 = arith.addi %mul3A_100, %add3A_429 : vector<16xi32>
      %gather3A_431 = tpu.vector_load_idx %arg15[%add3A_82, %add3A_430] : memref<256x128xf32, #tpu.memory_space<vmem>>[vector<16xi32>, vector<16xi32>], vector<16xf32>,
      %add3A_432 = arith.constant 21 : i32
      %add3A_433 = vector.broadcast %add3A_432 : i32 to vector<16xi32>
      %add3A_434 = arith.addi %mul3A_108, %add3A_433 : vector<16xi32>
      %gather3A_435 = tpu.vector_load_idx %arg16[%add3A_82, %add3A_434] : memref<256x128xf32, #tpu.memory_space<vmem>>[vector<16xi32>, vector<16xi32>], vector<16xf32>,
      %mul3A_436 = arith.mulf %gather3A_427, %gather3A_435 : vector<16xf32>
      %mul3A_437 = arith.mulf %mul3A_436, %gather3A_431 : vector<16xf32>
      %add3A_438 = arith.addf %add3A_423, %mul3A_437 : vector<16xf32>
      %add3A_439 = arith.constant 22 : i32
      %add3A_440 = vector.broadcast %add3A_439 : i32 to vector<16xi32>
      %add3A_441 = arith.addi %mul3A_92, %add3A_440 : vector<16xi32>
      %gather3A_442 = tpu.vector_load_idx %arg14[%add3A_82, %add3A_441] : memref<256x128xf32, #tpu.memory_space<vmem>>[vector<16xi32>, vector<16xi32>], vector<16xf32>,
      %add3A_443 = arith.constant 22 : i32
      %add3A_444 = vector.broadcast %add3A_443 : i32 to vector<16xi32>
      %add3A_445 = arith.addi %mul3A_100, %add3A_444 : vector<16xi32>
      %gather3A_446 = tpu.vector_load_idx %arg15[%add3A_82, %add3A_445] : memref<256x128xf32, #tpu.memory_space<vmem>>[vector<16xi32>, vector<16xi32>], vector<16xf32>,
      %add3A_447 = arith.constant 22 : i32
      %add3A_448 = vector.broadcast %add3A_447 : i32 to vector<16xi32>
      %add3A_449 = arith.addi %mul3A_108, %add3A_448 : vector<16xi32>
      %gather3A_450 = tpu.vector_load_idx %arg16[%add3A_82, %add3A_449] : memref<256x128xf32, #tpu.memory_space<vmem>>[vector<16xi32>, vector<16xi32>], vector<16xf32>,
      %mul3A_451 = arith.mulf %gather3A_442, %gather3A_450 : vector<16xf32>
      %mul3A_452 = arith.mulf %mul3A_451, %gather3A_446 : vector<16xf32>
      %add3A_453 = arith.addf %add3A_438, %mul3A_452 : vector<16xf32>
      %add3A_454 = arith.constant 23 : i32
      %add3A_455 = vector.broadcast %add3A_454 : i32 to vector<16xi32>
      %add3A_456 = arith.addi %mul3A_92, %add3A_455 : vector<16xi32>
      %gather3A_457 = tpu.vector_load_idx %arg14[%add3A_82, %add3A_456] : memref<256x128xf32, #tpu.memory_space<vmem>>[vector<16xi32>, vector<16xi32>], vector<16xf32>,
      %add3A_458 = arith.constant 23 : i32
      %add3A_459 = vector.broadcast %add3A_458 : i32 to vector<16xi32>
      %add3A_460 = arith.addi %mul3A_100, %add3A_459 : vector<16xi32>
      %gather3A_461 = tpu.vector_load_idx %arg15[%add3A_82, %add3A_460] : memref<256x128xf32, #tpu.memory_space<vmem>>[vector<16xi32>, vector<16xi32>], vector<16xf32>,
      %add3A_462 = arith.constant 23 : i32
      %add3A_463 = vector.broadcast %add3A_462 : i32 to vector<16xi32>
      %add3A_464 = arith.addi %mul3A_108, %add3A_463 : vector<16xi32>
      %gather3A_465 = tpu.vector_load_idx %arg16[%add3A_82, %add3A_464] : memref<256x128xf32, #tpu.memory_space<vmem>>[vector<16xi32>, vector<16xi32>], vector<16xf32>,
      %mul3A_466 = arith.mulf %gather3A_457, %gather3A_465 : vector<16xf32>
      %mul3A_467 = arith.mulf %mul3A_466, %gather3A_461 : vector<16xf32>
      %add3A_468 = arith.addf %add3A_453, %mul3A_467 : vector<16xf32>
      %add3A_469 = arith.constant 24 : i32
      %add3A_470 = vector.broadcast %add3A_469 : i32 to vector<16xi32>
      %add3A_471 = arith.addi %mul3A_92, %add3A_470 : vector<16xi32>
      %gather3A_472 = tpu.vector_load_idx %arg14[%add3A_82, %add3A_471] : memref<256x128xf32, #tpu.memory_space<vmem>>[vector<16xi32>, vector<16xi32>], vector<16xf32>,
      %add3A_473 = arith.constant 24 : i32
      %add3A_474 = vector.broadcast %add3A_473 : i32 to vector<16xi32>
      %add3A_475 = arith.addi %mul3A_100, %add3A_474 : vector<16xi32>
      %gather3A_476 = tpu.vector_load_idx %arg15[%add3A_82, %add3A_475] : memref<256x128xf32, #tpu.memory_space<vmem>>[vector<16xi32>, vector<16xi32>], vector<16xf32>,
      %add3A_477 = arith.constant 24 : i32
      %add3A_478 = vector.broadcast %add3A_477 : i32 to vector<16xi32>
      %add3A_479 = arith.addi %mul3A_108, %add3A_478 : vector<16xi32>
      %gather3A_480 = tpu.vector_load_idx %arg16[%add3A_82, %add3A_479] : memref<256x128xf32, #tpu.memory_space<vmem>>[vector<16xi32>, vector<16xi32>], vector<16xf32>,
      %mul3A_481 = arith.mulf %gather3A_472, %gather3A_480 : vector<16xf32>
      %mul3A_482 = arith.mulf %mul3A_481, %gather3A_476 : vector<16xf32>
      %add3A_483 = arith.addf %add3A_468, %mul3A_482 : vector<16xf32>
      %add3A_484 = arith.constant 25 : i32
      %add3A_485 = vector.broadcast %add3A_484 : i32 to vector<16xi32>
      %add3A_486 = arith.addi %mul3A_92, %add3A_485 : vector<16xi32>
      %gather3A_487 = tpu.vector_load_idx %arg14[%add3A_82, %add3A_486] : memref<256x128xf32, #tpu.memory_space<vmem>>[vector<16xi32>, vector<16xi32>], vector<16xf32>,
      %add3A_488 = arith.constant 25 : i32
      %add3A_489 = vector.broadcast %add3A_488 : i32 to vector<16xi32>
      %add3A_490 = arith.addi %mul3A_100, %add3A_489 : vector<16xi32>
      %gather3A_491 = tpu.vector_load_idx %arg15[%add3A_82, %add3A_490] : memref<256x128xf32, #tpu.memory_space<vmem>>[vector<16xi32>, vector<16xi32>], vector<16xf32>,
      %add3A_492 = arith.constant 25 : i32
      %add3A_493 = vector.broadcast %add3A_492 : i32 to vector<16xi32>
      %add3A_494 = arith.addi %mul3A_108, %add3A_493 : vector<16xi32>
      %gather3A_495 = tpu.vector_load_idx %arg16[%add3A_82, %add3A_494] : memref<256x128xf32, #tpu.memory_space<vmem>>[vector<16xi32>, vector<16xi32>], vector<16xf32>,
      %mul3A_496 = arith.mulf %gather3A_487, %gather3A_495 : vector<16xf32>
      %mul3A_497 = arith.mulf %mul3A_496, %gather3A_491 : vector<16xf32>
      %add3A_498 = arith.addf %add3A_483, %mul3A_497 : vector<16xf32>
      %add3A_499 = arith.constant 26 : i32
      %add3A_500 = vector.broadcast %add3A_499 : i32 to vector<16xi32>
      %add3A_501 = arith.addi %mul3A_92, %add3A_500 : vector<16xi32>
      %gather3A_502 = tpu.vector_load_idx %arg14[%add3A_82, %add3A_501] : memref<256x128xf32, #tpu.memory_space<vmem>>[vector<16xi32>, vector<16xi32>], vector<16xf32>,
      %add3A_503 = arith.constant 26 : i32
      %add3A_504 = vector.broadcast %add3A_503 : i32 to vector<16xi32>
      %add3A_505 = arith.addi %mul3A_100, %add3A_504 : vector<16xi32>
      %gather3A_506 = tpu.vector_load_idx %arg15[%add3A_82, %add3A_505] : memref<256x128xf32, #tpu.memory_space<vmem>>[vector<16xi32>, vector<16xi32>], vector<16xf32>,
      %add3A_507 = arith.constant 26 : i32
      %add3A_508 = vector.broadcast %add3A_507 : i32 to vector<16xi32>
      %add3A_509 = arith.addi %mul3A_108, %add3A_508 : vector<16xi32>
      %gather3A_510 = tpu.vector_load_idx %arg16[%add3A_82, %add3A_509] : memref<256x128xf32, #tpu.memory_space<vmem>>[vector<16xi32>, vector<16xi32>], vector<16xf32>,
      %mul3A_511 = arith.mulf %gather3A_502, %gather3A_510 : vector<16xf32>
      %mul3A_512 = arith.mulf %mul3A_511, %gather3A_506 : vector<16xf32>
      %add3A_513 = arith.addf %add3A_498, %mul3A_512 : vector<16xf32>
      %add3A_514 = arith.constant 27 : i32
      %add3A_515 = vector.broadcast %add3A_514 : i32 to vector<16xi32>
      %add3A_516 = arith.addi %mul3A_92, %add3A_515 : vector<16xi32>
      %gather3A_517 = tpu.vector_load_idx %arg14[%add3A_82, %add3A_516] : memref<256x128xf32, #tpu.memory_space<vmem>>[vector<16xi32>, vector<16xi32>], vector<16xf32>,
      %add3A_518 = arith.constant 27 : i32
      %add3A_519 = vector.broadcast %add3A_518 : i32 to vector<16xi32>
      %add3A_520 = arith.addi %mul3A_100, %add3A_519 : vector<16xi32>
      %gather3A_521 = tpu.vector_load_idx %arg15[%add3A_82, %add3A_520] : memref<256x128xf32, #tpu.memory_space<vmem>>[vector<16xi32>, vector<16xi32>], vector<16xf32>,
      %add3A_522 = arith.constant 27 : i32
      %add3A_523 = vector.broadcast %add3A_522 : i32 to vector<16xi32>
      %add3A_524 = arith.addi %mul3A_108, %add3A_523 : vector<16xi32>
      %gather3A_525 = tpu.vector_load_idx %arg16[%add3A_82, %add3A_524] : memref<256x128xf32, #tpu.memory_space<vmem>>[vector<16xi32>, vector<16xi32>], vector<16xf32>,
      %mul3A_526 = arith.mulf %gather3A_517, %gather3A_525 : vector<16xf32>
      %mul3A_527 = arith.mulf %mul3A_526, %gather3A_521 : vector<16xf32>
      %add3A_528 = arith.addf %add3A_513, %mul3A_527 : vector<16xf32>
      %add3A_529 = arith.constant 28 : i32
      %add3A_530 = vector.broadcast %add3A_529 : i32 to vector<16xi32>
      %add3A_531 = arith.addi %mul3A_92, %add3A_530 : vector<16xi32>
      %gather3A_532 = tpu.vector_load_idx %arg14[%add3A_82, %add3A_531] : memref<256x128xf32, #tpu.memory_space<vmem>>[vector<16xi32>, vector<16xi32>], vector<16xf32>,
      %add3A_533 = arith.constant 28 : i32
      %add3A_534 = vector.broadcast %add3A_533 : i32 to vector<16xi32>
      %add3A_535 = arith.addi %mul3A_100, %add3A_534 : vector<16xi32>
      %gather3A_536 = tpu.vector_load_idx %arg15[%add3A_82, %add3A_535] : memref<256x128xf32, #tpu.memory_space<vmem>>[vector<16xi32>, vector<16xi32>], vector<16xf32>,
      %add3A_537 = arith.constant 28 : i32
      %add3A_538 = vector.broadcast %add3A_537 : i32 to vector<16xi32>
      %add3A_539 = arith.addi %mul3A_108, %add3A_538 : vector<16xi32>
      %gather3A_540 = tpu.vector_load_idx %arg16[%add3A_82, %add3A_539] : memref<256x128xf32, #tpu.memory_space<vmem>>[vector<16xi32>, vector<16xi32>], vector<16xf32>,
      %mul3A_541 = arith.mulf %gather3A_532, %gather3A_540 : vector<16xf32>
      %mul3A_542 = arith.mulf %mul3A_541, %gather3A_536 : vector<16xf32>
      %add3A_543 = arith.addf %add3A_528, %mul3A_542 : vector<16xf32>
      %add3A_544 = arith.constant 29 : i32
      %add3A_545 = vector.broadcast %add3A_544 : i32 to vector<16xi32>
      %add3A_546 = arith.addi %mul3A_92, %add3A_545 : vector<16xi32>
      %gather3A_547 = tpu.vector_load_idx %arg14[%add3A_82, %add3A_546] : memref<256x128xf32, #tpu.memory_space<vmem>>[vector<16xi32>, vector<16xi32>], vector<16xf32>,
      %add3A_548 = arith.constant 29 : i32
      %add3A_549 = vector.broadcast %add3A_548 : i32 to vector<16xi32>
      %add3A_550 = arith.addi %mul3A_100, %add3A_549 : vector<16xi32>
      %gather3A_551 = tpu.vector_load_idx %arg15[%add3A_82, %add3A_550] : memref<256x128xf32, #tpu.memory_space<vmem>>[vector<16xi32>, vector<16xi32>], vector<16xf32>,
      %add3A_552 = arith.constant 29 : i32
      %add3A_553 = vector.broadcast %add3A_552 : i32 to vector<16xi32>
      %add3A_554 = arith.addi %mul3A_108, %add3A_553 : vector<16xi32>
      %gather3A_555 = tpu.vector_load_idx %arg16[%add3A_82, %add3A_554] : memref<256x128xf32, #tpu.memory_space<vmem>>[vector<16xi32>, vector<16xi32>], vector<16xf32>,
      %mul3A_556 = arith.mulf %gather3A_547, %gather3A_555 : vector<16xf32>
      %mul3A_557 = arith.mulf %mul3A_556, %gather3A_551 : vector<16xf32>
      %add3A_558 = arith.addf %add3A_543, %mul3A_557 : vector<16xf32>
      %add3A_559 = arith.constant 30 : i32
      %add3A_560 = vector.broadcast %add3A_559 : i32 to vector<16xi32>
      %add3A_561 = arith.addi %mul3A_92, %add3A_560 : vector<16xi32>
      %gather3A_562 = tpu.vector_load_idx %arg14[%add3A_82, %add3A_561] : memref<256x128xf32, #tpu.memory_space<vmem>>[vector<16xi32>, vector<16xi32>], vector<16xf32>,
      %add3A_563 = arith.constant 30 : i32
      %add3A_564 = vector.broadcast %add3A_563 : i32 to vector<16xi32>
      %add3A_565 = arith.addi %mul3A_100, %add3A_564 : vector<16xi32>
      %gather3A_566 = tpu.vector_load_idx %arg15[%add3A_82, %add3A_565] : memref<256x128xf32, #tpu.memory_space<vmem>>[vector<16xi32>, vector<16xi32>], vector<16xf32>,
      %add3A_567 = arith.constant 30 : i32
      %add3A_568 = vector.broadcast %add3A_567 : i32 to vector<16xi32>
      %add3A_569 = arith.addi %mul3A_108, %add3A_568 : vector<16xi32>
      %gather3A_570 = tpu.vector_load_idx %arg16[%add3A_82, %add3A_569] : memref<256x128xf32, #tpu.memory_space<vmem>>[vector<16xi32>, vector<16xi32>], vector<16xf32>,
      %mul3A_571 = arith.mulf %gather3A_562, %gather3A_570 : vector<16xf32>
      %mul3A_572 = arith.mulf %mul3A_571, %gather3A_566 : vector<16xf32>
      %add3A_573 = arith.addf %add3A_558, %mul3A_572 : vector<16xf32>
      %add3A_574 = arith.constant 31 : i32
      %add3A_575 = vector.broadcast %add3A_574 : i32 to vector<16xi32>
      %add3A_576 = arith.addi %mul3A_92, %add3A_575 : vector<16xi32>
      %gather3A_577 = tpu.vector_load_idx %arg14[%add3A_82, %add3A_576] : memref<256x128xf32, #tpu.memory_space<vmem>>[vector<16xi32>, vector<16xi32>], vector<16xf32>,
      %add3A_578 = arith.constant 31 : i32
      %add3A_579 = vector.broadcast %add3A_578 : i32 to vector<16xi32>
      %add3A_580 = arith.addi %mul3A_100, %add3A_579 : vector<16xi32>
      %gather3A_581 = tpu.vector_load_idx %arg15[%add3A_82, %add3A_580] : memref<256x128xf32, #tpu.memory_space<vmem>>[vector<16xi32>, vector<16xi32>], vector<16xf32>,
      %add3A_582 = arith.constant 31 : i32
      %add3A_583 = vector.broadcast %add3A_582 : i32 to vector<16xi32>
      %add3A_584 = arith.addi %mul3A_108, %add3A_583 : vector<16xi32>
      %gather3A_585 = tpu.vector_load_idx %arg16[%add3A_82, %add3A_584] : memref<256x128xf32, #tpu.memory_space<vmem>>[vector<16xi32>, vector<16xi32>], vector<16xf32>,
      %mul3A_586 = arith.mulf %gather3A_577, %gather3A_585 : vector<16xf32>
      %mul3A_587 = arith.mulf %mul3A_586, %gather3A_581 : vector<16xf32>
      %add3A_588 = arith.addf %add3A_573, %mul3A_587 : vector<16xf32>
      %add3A_589 = arith.constant 32 : i32
      %add3A_590 = vector.broadcast %add3A_589 : i32 to vector<16xi32>
      %add3A_591 = arith.addi %mul3A_92, %add3A_590 : vector<16xi32>
      %gather3A_592 = tpu.vector_load_idx %arg14[%add3A_82, %add3A_591] : memref<256x128xf32, #tpu.memory_space<vmem>>[vector<16xi32>, vector<16xi32>], vector<16xf32>,
      %add3A_593 = arith.constant 32 : i32
      %add3A_594 = vector.broadcast %add3A_593 : i32 to vector<16xi32>
      %add3A_595 = arith.addi %mul3A_100, %add3A_594 : vector<16xi32>
      %gather3A_596 = tpu.vector_load_idx %arg15[%add3A_82, %add3A_595] : memref<256x128xf32, #tpu.memory_space<vmem>>[vector<16xi32>, vector<16xi32>], vector<16xf32>,
      %add3A_597 = arith.constant 32 : i32
      %add3A_598 = vector.broadcast %add3A_597 : i32 to vector<16xi32>
      %add3A_599 = arith.addi %mul3A_108, %add3A_598 : vector<16xi32>
      %gather3A_600 = tpu.vector_load_idx %arg16[%add3A_82, %add3A_599] : memref<256x128xf32, #tpu.memory_space<vmem>>[vector<16xi32>, vector<16xi32>], vector<16xf32>,
      %mul3A_601 = arith.mulf %gather3A_592, %gather3A_600 : vector<16xf32>
      %mul3A_602 = arith.mulf %mul3A_601, %gather3A_596 : vector<16xf32>
      %add3A_603 = arith.addf %add3A_588, %mul3A_602 : vector<16xf32>
      %add3A_604 = arith.constant 33 : i32
      %add3A_605 = vector.broadcast %add3A_604 : i32 to vector<16xi32>
      %add3A_606 = arith.addi %mul3A_92, %add3A_605 : vector<16xi32>
      %gather3A_607 = tpu.vector_load_idx %arg14[%add3A_82, %add3A_606] : memref<256x128xf32, #tpu.memory_space<vmem>>[vector<16xi32>, vector<16xi32>], vector<16xf32>,
      %add3A_608 = arith.constant 33 : i32
      %add3A_609 = vector.broadcast %add3A_608 : i32 to vector<16xi32>
      %add3A_610 = arith.addi %mul3A_100, %add3A_609 : vector<16xi32>
      %gather3A_611 = tpu.vector_load_idx %arg15[%add3A_82, %add3A_610] : memref<256x128xf32, #tpu.memory_space<vmem>>[vector<16xi32>, vector<16xi32>], vector<16xf32>,
      %add3A_612 = arith.constant 33 : i32
      %add3A_613 = vector.broadcast %add3A_612 : i32 to vector<16xi32>
      %add3A_614 = arith.addi %mul3A_108, %add3A_613 : vector<16xi32>
      %gather3A_615 = tpu.vector_load_idx %arg16[%add3A_82, %add3A_614] : memref<256x128xf32, #tpu.memory_space<vmem>>[vector<16xi32>, vector<16xi32>], vector<16xf32>,
      %mul3A_616 = arith.mulf %gather3A_607, %gather3A_615 : vector<16xf32>
      %mul3A_617 = arith.mulf %mul3A_616, %gather3A_611 : vector<16xf32>
      %add3A_618 = arith.addf %add3A_603, %mul3A_617 : vector<16xf32>
      %add3A_619 = arith.constant 34 : i32
      %add3A_620 = vector.broadcast %add3A_619 : i32 to vector<16xi32>
      %add3A_621 = arith.addi %mul3A_92, %add3A_620 : vector<16xi32>
      %gather3A_622 = tpu.vector_load_idx %arg14[%add3A_82, %add3A_621] : memref<256x128xf32, #tpu.memory_space<vmem>>[vector<16xi32>, vector<16xi32>], vector<16xf32>,
      %add3A_623 = arith.constant 34 : i32
      %add3A_624 = vector.broadcast %add3A_623 : i32 to vector<16xi32>
      %add3A_625 = arith.addi %mul3A_100, %add3A_624 : vector<16xi32>
      %gather3A_626 = tpu.vector_load_idx %arg15[%add3A_82, %add3A_625] : memref<256x128xf32, #tpu.memory_space<vmem>>[vector<16xi32>, vector<16xi32>], vector<16xf32>,
      %add3A_627 = arith.constant 34 : i32
      %add3A_628 = vector.broadcast %add3A_627 : i32 to vector<16xi32>
      %add3A_629 = arith.addi %mul3A_108, %add3A_628 : vector<16xi32>
      %gather3A_630 = tpu.vector_load_idx %arg16[%add3A_82, %add3A_629] : memref<256x128xf32, #tpu.memory_space<vmem>>[vector<16xi32>, vector<16xi32>], vector<16xf32>,
      %mul3A_631 = arith.mulf %gather3A_622, %gather3A_630 : vector<16xf32>
      %mul3A_632 = arith.mulf %mul3A_631, %gather3A_626 : vector<16xf32>
      %add3A_633 = arith.addf %add3A_618, %mul3A_632 : vector<16xf32>
      %add3A_634 = arith.constant 35 : i32
      %add3A_635 = vector.broadcast %add3A_634 : i32 to vector<16xi32>
      %add3A_636 = arith.addi %mul3A_92, %add3A_635 : vector<16xi32>
      %gather3A_637 = tpu.vector_load_idx %arg14[%add3A_82, %add3A_636] : memref<256x128xf32, #tpu.memory_space<vmem>>[vector<16xi32>, vector<16xi32>], vector<16xf32>,
      %add3A_638 = arith.constant 35 : i32
      %add3A_639 = vector.broadcast %add3A_638 : i32 to vector<16xi32>
      %add3A_640 = arith.addi %mul3A_100, %add3A_639 : vector<16xi32>
      %gather3A_641 = tpu.vector_load_idx %arg15[%add3A_82, %add3A_640] : memref<256x128xf32, #tpu.memory_space<vmem>>[vector<16xi32>, vector<16xi32>], vector<16xf32>,
      %add3A_642 = arith.constant 35 : i32
      %add3A_643 = vector.broadcast %add3A_642 : i32 to vector<16xi32>
      %add3A_644 = arith.addi %mul3A_108, %add3A_643 : vector<16xi32>
      %gather3A_645 = tpu.vector_load_idx %arg16[%add3A_82, %add3A_644] : memref<256x128xf32, #tpu.memory_space<vmem>>[vector<16xi32>, vector<16xi32>], vector<16xf32>,
      %mul3A_646 = arith.mulf %gather3A_637, %gather3A_645 : vector<16xf32>
      %mul3A_647 = arith.mulf %mul3A_646, %gather3A_641 : vector<16xf32>
      %add3A_648 = arith.addf %add3A_633, %mul3A_647 : vector<16xf32>
      %add3A_649 = arith.constant 36 : i32
      %add3A_650 = vector.broadcast %add3A_649 : i32 to vector<16xi32>
      %add3A_651 = arith.addi %mul3A_92, %add3A_650 : vector<16xi32>
      %gather3A_652 = tpu.vector_load_idx %arg14[%add3A_82, %add3A_651] : memref<256x128xf32, #tpu.memory_space<vmem>>[vector<16xi32>, vector<16xi32>], vector<16xf32>,
      %add3A_653 = arith.constant 36 : i32
      %add3A_654 = vector.broadcast %add3A_653 : i32 to vector<16xi32>
      %add3A_655 = arith.addi %mul3A_100, %add3A_654 : vector<16xi32>
      %gather3A_656 = tpu.vector_load_idx %arg15[%add3A_82, %add3A_655] : memref<256x128xf32, #tpu.memory_space<vmem>>[vector<16xi32>, vector<16xi32>], vector<16xf32>,
      %add3A_657 = arith.constant 36 : i32
      %add3A_658 = vector.broadcast %add3A_657 : i32 to vector<16xi32>
      %add3A_659 = arith.addi %mul3A_108, %add3A_658 : vector<16xi32>
      %gather3A_660 = tpu.vector_load_idx %arg16[%add3A_82, %add3A_659] : memref<256x128xf32, #tpu.memory_space<vmem>>[vector<16xi32>, vector<16xi32>], vector<16xf32>,
      %mul3A_661 = arith.mulf %gather3A_652, %gather3A_660 : vector<16xf32>
      %mul3A_662 = arith.mulf %mul3A_661, %gather3A_656 : vector<16xf32>
      %add3A_663 = arith.addf %add3A_648, %mul3A_662 : vector<16xf32>
      %add3A_664 = arith.constant 37 : i32
      %add3A_665 = vector.broadcast %add3A_664 : i32 to vector<16xi32>
      %add3A_666 = arith.addi %mul3A_92, %add3A_665 : vector<16xi32>
      %gather3A_667 = tpu.vector_load_idx %arg14[%add3A_82, %add3A_666] : memref<256x128xf32, #tpu.memory_space<vmem>>[vector<16xi32>, vector<16xi32>], vector<16xf32>,
      %add3A_668 = arith.constant 37 : i32
      %add3A_669 = vector.broadcast %add3A_668 : i32 to vector<16xi32>
      %add3A_670 = arith.addi %mul3A_100, %add3A_669 : vector<16xi32>
      %gather3A_671 = tpu.vector_load_idx %arg15[%add3A_82, %add3A_670] : memref<256x128xf32, #tpu.memory_space<vmem>>[vector<16xi32>, vector<16xi32>], vector<16xf32>,
      %add3A_672 = arith.constant 37 : i32
      %add3A_673 = vector.broadcast %add3A_672 : i32 to vector<16xi32>
      %add3A_674 = arith.addi %mul3A_108, %add3A_673 : vector<16xi32>
      %gather3A_675 = tpu.vector_load_idx %arg16[%add3A_82, %add3A_674] : memref<256x128xf32, #tpu.memory_space<vmem>>[vector<16xi32>, vector<16xi32>], vector<16xf32>,
      %mul3A_676 = arith.mulf %gather3A_667, %gather3A_675 : vector<16xf32>
      %mul3A_677 = arith.mulf %mul3A_676, %gather3A_671 : vector<16xf32>
      %add3A_678 = arith.addf %add3A_663, %mul3A_677 : vector<16xf32>
      %add3A_679 = arith.constant 38 : i32
      %add3A_680 = vector.broadcast %add3A_679 : i32 to vector<16xi32>
      %add3A_681 = arith.addi %mul3A_92, %add3A_680 : vector<16xi32>
      %gather3A_682 = tpu.vector_load_idx %arg14[%add3A_82, %add3A_681] : memref<256x128xf32, #tpu.memory_space<vmem>>[vector<16xi32>, vector<16xi32>], vector<16xf32>,
      %add3A_683 = arith.constant 38 : i32
      %add3A_684 = vector.broadcast %add3A_683 : i32 to vector<16xi32>
      %add3A_685 = arith.addi %mul3A_100, %add3A_684 : vector<16xi32>
      %gather3A_686 = tpu.vector_load_idx %arg15[%add3A_82, %add3A_685] : memref<256x128xf32, #tpu.memory_space<vmem>>[vector<16xi32>, vector<16xi32>], vector<16xf32>,
      %add3A_687 = arith.constant 38 : i32
      %add3A_688 = vector.broadcast %add3A_687 : i32 to vector<16xi32>
      %add3A_689 = arith.addi %mul3A_108, %add3A_688 : vector<16xi32>
      %gather3A_690 = tpu.vector_load_idx %arg16[%add3A_82, %add3A_689] : memref<256x128xf32, #tpu.memory_space<vmem>>[vector<16xi32>, vector<16xi32>], vector<16xf32>,
      %mul3A_691 = arith.mulf %gather3A_682, %gather3A_690 : vector<16xf32>
      %mul3A_692 = arith.mulf %mul3A_691, %gather3A_686 : vector<16xf32>
      %add3A_693 = arith.addf %add3A_678, %mul3A_692 : vector<16xf32>
      %add3A_694 = arith.constant 39 : i32
      %add3A_695 = vector.broadcast %add3A_694 : i32 to vector<16xi32>
      %add3A_696 = arith.addi %mul3A_92, %add3A_695 : vector<16xi32>
      %gather3A_697 = tpu.vector_load_idx %arg14[%add3A_82, %add3A_696] : memref<256x128xf32, #tpu.memory_space<vmem>>[vector<16xi32>, vector<16xi32>], vector<16xf32>,
      %add3A_698 = arith.constant 39 : i32
      %add3A_699 = vector.broadcast %add3A_698 : i32 to vector<16xi32>
      %add3A_700 = arith.addi %mul3A_100, %add3A_699 : vector<16xi32>
      %gather3A_701 = tpu.vector_load_idx %arg15[%add3A_82, %add3A_700] : memref<256x128xf32, #tpu.memory_space<vmem>>[vector<16xi32>, vector<16xi32>], vector<16xf32>,
      %add3A_702 = arith.constant 39 : i32
      %add3A_703 = vector.broadcast %add3A_702 : i32 to vector<16xi32>
      %add3A_704 = arith.addi %mul3A_108, %add3A_703 : vector<16xi32>
      %gather3A_705 = tpu.vector_load_idx %arg16[%add3A_82, %add3A_704] : memref<256x128xf32, #tpu.memory_space<vmem>>[vector<16xi32>, vector<16xi32>], vector<16xf32>,
      %mul3A_706 = arith.mulf %gather3A_697, %gather3A_705 : vector<16xf32>
      %mul3A_707 = arith.mulf %mul3A_706, %gather3A_701 : vector<16xf32>
      %add3A_708 = arith.addf %add3A_693, %mul3A_707 : vector<16xf32>
      %add3A_709 = arith.constant 40 : i32
      %add3A_710 = vector.broadcast %add3A_709 : i32 to vector<16xi32>
      %add3A_711 = arith.addi %mul3A_92, %add3A_710 : vector<16xi32>
      %gather3A_712 = tpu.vector_load_idx %arg14[%add3A_82, %add3A_711] : memref<256x128xf32, #tpu.memory_space<vmem>>[vector<16xi32>, vector<16xi32>], vector<16xf32>,
      %add3A_713 = arith.constant 40 : i32
      %add3A_714 = vector.broadcast %add3A_713 : i32 to vector<16xi32>
      %add3A_715 = arith.addi %mul3A_100, %add3A_714 : vector<16xi32>
      %gather3A_716 = tpu.vector_load_idx %arg15[%add3A_82, %add3A_715] : memref<256x128xf32, #tpu.memory_space<vmem>>[vector<16xi32>, vector<16xi32>], vector<16xf32>,
      %add3A_717 = arith.constant 40 : i32
      %add3A_718 = vector.broadcast %add3A_717 : i32 to vector<16xi32>
      %add3A_719 = arith.addi %mul3A_108, %add3A_718 : vector<16xi32>
      %gather3A_720 = tpu.vector_load_idx %arg16[%add3A_82, %add3A_719] : memref<256x128xf32, #tpu.memory_space<vmem>>[vector<16xi32>, vector<16xi32>], vector<16xf32>,
      %mul3A_721 = arith.mulf %gather3A_712, %gather3A_720 : vector<16xf32>
      %mul3A_722 = arith.mulf %mul3A_721, %gather3A_716 : vector<16xf32>
      %add3A_723 = arith.addf %add3A_708, %mul3A_722 : vector<16xf32>
      %add3A_724 = arith.constant 41 : i32
      %add3A_725 = vector.broadcast %add3A_724 : i32 to vector<16xi32>
      %add3A_726 = arith.addi %mul3A_92, %add3A_725 : vector<16xi32>
      %gather3A_727 = tpu.vector_load_idx %arg14[%add3A_82, %add3A_726] : memref<256x128xf32, #tpu.memory_space<vmem>>[vector<16xi32>, vector<16xi32>], vector<16xf32>,
      %add3A_728 = arith.constant 41 : i32
      %add3A_729 = vector.broadcast %add3A_728 : i32 to vector<16xi32>
      %add3A_730 = arith.addi %mul3A_100, %add3A_729 : vector<16xi32>
      %gather3A_731 = tpu.vector_load_idx %arg15[%add3A_82, %add3A_730] : memref<256x128xf32, #tpu.memory_space<vmem>>[vector<16xi32>, vector<16xi32>], vector<16xf32>,
      %add3A_732 = arith.constant 41 : i32
      %add3A_733 = vector.broadcast %add3A_732 : i32 to vector<16xi32>
      %add3A_734 = arith.addi %mul3A_108, %add3A_733 : vector<16xi32>
      %gather3A_735 = tpu.vector_load_idx %arg16[%add3A_82, %add3A_734] : memref<256x128xf32, #tpu.memory_space<vmem>>[vector<16xi32>, vector<16xi32>], vector<16xf32>,
      %mul3A_736 = arith.mulf %gather3A_727, %gather3A_735 : vector<16xf32>
      %mul3A_737 = arith.mulf %mul3A_736, %gather3A_731 : vector<16xf32>
      %add3A_738 = arith.addf %add3A_723, %mul3A_737 : vector<16xf32>
      %add3A_739 = arith.constant 42 : i32
      %add3A_740 = vector.broadcast %add3A_739 : i32 to vector<16xi32>
      %add3A_741 = arith.addi %mul3A_92, %add3A_740 : vector<16xi32>
      %gather3A_742 = tpu.vector_load_idx %arg14[%add3A_82, %add3A_741] : memref<256x128xf32, #tpu.memory_space<vmem>>[vector<16xi32>, vector<16xi32>], vector<16xf32>,
      %add3A_743 = arith.constant 42 : i32
      %add3A_744 = vector.broadcast %add3A_743 : i32 to vector<16xi32>
      %add3A_745 = arith.addi %mul3A_100, %add3A_744 : vector<16xi32>
      %gather3A_746 = tpu.vector_load_idx %arg15[%add3A_82, %add3A_745] : memref<256x128xf32, #tpu.memory_space<vmem>>[vector<16xi32>, vector<16xi32>], vector<16xf32>,
      %add3A_747 = arith.constant 42 : i32
      %add3A_748 = vector.broadcast %add3A_747 : i32 to vector<16xi32>
      %add3A_749 = arith.addi %mul3A_108, %add3A_748 : vector<16xi32>
      %gather3A_750 = tpu.vector_load_idx %arg16[%add3A_82, %add3A_749] : memref<256x128xf32, #tpu.memory_space<vmem>>[vector<16xi32>, vector<16xi32>], vector<16xf32>,
      %mul3A_751 = arith.mulf %gather3A_742, %gather3A_750 : vector<16xf32>
      %mul3A_752 = arith.mulf %mul3A_751, %gather3A_746 : vector<16xf32>
      %add3A_753 = arith.addf %add3A_738, %mul3A_752 : vector<16xf32>
      %add3A_754 = arith.constant 43 : i32
      %add3A_755 = vector.broadcast %add3A_754 : i32 to vector<16xi32>
      %add3A_756 = arith.addi %mul3A_92, %add3A_755 : vector<16xi32>
      %gather3A_757 = tpu.vector_load_idx %arg14[%add3A_82, %add3A_756] : memref<256x128xf32, #tpu.memory_space<vmem>>[vector<16xi32>, vector<16xi32>], vector<16xf32>,
      %add3A_758 = arith.constant 43 : i32
      %add3A_759 = vector.broadcast %add3A_758 : i32 to vector<16xi32>
      %add3A_760 = arith.addi %mul3A_100, %add3A_759 : vector<16xi32>
      %gather3A_761 = tpu.vector_load_idx %arg15[%add3A_82, %add3A_760] : memref<256x128xf32, #tpu.memory_space<vmem>>[vector<16xi32>, vector<16xi32>], vector<16xf32>,
      %add3A_762 = arith.constant 43 : i32
      %add3A_763 = vector.broadcast %add3A_762 : i32 to vector<16xi32>
      %add3A_764 = arith.addi %mul3A_108, %add3A_763 : vector<16xi32>
      %gather3A_765 = tpu.vector_load_idx %arg16[%add3A_82, %add3A_764] : memref<256x128xf32, #tpu.memory_space<vmem>>[vector<16xi32>, vector<16xi32>], vector<16xf32>,
      %mul3A_766 = arith.mulf %gather3A_757, %gather3A_765 : vector<16xf32>
      %mul3A_767 = arith.mulf %mul3A_766, %gather3A_761 : vector<16xf32>
      %add3A_768 = arith.addf %add3A_753, %mul3A_767 : vector<16xf32>
      %add3A_769 = arith.constant 44 : i32
      %add3A_770 = vector.broadcast %add3A_769 : i32 to vector<16xi32>
      %add3A_771 = arith.addi %mul3A_92, %add3A_770 : vector<16xi32>
      %gather3A_772 = tpu.vector_load_idx %arg14[%add3A_82, %add3A_771] : memref<256x128xf32, #tpu.memory_space<vmem>>[vector<16xi32>, vector<16xi32>], vector<16xf32>,
      %add3A_773 = arith.constant 44 : i32
      %add3A_774 = vector.broadcast %add3A_773 : i32 to vector<16xi32>
      %add3A_775 = arith.addi %mul3A_100, %add3A_774 : vector<16xi32>
      %gather3A_776 = tpu.vector_load_idx %arg15[%add3A_82, %add3A_775] : memref<256x128xf32, #tpu.memory_space<vmem>>[vector<16xi32>, vector<16xi32>], vector<16xf32>,
      %add3A_777 = arith.constant 44 : i32
      %add3A_778 = vector.broadcast %add3A_777 : i32 to vector<16xi32>
      %add3A_779 = arith.addi %mul3A_108, %add3A_778 : vector<16xi32>
      %gather3A_780 = tpu.vector_load_idx %arg16[%add3A_82, %add3A_779] : memref<256x128xf32, #tpu.memory_space<vmem>>[vector<16xi32>, vector<16xi32>], vector<16xf32>,
      %mul3A_781 = arith.mulf %gather3A_772, %gather3A_780 : vector<16xf32>
      %mul3A_782 = arith.mulf %mul3A_781, %gather3A_776 : vector<16xf32>
      %add3A_783 = arith.addf %add3A_768, %mul3A_782 : vector<16xf32>
      %add3A_784 = arith.constant 45 : i32
      %add3A_785 = vector.broadcast %add3A_784 : i32 to vector<16xi32>
      %add3A_786 = arith.addi %mul3A_92, %add3A_785 : vector<16xi32>
      %gather3A_787 = tpu.vector_load_idx %arg14[%add3A_82, %add3A_786] : memref<256x128xf32, #tpu.memory_space<vmem>>[vector<16xi32>, vector<16xi32>], vector<16xf32>,
      %add3A_788 = arith.constant 45 : i32
      %add3A_789 = vector.broadcast %add3A_788 : i32 to vector<16xi32>
      %add3A_790 = arith.addi %mul3A_100, %add3A_789 : vector<16xi32>
      %gather3A_791 = tpu.vector_load_idx %arg15[%add3A_82, %add3A_790] : memref<256x128xf32, #tpu.memory_space<vmem>>[vector<16xi32>, vector<16xi32>], vector<16xf32>,
      %add3A_792 = arith.constant 45 : i32
      %add3A_793 = vector.broadcast %add3A_792 : i32 to vector<16xi32>
      %add3A_794 = arith.addi %mul3A_108, %add3A_793 : vector<16xi32>
      %gather3A_795 = tpu.vector_load_idx %arg16[%add3A_82, %add3A_794] : memref<256x128xf32, #tpu.memory_space<vmem>>[vector<16xi32>, vector<16xi32>], vector<16xf32>,
      %mul3A_796 = arith.mulf %gather3A_787, %gather3A_795 : vector<16xf32>
      %mul3A_797 = arith.mulf %mul3A_796, %gather3A_791 : vector<16xf32>
      %add3A_798 = arith.addf %add3A_783, %mul3A_797 : vector<16xf32>
      %add3A_799 = arith.constant 46 : i32
      %add3A_800 = vector.broadcast %add3A_799 : i32 to vector<16xi32>
      %add3A_801 = arith.addi %mul3A_92, %add3A_800 : vector<16xi32>
      %gather3A_802 = tpu.vector_load_idx %arg14[%add3A_82, %add3A_801] : memref<256x128xf32, #tpu.memory_space<vmem>>[vector<16xi32>, vector<16xi32>], vector<16xf32>,
      %add3A_803 = arith.constant 46 : i32
      %add3A_804 = vector.broadcast %add3A_803 : i32 to vector<16xi32>
      %add3A_805 = arith.addi %mul3A_100, %add3A_804 : vector<16xi32>
      %gather3A_806 = tpu.vector_load_idx %arg15[%add3A_82, %add3A_805] : memref<256x128xf32, #tpu.memory_space<vmem>>[vector<16xi32>, vector<16xi32>], vector<16xf32>,
      %add3A_807 = arith.constant 46 : i32
      %add3A_808 = vector.broadcast %add3A_807 : i32 to vector<16xi32>
      %add3A_809 = arith.addi %mul3A_108, %add3A_808 : vector<16xi32>
      %gather3A_810 = tpu.vector_load_idx %arg16[%add3A_82, %add3A_809] : memref<256x128xf32, #tpu.memory_space<vmem>>[vector<16xi32>, vector<16xi32>], vector<16xf32>,
      %mul3A_811 = arith.mulf %gather3A_802, %gather3A_810 : vector<16xf32>
      %mul3A_812 = arith.mulf %mul3A_811, %gather3A_806 : vector<16xf32>
      %add3A_813 = arith.addf %add3A_798, %mul3A_812 : vector<16xf32>
      %add3A_814 = arith.constant 47 : i32
      %add3A_815 = vector.broadcast %add3A_814 : i32 to vector<16xi32>
      %add3A_816 = arith.addi %mul3A_92, %add3A_815 : vector<16xi32>
      %gather3A_817 = tpu.vector_load_idx %arg14[%add3A_82, %add3A_816] : memref<256x128xf32, #tpu.memory_space<vmem>>[vector<16xi32>, vector<16xi32>], vector<16xf32>,
      %add3A_818 = arith.constant 47 : i32
      %add3A_819 = vector.broadcast %add3A_818 : i32 to vector<16xi32>
      %add3A_820 = arith.addi %mul3A_100, %add3A_819 : vector<16xi32>
      %gather3A_821 = tpu.vector_load_idx %arg15[%add3A_82, %add3A_820] : memref<256x128xf32, #tpu.memory_space<vmem>>[vector<16xi32>, vector<16xi32>], vector<16xf32>,
      %add3A_822 = arith.constant 47 : i32
      %add3A_823 = vector.broadcast %add3A_822 : i32 to vector<16xi32>
      %add3A_824 = arith.addi %mul3A_108, %add3A_823 : vector<16xi32>
      %gather3A_825 = tpu.vector_load_idx %arg16[%add3A_82, %add3A_824] : memref<256x128xf32, #tpu.memory_space<vmem>>[vector<16xi32>, vector<16xi32>], vector<16xf32>,
      %mul3A_826 = arith.mulf %gather3A_817, %gather3A_825 : vector<16xf32>
      %mul3A_827 = arith.mulf %mul3A_826, %gather3A_821 : vector<16xf32>
      %add3A_828 = arith.addf %add3A_813, %mul3A_827 : vector<16xf32>
      %add3A_829 = arith.constant 48 : i32
      %add3A_830 = vector.broadcast %add3A_829 : i32 to vector<16xi32>
      %add3A_831 = arith.addi %mul3A_92, %add3A_830 : vector<16xi32>
      %gather3A_832 = tpu.vector_load_idx %arg14[%add3A_82, %add3A_831] : memref<256x128xf32, #tpu.memory_space<vmem>>[vector<16xi32>, vector<16xi32>], vector<16xf32>,
      %add3A_833 = arith.constant 48 : i32
      %add3A_834 = vector.broadcast %add3A_833 : i32 to vector<16xi32>
      %add3A_835 = arith.addi %mul3A_100, %add3A_834 : vector<16xi32>
      %gather3A_836 = tpu.vector_load_idx %arg15[%add3A_82, %add3A_835] : memref<256x128xf32, #tpu.memory_space<vmem>>[vector<16xi32>, vector<16xi32>], vector<16xf32>,
      %add3A_837 = arith.constant 48 : i32
      %add3A_838 = vector.broadcast %add3A_837 : i32 to vector<16xi32>
      %add3A_839 = arith.addi %mul3A_108, %add3A_838 : vector<16xi32>
      %gather3A_840 = tpu.vector_load_idx %arg16[%add3A_82, %add3A_839] : memref<256x128xf32, #tpu.memory_space<vmem>>[vector<16xi32>, vector<16xi32>], vector<16xf32>,
      %mul3A_841 = arith.mulf %gather3A_832, %gather3A_840 : vector<16xf32>
      %mul3A_842 = arith.mulf %mul3A_841, %gather3A_836 : vector<16xf32>
      %add3A_843 = arith.addf %add3A_828, %mul3A_842 : vector<16xf32>
      %add3A_844 = arith.constant 49 : i32
      %add3A_845 = vector.broadcast %add3A_844 : i32 to vector<16xi32>
      %add3A_846 = arith.addi %mul3A_92, %add3A_845 : vector<16xi32>
      %gather3A_847 = tpu.vector_load_idx %arg14[%add3A_82, %add3A_846] : memref<256x128xf32, #tpu.memory_space<vmem>>[vector<16xi32>, vector<16xi32>], vector<16xf32>,
      %add3A_848 = arith.constant 49 : i32
      %add3A_849 = vector.broadcast %add3A_848 : i32 to vector<16xi32>
      %add3A_850 = arith.addi %mul3A_100, %add3A_849 : vector<16xi32>
      %gather3A_851 = tpu.vector_load_idx %arg15[%add3A_82, %add3A_850] : memref<256x128xf32, #tpu.memory_space<vmem>>[vector<16xi32>, vector<16xi32>], vector<16xf32>,
      %add3A_852 = arith.constant 49 : i32
      %add3A_853 = vector.broadcast %add3A_852 : i32 to vector<16xi32>
      %add3A_854 = arith.addi %mul3A_108, %add3A_853 : vector<16xi32>
      %gather3A_855 = tpu.vector_load_idx %arg16[%add3A_82, %add3A_854] : memref<256x128xf32, #tpu.memory_space<vmem>>[vector<16xi32>, vector<16xi32>], vector<16xf32>,
      %mul3A_856 = arith.mulf %gather3A_847, %gather3A_855 : vector<16xf32>
      %mul3A_857 = arith.mulf %mul3A_856, %gather3A_851 : vector<16xf32>
      %add3A_858 = arith.addf %add3A_843, %mul3A_857 : vector<16xf32>
      %add3A_859 = arith.constant 50 : i32
      %add3A_860 = vector.broadcast %add3A_859 : i32 to vector<16xi32>
      %add3A_861 = arith.addi %mul3A_92, %add3A_860 : vector<16xi32>
      %gather3A_862 = tpu.vector_load_idx %arg14[%add3A_82, %add3A_861] : memref<256x128xf32, #tpu.memory_space<vmem>>[vector<16xi32>, vector<16xi32>], vector<16xf32>,
      %add3A_863 = arith.constant 50 : i32
      %add3A_864 = vector.broadcast %add3A_863 : i32 to vector<16xi32>
      %add3A_865 = arith.addi %mul3A_100, %add3A_864 : vector<16xi32>
      %gather3A_866 = tpu.vector_load_idx %arg15[%add3A_82, %add3A_865] : memref<256x128xf32, #tpu.memory_space<vmem>>[vector<16xi32>, vector<16xi32>], vector<16xf32>,
      %add3A_867 = arith.constant 50 : i32
      %add3A_868 = vector.broadcast %add3A_867 : i32 to vector<16xi32>
      %add3A_869 = arith.addi %mul3A_108, %add3A_868 : vector<16xi32>
      %gather3A_870 = tpu.vector_load_idx %arg16[%add3A_82, %add3A_869] : memref<256x128xf32, #tpu.memory_space<vmem>>[vector<16xi32>, vector<16xi32>], vector<16xf32>,
      %mul3A_871 = arith.mulf %gather3A_862, %gather3A_870 : vector<16xf32>
      %mul3A_872 = arith.mulf %mul3A_871, %gather3A_866 : vector<16xf32>
      %add3A_873 = arith.addf %add3A_858, %mul3A_872 : vector<16xf32>
      %add3A_874 = arith.constant 51 : i32
      %add3A_875 = vector.broadcast %add3A_874 : i32 to vector<16xi32>
      %add3A_876 = arith.addi %mul3A_92, %add3A_875 : vector<16xi32>
      %gather3A_877 = tpu.vector_load_idx %arg14[%add3A_82, %add3A_876] : memref<256x128xf32, #tpu.memory_space<vmem>>[vector<16xi32>, vector<16xi32>], vector<16xf32>,
      %add3A_878 = arith.constant 51 : i32
      %add3A_879 = vector.broadcast %add3A_878 : i32 to vector<16xi32>
      %add3A_880 = arith.addi %mul3A_100, %add3A_879 : vector<16xi32>
      %gather3A_881 = tpu.vector_load_idx %arg15[%add3A_82, %add3A_880] : memref<256x128xf32, #tpu.memory_space<vmem>>[vector<16xi32>, vector<16xi32>], vector<16xf32>,
      %add3A_882 = arith.constant 51 : i32
      %add3A_883 = vector.broadcast %add3A_882 : i32 to vector<16xi32>
      %add3A_884 = arith.addi %mul3A_108, %add3A_883 : vector<16xi32>
      %gather3A_885 = tpu.vector_load_idx %arg16[%add3A_82, %add3A_884] : memref<256x128xf32, #tpu.memory_space<vmem>>[vector<16xi32>, vector<16xi32>], vector<16xf32>,
      %mul3A_886 = arith.mulf %gather3A_877, %gather3A_885 : vector<16xf32>
      %mul3A_887 = arith.mulf %mul3A_886, %gather3A_881 : vector<16xf32>
      %add3A_888 = arith.addf %add3A_873, %mul3A_887 : vector<16xf32>
      %add3A_889 = arith.constant 52 : i32
      %add3A_890 = vector.broadcast %add3A_889 : i32 to vector<16xi32>
      %add3A_891 = arith.addi %mul3A_92, %add3A_890 : vector<16xi32>
      %gather3A_892 = tpu.vector_load_idx %arg14[%add3A_82, %add3A_891] : memref<256x128xf32, #tpu.memory_space<vmem>>[vector<16xi32>, vector<16xi32>], vector<16xf32>,
      %add3A_893 = arith.constant 52 : i32
      %add3A_894 = vector.broadcast %add3A_893 : i32 to vector<16xi32>
      %add3A_895 = arith.addi %mul3A_100, %add3A_894 : vector<16xi32>
      %gather3A_896 = tpu.vector_load_idx %arg15[%add3A_82, %add3A_895] : memref<256x128xf32, #tpu.memory_space<vmem>>[vector<16xi32>, vector<16xi32>], vector<16xf32>,
      %add3A_897 = arith.constant 52 : i32
      %add3A_898 = vector.broadcast %add3A_897 : i32 to vector<16xi32>
      %add3A_899 = arith.addi %mul3A_108, %add3A_898 : vector<16xi32>
      %gather3A_900 = tpu.vector_load_idx %arg16[%add3A_82, %add3A_899] : memref<256x128xf32, #tpu.memory_space<vmem>>[vector<16xi32>, vector<16xi32>], vector<16xf32>,
      %mul3A_901 = arith.mulf %gather3A_892, %gather3A_900 : vector<16xf32>
      %mul3A_902 = arith.mulf %mul3A_901, %gather3A_896 : vector<16xf32>
      %add3A_903 = arith.addf %add3A_888, %mul3A_902 : vector<16xf32>
      %add3A_904 = arith.constant 53 : i32
      %add3A_905 = vector.broadcast %add3A_904 : i32 to vector<16xi32>
      %add3A_906 = arith.addi %mul3A_92, %add3A_905 : vector<16xi32>
      %gather3A_907 = tpu.vector_load_idx %arg14[%add3A_82, %add3A_906] : memref<256x128xf32, #tpu.memory_space<vmem>>[vector<16xi32>, vector<16xi32>], vector<16xf32>,
      %add3A_908 = arith.constant 53 : i32
      %add3A_909 = vector.broadcast %add3A_908 : i32 to vector<16xi32>
      %add3A_910 = arith.addi %mul3A_100, %add3A_909 : vector<16xi32>
      %gather3A_911 = tpu.vector_load_idx %arg15[%add3A_82, %add3A_910] : memref<256x128xf32, #tpu.memory_space<vmem>>[vector<16xi32>, vector<16xi32>], vector<16xf32>,
      %add3A_912 = arith.constant 53 : i32
      %add3A_913 = vector.broadcast %add3A_912 : i32 to vector<16xi32>
      %add3A_914 = arith.addi %mul3A_108, %add3A_913 : vector<16xi32>
      %gather3A_915 = tpu.vector_load_idx %arg16[%add3A_82, %add3A_914] : memref<256x128xf32, #tpu.memory_space<vmem>>[vector<16xi32>, vector<16xi32>], vector<16xf32>,
      %mul3A_916 = arith.mulf %gather3A_907, %gather3A_915 : vector<16xf32>
      %mul3A_917 = arith.mulf %mul3A_916, %gather3A_911 : vector<16xf32>
      %add3A_918 = arith.addf %add3A_903, %mul3A_917 : vector<16xf32>
      %add3A_919 = arith.constant 54 : i32
      %add3A_920 = vector.broadcast %add3A_919 : i32 to vector<16xi32>
      %add3A_921 = arith.addi %mul3A_92, %add3A_920 : vector<16xi32>
      %gather3A_922 = tpu.vector_load_idx %arg14[%add3A_82, %add3A_921] : memref<256x128xf32, #tpu.memory_space<vmem>>[vector<16xi32>, vector<16xi32>], vector<16xf32>,
      %add3A_923 = arith.constant 54 : i32
      %add3A_924 = vector.broadcast %add3A_923 : i32 to vector<16xi32>
      %add3A_925 = arith.addi %mul3A_100, %add3A_924 : vector<16xi32>
      %gather3A_926 = tpu.vector_load_idx %arg15[%add3A_82, %add3A_925] : memref<256x128xf32, #tpu.memory_space<vmem>>[vector<16xi32>, vector<16xi32>], vector<16xf32>,
      %add3A_927 = arith.constant 54 : i32
      %add3A_928 = vector.broadcast %add3A_927 : i32 to vector<16xi32>
      %add3A_929 = arith.addi %mul3A_108, %add3A_928 : vector<16xi32>
      %gather3A_930 = tpu.vector_load_idx %arg16[%add3A_82, %add3A_929] : memref<256x128xf32, #tpu.memory_space<vmem>>[vector<16xi32>, vector<16xi32>], vector<16xf32>,
      %mul3A_931 = arith.mulf %gather3A_922, %gather3A_930 : vector<16xf32>
      %mul3A_932 = arith.mulf %mul3A_931, %gather3A_926 : vector<16xf32>
      %add3A_933 = arith.addf %add3A_918, %mul3A_932 : vector<16xf32>
      %add3A_934 = arith.constant 55 : i32
      %add3A_935 = vector.broadcast %add3A_934 : i32 to vector<16xi32>
      %add3A_936 = arith.addi %mul3A_92, %add3A_935 : vector<16xi32>
      %gather3A_937 = tpu.vector_load_idx %arg14[%add3A_82, %add3A_936] : memref<256x128xf32, #tpu.memory_space<vmem>>[vector<16xi32>, vector<16xi32>], vector<16xf32>,
      %add3A_938 = arith.constant 55 : i32
      %add3A_939 = vector.broadcast %add3A_938 : i32 to vector<16xi32>
      %add3A_940 = arith.addi %mul3A_100, %add3A_939 : vector<16xi32>
      %gather3A_941 = tpu.vector_load_idx %arg15[%add3A_82, %add3A_940] : memref<256x128xf32, #tpu.memory_space<vmem>>[vector<16xi32>, vector<16xi32>], vector<16xf32>,
      %add3A_942 = arith.constant 55 : i32
      %add3A_943 = vector.broadcast %add3A_942 : i32 to vector<16xi32>
      %add3A_944 = arith.addi %mul3A_108, %add3A_943 : vector<16xi32>
      %gather3A_945 = tpu.vector_load_idx %arg16[%add3A_82, %add3A_944] : memref<256x128xf32, #tpu.memory_space<vmem>>[vector<16xi32>, vector<16xi32>], vector<16xf32>,
      %mul3A_946 = arith.mulf %gather3A_937, %gather3A_945 : vector<16xf32>
      %mul3A_947 = arith.mulf %mul3A_946, %gather3A_941 : vector<16xf32>
      %add3A_948 = arith.addf %add3A_933, %mul3A_947 : vector<16xf32>
      %add3A_949 = arith.constant 56 : i32
      %add3A_950 = vector.broadcast %add3A_949 : i32 to vector<16xi32>
      %add3A_951 = arith.addi %mul3A_92, %add3A_950 : vector<16xi32>
      %gather3A_952 = tpu.vector_load_idx %arg14[%add3A_82, %add3A_951] : memref<256x128xf32, #tpu.memory_space<vmem>>[vector<16xi32>, vector<16xi32>], vector<16xf32>,
      %add3A_953 = arith.constant 56 : i32
      %add3A_954 = vector.broadcast %add3A_953 : i32 to vector<16xi32>
      %add3A_955 = arith.addi %mul3A_100, %add3A_954 : vector<16xi32>
      %gather3A_956 = tpu.vector_load_idx %arg15[%add3A_82, %add3A_955] : memref<256x128xf32, #tpu.memory_space<vmem>>[vector<16xi32>, vector<16xi32>], vector<16xf32>,
      %add3A_957 = arith.constant 56 : i32
      %add3A_958 = vector.broadcast %add3A_957 : i32 to vector<16xi32>
      %add3A_959 = arith.addi %mul3A_108, %add3A_958 : vector<16xi32>
      %gather3A_960 = tpu.vector_load_idx %arg16[%add3A_82, %add3A_959] : memref<256x128xf32, #tpu.memory_space<vmem>>[vector<16xi32>, vector<16xi32>], vector<16xf32>,
      %mul3A_961 = arith.mulf %gather3A_952, %gather3A_960 : vector<16xf32>
      %mul3A_962 = arith.mulf %mul3A_961, %gather3A_956 : vector<16xf32>
      %add3A_963 = arith.addf %add3A_948, %mul3A_962 : vector<16xf32>
      %add3A_964 = arith.constant 57 : i32
      %add3A_965 = vector.broadcast %add3A_964 : i32 to vector<16xi32>
      %add3A_966 = arith.addi %mul3A_92, %add3A_965 : vector<16xi32>
      %gather3A_967 = tpu.vector_load_idx %arg14[%add3A_82, %add3A_966] : memref<256x128xf32, #tpu.memory_space<vmem>>[vector<16xi32>, vector<16xi32>], vector<16xf32>,
      %add3A_968 = arith.constant 57 : i32
      %add3A_969 = vector.broadcast %add3A_968 : i32 to vector<16xi32>
      %add3A_970 = arith.addi %mul3A_100, %add3A_969 : vector<16xi32>
      %gather3A_971 = tpu.vector_load_idx %arg15[%add3A_82, %add3A_970] : memref<256x128xf32, #tpu.memory_space<vmem>>[vector<16xi32>, vector<16xi32>], vector<16xf32>,
      %add3A_972 = arith.constant 57 : i32
      %add3A_973 = vector.broadcast %add3A_972 : i32 to vector<16xi32>
      %add3A_974 = arith.addi %mul3A_108, %add3A_973 : vector<16xi32>
      %gather3A_975 = tpu.vector_load_idx %arg16[%add3A_82, %add3A_974] : memref<256x128xf32, #tpu.memory_space<vmem>>[vector<16xi32>, vector<16xi32>], vector<16xf32>,
      %mul3A_976 = arith.mulf %gather3A_967, %gather3A_975 : vector<16xf32>
      %mul3A_977 = arith.mulf %mul3A_976, %gather3A_971 : vector<16xf32>
      %add3A_978 = arith.addf %add3A_963, %mul3A_977 : vector<16xf32>
      %add3A_979 = arith.constant 58 : i32
      %add3A_980 = vector.broadcast %add3A_979 : i32 to vector<16xi32>
      %add3A_981 = arith.addi %mul3A_92, %add3A_980 : vector<16xi32>
      %gather3A_982 = tpu.vector_load_idx %arg14[%add3A_82, %add3A_981] : memref<256x128xf32, #tpu.memory_space<vmem>>[vector<16xi32>, vector<16xi32>], vector<16xf32>,
      %add3A_983 = arith.constant 58 : i32
      %add3A_984 = vector.broadcast %add3A_983 : i32 to vector<16xi32>
      %add3A_985 = arith.addi %mul3A_100, %add3A_984 : vector<16xi32>
      %gather3A_986 = tpu.vector_load_idx %arg15[%add3A_82, %add3A_985] : memref<256x128xf32, #tpu.memory_space<vmem>>[vector<16xi32>, vector<16xi32>], vector<16xf32>,
      %add3A_987 = arith.constant 58 : i32
      %add3A_988 = vector.broadcast %add3A_987 : i32 to vector<16xi32>
      %add3A_989 = arith.addi %mul3A_108, %add3A_988 : vector<16xi32>
      %gather3A_990 = tpu.vector_load_idx %arg16[%add3A_82, %add3A_989] : memref<256x128xf32, #tpu.memory_space<vmem>>[vector<16xi32>, vector<16xi32>], vector<16xf32>,
      %mul3A_991 = arith.mulf %gather3A_982, %gather3A_990 : vector<16xf32>
      %mul3A_992 = arith.mulf %mul3A_991, %gather3A_986 : vector<16xf32>
      %add3A_993 = arith.addf %add3A_978, %mul3A_992 : vector<16xf32>
      %add3A_994 = arith.constant 59 : i32
      %add3A_995 = vector.broadcast %add3A_994 : i32 to vector<16xi32>
      %add3A_996 = arith.addi %mul3A_92, %add3A_995 : vector<16xi32>
      %gather3A_997 = tpu.vector_load_idx %arg14[%add3A_82, %add3A_996] : memref<256x128xf32, #tpu.memory_space<vmem>>[vector<16xi32>, vector<16xi32>], vector<16xf32>,
      %add3A_998 = arith.constant 59 : i32
      %add3A_999 = vector.broadcast %add3A_998 : i32 to vector<16xi32>
      %add3A_1000 = arith.addi %mul3A_100, %add3A_999 : vector<16xi32>
      %gather3A_1001 = tpu.vector_load_idx %arg15[%add3A_82, %add3A_1000] : memref<256x128xf32, #tpu.memory_space<vmem>>[vector<16xi32>, vector<16xi32>], vector<16xf32>,
      %add3A_1002 = arith.constant 59 : i32
      %add3A_1003 = vector.broadcast %add3A_1002 : i32 to vector<16xi32>
      %add3A_1004 = arith.addi %mul3A_108, %add3A_1003 : vector<16xi32>
      %gather3A_1005 = tpu.vector_load_idx %arg16[%add3A_82, %add3A_1004] : memref<256x128xf32, #tpu.memory_space<vmem>>[vector<16xi32>, vector<16xi32>], vector<16xf32>,
      %mul3A_1006 = arith.mulf %gather3A_997, %gather3A_1005 : vector<16xf32>
      %mul3A_1007 = arith.mulf %mul3A_1006, %gather3A_1001 : vector<16xf32>
      %add3A_1008 = arith.addf %add3A_993, %mul3A_1007 : vector<16xf32>
      %add3A_1009 = arith.constant 60 : i32
      %add3A_1010 = vector.broadcast %add3A_1009 : i32 to vector<16xi32>
      %add3A_1011 = arith.addi %mul3A_92, %add3A_1010 : vector<16xi32>
      %gather3A_1012 = tpu.vector_load_idx %arg14[%add3A_82, %add3A_1011] : memref<256x128xf32, #tpu.memory_space<vmem>>[vector<16xi32>, vector<16xi32>], vector<16xf32>,
      %add3A_1013 = arith.constant 60 : i32
      %add3A_1014 = vector.broadcast %add3A_1013 : i32 to vector<16xi32>
      %add3A_1015 = arith.addi %mul3A_100, %add3A_1014 : vector<16xi32>
      %gather3A_1016 = tpu.vector_load_idx %arg15[%add3A_82, %add3A_1015] : memref<256x128xf32, #tpu.memory_space<vmem>>[vector<16xi32>, vector<16xi32>], vector<16xf32>,
      %add3A_1017 = arith.constant 60 : i32
      %add3A_1018 = vector.broadcast %add3A_1017 : i32 to vector<16xi32>
      %add3A_1019 = arith.addi %mul3A_108, %add3A_1018 : vector<16xi32>
      %gather3A_1020 = tpu.vector_load_idx %arg16[%add3A_82, %add3A_1019] : memref<256x128xf32, #tpu.memory_space<vmem>>[vector<16xi32>, vector<16xi32>], vector<16xf32>,
      %mul3A_1021 = arith.mulf %gather3A_1012, %gather3A_1020 : vector<16xf32>
      %mul3A_1022 = arith.mulf %mul3A_1021, %gather3A_1016 : vector<16xf32>
      %add3A_1023 = arith.addf %add3A_1008, %mul3A_1022 : vector<16xf32>
      %add3A_1024 = arith.constant 61 : i32
      %add3A_1025 = vector.broadcast %add3A_1024 : i32 to vector<16xi32>
      %add3A_1026 = arith.addi %mul3A_92, %add3A_1025 : vector<16xi32>
      %gather3A_1027 = tpu.vector_load_idx %arg14[%add3A_82, %add3A_1026] : memref<256x128xf32, #tpu.memory_space<vmem>>[vector<16xi32>, vector<16xi32>], vector<16xf32>,
      %add3A_1028 = arith.constant 61 : i32
      %add3A_1029 = vector.broadcast %add3A_1028 : i32 to vector<16xi32>
      %add3A_1030 = arith.addi %mul3A_100, %add3A_1029 : vector<16xi32>
      %gather3A_1031 = tpu.vector_load_idx %arg15[%add3A_82, %add3A_1030] : memref<256x128xf32, #tpu.memory_space<vmem>>[vector<16xi32>, vector<16xi32>], vector<16xf32>,
      %add3A_1032 = arith.constant 61 : i32
      %add3A_1033 = vector.broadcast %add3A_1032 : i32 to vector<16xi32>
      %add3A_1034 = arith.addi %mul3A_108, %add3A_1033 : vector<16xi32>
      %gather3A_1035 = tpu.vector_load_idx %arg16[%add3A_82, %add3A_1034] : memref<256x128xf32, #tpu.memory_space<vmem>>[vector<16xi32>, vector<16xi32>], vector<16xf32>,
      %mul3A_1036 = arith.mulf %gather3A_1027, %gather3A_1035 : vector<16xf32>
      %mul3A_1037 = arith.mulf %mul3A_1036, %gather3A_1031 : vector<16xf32>
      %add3A_1038 = arith.addf %add3A_1023, %mul3A_1037 : vector<16xf32>
      %add3A_1039 = arith.constant 62 : i32
      %add3A_1040 = vector.broadcast %add3A_1039 : i32 to vector<16xi32>
      %add3A_1041 = arith.addi %mul3A_92, %add3A_1040 : vector<16xi32>
      %gather3A_1042 = tpu.vector_load_idx %arg14[%add3A_82, %add3A_1041] : memref<256x128xf32, #tpu.memory_space<vmem>>[vector<16xi32>, vector<16xi32>], vector<16xf32>,
      %add3A_1043 = arith.constant 62 : i32
      %add3A_1044 = vector.broadcast %add3A_1043 : i32 to vector<16xi32>
      %add3A_1045 = arith.addi %mul3A_100, %add3A_1044 : vector<16xi32>
      %gather3A_1046 = tpu.vector_load_idx %arg15[%add3A_82, %add3A_1045] : memref<256x128xf32, #tpu.memory_space<vmem>>[vector<16xi32>, vector<16xi32>], vector<16xf32>,
      %add3A_1047 = arith.constant 62 : i32
      %add3A_1048 = vector.broadcast %add3A_1047 : i32 to vector<16xi32>
      %add3A_1049 = arith.addi %mul3A_108, %add3A_1048 : vector<16xi32>
      %gather3A_1050 = tpu.vector_load_idx %arg16[%add3A_82, %add3A_1049] : memref<256x128xf32, #tpu.memory_space<vmem>>[vector<16xi32>, vector<16xi32>], vector<16xf32>,
      %mul3A_1051 = arith.mulf %gather3A_1042, %gather3A_1050 : vector<16xf32>
      %mul3A_1052 = arith.mulf %mul3A_1051, %gather3A_1046 : vector<16xf32>
      %add3A_1053 = arith.addf %add3A_1038, %mul3A_1052 : vector<16xf32>
      %add3A_1054 = arith.constant 63 : i32
      %add3A_1055 = vector.broadcast %add3A_1054 : i32 to vector<16xi32>
      %add3A_1056 = arith.addi %mul3A_92, %add3A_1055 : vector<16xi32>
      %gather3A_1057 = tpu.vector_load_idx %arg14[%add3A_82, %add3A_1056] : memref<256x128xf32, #tpu.memory_space<vmem>>[vector<16xi32>, vector<16xi32>], vector<16xf32>,
      %add3A_1058 = arith.constant 63 : i32
      %add3A_1059 = vector.broadcast %add3A_1058 : i32 to vector<16xi32>
      %add3A_1060 = arith.addi %mul3A_100, %add3A_1059 : vector<16xi32>
      %gather3A_1061 = tpu.vector_load_idx %arg15[%add3A_82, %add3A_1060] : memref<256x128xf32, #tpu.memory_space<vmem>>[vector<16xi32>, vector<16xi32>], vector<16xf32>,
      %add3A_1062 = arith.constant 63 : i32
      %add3A_1063 = vector.broadcast %add3A_1062 : i32 to vector<16xi32>
      %add3A_1064 = arith.addi %mul3A_108, %add3A_1063 : vector<16xi32>
      %gather3A_1065 = tpu.vector_load_idx %arg16[%add3A_82, %add3A_1064] : memref<256x128xf32, #tpu.memory_space<vmem>>[vector<16xi32>, vector<16xi32>], vector<16xf32>,
      %mul3A_1066 = arith.mulf %gather3A_1057, %gather3A_1065 : vector<16xf32>
      %mul3A_1067 = arith.mulf %mul3A_1066, %gather3A_1061 : vector<16xf32>
      %add3A_1068 = arith.addf %add3A_1053, %mul3A_1067 : vector<16xf32>
      %swap3A = arith.index_cast %add3A_86 : i32 to index
      %swap3A_1069 = tpu.vector_load %arg17[%swap3A] {strides = array<i32>} : memref<512xf32, #tpu.memory_space<vmem>>, vector<16xf32>,
      tpu.vector_store %arg17[%swap3A], %add3A_1068 {strides = array<i32>} : memref<512xf32, #tpu.memory_space<vmem>>, vector<16xf32>,
    }
    %scan3A_77 = arith.constant 16 : i32
    "tpu.region"() ({
      %run_scoped3A = tpu.sem_alloc : memref<!tpu.dma_semaphore, #tpu.memory_space<semaphore_mem>>
      %dma_start3A_78 = tpu.memref_slice %arg7[%mul3A_2] : memref<16384xf32, #tpu.memory_space<hbm>> -> memref<512xf32, #tpu.memory_space<hbm>>
      %dma_start3A_79 = tpu.memref_slice %arg7[%mul3A_2] : memref<16384xf32, #tpu.memory_space<hbm>> -> memref<512xf32, #tpu.memory_space<hbm>>
      tpu.enqueue_dma source(%arg17 : memref<512xf32, #tpu.memory_space<vmem>>) target(%dma_start3A_79 : memref<512xf32, #tpu.memory_space<hbm>>) target_semaphore(%run_scoped3A : memref<!tpu.dma_semaphore, #tpu.memory_space<semaphore_mem>>)
      %dma_wait3A_80 = tpu.memref_slice %arg7[%mul3A_2] : memref<16384xf32, #tpu.memory_space<hbm>> -> memref<512xf32, #tpu.memory_space<hbm>>
      %dma_wait3A_81 = tpu.memref_slice %arg7[%mul3A_2] : memref<16384xf32, #tpu.memory_space<hbm>> -> memref<512xf32, #tpu.memory_space<hbm>>
      tpu.wait_dma2 semaphore(%run_scoped3A : memref<!tpu.dma_semaphore, #tpu.memory_space<semaphore_mem>>) src(%arg17 : memref<512xf32, #tpu.memory_space<vmem>>) dst(%dma_wait3A_81 : memref<512xf32, #tpu.memory_space<hbm>>)
      tpu.yield
    }) : () -> ()
    return
  }
}

module attributes {stable_mosaic.version = 14 : i64} {
  func.func @_relayout_body(%arg0: i32, %arg1: memref<64x1024xf32, #tpu.memory_space<vmem>>, %arg2: memref<64x1024xf32, #tpu.memory_space<vmem>>, %arg3: memref<64x1024xf32, #tpu.memory_space<vmem>>, %arg4: memref<64x1024xf32, #tpu.memory_space<vmem>>, %arg5: memref<1024x128xf32, #tpu.memory_space<vmem>>, %arg6: memref<1024x128xf32, #tpu.memory_space<vmem>>) attributes {dimension_semantics = [#tpu.dimension_semantics<arbitrary>], iteration_bounds = array<i64: 512>, scalar_prefetch = 0 : i64, scratch_operands = 0 : i64, tpu.core_type = #tpu.core_type<tc>, window_params = [{transform_indices = @transform_0, window_bounds = array<i64: 64, 1024>}, {transform_indices = @transform_1, window_bounds = array<i64: 64, 1024>}, {transform_indices = @transform_2, window_bounds = array<i64: 64, 1024>}, {transform_indices = @transform_3, window_bounds = array<i64: 64, 1024>}, {transform_indices = @transform_4, window_bounds = array<i64: 1024, 128>}, {transform_indices = @transform_5, window_bounds = array<i64: 1024, 128>}]} {
    %get3A = arith.constant 0 : index
    %get3A_0 = arith.constant 0 : index
    %get3A_1 = vector.load %arg1[%get3A, %get3A_0] : memref<64x1024xf32, #tpu.memory_space<vmem>>, vector<64x1024xf32>
    %transpose3A = tpu.transpose %get3A_1, [1, 0] : vector<64x1024xf32> -> vector<1024x64xf32>
    %get3A_2 = arith.constant 0 : index
    %get3A_3 = arith.constant 0 : index
    %get3A_4 = vector.load %arg2[%get3A_2, %get3A_3] : memref<64x1024xf32, #tpu.memory_space<vmem>>, vector<64x1024xf32>
    %transpose3A_5 = tpu.transpose %get3A_4, [1, 0] : vector<64x1024xf32> -> vector<1024x64xf32>
    %concatenate3A = tpu.concatenate %transpose3A, %transpose3A_5 in 1 : vector<1024x64xf32>, vector<1024x64xf32> -> vector<1024x128xf32>
    %swap3A = arith.constant 0 : index
    %swap3A_6 = arith.constant 0 : index
    %swap3A_7 = vector.load %arg5[%swap3A, %swap3A_6] : memref<1024x128xf32, #tpu.memory_space<vmem>>, vector<1024x128xf32>
    tpu.vector_store %arg5[%swap3A, %swap3A_6], %concatenate3A {strides = array<i32>} : memref<1024x128xf32, #tpu.memory_space<vmem>>, vector<1024x128xf32>,
    %get3A_8 = arith.constant 0 : index
    %get3A_9 = arith.constant 0 : index
    %get3A_10 = vector.load %arg3[%get3A_8, %get3A_9] : memref<64x1024xf32, #tpu.memory_space<vmem>>, vector<64x1024xf32>
    %transpose3A_11 = tpu.transpose %get3A_10, [1, 0] : vector<64x1024xf32> -> vector<1024x64xf32>
    %get3A_12 = arith.constant 0 : index
    %get3A_13 = arith.constant 0 : index
    %get3A_14 = vector.load %arg4[%get3A_12, %get3A_13] : memref<64x1024xf32, #tpu.memory_space<vmem>>, vector<64x1024xf32>
    %transpose3A_15 = tpu.transpose %get3A_14, [1, 0] : vector<64x1024xf32> -> vector<1024x64xf32>
    %concatenate3A_16 = tpu.concatenate %transpose3A_11, %transpose3A_15 in 1 : vector<1024x64xf32>, vector<1024x64xf32> -> vector<1024x128xf32>
    %swap3A_17 = arith.constant 0 : index
    %swap3A_18 = arith.constant 0 : index
    %swap3A_19 = vector.load %arg6[%swap3A_17, %swap3A_18] : memref<1024x128xf32, #tpu.memory_space<vmem>>, vector<1024x128xf32>
    tpu.vector_store %arg6[%swap3A_17, %swap3A_18], %concatenate3A_16 {strides = array<i32>} : memref<1024x128xf32, #tpu.memory_space<vmem>>, vector<1024x128xf32>,
    return
  }
  func.func @transform_0(%arg0: i32) -> (i32, i32) {
    %c0_i32 = arith.constant 0 : i32
    %c0_i32_0 = arith.constant 0 : i32
    return %c0_i32, %arg0 : i32, i32
  }
  func.func @transform_1(%arg0: i32) -> (i32, i32) {
    %add3A = arith.constant 512 : i32
    %add3A_0 = arith.addi %arg0, %add3A : i32
    %min3A = arith.constant 976 : i32
    %min3A_1 = arith.minsi %add3A_0, %min3A : i32
    %c0_i32 = arith.constant 0 : i32
    %c0_i32_2 = arith.constant 0 : i32
    return %c0_i32, %min3A_1 : i32, i32
  }
  func.func @transform_2(%arg0: i32) -> (i32, i32) {
    %c0_i32 = arith.constant 0 : i32
    %c0_i32_0 = arith.constant 0 : i32
    return %c0_i32, %arg0 : i32, i32
  }
  func.func @transform_3(%arg0: i32) -> (i32, i32) {
    %add3A = arith.constant 512 : i32
    %add3A_0 = arith.addi %arg0, %add3A : i32
    %min3A = arith.constant 976 : i32
    %min3A_1 = arith.minsi %add3A_0, %min3A : i32
    %c0_i32 = arith.constant 0 : i32
    %c0_i32_2 = arith.constant 0 : i32
    return %c0_i32, %min3A_1 : i32, i32
  }
  func.func @transform_4(%arg0: i32) -> (i32, i32) {
    %c0_i32 = arith.constant 0 : i32
    %c0_i32_0 = arith.constant 0 : i32
    return %arg0, %c0_i32 : i32, i32
  }
  func.func @transform_5(%arg0: i32) -> (i32, i32) {
    %c0_i32 = arith.constant 0 : i32
    %c0_i32_0 = arith.constant 0 : i32
    return %arg0, %c0_i32 : i32, i32
  }
}

</mosaic_0001>

<sc_bundles>
// kernel: kernel.4.cloned.1.call-start
scs
__scs_entry_jumppad:
0x0: {  	(pc) =	sbr.rel $0x88, $3  }
0x1: {  	(tag) =	ssettag $0x0;
	lr =	simm.s32 $0x1  }
0x2: {  	[smem:$0x3F9E] =	sst lr;
	_ =	strace $0xD0000000  }
0x3: {  	_ = 	snop  }
0x4: {  	_ = 	snop  }
0x5: {  	_ = 	snop  }
0x6: {  	_ = 	snop  }
0x7: {  	_ = 	snop  }
__scs_overlays_trampoline_lowered:
0x8: {  	[smem:$0x3FAD] =	sst s0  }
0x9: {  	[smem:$0x3FAE] =	sst s1  }
0xa: {  	[smem:$0x3FAF] =	sst s2  }
0xb: {  	[smem:$0x3FB0] =	sst s3  }
0xc: {  	[smem:$0x3FB1] =	sst s4  }
0xd: {  	[smem:$0x3FB2] =	sst s5  }
0xe: {  	[smem:$0x3FB3] =	sst s6  }
0xf: {  	[smem:$0x3FB4] =	sst s7  }
0x10: {  	[smem:$0x3FB5] =	sst s8  }
0x11: {  	[smem:$0x3FB6] =	sst s9;
	s0 =	simm.s32 @!p0 $0x0  }
0x12: {  	s1 =	sld [smem:$0x3F9C];
	s0 =	simm.s32 @p0 $0x1  }
0x13: {  	[smem:$0x3FB7] =	sst s0;
	s0 =	simm.s32 @!p1 $0x0  }
0x14: {  	s2 =	sld [smem:$0x3F9B];
	s0 =	simm.s32 @p1 $0x1  }
0x15: {  	[smem:$0x3FB8] =	sst s0;
	s0 =	simm.s32 @!p2 $0x0  }
0x16: {  	s3 =	sld [smem:$0x3FDB];
	s0 =	simm.s32 @p2 $0x1  }
0x17: {  	s4 =	simm.s32 $0x1BF5;
	[smem:$0x3FBA] =	sst s0  }
0x18: {  	s0 =	sld [smem:$0x3F9D];
	_ =	swait.ge [sflag:s4], $0x0  }
0x19: {  	s7 =	sld [smem:$0x3F9E]  }
0x1a: {  	s8 =	sadd.s32 $0xFFFFE003, lr  }
0x1b: {  	s9 =	sadd.s32 $0xFFFFFEF7, lr;
	s5 =	simm.s32 $0xFFFFFFFF;
	p2 =	slt.u32 s8, $0xFFFFF086  }
0x1c: {  	p1 =	slt.u32 s9, $0xF7A;
	s5 =	simm.s32 @!p2 $0x0  }
0x1d: {  	s5 =	simm.s32 @p1 $0x1;
	p0 =	seq.s32 s7, s2  }
0x1e: {  	s7 =	smul.u32 @!p0 $0xF7A, s2;
	p2 =	seq.s32 @!p0 s5, $0x0  }
0x1f: {  	s9 =	smul.u32 $0xF7A, s1;
	s8 =	simm.s32 @!p0 $0x1BF5;
	p2 =	por !p2, p0  }
0x20: {  	[sflag:s8] =	ssyncset.s32 @!p0 $0xFFFFF086;
	s6 =	sadd.s32 @!p0 s3, s7;
	s7 =	simm.s32 @!p0 $0x108  }
0x21: {  	s3 =	sadd.s32 s3, s9;
	s6 =	sadd.s32 @!p0 $0x88, s6;
	s7 =	simm.s32 @p2 $0x1082  }
0x22: {  	[simem:s7], [sflag:s8] =	dma.local @!p0 [hbm:s6], $0xF7A  }
0x23: {  	s9 =	sor.u32 $0xD0000000, s2;
	s6 =	simm.s32 $0x108;
	_ =	swait.ge @!p0 [sflag:s8], $0x0  }
0x24: {  	s3 =	sadd.s32 $0x88, s3;
	s6 =	simm.s32 @!p1 $0x1082;
	[sflag:s4] =	ssyncset.s32 $0xFFFFF086  }
0x25: {  	[simem:s6], [sflag:s4] =	dma.local [hbm:s3], $0xF7A  }
0x26: {  	[smem:$0x3F9E] =	sst s1;
	(tag) =	ssettag s2;
	_ =	strace s9  }
0x27: {  	s1 =	sld [smem:$0x3FAE]  }
0x28: {  	s2 =	sld [smem:$0x3FAF]  }
0x29: {  	s4 =	sld [smem:$0x3FB1]  }
0x2a: {  	p0 =	seq.s32 s5, $0x0;
	s5 =	sld [smem:$0x3FB2]  }
0x2b: {  	s6 =	sld [smem:$0x3FB3]  }
0x2c: {  	s7 =	sld [smem:$0x3FB4]  }
0x2d: {  	s3 =	simm.s32 $0x108;
	s8 =	sld [smem:$0x3FB5]  }
0x2e: {  	s3 =	simm.s32 @!p0 $0x1082;
	s9 =	sld [smem:$0x3FB6]  }
0x2f: {  	lr =	sadd.s32 s0, s3;
	s0 =	sld [smem:$0x3FAD]  }
0x30: {  	s3 =	sld [smem:$0x3FB0]  }
0x31: {  	[smem:$0x3FB9] =	sst s10  }
0x32: {  	s10 =	sld [smem:$0x3FB7];
	_ =	sdelay $0x3  }
0x33: {  	p0 =	seq.s32 s10, $0x1;
	s10 =	sld [smem:$0x3FB9];
	_ =	sdelay $0x3  }
0x34: {  	[smem:$0x3FB9] =	sst s10  }
0x35: {  	s10 =	sld [smem:$0x3FB8];
	_ =	sdelay $0x3  }
0x36: {  	p1 =	seq.s32 s10, $0x1;
	s10 =	sld [smem:$0x3FB9];
	_ =	sdelay $0x3  }
0x37: {  	[smem:$0x3FB9] =	sst s10  }
0x38: {  	s10 =	sld [smem:$0x3FBA]  }
0x39: {  	_ = 	snop;
	(pc) =	sbr.ind lr, $3  }
0x3a: {  	_ = 	snop  }
0x3b: {  	_ = 	snop  }
0x3c: {  	p2 =	seq.s32 s10, $0x1;
	s10 =	sld [smem:$0x3FB9]  }
0x3d: {  	_ =	shalt  }
0x3e: {  	_ =	shalt  }
0x3f: {  	_ =	shalt  }
0x40: {  	_ =	shalt  }
0x41: {  	_ =	shalt  }
0x42: {  	_ =	shalt  }
0x43: {  	_ =	shalt  }
0x44: {  	_ =	shalt  }
0x45: {  	_ =	shalt  }
0x46: {  	_ =	shalt  }
0x47: {  	_ =	shalt  }
0x48: {  	_ =	shalt  }
0x49: {  	_ =	shalt  }
0x4a: {  	_ =	shalt  }
0x4b: {  	_ =	shalt  }
0x4c: {  	_ =	shalt  }
0x4d: {  	_ =	shalt  }
0x4e: {  	_ =	shalt  }
0x4f: {  	_ =	shalt  }
0x50: {  	_ =	shalt  }
0x51: {  	_ =	shalt  }
0x52: {  	_ =	shalt  }
0x53: {  	_ =	shalt  }
0x54: {  	_ =	shalt  }
0x55: {  	_ =	shalt  }
0x56: {  	_ =	shalt  }
0x57: {  	_ =	shalt  }
0x58: {  	_ =	shalt  }
0x59: {  	_ =	shalt  }
0x5a: {  	_ =	shalt  }
0x5b: {  	_ =	shalt  }
0x5c: {  	_ =	shalt  }
0x5d: {  	_ =	shalt  }
0x5e: {  	_ =	shalt  }
0x5f: {  	_ =	shalt  }
0x60: {  	_ =	shalt  }
0x61: {  	_ =	shalt  }
0x62: {  	_ =	shalt  }
0x63: {  	_ =	shalt  }
0x64: {  	_ =	shalt  }
0x65: {  	_ =	shalt  }
0x66: {  	_ =	shalt  }
0x67: {  	_ =	shalt  }
0x68: {  	_ =	shalt  }
0x69: {  	_ =	shalt  }
0x6a: {  	_ =	shalt  }
0x6b: {  	_ =	shalt  }
0x6c: {  	_ =	shalt  }
0x6d: {  	_ =	shalt  }
0x6e: {  	_ =	shalt  }
0x6f: {  	_ =	shalt  }
0x70: {  	_ =	shalt  }
0x71: {  	_ =	shalt  }
0x72: {  	_ =	shalt  }
0x73: {  	_ =	shalt  }
0x74: {  	_ =	shalt  }
0x75: {  	_ =	shalt  }
0x76: {  	_ =	shalt  }
0x77: {  	_ =	shalt  }
0x78: {  	_ =	shalt  }
0x79: {  	_ =	shalt  }
0x7a: {  	_ =	shalt  }
0x7b: {  	_ =	shalt  }
0x7c: {  	_ =	shalt  }
0x7d: {  	_ =	shalt  }
0x7e: {  	_ =	shalt  }
0x7f: {  	_ =	shalt  }
0x80: {  	_ =	shalt  }
0x81: {  	_ =	shalt  }
0x82: {  	_ =	shalt  }
0x83: {  	_ =	shalt  }
0x84: {  	_ =	shalt  }
0x85: {  	_ =	shalt  }
0x86: {  	_ =	shalt  }
0x87: {  	_ =	shalt  }
.Lfunc_end0:
.L_simem_size_0:
called_computation_lowered:
.L_overlay_start_0:
0x88: {  	s2 =	sld [smem:$0x3FD9]  }
0x89: {  	s3 =	sld [smem:$0x3FFE];
	_ =	sdelay $0x1  }
0x8a: {  	s1 =	srdreg.scid  }
0x8b: {  	s0 =	sand.u32 $0x1, s1  }
0x8c: {  	s17 =	sshll.u32 s0, $0xA;
	s2 =	sadd.s32 s3, s2  }
0x8d: {  	s2 =	sadd.s32 s2, s17  }
0x8e: {  	[smem:$0x3FC5] =	sst s2  }
0x8f: {  	_ = 	snop  }
0x90: {  	s2 =	sld [smem:$0x3FD0];
	(tm) =	ssettm $0x1  }
0x91: {  	s18 =	sld [smem:$0x3FFB];
	_ =	sdelay $0x3  }
0x92: {  	_ =	strace s18  }
0x93: {  	s3 =	sld [smem:$0x3FFC];
	_ =	sdelay $0x3  }
0x94: {  	_ =	strace s3  }
0x95: {  	s3 =	sld [smem:$0x3FFD];
	_ =	sdelay $0x3  }
0x96: {  	_ =	strace s3  }
0x97: {  	_ =	strace $0x8FFFFFFF  }
0x98: {  	s19 =	sld [smem:$0x3FDB];
	_ =	sdelay $0x1  }
0x99: {  	s4 =	simm.s32 $_scs_section_size  }
0x9a: {  	s5 =	simm.s32 $_size__tile_overlayer_lowered;
	s6 =	simm.s32 $_tile_overlayer_lowered  }
0x9b: {  	s22 =	simm.s32 $0x1BFF;
	s21 =	sshll.u32 s6, $0x1;
	s3 =	sadd.s32 s4, s19  }
0x9c: {  	s7 =	simm.s32 $0x0;
	s20 =	sshll.u32 s5, $0x1;
	s5 =	sadd.s32 s21, s3  }
0x9d: {  	[timem:s7], [sflag:s22] =	dma.local [hbm:s5], s20  }
0x9e: {  	_ =	swait.ge [sflag:s22], s20  }
0x9f: {  	s4 =	ssub.s32 $0x0, s20;
	[sflag:s22] =	ssyncset.done $0x0  }
0xa0: {  	[sflag:s22] =	ssyncadd.s32 s4;
	_ =	sdelay $0x1  }
0xa1: {  	s23 =	simm.s32 $0x1B8B  }
0xa2: {  	_ =	swait.ge [sflag:s23], $0x1  }
0xa3: {  	[sflag:s23] =	ssyncset.done $0x0  }
0xa4: {  	s25 =	simm.s32 $0x1B8E;
	s24 =	sld [smem:$0x3FFE];
	[sflag:s23] =	ssyncadd.s32 $0xFFFFFFFF  }
0xa5: {  	s26 =	simm.s32 $execute0_lowered;
	[smem:$0x3FD2] =	sst s25  }
0xa6: {  	s5 =	sshll.u32 s26, $0x1;
	_ =	strace $0x80000046;
	[dreg:$0x1] =	wrdreg $0xFFFFFFFF  }
0xa7: {  	s28 =	simm.s32 $_size_execute0_lowered;
	s3 =	sadd.s32 s3, s5;
	[dreg:$0x0] =	wrdreg $0x0  }
0xa8: {  	s5 =	sshll.u32 s28, $0x1;
	[dreg:$0x2] =	wrdreg s3  }
0xa9: {  	[dreg:$0x3] =	wrdreg s5  }
0xaa: {  	[dreg:$0x4] =	wrdreg $0xC0  }
0xab: {  	_ =	task [dreg:s7], $0x5FFFF  }
0xac: {  	[dreg:$0x1] =	wrdreg $0xFFFFFFFF  }
0xad: {  	[dreg:$0x0] =	wrdreg $0x60  }
0xae: {  	[dreg:$0x2] =	wrdreg s24  }
0xaf: {  	[dreg:$0x3] =	wrdreg s2  }
0xb0: {  	[dreg:$0x4] =	wrdreg $0x9  }
0xb1: {  	_ =	task.clear_ibuf [dreg:s7], $0x5FFFF;
	_ =	strace $0x90000046  }
0xb2: {  	s29 =	simm.s32 $0x9;
	_ =	strace $0x80000048  }
0xb3: {  	_ =	swait.ge [sflag:s29], $0x1  }
0xb4: {  	[sflag:s29] =	ssyncadd.s32 $0xFFFFFFFF  }
0xb5: {  	_ =	strace $0x90000048  }
0xb6: {  	_ =	sfence  }
0xb7: {  	s30 =	sld [smem:$0x0];
	_ =	sdelay $0x2  }
0xb8: {  	s31 =	sshll.u32 s1, $0xD;
	s1 =	sshrl.u32 s1, $0x2  }
0xb9: {  	s3 =	sand.u32 $0x4000, s31;
	s1 =	sadd.s32 s1, s30  }
0xba: {  	s0 =	sor.u32 s3, s0;
	s1 =	sshll.u32 s1, $0x11  }
0xbb: {  	s0 =	sor.u32 s1, s0  }
0xbc: {  	s0 =	sadd.s32 $0x8F2B, s0  }
0xbd: {  	[sflag:s0] =	ssyncadd.remote.s32 $0x1  }
0xbe: {  	_ =	sfence.sel $0xFFFF  }
0xbf: {  	[dreg:$0x0] =	wrdreg $0xFFFFFFFF;
	(pc) =	sbr.abs _section_cstart, $3  }
0xc0: {  	[dreg:$0x1] =	wrdreg $0xFFFFFFFF  }
0xc1: {  	_ =	task.clear_ibuf [dreg:s7], $0x2FFFF;
	_ =	strace $0x9FFFFFFF  }
0xc2: {  	(tm) =	ssettm $0x7FFFFFFF  }
0xc3: {  	_ =	shalt  }
tec
execute0_lowered:
.L_overlay_start_1:
0x0: {  	(tag) =	ssettag $0x1  }
0x1: {  	s0 =	rddreg [dreg:$0x0]  }
0x2: {  	s1 =	rddreg [dreg:$0x1]  }
0x3: {  	s2 =	srdreg.scid;
	s4 =	stileid.u32  }
0x4: {  	s10 =	simm.s32 $0x4;
	s11 =	simm.s32 $0x200;
	s12 =	simm.s32 $0x400  }
0x5: {  	s13 =	simm.s32 $0x100;
	s14 =	simm.s32 $0x600;
	s15 =	simm.s32 $0xC00  }
0x6: {  	s16 =	simm.s32 $0x800;
	s17 =	simm.s32 $0x8C00;
	s18 =	simm.s32 $0xA00  }
0x7: {  	s19 =	simm.s32 $0x10C00;
	s20 =	simm.s32 $0x1;
	s21 =	simm.s32 $0x2  }
0x8: {  	s22 =	simm.s32 $0x3;
	s23 =	simm.s32 $0x700;
	s24 =	simm.s32 $0x900  }
0x9: {  	s25 =	simm.s32 $0xB00;
	s26 =	simm.s32 $0x18C00;
	s28 =	simm.s32 $0x0  }
0xa: {  	s3 =	sand.u32 $0x1, s2;
	s2 =	simm.s32 $0x0;
	s4 =	sshll.u32 s4, $0x7  }
0xb: {  	s5 =	sshll.u32 s3, $0x6;
	[smem:$0x7FF] =	sst s2;
	s30 =	ssub.s32 $0x2, s3  }
0xc: {  	v0 =	vlaneseq.u32;
	s3 =	sadd.s32 $0x2000, s0;
	s8 =	sor.u32 s5, s4;
	_ =	strace $0x80000047  }
0xd: {  	v0 =	vmul.u32 $0x80, v0;
	s4 =	sadd.s32 $0x802000, s0;
	s31 =	sshrl.u32 s30, $0x1;
	s7 =	sadd.s32 s8, s0  }
0xe: {  	s0 =	ssub.s32 s30, s31;
	s8 =	sadd.s32 s1, s8;
	s5 =	sadd.s32 $0x1800, s7  }
0xf: {  	[tilespmem:$0x1FFF0] =	vst v0;
	s6 =	sadd.s32 $0x1000, s7;
	s7 =	sadd.s32 $0x800, s7;
	s9 =	smax.u32 s0, $0x1  }
.LBB2_1:
0x10: {  	[tilespmem:s2], [sflag:$0x4] =	stream.linear.gather [hbm4b:s5+s2], $0x200, $0x38;
	[tilespmem:$0x18E00] =	vst v63  }
0x11: {  	_ =	swait.ge [sflag:s10], $0x200  }
0x12: {  	[sflag:s10] =	ssyncset.done $0x0  }
0x13: {  	[sflag:s10] =	ssyncadd.s32 $0xFFFFFE00  }
0x14: {  	[tilespmem:s11], [sflag:$0x4] =	stream.linear.gather [hbm4b:s6+s2], $0x200, $0x38;
	[tilespmem:$0x18E00] =	vst v63  }
0x15: {  	_ =	swait.ge [sflag:s10], $0x200  }
0x16: {  	[sflag:s10] =	ssyncset.done $0x0  }
0x17: {  	[sflag:s10] =	ssyncadd.s32 $0xFFFFFE00  }
0x18: {  	[tilespmem:s12], [sflag:$0x4] =	stream.linear.gather [hbm4b:s7+s2], $0x200, $0x38;
	[tilespmem:$0x18E00] =	vst v63  }
0x19: {  	_ =	swait.ge [sflag:s10], $0x200  }
0x1a: {  	[sflag:s10] =	ssyncset.done $0x0  }
0x1b: {  	s0 =	simm.s32 $0x0;
	[sflag:s10] =	ssyncadd.s32 $0xFFFFFE00  }
0x1c: {  	v2 =	vld [tilespmem:s0+$0x400]  }
0x1d: {  	v3 =	vld [tilespmem:s0+$0x0]  }
0x1e: {  	s1 =	simm.s32 $0x40;
	v1 =	vld [tilespmem:s0+$0x200]  }
.LBB2_2:
0x1f: {  	p0 =	sne.s32 s1, $0x7C0  }
.Ltmp0:
0x20: {  	_ = 	snop;
	(pc) =	sbr.rel @p0 .LBB2_2-.Ltmp0, $4  }
0x21: {  	s29 =	sshra.s32 s1, $0x2;
	v4 =	vand.u32 $0x7FFFF, v2  }
0x22: {  	v2 =	vld [tilespmem:s29+$0x400];
	v5 =	vand.u32 $0x7FFFF, v3;
	[tilespmem:s0+$0xA00] =	vst v4  }
0x23: {  	v3 =	vld [tilespmem:s29+$0x0];
	[tilespmem:s0+$0x600] =	vst v5;
	v4 =	vand.u32 $0x7FFFF, v1  }
0x24: {  	s1 =	sadd.s32 $0x40, s1;
	v1 =	vld [tilespmem:s29+$0x200];
	[tilespmem:s0+$0x800] =	vst v4;
	s0 =	smov.u32 s29  }
0x25: {  	_ =	sdelay $0x1  }
0x26: {  	v2 =	vand.u32 $0x7FFFF, v2  }
0x27: {  	v3 =	vand.u32 $0x7FFFF, v3;
	[tilespmem:s0+$0xA00] =	vst v2  }
0x28: {  	[tilespmem:s0+$0x600] =	vst v3;
	v1 =	vand.u32 $0x7FFFF, v1  }
0x29: {  	[tilespmem:s0+$0x800] =	vst v1  }
0x2a: {  	[tilespmem:s15], [sflag:$0x1] =	stream.indirect.gather [hbm4b:s3+s13], $0x80, s14, s13, $0xb8;
	[tilespmem:$0x18E00] =	vst v63  }
0x2b: {  	_ = 	snop  }
0x2c: {  	[tilespmem:s17], [sflag:$0x2] =	stream.indirect.gather [hbm4b:s3+s13], $0x80, s16, s13, $0xb8;
	[tilespmem:$0x18E00] =	vst v63  }
0x2d: {  	_ = 	snop  }
0x2e: {  	[tilespmem:s19], [sflag:$0x3] =	stream.indirect.gather [hbm4b:s4+s13], $0x80, s18, s13, $0xb8;
	[tilespmem:$0x18E00] =	vst v63  }
0x2f: {  	_ =	swait.ge [sflag:s20], $0x8000  }
0x30: {  	[sflag:s20] =	ssyncset.done $0x0  }
0x31: {  	[sflag:s20] =	ssyncadd.s32 $0xFFFF8000  }
0x32: {  	_ =	swait.ge [sflag:s21], $0x8000  }
0x33: {  	[sflag:s21] =	ssyncset.done $0x0  }
0x34: {  	[sflag:s21] =	ssyncadd.s32 $0xFFFF8000  }
0x35: {  	_ =	swait.ge [sflag:s22], $0x8000  }
0x36: {  	[sflag:s22] =	ssyncset.done $0x0  }
0x37: {  	s1 =	simm.s32 $0x200;
	[sflag:s22] =	ssyncadd.s32 $0xFFFF8000  }
0x38: {  	v1 =	vld [tilespmem:s1+$0x0];
	_ =	sdelay $0x2  }
0x39: {  	s0 =	simm.s32 $0x0  }
0x3a: {  	v2 =	vmov s0  }
0x3b: {  	v2 =	vshll.u32 v2, $0x7;
	v1 =	vshrl.u32 v1, $0xD  }
0x3c: {  	v20 =	vor.u32 v0, v2;
	v2 =	vand.u32 $0x7FF80, v1  }
0x3d: {  	v1 =	vand.u32 $0x40, v1;
	v2 =	vadd.s32 v20, v2  }
0x3e: {  	v4 =	vor.u32 v1, v2  }
0x3f: {  	v1 =	vor.u32 $0x3E, v4  }
0x40: {  	v9 =	vor.u32 $0x37, v4  }
0x41: {  	v10 =	vor.u32 $0x36, v4  }
0x42: {  	s1 =	simm.s32 $0x400;
	v50 =	vld [tilespmem:s0+$0x0];
	v11 =	vor.u32 $0x35, v4  }
0x43: {  	v52 =	vld [tilespmem:s1+$0x0];
	v12 =	vor.u32 $0x34, v4  }
0x44: {  	v13 =	vor.u32 $0x33, v4;
	v1 =	vld.idx.msk [tilespmem:v1+s17+$0x0], $0xffff  }
0x45: {  	v14 =	vor.u32 $0x32, v4;
	v9 =	vld.idx.msk [tilespmem:v9+s17+$0x0], $0xffff  }
0x46: {  	v15 =	vor.u32 $0x31, v4;
	v10 =	vld.idx.msk [tilespmem:v10+s17+$0x0], $0xffff  }
0x47: {  	v16 =	vor.u32 $0x30, v4;
	v11 =	vld.idx.msk [tilespmem:v11+s17+$0x0], $0xffff  }
0x48: {  	v17 =	vor.u32 $0x2F, v4;
	v12 =	vld.idx.msk [tilespmem:v12+s17+$0x0], $0xffff  }
0x49: {  	v18 =	vor.u32 $0x2E, v4;
	v13 =	vld.idx.msk [tilespmem:v13+s17+$0x0], $0xffff  }
0x4a: {  	v19 =	vor.u32 $0x2D, v4;
	v14 =	vld.idx.msk [tilespmem:v14+s17+$0x0], $0xffff  }
0x4b: {  	v22 =	vor.u32 $0x2C, v4;
	v15 =	vld.idx.msk [tilespmem:v15+s17+$0x0], $0xffff  }
0x4c: {  	v23 =	vor.u32 $0x2B, v4;
	v16 =	vld.idx.msk [tilespmem:v16+s17+$0x0], $0xffff  }
0x4d: {  	v24 =	vor.u32 $0x2A, v4;
	v17 =	vld.idx.msk [tilespmem:v17+s17+$0x0], $0xffff  }
0x4e: {  	v25 =	vor.u32 $0x29, v4;
	v18 =	vld.idx.msk [tilespmem:v18+s17+$0x0], $0xffff  }
0x4f: {  	v26 =	vor.u32 $0x28, v4;
	v21 =	vld.idx.msk [tilespmem:v19+s17+$0x0], $0xffff  }
0x50: {  	v28 =	vor.u32 $0x26, v4;
	v22 =	vld.idx.msk [tilespmem:v22+s17+$0x0], $0xffff  }
0x51: {  	v29 =	vor.u32 $0x25, v4;
	v23 =	vld.idx.msk [tilespmem:v23+s17+$0x0], $0xffff  }
0x52: {  	v30 =	vor.u32 $0x24, v4;
	v24 =	vld.idx.msk [tilespmem:v24+s17+$0x0], $0xffff  }
0x53: {  	v31 =	vor.u32 $0x23, v4;
	v25 =	vld.idx.msk [tilespmem:v25+s17+$0x0], $0xffff  }
0x54: {  	v32 =	vor.u32 $0x22, v4;
	v26 =	vld.idx.msk [tilespmem:v26+s17+$0x0], $0xffff  }
0x55: {  	v34 =	vor.u32 $0x20, v4;
	v28 =	vld.idx.msk [tilespmem:v28+s17+$0x0], $0xffff  }
0x56: {  	v35 =	vor.u32 $0x1F, v4;
	v29 =	vld.idx.msk [tilespmem:v29+s17+$0x0], $0xffff  }
0x57: {  	v19 =	vor.u32 $0x27, v4;
	v30 =	vld.idx.msk [tilespmem:v30+s17+$0x0], $0xffff  }
0x58: {  	v36 =	vor.u32 $0x1E, v4;
	v31 =	vld.idx.msk [tilespmem:v31+s17+$0x0], $0xffff  }
0x59: {  	v37 =	vor.u32 $0x1D, v4;
	v32 =	vld.idx.msk [tilespmem:v32+s17+$0x0], $0xffff  }
0x5a: {  	v38 =	vor.u32 $0x1C, v4;
	v34 =	vld.idx.msk [tilespmem:v34+s17+$0x0], $0xffff  }
0x5b: {  	v2 =	vor.u32 $0x3D, v4;
	v35 =	vld.idx.msk [tilespmem:v35+s17+$0x0], $0xffff  }
0x5c: {  	v27 =	vld.idx.msk [tilespmem:v19+s17+$0x0], $0xffff;
	v19 =	vor.u32 $0x21, v4  }
0x5d: {  	v40 =	vor.u32 $0x1A, v4;
	v36 =	vld.idx.msk [tilespmem:v36+s17+$0x0], $0xffff  }
0x5e: {  	v41 =	vor.u32 $0x19, v4;
	v37 =	vld.idx.msk [tilespmem:v37+s17+$0x0], $0xffff  }
0x5f: {  	v42 =	vor.u32 $0x18, v4;
	v38 =	vld.idx.msk [tilespmem:v38+s17+$0x0], $0xffff  }
0x60: {  	v3 =	vor.u32 $0x3C, v4;
	[tilespmem:$0x1FF00] =	vst v1;
	v1 =	vld.idx.msk [tilespmem:v2+s17+$0x0], $0xffff  }
0x61: {  	v33 =	vld.idx.msk [tilespmem:v19+s17+$0x0], $0xffff;
	v19 =	vor.u32 $0x1B, v4  }
0x62: {  	v43 =	vor.u32 $0x17, v4;
	v40 =	vld.idx.msk [tilespmem:v40+s17+$0x0], $0xffff  }
0x63: {  	v44 =	vor.u32 $0x16, v4;
	v41 =	vld.idx.msk [tilespmem:v41+s17+$0x0], $0xffff  }
0x64: {  	v46 =	vor.u32 $0x14, v4;
	v42 =	vld.idx.msk [tilespmem:v42+s17+$0x0], $0xffff  }
0x65: {  	v5 =	vor.u32 $0x3B, v4;
	[tilespmem:$0x1FEF0] =	vst v1;
	v1 =	vld.idx.msk [tilespmem:v3+s17+$0x0], $0xffff  }
0x66: {  	v39 =	vld.idx.msk [tilespmem:v19+s17+$0x0], $0xffff;
	v19 =	vor.u32 $0x15, v4  }
0x67: {  	v47 =	vor.u32 $0x13, v4;
	v43 =	vld.idx.msk [tilespmem:v43+s17+$0x0], $0xffff  }
0x68: {  	v48 =	vor.u32 $0x11, v4;
	v44 =	vld.idx.msk [tilespmem:v44+s17+$0x0], $0xffff  }
0x69: {  	v53 =	vor.u32 $0xB, v4;
	v46 =	vld.idx.msk [tilespmem:v46+s17+$0x0], $0xffff  }
0x6a: {  	v6 =	vor.u32 $0x3A, v4;
	[tilespmem:$0x1FEE0] =	vst v1;
	v1 =	vld.idx.msk [tilespmem:v5+s17+$0x0], $0xffff  }
0x6b: {  	v45 =	vld.idx.msk [tilespmem:v19+s17+$0x0], $0xffff;
	v19 =	vor.u32 $0xF, v4  }
0x6c: {  	v54 =	vor.u32 $0x9, v4;
	v47 =	vld.idx.msk [tilespmem:v47+s17+$0x0], $0xffff  }
0x6d: {  	v58 =	vor.u32 $0x1, v4;
	v48 =	vld.idx.msk [tilespmem:v48+s17+$0x0], $0xffff  }
0x6e: {  	v51 =	vor.u32 $0xD, v4;
	v53 =	vld.idx.msk [tilespmem:v53+s17+$0x0], $0xffff  }
0x6f: {  	v7 =	vor.u32 $0x39, v4;
	[tilespmem:$0x1FED0] =	vst v1;
	v1 =	vld.idx.msk [tilespmem:v6+s17+$0x0], $0xffff  }
0x70: {  	v62 =	vshrl.u32 v52, $0xD;
	v55 =	vor.u32 $0x7, v4;
	v49 =	vld.idx.msk [tilespmem:v19+s17+$0x0], $0xffff;
	v19 =	vshrl.u32 v50, $0xD  }
0x71: {  	v59 =	vand.u32 $0x7FF80, v62;
	v56 =	vor.u32 $0x5, v4;
	v54 =	vld.idx.msk [tilespmem:v54+s17+$0x0], $0xffff;
	v63 =	vand.u32 $0x7FF80, v19  }
0x72: {  	v57 =	vor.u32 $0x3, v4;
	v58 =	vld.idx.msk [tilespmem:v58+s17+$0x0], $0xffff;
	v19 =	vand.u32 $0x40, v19;
	v52 =	vadd.s32 v20, v63  }
0x73: {  	v50 =	vld.idx.msk [tilespmem:v51+s17+$0x0], $0xffff;
	v51 =	vand.u32 $0x40, v62;
	v20 =	vadd.s32 v20, v59;
	v19 =	vor.u32 v19, v52  }
0x74: {  	[tilespmem:$0x1FEC0] =	vst v1;
	v1 =	vld.idx.msk [tilespmem:v7+s17+$0x0], $0xffff;
	v20 =	vor.u32 v51, v20  }
0x75: {  	v52 =	vld.idx.msk [tilespmem:v55+s17+$0x0], $0xffff;
	v55 =	vor.u32 $0x1, v19  }
0x76: {  	v51 =	vld.idx.msk [tilespmem:v56+s17+$0x0], $0xffff;
	v6 =	vor.u32 $0x1, v20  }
0x77: {  	v56 =	vld.idx.msk [tilespmem:v57+s17+$0x0], $0xffff  }
0x78: {  	v7 =	vor.u32 $0x2, v19;
	v60 =	vld.idx.msk [tilespmem:v19+s15+$0x0], $0xffff  }
0x79: {  	v61 =	vor.u32 $0x2, v20;
	v62 =	vld.idx.msk [tilespmem:v20+s19+$0x0], $0xffff  }
0x7a: {  	v63 =	vor.u32 $0x2, v4;
	v55 =	vld.idx.msk [tilespmem:v55+s15+$0x0], $0xffff  }
0x7b: {  	v3 =	vor.u32 $0x3, v20;
	v57 =	vld.idx.msk [tilespmem:v6+s19+$0x0], $0xffff  }
0x7c: {  	v2 =	vld.idx.msk [tilespmem:v4+s17+$0x0], $0xffff;
	[tilespmem:$0x1FEB0] =	vst v1;
	v1 =	vor.u32 $0x3, v19  }
0x7d: {  	v5 =	vor.u32 $0x4, v19;
	v59 =	vld.idx.msk [tilespmem:v7+s15+$0x0], $0xffff  }
0x7e: {  	v61 =	vld.idx.msk [tilespmem:v61+s19+$0x0], $0xffff;
	v6 =	vor.u32 $0x4, v20  }
0x7f: {  	v60 =	vmul.f32 v62, v60;
	v62 =	vld.idx.msk [tilespmem:v63+s17+$0x0], $0xffff;
	v63 =	vor.u32 $0x4, v4  }
0x80: {  	v3 =	vld.idx.msk [tilespmem:v3+s19+$0x0], $0xffff;
	v55 =	vmul.f32 v57, v55;
	v57 =	vor.u32 $0x5, v19  }
0x81: {  	v7 =	vld.idx.msk [tilespmem:v1+s15+$0x0], $0xffff;
	v2 =	vmul.f32 v60, v2;
	v60 =	vor.u32 $0x5, v20  }
0x82: {  	v5 =	vld.idx.msk [tilespmem:v5+s15+$0x0], $0xffff;
	v55 =	vmul.f32 v55, v58;
	v58 =	vor.u32 $0x6, v19  }
0x83: {  	v59 =	vmul.f32 v61, v59;
	v6 =	vld.idx.msk [tilespmem:v6+s19+$0x0], $0xffff;
	v61 =	vor.u32 $0x6, v20;
	v2 =	vadd.f32 $0.0e+00, v2  }
0x84: {  	v1 =	vor.u32 $0x6, v4;
	v63 =	vld.idx.msk [tilespmem:v63+s17+$0x0], $0xffff  }
0x85: {  	v2 =	vadd.f32 v55, v2;
	v55 =	vmul.f32 v59, v62;
	v57 =	vld.idx.msk [tilespmem:v57+s15+$0x0], $0xffff;
	v59 =	vor.u32 $0x7, v19  }
0x86: {  	v3 =	vmul.f32 v3, v7;
	v7 =	vld.idx.msk [tilespmem:v60+s19+$0x0], $0xffff;
	v60 =	vor.u32 $0x7, v20  }
0x87: {  	v2 =	vadd.f32 v55, v2;
	v55 =	vld.idx.msk [tilespmem:v58+s15+$0x0], $0xffff;
	v58 =	vor.u32 $0x8, v19  }
0x88: {  	v3 =	vmul.f32 v3, v56;
	v56 =	vor.u32 $0x8, v20;
	v5 =	vmul.f32 v6, v5;
	v6 =	vld.idx.msk [tilespmem:v61+s19+$0x0], $0xffff  }
0x89: {  	v1 =	vld.idx.msk [tilespmem:v1+s17+$0x0], $0xffff;
	v61 =	vor.u32 $0x8, v4  }
0x8a: {  	v2 =	vadd.f32 v3, v2;
	v3 =	vmul.f32 v5, v63;
	v5 =	vld.idx.msk [tilespmem:v59+s15+$0x0], $0xffff;
	v59 =	vor.u32 $0x9, v19  }
0x8b: {  	v7 =	vmul.f32 v7, v57;
	v57 =	vld.idx.msk [tilespmem:v60+s19+$0x0], $0xffff;
	v60 =	vor.u32 $0x9, v20  }
0x8c: {  	v2 =	vadd.f32 v3, v2;
	v3 =	vld.idx.msk [tilespmem:v58+s15+$0x0], $0xffff;
	v58 =	vor.u32 $0xA, v19  }
0x8d: {  	v6 =	vmul.f32 v6, v55;
	v55 =	vor.u32 $0xA, v20;
	v7 =	vmul.f32 v7, v51;
	v51 =	vld.idx.msk [tilespmem:v56+s19+$0x0], $0xffff  }
0x8e: {  	v56 =	vld.idx.msk [tilespmem:v61+s17+$0x0], $0xffff;
	v61 =	vor.u32 $0xA, v4  }
0x8f: {  	v1 =	vmul.f32 v6, v1;
	v2 =	vadd.f32 v7, v2;
	v6 =	vld.idx.msk [tilespmem:v59+s15+$0x0], $0xffff;
	v7 =	vor.u32 $0xB, v19  }
0x90: {  	v59 =	vor.u32 $0xB, v20;
	v5 =	vmul.f32 v57, v5;
	v57 =	vld.idx.msk [tilespmem:v60+s19+$0x0], $0xffff  }
0x91: {  	v1 =	vadd.f32 v1, v2;
	v2 =	vld.idx.msk [tilespmem:v58+s15+$0x0], $0xffff;
	v58 =	vor.u32 $0xC, v19  }
0x92: {  	v5 =	vmul.f32 v5, v52;
	v3 =	vmul.f32 v51, v3;
	v51 =	vld.idx.msk [tilespmem:v55+s19+$0x0], $0xffff;
	v52 =	vor.u32 $0xC, v20  }
0x93: {  	v60 =	vor.u32 $0xC, v4;
	v55 =	vld.idx.msk [tilespmem:v61+s17+$0x0], $0xffff  }
0x94: {  	v61 =	vor.u32 $0xD, v20;
	v1 =	vadd.f32 v5, v1;
	v3 =	vmul.f32 v3, v56;
	v5 =	vld.idx.msk [tilespmem:v7+s15+$0x0], $0xffff  }
0x95: {  	v7 =	vor.u32 $0xD, v19;
	v56 =	vld.idx.msk [tilespmem:v59+s19+$0x0], $0xffff;
	v6 =	vmul.f32 v57, v6  }
0x96: {  	v62 =	vor.u32 $0xE, v19;
	v1 =	vadd.f32 v3, v1;
	v3 =	vld.idx.msk [tilespmem:v58+s15+$0x0], $0xffff  }
0x97: {  	v63 =	vor.u32 $0xE, v20;
	v6 =	vmul.f32 v6, v54;
	v2 =	vmul.f32 v51, v2;
	v52 =	vld.idx.msk [tilespmem:v52+s19+$0x0], $0xffff  }
0x98: {  	v54 =	vld.idx.msk [tilespmem:v60+s17+$0x0], $0xffff;
	v60 =	vor.u32 $0xE, v4  }
0x99: {  	v61 =	vld.idx.msk [tilespmem:v61+s19+$0x0], $0xffff;
	v1 =	vadd.f32 v6, v1;
	v2 =	vmul.f32 v2, v55;
	v6 =	vor.u32 $0xF, v19  }
0x9a: {  	v7 =	vld.idx.msk [tilespmem:v7+s15+$0x0], $0xffff;
	v5 =	vmul.f32 v56, v5;
	v55 =	vor.u32 $0xF, v20  }
0x9b: {  	v57 =	vld.idx.msk [tilespmem:v62+s15+$0x0], $0xffff;
	v62 =	vor.u32 $0x10, v20;
	v1 =	vadd.f32 v2, v1  }
0x9c: {  	v51 =	vld.idx.msk [tilespmem:v63+s19+$0x0], $0xffff;
	v2 =	vor.u32 $0x10, v19;
	v5 =	vmul.f32 v5, v53;
	v3 =	vmul.f32 v52, v3  }
0x9d: {  	v63 =	vor.u32 $0x10, v4;
	v60 =	vld.idx.msk [tilespmem:v60+s17+$0x0], $0xffff  }
0x9e: {  	v1 =	vadd.f32 v5, v1;
	v5 =	vor.u32 $0x11, v19;
	v3 =	vmul.f32 v3, v54;
	v6 =	vld.idx.msk [tilespmem:v6+s15+$0x0], $0xffff  }
0x9f: {  	v7 =	vmul.f32 v61, v7;
	v61 =	vor.u32 $0x11, v20;
	v55 =	vld.idx.msk [tilespmem:v55+s19+$0x0], $0xffff  }
0xa0: {  	v53 =	vld.idx.msk [tilespmem:v62+s19+$0x0], $0xffff;
	v1 =	vadd.f32 v3, v1;
	v3 =	vor.u32 $0x12, v19  }
0xa1: {  	v51 =	vmul.f32 v51, v57;
	v2 =	vld.idx.msk [tilespmem:v2+s15+$0x0], $0xffff;
	v7 =	vmul.f32 v7, v50;
	v50 =	vor.u32 $0x12, v20  }
0xa2: {  	v56 =	vor.u32 $0x12, v4;
	v52 =	vld.idx.msk [tilespmem:v63+s17+$0x0], $0xffff  }
0xa3: {  	v63 =	vor.u32 $0x13, v19;
	v62 =	vmul.f32 v51, v60;
	v5 =	vld.idx.msk [tilespmem:v5+s15+$0x0], $0xffff  }
0xa4: {  	v1 =	vadd.f32 v7, v1;
	v6 =	vmul.f32 v55, v6;
	v55 =	vor.u32 $0x13, v20;
	v54 =	vld.idx.msk [tilespmem:v61+s19+$0x0], $0xffff  }
0xa5: {  	v60 =	vor.u32 $0x14, v19;
	v61 =	vor.u32 $0x14, v20;
	v3 =	vld.idx.msk [tilespmem:v3+s15+$0x0], $0xffff  }
0xa6: {  	v1 =	vadd.f32 v62, v1;
	v6 =	vmul.f32 v6, v49;
	v50 =	vld.idx.msk [tilespmem:v50+s19+$0x0], $0xffff;
	v2 =	vmul.f32 v53, v2  }
0xa7: {  	v62 =	vor.u32 $0x15, v19;
	v53 =	vld.idx.msk [tilespmem:v56+s17+$0x0], $0xffff  }
0xa8: {  	v1 =	vadd.f32 v6, v1;
	v6 =	vld.idx.msk [tilespmem:v63+s15+$0x0], $0xffff;
	v2 =	vmul.f32 v2, v52;
	v63 =	vor.u32 $0x15, v20  }
0xa9: {  	v57 =	vor.u32 $0x16, v19;
	v5 =	vmul.f32 v54, v5;
	v58 =	vld.idx.msk [tilespmem:v55+s19+$0x0], $0xffff  }
0xaa: {  	v7 =	vld.idx.msk [tilespmem:v60+s15+$0x0], $0xffff;
	v1 =	vadd.f32 v2, v1;
	v2 =	vor.u32 $0x16, v20  }
0xab: {  	v49 =	vld.idx.msk [tilespmem:v61+s19+$0x0], $0xffff;
	v61 =	vor.u32 $0x17, v20;
	v5 =	vmul.f32 v5, v48  }
0xac: {  	v59 =	vor.u32 $0x17, v19;
	v60 =	vld.idx.msk [tilespmem:v62+s15+$0x0], $0xffff;
	v3 =	vmul.f32 v50, v3  }
0xad: {  	v62 =	vor.u32 $0x18, v20;
	v1 =	vadd.f32 v5, v1;
	v51 =	vld.idx.msk [tilespmem:v63+s19+$0x0], $0xffff  }
0xae: {  	v52 =	vld.idx.msk [tilespmem:v57+s15+$0x0], $0xffff;
	v5 =	vor.u32 $0x18, v19;
	v3 =	vmul.f32 v3, v53;
	v6 =	vmul.f32 v58, v6  }
0xaf: {  	v57 =	vor.u32 $0x19, v20;
	v63 =	vor.u32 $0x19, v19;
	v2 =	vld.idx.msk [tilespmem:v2+s19+$0x0], $0xffff  }
0xb0: {  	v7 =	vmul.f32 v49, v7;
	v58 =	vld.idx.msk [tilespmem:v61+s19+$0x0], $0xffff;
	v1 =	vadd.f32 v3, v1;
	v6 =	vmul.f32 v6, v47  }
0xb1: {  	v55 =	vor.u32 $0x1A, v20;
	v3 =	vld.idx.msk [tilespmem:v59+s15+$0x0], $0xffff;
	v47 =	vor.u32 $0x1A, v19  }
0xb2: {  	v61 =	vld.idx.msk [tilespmem:v62+s19+$0x0], $0xffff;
	v59 =	vmul.f32 v7, v46;
	v1 =	vadd.f32 v6, v1;
	v60 =	vmul.f32 v51, v60  }
0xb3: {  	v62 =	vor.u32 $0x1B, v20;
	v46 =	vor.u32 $0x1B, v19;
	v5 =	vld.idx.msk [tilespmem:v5+s15+$0x0], $0xffff  }
0xb4: {  	v53 =	vld.idx.msk [tilespmem:v63+s15+$0x0], $0xffff;
	v1 =	vadd.f32 v59, v1;
	v63 =	vmul.f32 v60, v45;
	v2 =	vmul.f32 v2, v52  }
0xb5: {  	v54 =	vor.u32 $0x1C, v19;
	v56 =	vld.idx.msk [tilespmem:v57+s19+$0x0], $0xffff;
	v57 =	vor.u32 $0x1C, v20  }
0xb6: {  	v3 =	vmul.f32 v58, v3;
	v59 =	vld.idx.msk [tilespmem:v55+s19+$0x0], $0xffff;
	v1 =	vadd.f32 v63, v1;
	v2 =	vmul.f32 v2, v44  }
0xb7: {  	v58 =	vor.u32 $0x1D, v19;
	v60 =	vor.u32 $0x1D, v20;
	v47 =	vld.idx.msk [tilespmem:v47+s15+$0x0], $0xffff  }
0xb8: {  	v46 =	vld.idx.msk [tilespmem:v46+s15+$0x0], $0xffff;
	v1 =	vadd.f32 v2, v1;
	v2 =	vmul.f32 v3, v43;
	v3 =	vmul.f32 v61, v5  }
0xb9: {  	v5 =	vor.u32 $0x1E, v19;
	v61 =	vld.idx.msk [tilespmem:v62+s19+$0x0], $0xffff;
	v62 =	vor.u32 $0x1E, v20  }
0xba: {  	v7 =	vld.idx.msk [tilespmem:v54+s15+$0x0], $0xffff;
	v1 =	vadd.f32 v2, v1;
	v2 =	vmul.f32 v3, v42;
	v3 =	vmul.f32 v56, v53  }
0xbb: {  	v52 =	vld.idx.msk [tilespmem:v57+s19+$0x0], $0xffff;
	v63 =	vor.u32 $0x1F, v19;
	v53 =	vor.u32 $0x1F, v20  }
0xbc: {  	v6 =	vld.idx.msk [tilespmem:v58+s15+$0x0], $0xffff;
	v1 =	vadd.f32 v2, v1;
	v2 =	vmul.f32 v3, v41;
	v3 =	vmul.f32 v59, v47  }
0xbd: {  	v54 =	vor.u32 $0x20, v19;
	v55 =	vld.idx.msk [tilespmem:v60+s19+$0x0], $0xffff;
	v56 =	vor.u32 $0x20, v20  }
0xbe: {  	v5 =	vld.idx.msk [tilespmem:v5+s15+$0x0], $0xffff;
	v1 =	vadd.f32 v2, v1;
	v2 =	vmul.f32 v3, v40;
	v3 =	vmul.f32 v61, v46  }
0xbf: {  	v57 =	vor.u32 $0x21, v19;
	v59 =	vor.u32 $0x21, v20;
	v58 =	vld.idx.msk [tilespmem:v62+s19+$0x0], $0xffff  }
0xc0: {  	v42 =	vld.idx.msk [tilespmem:v63+s15+$0x0], $0xffff;
	v1 =	vadd.f32 v2, v1;
	v2 =	vmul.f32 v3, v39;
	v3 =	vmul.f32 v52, v7  }
0xc1: {  	v60 =	vor.u32 $0x22, v19;
	v62 =	vor.u32 $0x22, v20;
	v61 =	vld.idx.msk [tilespmem:v53+s19+$0x0], $0xffff  }
0xc2: {  	v41 =	vld.idx.msk [tilespmem:v54+s15+$0x0], $0xffff;
	v1 =	vadd.f32 v2, v1;
	v2 =	vmul.f32 v3, v38;
	v3 =	vmul.f32 v55, v6  }
0xc3: {  	v49 =	vor.u32 $0x23, v20;
	v63 =	vor.u32 $0x23, v19;
	v48 =	vld.idx.msk [tilespmem:v56+s19+$0x0], $0xffff  }
0xc4: {  	v40 =	vld.idx.msk [tilespmem:v57+s15+$0x0], $0xffff;
	v1 =	vadd.f32 v2, v1;
	v2 =	vmul.f32 v3, v37;
	v3 =	vmul.f32 v58, v5  }
0xc5: {  	v51 =	vor.u32 $0x24, v20;
	v50 =	vld.idx.msk [tilespmem:v59+s19+$0x0], $0xffff;
	v5 =	vor.u32 $0x24, v19  }
0xc6: {  	v7 =	vld.idx.msk [tilespmem:v60+s15+$0x0], $0xffff;
	v1 =	vadd.f32 v2, v1;
	v2 =	vmul.f32 v3, v36;
	v3 =	vmul.f32 v61, v42  }
0xc7: {  	v54 =	vor.u32 $0x25, v20;
	v52 =	vor.u32 $0x25, v19;
	v53 =	vld.idx.msk [tilespmem:v62+s19+$0x0], $0xffff  }
0xc8: {  	v56 =	vld.idx.msk [tilespmem:v49+s19+$0x0], $0xffff;
	v1 =	vadd.f32 v2, v1;
	v2 =	vmul.f32 v3, v35;
	v3 =	vmul.f32 v48, v41  }
0xc9: {  	v57 =	vor.u32 $0x26, v20;
	v6 =	vld.idx.msk [tilespmem:v63+s15+$0x0], $0xffff;
	v55 =	vor.u32 $0x26, v19  }
0xca: {  	v59 =	vld.idx.msk [tilespmem:v51+s19+$0x0], $0xffff;
	v1 =	vadd.f32 v2, v1;
	v2 =	vmul.f32 v3, v34;
	v3 =	vmul.f32 v50, v40  }
0xcb: {  	v60 =	vor.u32 $0x27, v20;
	v58 =	vor.u32 $0x27, v19;
	v5 =	vld.idx.msk [tilespmem:v5+s15+$0x0], $0xffff  }
0xcc: {  	v62 =	vld.idx.msk [tilespmem:v54+s19+$0x0], $0xffff;
	v1 =	vadd.f32 v2, v1;
	v2 =	vmul.f32 v3, v33;
	v3 =	vmul.f32 v53, v7  }
0xcd: {  	v63 =	vor.u32 $0x28, v20;
	v36 =	vld.idx.msk [tilespmem:v52+s15+$0x0], $0xffff;
	v61 =	vor.u32 $0x28, v19  }
0xce: {  	v43 =	vld.idx.msk [tilespmem:v57+s19+$0x0], $0xffff;
	v1 =	vadd.f32 v2, v1;
	v2 =	vmul.f32 v3, v32;
	v3 =	vmul.f32 v56, v6  }
0xcf: {  	v44 =	vor.u32 $0x29, v20;
	v42 =	vor.u32 $0x29, v19;
	v35 =	vld.idx.msk [tilespmem:v55+s15+$0x0], $0xffff  }
0xd0: {  	v34 =	vld.idx.msk [tilespmem:v58+s15+$0x0], $0xffff;
	v1 =	vadd.f32 v2, v1;
	v2 =	vmul.f32 v3, v31;
	v3 =	vmul.f32 v59, v5  }
0xd1: {  	v45 =	vor.u32 $0x2A, v20;
	v5 =	vor.u32 $0x2A, v19;
	v31 =	vld.idx.msk [tilespmem:v60+s19+$0x0], $0xffff  }
0xd2: {  	v46 =	vld.idx.msk [tilespmem:v63+s19+$0x0], $0xffff;
	v1 =	vadd.f32 v2, v1;
	v2 =	vmul.f32 v3, v30;
	v3 =	vmul.f32 v62, v36  }
0xd3: {  	v47 =	vor.u32 $0x2B, v20;
	v7 =	vld.idx.msk [tilespmem:v61+s15+$0x0], $0xffff;
	v30 =	vor.u32 $0x2B, v19  }
0xd4: {  	v48 =	vld.idx.msk [tilespmem:v44+s19+$0x0], $0xffff;
	v1 =	vadd.f32 v2, v1;
	v2 =	vmul.f32 v3, v29;
	v3 =	vmul.f32 v43, v35  }
0xd5: {  	v49 =	vor.u32 $0x2C, v20;
	v6 =	vld.idx.msk [tilespmem:v42+s15+$0x0], $0xffff;
	v29 =	vor.u32 $0x2C, v19  }
0xd6: {  	v5 =	vld.idx.msk [tilespmem:v5+s15+$0x0], $0xffff;
	v1 =	vadd.f32 v2, v1;
	v2 =	vmul.f32 v3, v28;
	v3 =	vmul.f32 v31, v34  }
0xd7: {  	v50 =	vor.u32 $0x2D, v20;
	v28 =	vor.u32 $0x2D, v19;
	v31 =	vld.idx.msk [tilespmem:v45+s19+$0x0], $0xffff  }
0xd8: {  	v30 =	vld.idx.msk [tilespmem:v30+s15+$0x0], $0xffff;
	v1 =	vadd.f32 v2, v1;
	v2 =	vmul.f32 v3, v27;
	v3 =	vmul.f32 v46, v7  }
0xd9: {  	v51 =	vor.u32 $0x2E, v19;
	v52 =	vor.u32 $0x2E, v20;
	v27 =	vld.idx.msk [tilespmem:v47+s19+$0x0], $0xffff  }
0xda: {  	v29 =	vld.idx.msk [tilespmem:v29+s15+$0x0], $0xffff;
	v1 =	vadd.f32 v2, v1;
	v2 =	vmul.f32 v3, v26;
	v3 =	vmul.f32 v48, v6  }
0xdb: {  	v54 =	vor.u32 $0x2F, v20;
	v53 =	vor.u32 $0x2F, v19;
	v26 =	vld.idx.msk [tilespmem:v49+s19+$0x0], $0xffff  }
0xdc: {  	v28 =	vld.idx.msk [tilespmem:v28+s15+$0x0], $0xffff;
	v1 =	vadd.f32 v2, v1;
	v2 =	vmul.f32 v3, v25;
	v3 =	vmul.f32 v31, v5  }
0xdd: {  	v5 =	vor.u32 $0x30, v19;
	v25 =	vld.idx.msk [tilespmem:v50+s19+$0x0], $0xffff;
	v31 =	vor.u32 $0x30, v20  }
0xde: {  	v7 =	vld.idx.msk [tilespmem:v51+s15+$0x0], $0xffff;
	v1 =	vadd.f32 v2, v1;
	v2 =	vmul.f32 v3, v24;
	v3 =	vmul.f32 v27, v30  }
0xdf: {  	v24 =	vor.u32 $0x31, v19;
	v27 =	vld.idx.msk [tilespmem:v52+s19+$0x0], $0xffff;
	v30 =	vor.u32 $0x31, v20  }
0xe0: {  	v6 =	vld.idx.msk [tilespmem:v53+s15+$0x0], $0xffff;
	v1 =	vadd.f32 v2, v1;
	v2 =	vmul.f32 v3, v23;
	v3 =	vmul.f32 v26, v29  }
0xe1: {  	v23 =	vor.u32 $0x32, v19;
	v26 =	vld.idx.msk [tilespmem:v54+s19+$0x0], $0xffff;
	v29 =	vor.u32 $0x32, v20  }
0xe2: {  	v5 =	vld.idx.msk [tilespmem:v5+s15+$0x0], $0xffff;
	v1 =	vadd.f32 v2, v1;
	v2 =	vmul.f32 v3, v22;
	v3 =	vmul.f32 v25, v28  }
0xe3: {  	v22 =	vor.u32 $0x33, v19;
	v25 =	vld.idx.msk [tilespmem:v31+s19+$0x0], $0xffff;
	v28 =	vor.u32 $0x33, v20  }
0xe4: {  	v24 =	vld.idx.msk [tilespmem:v24+s15+$0x0], $0xffff;
	v1 =	vadd.f32 v2, v1;
	v2 =	vmul.f32 v3, v21;
	v3 =	vmul.f32 v27, v7  }
0xe5: {  	v55 =	vor.u32 $0x34, v19;
	v21 =	vld.idx.msk [tilespmem:v30+s19+$0x0], $0xffff;
	v27 =	vor.u32 $0x34, v20  }
0xe6: {  	v23 =	vld.idx.msk [tilespmem:v23+s15+$0x0], $0xffff;
	v1 =	vadd.f32 v2, v1;
	v2 =	vmul.f32 v3, v18;
	v3 =	vmul.f32 v26, v6  }
0xe7: {  	v56 =	vor.u32 $0x35, v19;
	v18 =	vld.idx.msk [tilespmem:v29+s19+$0x0], $0xffff;
	v26 =	vor.u32 $0x35, v20  }
0xe8: {  	v22 =	vld.idx.msk [tilespmem:v22+s15+$0x0], $0xffff;
	v1 =	vadd.f32 v2, v1;
	v2 =	vmul.f32 v3, v17;
	v3 =	vmul.f32 v25, v5  }
0xe9: {  	v5 =	vor.u32 $0x36, v19;
	v17 =	vld.idx.msk [tilespmem:v28+s19+$0x0], $0xffff;
	v25 =	vor.u32 $0x36, v20  }
0xea: {  	v7 =	vld.idx.msk [tilespmem:v55+s15+$0x0], $0xffff;
	v1 =	vadd.f32 v2, v1;
	v2 =	vmul.f32 v3, v16;
	v3 =	vmul.f32 v21, v24  }
0xeb: {  	v16 =	vor.u32 $0x37, v19;
	v21 =	vld.idx.msk [tilespmem:v27+s19+$0x0], $0xffff;
	v24 =	vor.u32 $0x37, v20  }
0xec: {  	v6 =	vld.idx.msk [tilespmem:v56+s15+$0x0], $0xffff;
	v1 =	vadd.f32 v2, v1;
	v2 =	vmul.f32 v3, v15;
	v3 =	vmul.f32 v18, v23  }
0xed: {  	v57 =	vor.u32 $0x38, v19;
	v18 =	vld.idx.msk [tilespmem:v26+s19+$0x0], $0xffff;
	v23 =	vor.u32 $0x38, v20  }
0xee: {  	v5 =	vld.idx.msk [tilespmem:v5+s15+$0x0], $0xffff;
	v1 =	vadd.f32 v2, v1;
	v2 =	vmul.f32 v3, v14;
	v3 =	vmul.f32 v17, v22  }
0xef: {  	v8 =	vor.u32 $0x38, v4;
	v17 =	vld.idx.msk [tilespmem:v25+s19+$0x0], $0xffff  }
0xf0: {  	v16 =	vld.idx.msk [tilespmem:v16+s15+$0x0], $0xffff;
	v1 =	vadd.f32 v2, v1;
	v2 =	vmul.f32 v3, v13;
	v3 =	vmul.f32 v21, v7  }
0xf1: {  	v60 =	vld.idx.msk [tilespmem:v24+s19+$0x0], $0xffff  }
0xf2: {  	v15 =	vld.idx.msk [tilespmem:v57+s15+$0x0], $0xffff;
	v1 =	vadd.f32 v2, v1;
	v2 =	vmul.f32 v3, v12;
	v3 =	vmul.f32 v18, v6  }
0xf3: {  	v58 =	vor.u32 $0x39, v19;
	v62 =	vld.idx.msk [tilespmem:v23+s19+$0x0], $0xffff  }
0xf4: {  	v1 =	vadd.f32 v2, v1;
	v2 =	vmul.f32 v3, v11;
	v3 =	vmul.f32 v17, v5  }
0xf5: {  	v8 =	vld.idx.msk [tilespmem:v8+s17+$0x0], $0xffff;
	v22 =	vor.u32 $0x39, v20  }
0xf6: {  	v1 =	vadd.f32 v2, v1;
	v2 =	vmul.f32 v3, v10;
	v3 =	vmul.f32 v60, v16;
	_ =	sdelay $0x1  }
0xf7: {  	v1 =	vadd.f32 v2, v1;
	v2 =	vmul.f32 v3, v9;
	v3 =	vmul.f32 v62, v15  }
0xf8: {  	v14 =	vld.idx.msk [tilespmem:v58+s15+$0x0], $0xffff  }
0xf9: {  	v63 =	vld.idx.msk [tilespmem:v22+s19+$0x0], $0xffff;
	v1 =	vadd.f32 v2, v1;
	v2 =	vmul.f32 v3, v8  }
0xfa: {  	v59 =	vor.u32 $0x3A, v19  }
0xfb: {  	v21 =	vor.u32 $0x3A, v20;
	v1 =	vadd.f32 v2, v1;
	v2 =	vld [tilespmem:$0x1FEB0];
	_ =	sdelay $0x2  }
0xfc: {  	v3 =	vmul.f32 v63, v14  }
0xfd: {  	v7 =	vld.idx.msk [tilespmem:v59+s15+$0x0], $0xffff  }
0xfe: {  	v33 =	vld.idx.msk [tilespmem:v21+s19+$0x0], $0xffff;
	v2 =	vmul.f32 v3, v2  }
0xff: {  	v61 =	vor.u32 $0x3B, v19  }
0x100: {  	v18 =	vor.u32 $0x3B, v20;
	v1 =	vadd.f32 v2, v1;
	v2 =	vld [tilespmem:$0x1FEC0];
	_ =	sdelay $0x2  }
0x101: {  	v3 =	vmul.f32 v33, v7  }
0x102: {  	v6 =	vld.idx.msk [tilespmem:v61+s15+$0x0], $0xffff  }
0x103: {  	v35 =	vld.idx.msk [tilespmem:v18+s19+$0x0], $0xffff;
	v2 =	vmul.f32 v3, v2  }
0x104: {  	v5 =	vor.u32 $0x3C, v19  }
0x105: {  	v17 =	vor.u32 $0x3C, v20;
	v1 =	vadd.f32 v2, v1;
	v2 =	vld [tilespmem:$0x1FED0];
	_ =	sdelay $0x2  }
0x106: {  	v3 =	vmul.f32 v35, v6  }
0x107: {  	v5 =	vld.idx.msk [tilespmem:v5+s15+$0x0], $0xffff  }
0x108: {  	v38 =	vld.idx.msk [tilespmem:v17+s19+$0x0], $0xffff;
	v2 =	vmul.f32 v3, v2  }
0x109: {  	v32 =	vor.u32 $0x3D, v19  }
0x10a: {  	v16 =	vor.u32 $0x3D, v20;
	v1 =	vadd.f32 v2, v1;
	v2 =	vld [tilespmem:$0x1FEE0];
	_ =	sdelay $0x2  }
0x10b: {  	v3 =	vmul.f32 v38, v5  }
0x10c: {  	v10 =	vld.idx.msk [tilespmem:v32+s15+$0x0], $0xffff  }
0x10d: {  	v36 =	vor.u32 $0x3E, v20;
	v40 =	vld.idx.msk [tilespmem:v16+s19+$0x0], $0xffff;
	v2 =	vmul.f32 v3, v2  }
0x10e: {  	v34 =	vor.u32 $0x3E, v19  }
0x10f: {  	v37 =	vor.u32 $0x3F, v19;
	v1 =	vadd.f32 v2, v1;
	v2 =	vld [tilespmem:$0x1FEF0]  }
0x110: {  	v39 =	vor.u32 $0x3F, v20;
	_ =	sdelay $0x1  }
0x111: {  	v41 =	vld.idx.msk [tilespmem:v36+s19+$0x0], $0xffff;
	v3 =	vmul.f32 v40, v10  }
0x112: {  	v4 =	vor.u32 $0x3F, v4;
	v9 =	vld.idx.msk [tilespmem:v34+s15+$0x0], $0xffff  }
0x113: {  	v8 =	vld.idx.msk [tilespmem:v37+s15+$0x0], $0xffff;
	v2 =	vmul.f32 v3, v2  }
0x114: {  	v5 =	vld.idx.msk [tilespmem:v39+s19+$0x0], $0xffff  }
0x115: {  	v1 =	vadd.f32 v2, v1;
	v2 =	vld [tilespmem:$0x1FF00];
	_ =	sdelay $0x1  }
0x116: {  	v4 =	vld.idx.msk [tilespmem:v4+s17+$0x0], $0xffff  }
0x117: {  	v3 =	vmul.f32 v41, v9;
	_ =	sdelay $0x1  }
0x118: {  	v2 =	vmul.f32 v3, v2;
	v3 =	vmul.f32 v5, v8;
	_ =	sdelay $0x1  }
0x119: {  	v1 =	vadd.f32 v2, v1;
	v2 =	vmul.f32 v3, v4;
	_ =	sdelay $0x1  }
0x11a: {  	v1 =	vadd.f32 v2, v1  }
0x11b: {  	s29 =	simm.s32 $0x18C00  }
0x11c: {  	s30 =	simm.s32 $0x210;
	[tilespmem:s29+$0x0] =	vst v1  }
0x11d: {  	v1 =	vld [tilespmem:s30+$0x0];
	_ =	sdelay $0x2  }
0x11e: {  	s31 =	simm.s32 $0x10  }
0x11f: {  	v2 =	vmov s31  }
0x120: {  	v2 =	vshll.u32 v2, $0x7;
	v1 =	vshrl.u32 v1, $0xD  }
0x121: {  	v55 =	vor.u32 v0, v2;
	v2 =	vand.u32 $0x7FF80, v1  }
0x122: {  	v1 =	vand.u32 $0x40, v1;
	v2 =	vadd.s32 v55, v2  }
0x123: {  	v3 =	vor.u32 v1, v2  }
0x124: {  	v1 =	vor.u32 $0x3E, v3  }
0x125: {  	v4 =	vor.u32 $0x3C, v3;
	_ =	sdelay $0x3  }
0x126: {  	v58 =	vld.idx.msk [tilespmem:v1+s17+$0x0], $0xffff  }
0x127: {  	v5 =	vor.u32 $0x3B, v3;
	v1 =	vld.idx.msk [tilespmem:v4+s17+$0x0], $0xffff;
	_ =	sdelay $0x4  }
0x128: {  	v42 =	vor.u32 $0x3A, v3;
	[tilespmem:$0x1FF10] =	vst v1;
	v1 =	vld.idx.msk [tilespmem:v5+s17+$0x0], $0xffff;
	_ =	sdelay $0x4  }
0x129: {  	v43 =	vor.u32 $0x39, v3;
	[tilespmem:$0x1FF20] =	vst v1;
	v1 =	vld.idx.msk [tilespmem:v42+s17+$0x0], $0xffff;
	_ =	sdelay $0x4  }
0x12a: {  	v44 =	vor.u32 $0x38, v3;
	[tilespmem:$0x1FF30] =	vst v1;
	v1 =	vld.idx.msk [tilespmem:v43+s17+$0x0], $0xffff;
	_ =	sdelay $0x3  }
0x12b: {  	v2 =	vor.u32 $0x3D, v3  }
0x12c: {  	v45 =	vor.u32 $0x37, v3;
	[tilespmem:$0x1FF40] =	vst v1;
	v1 =	vld.idx.msk [tilespmem:v44+s17+$0x0], $0xffff  }
0x12d: {  	v18 =	vor.u32 $0x2E, v3  }
0x12e: {  	v19 =	vor.u32 $0x2D, v3  }
0x12f: {  	v20 =	vor.u32 $0x2C, v3;
	v52 =	vld.idx.msk [tilespmem:v3+s17+$0x0], $0xffff  }
0x130: {  	v21 =	vor.u32 $0x2B, v3;
	v63 =	vld.idx.msk [tilespmem:v2+s17+$0x0], $0xffff  }
0x131: {  	v46 =	vor.u32 $0x36, v3;
	[tilespmem:$0x1FF50] =	vst v1;
	v1 =	vld.idx.msk [tilespmem:v45+s17+$0x0], $0xffff  }
0x132: {  	v22 =	vor.u32 $0x2A, v3;
	v18 =	vld.idx.msk [tilespmem:v18+s17+$0x0], $0xffff  }
0x133: {  	v23 =	vor.u32 $0x29, v3;
	v19 =	vld.idx.msk [tilespmem:v19+s17+$0x0], $0xffff  }
0x134: {  	v24 =	vor.u32 $0x28, v3;
	v20 =	vld.idx.msk [tilespmem:v20+s17+$0x0], $0xffff  }
0x135: {  	v25 =	vor.u32 $0x27, v3;
	v21 =	vld.idx.msk [tilespmem:v21+s17+$0x0], $0xffff  }
0x136: {  	v47 =	vor.u32 $0x35, v3;
	[tilespmem:$0x1FF60] =	vst v1;
	v1 =	vld.idx.msk [tilespmem:v46+s17+$0x0], $0xffff  }
0x137: {  	v26 =	vor.u32 $0x26, v3;
	v22 =	vld.idx.msk [tilespmem:v22+s17+$0x0], $0xffff  }
0x138: {  	v27 =	vor.u32 $0x25, v3;
	v23 =	vld.idx.msk [tilespmem:v23+s17+$0x0], $0xffff  }
0x139: {  	v28 =	vor.u32 $0x24, v3;
	v24 =	vld.idx.msk [tilespmem:v24+s17+$0x0], $0xffff  }
0x13a: {  	v29 =	vor.u32 $0x23, v3;
	v25 =	vld.idx.msk [tilespmem:v25+s17+$0x0], $0xffff  }
0x13b: {  	v48 =	vor.u32 $0x34, v3;
	[tilespmem:$0x1FF70] =	vst v1;
	v1 =	vld.idx.msk [tilespmem:v47+s17+$0x0], $0xffff  }
0x13c: {  	v30 =	vor.u32 $0x22, v3;
	v26 =	vld.idx.msk [tilespmem:v26+s17+$0x0], $0xffff  }
0x13d: {  	v31 =	vor.u32 $0x21, v3;
	v27 =	vld.idx.msk [tilespmem:v27+s17+$0x0], $0xffff  }
0x13e: {  	v53 =	vor.u32 $0x20, v3;
	v28 =	vld.idx.msk [tilespmem:v28+s17+$0x0], $0xffff  }
0x13f: {  	v54 =	vor.u32 $0x1F, v3;
	v29 =	vld.idx.msk [tilespmem:v29+s17+$0x0], $0xffff  }
0x140: {  	v49 =	vor.u32 $0x33, v3;
	[tilespmem:$0x1FF80] =	vst v1;
	v1 =	vld.idx.msk [tilespmem:v48+s17+$0x0], $0xffff  }
0x141: {  	v56 =	vor.u32 $0x1E, v3;
	v30 =	vld.idx.msk [tilespmem:v30+s17+$0x0], $0xffff  }
0x142: {  	v57 =	vor.u32 $0x1D, v3;
	v31 =	vld.idx.msk [tilespmem:v31+s17+$0x0], $0xffff  }
0x143: {  	v59 =	vor.u32 $0x1C, v3;
	v32 =	vld.idx.msk [tilespmem:v53+s17+$0x0], $0xffff  }
0x144: {  	v60 =	vor.u32 $0x1B, v3;
	v33 =	vld.idx.msk [tilespmem:v54+s17+$0x0], $0xffff  }
0x145: {  	v50 =	vor.u32 $0x32, v3;
	[tilespmem:$0x1FF90] =	vst v1;
	v1 =	vld.idx.msk [tilespmem:v49+s17+$0x0], $0xffff  }
0x146: {  	v61 =	vor.u32 $0x1A, v3;
	v34 =	vld.idx.msk [tilespmem:v56+s17+$0x0], $0xffff  }
0x147: {  	v62 =	vor.u32 $0x19, v3;
	v35 =	vld.idx.msk [tilespmem:v57+s17+$0x0], $0xffff  }
0x148: {  	v6 =	vor.u32 $0x18, v3;
	v36 =	vld.idx.msk [tilespmem:v59+s17+$0x0], $0xffff  }
0x149: {  	v7 =	vor.u32 $0x17, v3;
	v37 =	vld.idx.msk [tilespmem:v60+s17+$0x0], $0xffff  }
0x14a: {  	v51 =	vor.u32 $0x31, v3;
	[tilespmem:$0x1FFA0] =	vst v1;
	v1 =	vld.idx.msk [tilespmem:v50+s17+$0x0], $0xffff  }
0x14b: {  	v38 =	vld.idx.msk [tilespmem:v61+s17+$0x0], $0xffff;
	v60 =	vor.u32 $0xE, v3  }
0x14c: {  	v39 =	vld.idx.msk [tilespmem:v62+s17+$0x0], $0xffff;
	v61 =	vor.u32 $0xD, v3  }
0x14d: {  	v40 =	vld.idx.msk [tilespmem:v6+s17+$0x0], $0xffff;
	v62 =	vor.u32 $0xC, v3  }
0x14e: {  	v41 =	vld.idx.msk [tilespmem:v7+s17+$0x0], $0xffff  }
0x14f: {  	v16 =	vor.u32 $0x30, v3;
	[tilespmem:$0x1FFB0] =	vst v1;
	v1 =	vld.idx.msk [tilespmem:v51+s17+$0x0], $0xffff  }
0x150: {  	v53 =	vld.idx.msk [tilespmem:v60+s17+$0x0], $0xffff  }
0x151: {  	v8 =	vor.u32 $0x16, v3;
	v54 =	vld.idx.msk [tilespmem:v61+s17+$0x0], $0xffff  }
0x152: {  	s0 =	simm.s32 $0x410;
	v9 =	vor.u32 $0x15, v3;
	v56 =	vld.idx.msk [tilespmem:v62+s17+$0x0], $0xffff  }
0x153: {  	v10 =	vor.u32 $0x14, v3;
	v62 =	vld [tilespmem:s0+$0x0]  }
0x154: {  	v17 =	vor.u32 $0x2F, v3;
	[tilespmem:$0x1FFC0] =	vst v1;
	v1 =	vld.idx.msk [tilespmem:v16+s17+$0x0], $0xffff  }
0x155: {  	v11 =	vor.u32 $0x13, v3;
	v42 =	vld [tilespmem:s31+$0x0]  }
0x156: {  	v12 =	vor.u32 $0x12, v3;
	v44 =	vld.idx.msk [tilespmem:v8+s17+$0x0], $0xffff  }
0x157: {  	v13 =	vor.u32 $0x11, v3;
	v45 =	vld.idx.msk [tilespmem:v9+s17+$0x0], $0xffff  }
0x158: {  	v14 =	vor.u32 $0x10, v3;
	v46 =	vld.idx.msk [tilespmem:v10+s17+$0x0], $0xffff  }
0x159: {  	v15 =	vor.u32 $0xF, v3;
	[tilespmem:$0x1FFD0] =	vst v1;
	v1 =	vld.idx.msk [tilespmem:v17+s17+$0x0], $0xffff  }
0x15a: {  	v47 =	vld.idx.msk [tilespmem:v11+s17+$0x0], $0xffff  }
0x15b: {  	v48 =	vld.idx.msk [tilespmem:v12+s17+$0x0], $0xffff  }
0x15c: {  	v49 =	vld.idx.msk [tilespmem:v13+s17+$0x0], $0xffff  }
0x15d: {  	v57 =	vor.u32 $0xB, v3;
	v59 =	vor.u32 $0x9, v3;
	v50 =	vld.idx.msk [tilespmem:v14+s17+$0x0], $0xffff  }
0x15e: {  	s1 =	simm.s32 $0x20;
	v60 =	vor.u32 $0x8, v3;
	v61 =	vor.u32 $0x7, v3;
	v43 =	vor.u32 $0xA, v3;
	v51 =	vld.idx.msk [tilespmem:v15+s17+$0x0], $0xffff;
	[tilespmem:$0x1FFE0] =	vst v1  }
.LBB2_4:
0x15f: {  	_ =	sdelay $0x1  }
0x160: {  	v11 =	vor.u32 $0x6, v3  }
0x161: {  	v57 =	vld.idx.msk [tilespmem:v57+s17+$0x0], $0xffff;
	v0 =	vor.u32 $0x5, v3  }
0x162: {  	[tilespmem:$0x1FEA0] =	vst v58;
	v58 =	vld.idx.msk [tilespmem:v43+s17+$0x0], $0xffff;
	v1 =	vor.u32 $0x4, v3  }
0x163: {  	v59 =	vld.idx.msk [tilespmem:v59+s17+$0x0], $0xffff;
	v2 =	vor.u32 $0x2, v3;
	v4 =	vor.u32 $0x3, v3;
	v42 =	vshrl.u32 v42, $0xD  }
0x164: {  	v60 =	vld.idx.msk [tilespmem:v60+s17+$0x0], $0xffff;
	v5 =	vor.u32 $0x1, v3;
	v62 =	vshrl.u32 v62, $0xD;
	v12 =	vand.u32 $0x7FF80, v42  }
0x165: {  	[tilespmem:$0x1FE90] =	vst v63;
	v42 =	vand.u32 $0x40, v42;
	v6 =	vand.u32 $0x7FF80, v62;
	v63 =	vld.idx.msk [tilespmem:v11+s17+$0x0], $0xffff;
	v43 =	vadd.s32 v55, v12  }
0x166: {  	v13 =	vand.u32 $0x40, v62;
	v0 =	vld.idx.msk [tilespmem:v0+s17+$0x0], $0xffff;
	v6 =	vadd.s32 v55, v6;
	v43 =	vor.u32 v42, v43  }
0x167: {  	v1 =	vld.idx.msk [tilespmem:v1+s17+$0x0], $0xffff;
	v42 =	vor.u32 v13, v6  }
0x168: {  	v4 =	vld.idx.msk [tilespmem:v4+s17+$0x0], $0xffff;
	v14 =	vor.u32 $0x1, v43  }
0x169: {  	v2 =	vld.idx.msk [tilespmem:v2+s17+$0x0], $0xffff;
	v15 =	vor.u32 $0x1, v42  }
0x16a: {  	v5 =	vld.idx.msk [tilespmem:v5+s17+$0x0], $0xffff;
	v62 =	vor.u32 $0x2, v43  }
0x16b: {  	v8 =	vor.u32 $0x2, v42;
	v7 =	vld.idx.msk [tilespmem:v43+s15+$0x0], $0xffff  }
0x16c: {  	v10 =	vor.u32 $0x3, v43;
	v9 =	vld.idx.msk [tilespmem:v42+s19+$0x0], $0xffff  }
0x16d: {  	v11 =	vor.u32 $0x3, v42;
	v6 =	vld.idx.msk [tilespmem:v14+s15+$0x0], $0xffff  }
0x16e: {  	v12 =	vor.u32 $0x4, v43;
	v55 =	vld.idx.msk [tilespmem:v15+s19+$0x0], $0xffff  }
0x16f: {  	v13 =	vor.u32 $0x4, v42;
	v62 =	vld.idx.msk [tilespmem:v62+s15+$0x0], $0xffff  }
0x170: {  	v8 =	vld.idx.msk [tilespmem:v8+s19+$0x0], $0xffff;
	v14 =	vor.u32 $0x5, v43  }
0x171: {  	v10 =	vld.idx.msk [tilespmem:v10+s15+$0x0], $0xffff;
	v15 =	vor.u32 $0x5, v42  }
0x172: {  	v7 =	vmul.f32 v9, v7;
	v9 =	vld.idx.msk [tilespmem:v11+s19+$0x0], $0xffff;
	v11 =	vor.u32 $0x6, v43  }
0x173: {  	v16 =	vor.u32 $0x6, v42;
	v12 =	vld.idx.msk [tilespmem:v12+s15+$0x0], $0xffff  }
0x174: {  	v13 =	vld.idx.msk [tilespmem:v13+s19+$0x0], $0xffff;
	v6 =	vmul.f32 v55, v6;
	v7 =	vmul.f32 v7, v52;
	v52 =	vor.u32 $0x7, v43  }
0x175: {  	v14 =	vld.idx.msk [tilespmem:v14+s15+$0x0], $0xffff;
	v55 =	vor.u32 $0x7, v42  }
0x176: {  	v5 =	vmul.f32 v6, v5;
	v6 =	vmul.f32 v8, v62;
	v8 =	vld.idx.msk [tilespmem:v15+s19+$0x0], $0xffff;
	v7 =	vadd.f32 $0.0e+00, v7  }
0x177: {  	v17 =	vor.u32 $0x8, v43;
	v15 =	vor.u32 $0x8, v42;
	v11 =	vld.idx.msk [tilespmem:v11+s15+$0x0], $0xffff  }
0x178: {  	v2 =	vmul.f32 v6, v2;
	v6 =	vmul.f32 v9, v10;
	v5 =	vadd.f32 v5, v7;
	v7 =	vld.idx.msk [tilespmem:v16+s19+$0x0], $0xffff  }
0x179: {  	v62 =	vor.u32 $0x9, v43;
	v9 =	vld.idx.msk [tilespmem:v52+s15+$0x0], $0xffff;
	v52 =	vor.u32 $0x9, v42  }
0x17a: {  	v61 =	vld.idx.msk [tilespmem:v61+s17+$0x0], $0xffff;
	v4 =	vmul.f32 v6, v4;
	v2 =	vadd.f32 v2, v5;
	v5 =	vmul.f32 v13, v12  }
0x17b: {  	v16 =	vor.u32 $0xA, v43;
	v6 =	vld.idx.msk [tilespmem:v55+s19+$0x0], $0xffff;
	v55 =	vor.u32 $0xA, v42  }
0x17c: {  	v12 =	vld.idx.msk [tilespmem:v17+s15+$0x0], $0xffff;
	v2 =	vadd.f32 v4, v2;
	v1 =	vmul.f32 v5, v1;
	v4 =	vmul.f32 v8, v14  }
0x17d: {  	v17 =	vor.u32 $0xB, v43;
	v5 =	vld.idx.msk [tilespmem:v15+s19+$0x0], $0xffff;
	v14 =	vor.u32 $0xB, v42  }
0x17e: {  	v8 =	vld.idx.msk [tilespmem:v62+s15+$0x0], $0xffff;
	v1 =	vadd.f32 v1, v2;
	v0 =	vmul.f32 v4, v0;
	v2 =	vmul.f32 v7, v11  }
0x17f: {  	v10 =	vor.u32 $0xC, v42;
	v62 =	vor.u32 $0xC, v43;
	v4 =	vld.idx.msk [tilespmem:v52+s19+$0x0], $0xffff  }
0x180: {  	v7 =	vld.idx.msk [tilespmem:v16+s15+$0x0], $0xffff;
	v0 =	vadd.f32 v0, v1;
	v1 =	vmul.f32 v2, v63;
	v2 =	vmul.f32 v6, v9  }
0x181: {  	v52 =	vor.u32 $0xD, v43;
	v6 =	vld.idx.msk [tilespmem:v55+s19+$0x0], $0xffff;
	v55 =	vor.u32 $0xD, v42  }
0x182: {  	v9 =	vld.idx.msk [tilespmem:v17+s15+$0x0], $0xffff;
	v0 =	vadd.f32 v1, v0;
	v1 =	vmul.f32 v2, v61;
	v2 =	vmul.f32 v5, v12  }
0x183: {  	v16 =	vor.u32 $0xE, v43;
	v5 =	vld.idx.msk [tilespmem:v14+s19+$0x0], $0xffff;
	v61 =	vor.u32 $0xE, v42  }
0x184: {  	v12 =	vld.idx.msk [tilespmem:v62+s15+$0x0], $0xffff;
	v0 =	vadd.f32 v1, v0;
	v1 =	vmul.f32 v2, v60;
	v2 =	vmul.f32 v4, v8  }
0x185: {  	v63 =	vor.u32 $0xF, v42;
	v62 =	vor.u32 $0xF, v43;
	v4 =	vld.idx.msk [tilespmem:v10+s19+$0x0], $0xffff  }
0x186: {  	v8 =	vld.idx.msk [tilespmem:v52+s15+$0x0], $0xffff;
	v0 =	vadd.f32 v1, v0;
	v1 =	vmul.f32 v2, v59;
	v2 =	vmul.f32 v6, v7  }
0x187: {  	v52 =	vor.u32 $0x10, v43;
	v60 =	vor.u32 $0x10, v42;
	v55 =	vld.idx.msk [tilespmem:v55+s19+$0x0], $0xffff  }
0x188: {  	v59 =	vld.idx.msk [tilespmem:v16+s15+$0x0], $0xffff;
	v0 =	vadd.f32 v1, v0;
	v1 =	vmul.f32 v2, v58;
	v2 =	vmul.f32 v5, v9  }
0x189: {  	v16 =	vor.u32 $0x11, v43;
	v5 =	vld.idx.msk [tilespmem:v61+s19+$0x0], $0xffff;
	v61 =	vor.u32 $0x11, v42  }
0x18a: {  	v9 =	vld.idx.msk [tilespmem:v62+s15+$0x0], $0xffff;
	v0 =	vadd.f32 v1, v0;
	v1 =	vmul.f32 v2, v57;
	v2 =	vmul.f32 v4, v12  }
0x18b: {  	v62 =	vor.u32 $0x12, v43;
	v4 =	vld.idx.msk [tilespmem:v63+s19+$0x0], $0xffff;
	v63 =	vor.u32 $0x12, v42  }
0x18c: {  	v10 =	vld.idx.msk [tilespmem:v52+s15+$0x0], $0xffff;
	v0 =	vadd.f32 v1, v0;
	v1 =	vmul.f32 v2, v56;
	v2 =	vmul.f32 v55, v8  }
0x18d: {  	v52 =	vor.u32 $0x13, v43;
	v57 =	vor.u32 $0x13, v42;
	v55 =	vld.idx.msk [tilespmem:v60+s19+$0x0], $0xffff  }
0x18e: {  	v56 =	vld.idx.msk [tilespmem:v16+s15+$0x0], $0xffff;
	v0 =	vadd.f32 v1, v0;
	v1 =	vmul.f32 v2, v54;
	v2 =	vmul.f32 v5, v59  }
0x18f: {  	v16 =	vor.u32 $0x14, v43;
	v5 =	vld.idx.msk [tilespmem:v61+s19+$0x0], $0xffff;
	v59 =	vor.u32 $0x14, v42  }
0x190: {  	v58 =	vld.idx.msk [tilespmem:v62+s15+$0x0], $0xffff;
	v0 =	vadd.f32 v1, v0;
	v1 =	vmul.f32 v2, v53;
	v2 =	vmul.f32 v4, v9  }
0x191: {  	v60 =	vor.u32 $0x15, v43;
	v62 =	vor.u32 $0x15, v42;
	v4 =	vld.idx.msk [tilespmem:v63+s19+$0x0], $0xffff  }
0x192: {  	v61 =	vld.idx.msk [tilespmem:v52+s15+$0x0], $0xffff;
	v0 =	vadd.f32 v1, v0;
	v1 =	vmul.f32 v2, v51;
	v2 =	vmul.f32 v55, v10  }
0x193: {  	v54 =	vor.u32 $0x16, v42;
	v52 =	vld.idx.msk [tilespmem:v57+s19+$0x0], $0xffff;
	v63 =	vor.u32 $0x16, v43  }
0x194: {  	v53 =	vld.idx.msk [tilespmem:v16+s15+$0x0], $0xffff;
	v0 =	vadd.f32 v1, v0;
	v1 =	vmul.f32 v2, v50;
	v2 =	vmul.f32 v5, v56  }
0x195: {  	v16 =	vor.u32 $0x17, v43;
	v5 =	vld.idx.msk [tilespmem:v59+s19+$0x0], $0xffff;
	v56 =	vor.u32 $0x17, v42  }
0x196: {  	v55 =	vld.idx.msk [tilespmem:v60+s15+$0x0], $0xffff;
	v0 =	vadd.f32 v1, v0;
	v1 =	vmul.f32 v2, v49;
	v2 =	vmul.f32 v4, v58  }
0x197: {  	v57 =	vor.u32 $0x18, v43;
	v59 =	vor.u32 $0x18, v42;
	v4 =	vld.idx.msk [tilespmem:v62+s19+$0x0], $0xffff  }
0x198: {  	v58 =	vld.idx.msk [tilespmem:v63+s15+$0x0], $0xffff;
	v0 =	vadd.f32 v1, v0;
	v1 =	vmul.f32 v2, v48;
	v2 =	vmul.f32 v52, v61  }
0x199: {  	v60 =	vor.u32 $0x19, v43;
	v63 =	vor.u32 $0x19, v42;
	v61 =	vld.idx.msk [tilespmem:v54+s19+$0x0], $0xffff  }
0x19a: {  	v62 =	vld.idx.msk [tilespmem:v16+s15+$0x0], $0xffff;
	v0 =	vadd.f32 v1, v0;
	v1 =	vmul.f32 v2, v47;
	v2 =	vmul.f32 v5, v53  }
0x19b: {  	v16 =	vor.u32 $0x1A, v43;
	v49 =	vor.u32 $0x1A, v42;
	v5 =	vld.idx.msk [tilespmem:v56+s19+$0x0], $0xffff  }
0x19c: {  	v48 =	vld.idx.msk [tilespmem:v57+s15+$0x0], $0xffff;
	v0 =	vadd.f32 v1, v0;
	v1 =	vmul.f32 v2, v46;
	v2 =	vmul.f32 v4, v55  }
0x19d: {  	v50 =	vor.u32 $0x1B, v43;
	v52 =	vor.u32 $0x1B, v42;
	v4 =	vld.idx.msk [tilespmem:v59+s19+$0x0], $0xffff  }
0x19e: {  	v51 =	vld.idx.msk [tilespmem:v60+s15+$0x0], $0xffff;
	v0 =	vadd.f32 v1, v0;
	v1 =	vmul.f32 v2, v45;
	v2 =	vmul.f32 v61, v58  }
0x19f: {  	v53 =	vor.u32 $0x1C, v43;
	v56 =	vor.u32 $0x1C, v42;
	v54 =	vld.idx.msk [tilespmem:v63+s19+$0x0], $0xffff  }
0x1a0: {  	v55 =	vld.idx.msk [tilespmem:v16+s15+$0x0], $0xffff;
	v0 =	vadd.f32 v1, v0;
	v1 =	vmul.f32 v2, v44;
	v2 =	vmul.f32 v5, v62  }
0x1a1: {  	v16 =	vor.u32 $0x1D, v43;
	v58 =	vor.u32 $0x1D, v42;
	v5 =	vld.idx.msk [tilespmem:v49+s19+$0x0], $0xffff  }
0x1a2: {  	v57 =	vld.idx.msk [tilespmem:v50+s15+$0x0], $0xffff;
	v0 =	vadd.f32 v1, v0;
	v1 =	vmul.f32 v2, v41;
	v2 =	vmul.f32 v4, v48  }
0x1a3: {  	v59 =	vor.u32 $0x1E, v43;
	v61 =	vor.u32 $0x1E, v42;
	v4 =	vld.idx.msk [tilespmem:v52+s19+$0x0], $0xffff  }
0x1a4: {  	v60 =	vld.idx.msk [tilespmem:v53+s15+$0x0], $0xffff;
	v0 =	vadd.f32 v1, v0;
	v1 =	vmul.f32 v2, v40;
	v2 =	vmul.f32 v54, v51  }
0x1a5: {  	v63 =	vld.idx.msk [tilespmem:v56+s19+$0x0], $0xffff;
	v62 =	vor.u32 $0x1F, v43;
	v41 =	vor.u32 $0x1F, v42  }
0x1a6: {  	v40 =	vld.idx.msk [tilespmem:v16+s15+$0x0], $0xffff;
	v0 =	vadd.f32 v1, v0;
	v1 =	vmul.f32 v2, v39;
	v2 =	vmul.f32 v5, v55  }
0x1a7: {  	v45 =	vor.u32 $0x20, v42;
	v16 =	vor.u32 $0x20, v43;
	v5 =	vld.idx.msk [tilespmem:v58+s19+$0x0], $0xffff  }
0x1a8: {  	v44 =	vld.idx.msk [tilespmem:v59+s15+$0x0], $0xffff;
	v0 =	vadd.f32 v1, v0;
	v1 =	vmul.f32 v2, v38;
	v2 =	vmul.f32 v4, v57  }
0x1a9: {  	v46 =	vor.u32 $0x21, v43;
	v48 =	vor.u32 $0x21, v42;
	v4 =	vld.idx.msk [tilespmem:v61+s19+$0x0], $0xffff  }
0x1aa: {  	v47 =	vld.idx.msk [tilespmem:v62+s15+$0x0], $0xffff;
	v0 =	vadd.f32 v1, v0;
	v1 =	vmul.f32 v2, v37;
	v2 =	vmul.f32 v63, v60  }
0x1ab: {  	v49 =	vor.u32 $0x22, v43;
	v52 =	vor.u32 $0x22, v42;
	v50 =	vld.idx.msk [tilespmem:v41+s19+$0x0], $0xffff  }
0x1ac: {  	v51 =	vld.idx.msk [tilespmem:v16+s15+$0x0], $0xffff;
	v0 =	vadd.f32 v1, v0;
	v1 =	vmul.f32 v2, v36;
	v2 =	vmul.f32 v5, v40  }
0x1ad: {  	v54 =	vor.u32 $0x23, v42;
	v16 =	vor.u32 $0x23, v43;
	v5 =	vld.idx.msk [tilespmem:v45+s19+$0x0], $0xffff  }
0x1ae: {  	v53 =	vld.idx.msk [tilespmem:v46+s15+$0x0], $0xffff;
	v0 =	vadd.f32 v1, v0;
	v1 =	vmul.f32 v2, v35;
	v2 =	vmul.f32 v4, v44  }
0x1af: {  	v55 =	vor.u32 $0x24, v43;
	v57 =	vor.u32 $0x24, v42;
	v4 =	vld.idx.msk [tilespmem:v48+s19+$0x0], $0xffff  }
0x1b0: {  	v56 =	vld.idx.msk [tilespmem:v49+s15+$0x0], $0xffff;
	v0 =	vadd.f32 v1, v0;
	v1 =	vmul.f32 v2, v34;
	v2 =	vmul.f32 v50, v47  }
0x1b1: {  	v58 =	vor.u32 $0x25, v43;
	v59 =	vld.idx.msk [tilespmem:v52+s19+$0x0], $0xffff;
	v61 =	vor.u32 $0x25, v42  }
0x1b2: {  	v60 =	vld.idx.msk [tilespmem:v16+s15+$0x0], $0xffff;
	v0 =	vadd.f32 v1, v0;
	v1 =	vmul.f32 v2, v33;
	v2 =	vmul.f32 v5, v51  }
0x1b3: {  	v63 =	vor.u32 $0x26, v42;
	v16 =	vor.u32 $0x26, v43;
	v5 =	vld.idx.msk [tilespmem:v54+s19+$0x0], $0xffff  }
0x1b4: {  	v62 =	vld.idx.msk [tilespmem:v55+s15+$0x0], $0xffff;
	v0 =	vadd.f32 v1, v0;
	v1 =	vmul.f32 v2, v32;
	v2 =	vmul.f32 v4, v53  }
0x1b5: {  	v35 =	vor.u32 $0x27, v42;
	v33 =	vor.u32 $0x27, v43;
	v4 =	vld.idx.msk [tilespmem:v57+s19+$0x0], $0xffff  }
0x1b6: {  	v37 =	vld.idx.msk [tilespmem:v61+s19+$0x0], $0xffff;
	v0 =	vadd.f32 v1, v0;
	v1 =	vmul.f32 v2, v31;
	v2 =	vmul.f32 v59, v56  }
0x1b7: {  	v39 =	vor.u32 $0x28, v42;
	v36 =	vor.u32 $0x28, v43;
	v34 =	vld.idx.msk [tilespmem:v58+s15+$0x0], $0xffff  }
0x1b8: {  	v38 =	vld.idx.msk [tilespmem:v16+s15+$0x0], $0xffff;
	v0 =	vadd.f32 v1, v0;
	v1 =	vmul.f32 v2, v30;
	v2 =	vmul.f32 v5, v60  }
0x1b9: {  	v41 =	vor.u32 $0x29, v42;
	v16 =	vor.u32 $0x29, v43;
	v5 =	vld.idx.msk [tilespmem:v63+s19+$0x0], $0xffff  }
0x1ba: {  	v40 =	vld.idx.msk [tilespmem:v33+s15+$0x0], $0xffff;
	v0 =	vadd.f32 v1, v0;
	v1 =	vmul.f32 v2, v29;
	v2 =	vmul.f32 v4, v62  }
0x1bb: {  	v46 =	vor.u32 $0x2A, v42;
	v44 =	vor.u32 $0x2A, v43;
	v4 =	vld.idx.msk [tilespmem:v35+s19+$0x0], $0xffff  }
0x1bc: {  	v48 =	vld.idx.msk [tilespmem:v39+s19+$0x0], $0xffff;
	v0 =	vadd.f32 v1, v0;
	v1 =	vmul.f32 v2, v28;
	v2 =	vmul.f32 v37, v34  }
0x1bd: {  	v47 =	vor.u32 $0x2B, v43;
	v50 =	vor.u32 $0x2B, v42;
	v45 =	vld.idx.msk [tilespmem:v36+s15+$0x0], $0xffff  }
0x1be: {  	v49 =	vld.idx.msk [tilespmem:v16+s15+$0x0], $0xffff;
	v0 =	vadd.f32 v1, v0;
	v1 =	vmul.f32 v2, v27;
	v2 =	vmul.f32 v5, v38  }
0x1bf: {  	v52 =	vor.u32 $0x2C, v42;
	v16 =	vor.u32 $0x2C, v43;
	v5 =	vld.idx.msk [tilespmem:v41+s19+$0x0], $0xffff  }
0x1c0: {  	v51 =	vld.idx.msk [tilespmem:v44+s15+$0x0], $0xffff;
	v0 =	vadd.f32 v1, v0;
	v1 =	vmul.f32 v2, v26;
	v2 =	vmul.f32 v4, v40  }
0x1c1: {  	v55 =	vor.u32 $0x2D, v42;
	v53 =	vor.u32 $0x2D, v43;
	v4 =	vld.idx.msk [tilespmem:v46+s19+$0x0], $0xffff  }
0x1c2: {  	v54 =	vld.idx.msk [tilespmem:v47+s15+$0x0], $0xffff;
	v0 =	vadd.f32 v1, v0;
	v1 =	vmul.f32 v2, v25;
	v2 =	vmul.f32 v48, v45  }
0x1c3: {  	v57 =	vld.idx.msk [tilespmem:v50+s19+$0x0], $0xffff;
	v56 =	vor.u32 $0x2E, v43;
	v59 =	vor.u32 $0x2E, v42  }
0x1c4: {  	v58 =	vld.idx.msk [tilespmem:v16+s15+$0x0], $0xffff;
	v0 =	vadd.f32 v1, v0;
	v1 =	vmul.f32 v2, v24;
	v2 =	vmul.f32 v5, v49  }
0x1c5: {  	v5 =	vld.idx.msk [tilespmem:v52+s19+$0x0], $0xffff  }
0x1c6: {  	v60 =	vld.idx.msk [tilespmem:v53+s15+$0x0], $0xffff;
	v0 =	vadd.f32 v1, v0;
	v1 =	vmul.f32 v2, v23;
	v2 =	vmul.f32 v4, v51  }
0x1c7: {  	v4 =	vld.idx.msk [tilespmem:v55+s19+$0x0], $0xffff  }
0x1c8: {  	v63 =	vld.idx.msk [tilespmem:v56+s15+$0x0], $0xffff;
	v0 =	vadd.f32 v1, v0;
	v1 =	vmul.f32 v2, v22;
	v2 =	vmul.f32 v57, v54  }
0x1c9: {  	v34 =	vld.idx.msk [tilespmem:v59+s19+$0x0], $0xffff;
	v16 =	vor.u32 $0x2F, v43  }
0x1ca: {  	v0 =	vadd.f32 v1, v0;
	v1 =	vmul.f32 v2, v21;
	v2 =	vmul.f32 v5, v58  }
0x1cb: {  	v61 =	vor.u32 $0x2F, v42  }
0x1cc: {  	v0 =	vadd.f32 v1, v0;
	v1 =	vmul.f32 v2, v20;
	v2 =	vmul.f32 v4, v60;
	_ =	sdelay $0x1  }
0x1cd: {  	v0 =	vadd.f32 v1, v0;
	v1 =	vmul.f32 v2, v19;
	v2 =	vmul.f32 v34, v63  }
0x1ce: {  	v35 =	vld.idx.msk [tilespmem:v16+s15+$0x0], $0xffff  }
0x1cf: {  	v5 =	vld.idx.msk [tilespmem:v61+s19+$0x0], $0xffff;
	v0 =	vadd.f32 v1, v0;
	v1 =	vmul.f32 v2, v18  }
0x1d0: {  	v62 =	vor.u32 $0x30, v43  }
0x1d1: {  	v32 =	vor.u32 $0x30, v42;
	v0 =	vadd.f32 v1, v0;
	v1 =	vld [tilespmem:$0x1FFE0];
	_ =	sdelay $0x2  }
0x1d2: {  	v2 =	vmul.f32 v5, v35  }
0x1d3: {  	v37 =	vld.idx.msk [tilespmem:v62+s15+$0x0], $0xffff  }
0x1d4: {  	v4 =	vld.idx.msk [tilespmem:v32+s19+$0x0], $0xffff;
	v1 =	vmul.f32 v2, v1  }
0x1d5: {  	v33 =	vor.u32 $0x31, v43  }
0x1d6: {  	v36 =	vor.u32 $0x31, v42;
	v0 =	vadd.f32 v1, v0;
	v1 =	vld [tilespmem:$0x1FFD0];
	_ =	sdelay $0x2  }
0x1d7: {  	v2 =	vmul.f32 v4, v37  }
0x1d8: {  	v40 =	vld.idx.msk [tilespmem:v33+s15+$0x0], $0xffff  }
0x1d9: {  	v45 =	vld.idx.msk [tilespmem:v36+s19+$0x0], $0xffff;
	v1 =	vmul.f32 v2, v1  }
0x1da: {  	v16 =	vor.u32 $0x32, v43  }
0x1db: {  	v38 =	vor.u32 $0x32, v42;
	v0 =	vadd.f32 v1, v0;
	v1 =	vld [tilespmem:$0x1FFC0];
	_ =	sdelay $0x2  }
0x1dc: {  	v2 =	vmul.f32 v45, v40  }
0x1dd: {  	v46 =	vld.idx.msk [tilespmem:v16+s15+$0x0], $0xffff  }
0x1de: {  	v5 =	vld.idx.msk [tilespmem:v38+s19+$0x0], $0xffff;
	v1 =	vmul.f32 v2, v1  }
0x1df: {  	v39 =	vor.u32 $0x33, v43  }
0x1e0: {  	v41 =	vor.u32 $0x33, v42;
	v0 =	vadd.f32 v1, v0;
	v1 =	vld [tilespmem:$0x1FFB0];
	_ =	sdelay $0x2  }
0x1e1: {  	v2 =	vmul.f32 v5, v46  }
0x1e2: {  	v48 =	vld.idx.msk [tilespmem:v39+s15+$0x0], $0xffff  }
0x1e3: {  	v4 =	vld.idx.msk [tilespmem:v41+s19+$0x0], $0xffff;
	v1 =	vmul.f32 v2, v1  }
0x1e4: {  	v44 =	vor.u32 $0x34, v43  }
0x1e5: {  	v47 =	vor.u32 $0x34, v42;
	v0 =	vadd.f32 v1, v0;
	v1 =	vld [tilespmem:$0x1FFA0];
	_ =	sdelay $0x2  }
0x1e6: {  	v2 =	vmul.f32 v4, v48  }
0x1e7: {  	v51 =	vld.idx.msk [tilespmem:v44+s15+$0x0], $0xffff  }
0x1e8: {  	v54 =	vld.idx.msk [tilespmem:v47+s19+$0x0], $0xffff;
	v1 =	vmul.f32 v2, v1  }
0x1e9: {  	v16 =	vor.u32 $0x35, v43  }
0x1ea: {  	v49 =	vor.u32 $0x35, v42;
	v0 =	vadd.f32 v1, v0;
	v1 =	vld [tilespmem:$0x1FF90];
	_ =	sdelay $0x2  }
0x1eb: {  	v2 =	vmul.f32 v54, v51  }
0x1ec: {  	v55 =	vld.idx.msk [tilespmem:v16+s15+$0x0], $0xffff  }
0x1ed: {  	v5 =	vld.idx.msk [tilespmem:v49+s19+$0x0], $0xffff;
	v1 =	vmul.f32 v2, v1  }
0x1ee: {  	v50 =	vor.u32 $0x36, v43  }
0x1ef: {  	v52 =	vor.u32 $0x36, v42;
	v0 =	vadd.f32 v1, v0;
	v1 =	vld [tilespmem:$0x1FF80];
	_ =	sdelay $0x2  }
0x1f0: {  	v2 =	vmul.f32 v5, v55  }
0x1f1: {  	v57 =	vld.idx.msk [tilespmem:v50+s15+$0x0], $0xffff  }
0x1f2: {  	v4 =	vld.idx.msk [tilespmem:v52+s19+$0x0], $0xffff;
	v1 =	vmul.f32 v2, v1  }
0x1f3: {  	v53 =	vor.u32 $0x37, v43  }
0x1f4: {  	v56 =	vor.u32 $0x37, v42;
	v0 =	vadd.f32 v1, v0;
	v1 =	vld [tilespmem:$0x1FF70];
	_ =	sdelay $0x2  }
0x1f5: {  	v2 =	vmul.f32 v4, v57  }
0x1f6: {  	v60 =	vld.idx.msk [tilespmem:v53+s15+$0x0], $0xffff  }
0x1f7: {  	v63 =	vld.idx.msk [tilespmem:v56+s19+$0x0], $0xffff;
	v1 =	vmul.f32 v2, v1  }
0x1f8: {  	v16 =	vor.u32 $0x38, v43  }
0x1f9: {  	v58 =	vor.u32 $0x38, v42;
	v0 =	vadd.f32 v1, v0;
	v1 =	vld [tilespmem:$0x1FF60];
	_ =	sdelay $0x2  }
0x1fa: {  	v2 =	vmul.f32 v63, v60  }
0x1fb: {  	v32 =	vld.idx.msk [tilespmem:v16+s15+$0x0], $0xffff  }
0x1fc: {  	v5 =	vld.idx.msk [tilespmem:v58+s19+$0x0], $0xffff;
	v1 =	vmul.f32 v2, v1  }
0x1fd: {  	v59 =	vor.u32 $0x39, v43  }
0x1fe: {  	v61 =	vor.u32 $0x39, v42;
	v0 =	vadd.f32 v1, v0;
	v1 =	vld [tilespmem:$0x1FF50];
	_ =	sdelay $0x2  }
0x1ff: {  	v2 =	vmul.f32 v5, v32  }
0x200: {  	v34 =	vld.idx.msk [tilespmem:v59+s15+$0x0], $0xffff  }
0x201: {  	v4 =	vld.idx.msk [tilespmem:v61+s19+$0x0], $0xffff;
	v1 =	vmul.f32 v2, v1  }
0x202: {  	v62 =	vor.u32 $0x3A, v43  }
0x203: {  	v33 =	vor.u32 $0x3A, v42;
	v0 =	vadd.f32 v1, v0;
	v1 =	vld [tilespmem:$0x1FF40];
	_ =	sdelay $0x2  }
0x204: {  	v2 =	vmul.f32 v4, v34  }
0x205: {  	v37 =	vld.idx.msk [tilespmem:v62+s15+$0x0], $0xffff  }
0x206: {  	v40 =	vld.idx.msk [tilespmem:v33+s19+$0x0], $0xffff;
	v1 =	vmul.f32 v2, v1  }
0x207: {  	v16 =	vor.u32 $0x3B, v43  }
0x208: {  	v35 =	vor.u32 $0x3B, v42;
	v0 =	vadd.f32 v1, v0;
	v1 =	vld [tilespmem:$0x1FF30];
	_ =	sdelay $0x2  }
0x209: {  	v2 =	vmul.f32 v40, v37  }
0x20a: {  	v41 =	vld.idx.msk [tilespmem:v16+s15+$0x0], $0xffff  }
0x20b: {  	v5 =	vld.idx.msk [tilespmem:v35+s19+$0x0], $0xffff;
	v1 =	vmul.f32 v2, v1  }
0x20c: {  	v36 =	vor.u32 $0x3C, v43  }
0x20d: {  	v38 =	vor.u32 $0x3C, v42;
	v0 =	vadd.f32 v1, v0;
	v1 =	vld [tilespmem:$0x1FF20];
	_ =	sdelay $0x2  }
0x20e: {  	v2 =	vmul.f32 v5, v41  }
0x20f: {  	v45 =	vld.idx.msk [tilespmem:v36+s15+$0x0], $0xffff  }
0x210: {  	v4 =	vld.idx.msk [tilespmem:v38+s19+$0x0], $0xffff;
	v1 =	vmul.f32 v2, v1  }
0x211: {  	v44 =	vor.u32 $0x3D, v42  }
0x212: {  	v39 =	vor.u32 $0x3D, v43;
	v0 =	vadd.f32 v1, v0;
	v1 =	vld [tilespmem:$0x1FF10];
	_ =	sdelay $0x2  }
0x213: {  	v2 =	vmul.f32 v4, v45  }
0x214: {  	v50 =	vld.idx.msk [tilespmem:v44+s19+$0x0], $0xffff  }
0x215: {  	v47 =	vor.u32 $0x3F, v43;
	v48 =	vld.idx.msk [tilespmem:v39+s15+$0x0], $0xffff;
	v1 =	vmul.f32 v2, v1  }
0x216: {  	v16 =	vor.u32 $0x3E, v43  }
0x217: {  	v46 =	vor.u32 $0x3E, v42;
	v0 =	vadd.f32 v1, v0;
	v1 =	vld [tilespmem:$0x1FE90]  }
0x218: {  	v49 =	vor.u32 $0x3F, v42;
	_ =	sdelay $0x1  }
0x219: {  	v52 =	vld.idx.msk [tilespmem:v47+s15+$0x0], $0xffff;
	v2 =	vmul.f32 v50, v48  }
0x21a: {  	v3 =	vor.u32 $0x3F, v3;
	v51 =	vld.idx.msk [tilespmem:v16+s15+$0x0], $0xffff  }
0x21b: {  	v5 =	vld.idx.msk [tilespmem:v46+s19+$0x0], $0xffff;
	v1 =	vmul.f32 v2, v1  }
0x21c: {  	v4 =	vld.idx.msk [tilespmem:v49+s19+$0x0], $0xffff  }
0x21d: {  	v0 =	vadd.f32 v1, v0;
	v1 =	vld [tilespmem:$0x1FEA0];
	_ =	sdelay $0x1  }
0x21e: {  	v3 =	vld.idx.msk [tilespmem:v3+s17+$0x0], $0xffff  }
0x21f: {  	v2 =	vmul.f32 v5, v51;
	_ =	sdelay $0x1  }
0x220: {  	v1 =	vmul.f32 v2, v1;
	v2 =	vmul.f32 v4, v52;
	_ =	sdelay $0x1  }
0x221: {  	v0 =	vadd.f32 v1, v0;
	v1 =	vmul.f32 v2, v3;
	_ =	sdelay $0x1  }
0x222: {  	v0 =	vadd.f32 v1, v0  }
0x223: {  	s29 =	sadd.s32 $0x10, s29  }
0x224: {  	s30 =	sadd.s32 $0x10, s30;
	[tilespmem:s29+$0x0] =	vst v0  }
0x225: {  	v0 =	vld [tilespmem:s30+$0x0]  }
0x226: {  	v2 =	vld [tilespmem:$0x1FFF0];
	_ =	sdelay $0x2  }
0x227: {  	v1 =	vmov s1  }
0x228: {  	v1 =	vshll.u32 v1, $0x7;
	v0 =	vshrl.u32 v0, $0xD  }
0x229: {  	v55 =	vor.u32 v2, v1;
	v1 =	vand.u32 $0x7FF80, v0  }
0x22a: {  	v0 =	vand.u32 $0x40, v0;
	v1 =	vadd.s32 v55, v1  }
0x22b: {  	v3 =	vor.u32 v0, v1  }
0x22c: {  	v2 =	vor.u32 $0x3C, v3;
	_ =	sdelay $0x1  }
0x22d: {  	v4 =	vor.u32 $0x3B, v3  }
0x22e: {  	v0 =	vor.u32 $0x3E, v3  }
0x22f: {  	v1 =	vor.u32 $0x3D, v3  }
0x230: {  	v2 =	vld.idx.msk [tilespmem:v2+s17+$0x0], $0xffff  }
0x231: {  	v5 =	vor.u32 $0x3A, v3  }
0x232: {  	v4 =	vld.idx.msk [tilespmem:v4+s17+$0x0], $0xffff  }
0x233: {  	v58 =	vld.idx.msk [tilespmem:v0+s17+$0x0], $0xffff;
	v0 =	vor.u32 $0x38, v3  }
0x234: {  	v63 =	vld.idx.msk [tilespmem:v1+s17+$0x0], $0xffff;
	v1 =	vor.u32 $0x37, v3  }
0x235: {  	[tilespmem:$0x1FF10] =	vst v2;
	v2 =	vor.u32 $0x36, v3  }
0x236: {  	s31 =	sadd.s32 $0x10, s31;
	v5 =	vld.idx.msk [tilespmem:v5+s17+$0x0], $0xffff  }
0x237: {  	v42 =	vld [tilespmem:s31+$0x0];
	[tilespmem:$0x1FF20] =	vst v4;
	v4 =	vor.u32 $0x35, v3  }
0x238: {  	v53 =	vor.u32 $0x39, v3;
	v0 =	vld.idx.msk [tilespmem:v0+s17+$0x0], $0xffff  }
0x239: {  	v56 =	vor.u32 $0x2D, v3;
	v1 =	vld.idx.msk [tilespmem:v1+s17+$0x0], $0xffff  }
0x23a: {  	v57 =	vor.u32 $0x27, v3;
	v2 =	vld.idx.msk [tilespmem:v2+s17+$0x0], $0xffff  }
0x23b: {  	v52 =	vld.idx.msk [tilespmem:v3+s17+$0x0], $0xffff;
	[tilespmem:$0x1FF30] =	vst v5;
	v5 =	vor.u32 $0x34, v3  }
0x23c: {  	v59 =	vor.u32 $0x21, v3;
	v4 =	vld.idx.msk [tilespmem:v4+s17+$0x0], $0xffff  }
0x23d: {  	v6 =	vld.idx.msk [tilespmem:v53+s17+$0x0], $0xffff;
	[tilespmem:$0x1FF50] =	vst v0;
	v0 =	vor.u32 $0x32, v3  }
0x23e: {  	v19 =	vld.idx.msk [tilespmem:v56+s17+$0x0], $0xffff;
	[tilespmem:$0x1FF60] =	vst v1;
	v1 =	vor.u32 $0x31, v3  }
0x23f: {  	v25 =	vld.idx.msk [tilespmem:v57+s17+$0x0], $0xffff;
	[tilespmem:$0x1FF70] =	vst v2;
	v2 =	vor.u32 $0x30, v3  }
0x240: {  	v60 =	vor.u32 $0x1B, v3;
	v5 =	vld.idx.msk [tilespmem:v5+s17+$0x0], $0xffff  }
0x241: {  	v31 =	vld.idx.msk [tilespmem:v59+s17+$0x0], $0xffff;
	[tilespmem:$0x1FF80] =	vst v4;
	v4 =	vor.u32 $0x2F, v3  }
0x242: {  	v61 =	vor.u32 $0x15, v3;
	v0 =	vld.idx.msk [tilespmem:v0+s17+$0x0], $0xffff  }
0x243: {  	v62 =	vor.u32 $0xF, v3;
	v1 =	vld.idx.msk [tilespmem:v1+s17+$0x0], $0xffff  }
0x244: {  	v2 =	vld.idx.msk [tilespmem:v2+s17+$0x0], $0xffff  }
0x245: {  	v37 =	vld.idx.msk [tilespmem:v60+s17+$0x0], $0xffff;
	[tilespmem:$0x1FF90] =	vst v5;
	v5 =	vor.u32 $0x2E, v3  }
0x246: {  	v54 =	vor.u32 $0x33, v3;
	v4 =	vld.idx.msk [tilespmem:v4+s17+$0x0], $0xffff  }
0x247: {  	v45 =	vld.idx.msk [tilespmem:v61+s17+$0x0], $0xffff;
	[tilespmem:$0x1FFB0] =	vst v0;
	v0 =	vor.u32 $0x2C, v3  }
0x248: {  	s0 =	sadd.s32 $0x10, s0;
	v51 =	vld.idx.msk [tilespmem:v62+s17+$0x0], $0xffff;
	[tilespmem:$0x1FFC0] =	vst v1;
	v1 =	vor.u32 $0x2B, v3  }
0x249: {  	v62 =	vld [tilespmem:s0+$0x0];
	[tilespmem:$0x1FFD0] =	vst v2;
	v2 =	vor.u32 $0x2A, v3  }
0x24a: {  	[tilespmem:$0x1FF40] =	vst v6;
	v18 =	vld.idx.msk [tilespmem:v5+s17+$0x0], $0xffff;
	v5 =	vor.u32 $0x28, v3  }
0x24b: {  	v6 =	vld.idx.msk [tilespmem:v54+s17+$0x0], $0xffff;
	[tilespmem:$0x1FFE0] =	vst v4;
	v4 =	vor.u32 $0x29, v3  }
0x24c: {  	v20 =	vld.idx.msk [tilespmem:v0+s17+$0x0], $0xffff;
	v0 =	vor.u32 $0x26, v3  }
0x24d: {  	v21 =	vld.idx.msk [tilespmem:v1+s17+$0x0], $0xffff;
	v1 =	vor.u32 $0x25, v3  }
0x24e: {  	v22 =	vld.idx.msk [tilespmem:v2+s17+$0x0], $0xffff;
	v2 =	vor.u32 $0x24, v3  }
0x24f: {  	v24 =	vld.idx.msk [tilespmem:v5+s17+$0x0], $0xffff;
	v5 =	vor.u32 $0x22, v3  }
0x250: {  	v23 =	vld.idx.msk [tilespmem:v4+s17+$0x0], $0xffff;
	v4 =	vor.u32 $0x23, v3  }
0x251: {  	v26 =	vld.idx.msk [tilespmem:v0+s17+$0x0], $0xffff;
	v0 =	vor.u32 $0x20, v3  }
0x252: {  	v27 =	vld.idx.msk [tilespmem:v1+s17+$0x0], $0xffff;
	v1 =	vor.u32 $0x1F, v3  }
0x253: {  	v28 =	vld.idx.msk [tilespmem:v2+s17+$0x0], $0xffff;
	v2 =	vor.u32 $0x1E, v3  }
0x254: {  	v30 =	vld.idx.msk [tilespmem:v5+s17+$0x0], $0xffff;
	v5 =	vor.u32 $0x1C, v3  }
0x255: {  	v29 =	vld.idx.msk [tilespmem:v4+s17+$0x0], $0xffff;
	v4 =	vor.u32 $0x1D, v3  }
0x256: {  	v32 =	vld.idx.msk [tilespmem:v0+s17+$0x0], $0xffff;
	v0 =	vor.u32 $0x1A, v3  }
0x257: {  	v33 =	vld.idx.msk [tilespmem:v1+s17+$0x0], $0xffff;
	v1 =	vor.u32 $0x19, v3  }
0x258: {  	v34 =	vld.idx.msk [tilespmem:v2+s17+$0x0], $0xffff;
	v2 =	vor.u32 $0x18, v3  }
0x259: {  	v36 =	vld.idx.msk [tilespmem:v5+s17+$0x0], $0xffff;
	v5 =	vor.u32 $0x16, v3  }
0x25a: {  	v35 =	vld.idx.msk [tilespmem:v4+s17+$0x0], $0xffff;
	v4 =	vor.u32 $0x17, v3  }
0x25b: {  	v38 =	vld.idx.msk [tilespmem:v0+s17+$0x0], $0xffff;
	v0 =	vor.u32 $0x14, v3  }
0x25c: {  	v39 =	vld.idx.msk [tilespmem:v1+s17+$0x0], $0xffff;
	v1 =	vor.u32 $0x13, v3  }
0x25d: {  	v40 =	vld.idx.msk [tilespmem:v2+s17+$0x0], $0xffff;
	v2 =	vor.u32 $0x12, v3  }
0x25e: {  	v44 =	vld.idx.msk [tilespmem:v5+s17+$0x0], $0xffff;
	v5 =	vor.u32 $0x10, v3  }
0x25f: {  	v41 =	vld.idx.msk [tilespmem:v4+s17+$0x0], $0xffff;
	v4 =	vor.u32 $0x11, v3  }
0x260: {  	v46 =	vld.idx.msk [tilespmem:v0+s17+$0x0], $0xffff;
	v0 =	vor.u32 $0xE, v3  }
0x261: {  	v47 =	vld.idx.msk [tilespmem:v1+s17+$0x0], $0xffff;
	v1 =	vor.u32 $0xD, v3  }
0x262: {  	p0 =	sne.s32 s1, $0xF0;
	v48 =	vld.idx.msk [tilespmem:v2+s17+$0x0], $0xffff;
	v2 =	vor.u32 $0xC, v3  }
.Ltmp1:
0x263: {  	v50 =	vld.idx.msk [tilespmem:v5+s17+$0x0], $0xffff;
	(pc) =	sbr.rel @p0 .LBB2_4-.Ltmp1, $4  }
0x264: {  	v49 =	vld.idx.msk [tilespmem:v4+s17+$0x0], $0xffff  }
0x265: {  	v53 =	vld.idx.msk [tilespmem:v0+s17+$0x0], $0xffff  }
0x266: {  	v43 =	vor.u32 $0xA, v3;
	v57 =	vor.u32 $0xB, v3;
	v54 =	vld.idx.msk [tilespmem:v1+s17+$0x0], $0xffff  }
0x267: {  	s1 =	sadd.s32 $0x10, s1;
	v59 =	vor.u32 $0x9, v3;
	v60 =	vor.u32 $0x8, v3;
	v61 =	vor.u32 $0x7, v3;
	[tilespmem:$0x1FFA0] =	vst v6;
	v56 =	vld.idx.msk [tilespmem:v2+s17+$0x0], $0xffff  }
0x268: {  	_ = 	snop  }
0x269: {  	v0 =	vor.u32 $0x6, v3;
	v1 =	vor.u32 $0x4, v3;
	v2 =	vshrl.u32 v42, $0xD  }
0x26a: {  	v4 =	vshrl.u32 v62, $0xD;
	v6 =	vor.u32 $0x2, v3;
	v5 =	vand.u32 $0x7FF80, v2  }
0x26b: {  	v2 =	vand.u32 $0x40, v2;
	v7 =	vand.u32 $0x7FF80, v4;
	v5 =	vadd.s32 v55, v5  }
0x26c: {  	v4 =	vand.u32 $0x40, v4;
	v42 =	vor.u32 v2, v5;
	v2 =	vadd.s32 v55, v7;
	v5 =	vld.idx.msk [tilespmem:v43+s17+$0x0], $0xffff  }
0x26d: {  	v7 =	vld.idx.msk [tilespmem:v60+s17+$0x0], $0xffff;
	v43 =	vor.u32 v4, v2  }
0x26e: {  	v2 =	vor.u32 $0x1, v42;
	v0 =	vld.idx.msk [tilespmem:v0+s17+$0x0], $0xffff  }
0x26f: {  	v1 =	vld.idx.msk [tilespmem:v1+s17+$0x0], $0xffff;
	v4 =	vor.u32 $0x1, v43  }
0x270: {  	v8 =	vor.u32 $0x1, v3;
	v6 =	vld.idx.msk [tilespmem:v6+s17+$0x0], $0xffff  }
0x271: {  	v9 =	vor.u32 $0x2, v42;
	v10 =	vld.idx.msk [tilespmem:v42+s15+$0x0], $0xffff  }
0x272: {  	v11 =	vor.u32 $0x2, v43;
	v12 =	vld.idx.msk [tilespmem:v43+s19+$0x0], $0xffff  }
0x273: {  	v13 =	vor.u32 $0x3, v42;
	v2 =	vld.idx.msk [tilespmem:v2+s15+$0x0], $0xffff  }
0x274: {  	v14 =	vor.u32 $0x3, v43;
	v4 =	vld.idx.msk [tilespmem:v4+s19+$0x0], $0xffff  }
0x275: {  	v15 =	vor.u32 $0x3, v3;
	v8 =	vld.idx.msk [tilespmem:v8+s17+$0x0], $0xffff  }
0x276: {  	v16 =	vor.u32 $0x4, v42;
	v9 =	vld.idx.msk [tilespmem:v9+s15+$0x0], $0xffff  }
0x277: {  	v62 =	vor.u32 $0x4, v43;
	v11 =	vld.idx.msk [tilespmem:v11+s19+$0x0], $0xffff;
	v10 =	vmul.f32 v12, v10  }
0x278: {  	v17 =	vor.u32 $0x5, v42;
	v13 =	vld.idx.msk [tilespmem:v13+s15+$0x0], $0xffff  }
0x279: {  	v2 =	vmul.f32 v4, v2;
	v4 =	vld.idx.msk [tilespmem:v14+s19+$0x0], $0xffff;
	v14 =	vor.u32 $0x5, v43;
	v10 =	vmul.f32 v10, v52  }
0x27a: {  	v60 =	vor.u32 $0x5, v3;
	v15 =	vld.idx.msk [tilespmem:v15+s17+$0x0], $0xffff  }
0x27b: {  	v2 =	vmul.f32 v2, v8;
	v8 =	vld.idx.msk [tilespmem:v16+s15+$0x0], $0xffff;
	v16 =	vor.u32 $0x6, v42;
	v10 =	vadd.f32 $0.0e+00, v10  }
0x27c: {  	v9 =	vmul.f32 v11, v9;
	v11 =	vld.idx.msk [tilespmem:v62+s19+$0x0], $0xffff;
	v62 =	vor.u32 $0x6, v43  }
0x27d: {  	v2 =	vadd.f32 v2, v10;
	v10 =	vld.idx.msk [tilespmem:v17+s15+$0x0], $0xffff;
	v17 =	vor.u32 $0x7, v42  }
0x27e: {  	v55 =	vor.u32 $0x7, v43;
	v6 =	vmul.f32 v9, v6;
	v4 =	vmul.f32 v4, v13;
	v9 =	vld.idx.msk [tilespmem:v14+s19+$0x0], $0xffff  }
0x27f: {  	v14 =	vld.idx.msk [tilespmem:v60+s17+$0x0], $0xffff  }
0x280: {  	v60 =	vor.u32 $0x8, v42;
	v2 =	vadd.f32 v6, v2;
	v4 =	vmul.f32 v4, v15;
	v6 =	vld.idx.msk [tilespmem:v16+s15+$0x0], $0xffff  }
0x281: {  	v8 =	vmul.f32 v11, v8;
	v11 =	vld.idx.msk [tilespmem:v62+s19+$0x0], $0xffff;
	v62 =	vor.u32 $0x8, v43  }
0x282: {  	v16 =	vor.u32 $0x9, v42;
	v2 =	vadd.f32 v4, v2;
	v4 =	vld.idx.msk [tilespmem:v17+s15+$0x0], $0xffff  }
0x283: {  	v1 =	vmul.f32 v8, v1;
	v52 =	vmul.f32 v9, v10;
	v9 =	vld.idx.msk [tilespmem:v55+s19+$0x0], $0xffff;
	v55 =	vor.u32 $0x9, v43  }
0x284: {  	v13 =	vld.idx.msk [tilespmem:v61+s17+$0x0], $0xffff  }
0x285: {  	v8 =	vld.idx.msk [tilespmem:v60+s15+$0x0], $0xffff;
	v60 =	vor.u32 $0xA, v42;
	v1 =	vadd.f32 v1, v2;
	v2 =	vmul.f32 v52, v14  }
0x286: {  	v6 =	vmul.f32 v11, v6;
	v61 =	vld.idx.msk [tilespmem:v62+s19+$0x0], $0xffff;
	v62 =	vor.u32 $0xA, v43  }
0x287: {  	v52 =	vor.u32 $0xB, v42;
	v1 =	vadd.f32 v2, v1;
	v2 =	vld.idx.msk [tilespmem:v16+s15+$0x0], $0xffff  }
0x288: {  	v0 =	vmul.f32 v6, v0;
	v4 =	vmul.f32 v9, v4;
	v6 =	vld.idx.msk [tilespmem:v55+s19+$0x0], $0xffff;
	v55 =	vor.u32 $0xB, v43  }
0x289: {  	v59 =	vld.idx.msk [tilespmem:v59+s17+$0x0], $0xffff  }
0x28a: {  	v0 =	vadd.f32 v0, v1;
	v1 =	vmul.f32 v4, v13;
	v4 =	vld.idx.msk [tilespmem:v60+s15+$0x0], $0xffff;
	v60 =	vor.u32 $0xC, v42  }
0x28b: {  	v8 =	vmul.f32 v61, v8;
	v61 =	vld.idx.msk [tilespmem:v62+s19+$0x0], $0xffff;
	v62 =	vor.u32 $0xC, v43  }
0x28c: {  	v0 =	vadd.f32 v1, v0;
	v1 =	vld.idx.msk [tilespmem:v52+s15+$0x0], $0xffff;
	v52 =	vor.u32 $0xD, v42  }
0x28d: {  	v7 =	vmul.f32 v8, v7;
	v2 =	vmul.f32 v6, v2;
	v6 =	vld.idx.msk [tilespmem:v55+s19+$0x0], $0xffff;
	v55 =	vor.u32 $0xD, v43  }
0x28e: {  	v57 =	vld.idx.msk [tilespmem:v57+s17+$0x0], $0xffff  }
0x28f: {  	v0 =	vadd.f32 v7, v0;
	v2 =	vmul.f32 v2, v59;
	v59 =	vld.idx.msk [tilespmem:v60+s15+$0x0], $0xffff;
	v60 =	vor.u32 $0xE, v42  }
0x290: {  	v4 =	vmul.f32 v61, v4;
	v61 =	vld.idx.msk [tilespmem:v62+s19+$0x0], $0xffff;
	v62 =	vor.u32 $0xE, v43  }
0x291: {  	v0 =	vadd.f32 v2, v0;
	v2 =	vld.idx.msk [tilespmem:v52+s15+$0x0], $0xffff  }
0x292: {  	v52 =	vor.u32 $0xF, v42;
	v4 =	vmul.f32 v4, v5;
	v1 =	vmul.f32 v6, v1;
	v5 =	vld.idx.msk [tilespmem:v55+s19+$0x0], $0xffff  }
0x293: {  	v55 =	vor.u32 $0xF, v43  }
0x294: {  	v0 =	vadd.f32 v4, v0;
	v1 =	vmul.f32 v1, v57;
	v4 =	vld.idx.msk [tilespmem:v60+s15+$0x0], $0xffff;
	v57 =	vor.u32 $0x10, v42  }
0x295: {  	v7 =	vmul.f32 v61, v59;
	v59 =	vld.idx.msk [tilespmem:v62+s19+$0x0], $0xffff;
	v60 =	vor.u32 $0x10, v43  }
0x296: {  	v61 =	vor.u32 $0x11, v42;
	v0 =	vadd.f32 v1, v0  }
0x297: {  	v1 =	vld.idx.msk [tilespmem:v52+s15+$0x0], $0xffff;
	v7 =	vmul.f32 v7, v56;
	v2 =	vmul.f32 v5, v2;
	v5 =	vor.u32 $0x11, v43  }
0x298: {  	v62 =	vor.u32 $0x12, v42;
	v6 =	vld.idx.msk [tilespmem:v55+s19+$0x0], $0xffff  }
0x299: {  	v55 =	vor.u32 $0x12, v43;
	v0 =	vadd.f32 v7, v0;
	v52 =	vld.idx.msk [tilespmem:v57+s15+$0x0], $0xffff;
	v2 =	vmul.f32 v2, v54  }
0x29a: {  	v56 =	vor.u32 $0x13, v42;
	v4 =	vmul.f32 v59, v4;
	v10 =	vld.idx.msk [tilespmem:v60+s19+$0x0], $0xffff  }
0x29b: {  	v11 =	vld.idx.msk [tilespmem:v61+s15+$0x0], $0xffff;
	v0 =	vadd.f32 v2, v0;
	v2 =	vor.u32 $0x13, v43  }
0x29c: {  	v60 =	vor.u32 $0x14, v43;
	v4 =	vmul.f32 v4, v53;
	v5 =	vld.idx.msk [tilespmem:v5+s19+$0x0], $0xffff  }
0x29d: {  	v57 =	vor.u32 $0x14, v42;
	v59 =	vld.idx.msk [tilespmem:v62+s15+$0x0], $0xffff;
	v1 =	vmul.f32 v6, v1  }
0x29e: {  	v61 =	vor.u32 $0x15, v43;
	v8 =	vld.idx.msk [tilespmem:v55+s19+$0x0], $0xffff;
	v0 =	vadd.f32 v4, v0  }
0x29f: {  	v9 =	vld.idx.msk [tilespmem:v56+s15+$0x0], $0xffff;
	v4 =	vor.u32 $0x15, v42;
	v1 =	vmul.f32 v1, v51;
	v7 =	vmul.f32 v10, v52  }
0x2a0: {  	v62 =	vor.u32 $0x16, v42;
	v51 =	vor.u32 $0x16, v43;
	v2 =	vld.idx.msk [tilespmem:v2+s19+$0x0], $0xffff  }
0x2a1: {  	v12 =	vld.idx.msk [tilespmem:v60+s19+$0x0], $0xffff;
	v0 =	vadd.f32 v1, v0;
	v7 =	vmul.f32 v7, v50;
	v5 =	vmul.f32 v5, v11  }
0x2a2: {  	v53 =	vor.u32 $0x17, v43;
	v52 =	vor.u32 $0x17, v42;
	v1 =	vld.idx.msk [tilespmem:v57+s15+$0x0], $0xffff  }
0x2a3: {  	v55 =	vld.idx.msk [tilespmem:v61+s19+$0x0], $0xffff;
	v6 =	vmul.f32 v8, v59;
	v0 =	vadd.f32 v7, v0;
	v5 =	vmul.f32 v5, v49  }
0x2a4: {  	v54 =	vor.u32 $0x18, v42;
	v56 =	vor.u32 $0x18, v43;
	v4 =	vld.idx.msk [tilespmem:v4+s15+$0x0], $0xffff  }
0x2a5: {  	v10 =	vld.idx.msk [tilespmem:v62+s15+$0x0], $0xffff;
	v0 =	vadd.f32 v5, v0;
	v5 =	vmul.f32 v6, v48;
	v2 =	vmul.f32 v2, v9  }
0x2a6: {  	v60 =	vor.u32 $0x19, v43;
	v57 =	vor.u32 $0x19, v42;
	v59 =	vld.idx.msk [tilespmem:v51+s19+$0x0], $0xffff  }
0x2a7: {  	v61 =	vld.idx.msk [tilespmem:v53+s19+$0x0], $0xffff;
	v1 =	vmul.f32 v12, v1;
	v0 =	vadd.f32 v5, v0;
	v2 =	vmul.f32 v2, v47  }
0x2a8: {  	v62 =	vor.u32 $0x1A, v43;
	v11 =	vld.idx.msk [tilespmem:v52+s15+$0x0], $0xffff;
	v5 =	vor.u32 $0x1A, v42  }
0x2a9: {  	v7 =	vld.idx.msk [tilespmem:v54+s15+$0x0], $0xffff;
	v1 =	vmul.f32 v1, v46;
	v0 =	vadd.f32 v2, v0;
	v2 =	vmul.f32 v55, v4  }
0x2aa: {  	v48 =	vor.u32 $0x1B, v43;
	v47 =	vld.idx.msk [tilespmem:v56+s19+$0x0], $0xffff;
	v4 =	vor.u32 $0x1B, v42  }
0x2ab: {  	v50 =	vld.idx.msk [tilespmem:v60+s19+$0x0], $0xffff;
	v0 =	vadd.f32 v1, v0;
	v1 =	vmul.f32 v2, v45;
	v2 =	vmul.f32 v59, v10  }
0x2ac: {  	v49 =	vor.u32 $0x1C, v42;
	v51 =	vor.u32 $0x1C, v43;
	v6 =	vld.idx.msk [tilespmem:v57+s15+$0x0], $0xffff  }
0x2ad: {  	v53 =	vld.idx.msk [tilespmem:v62+s19+$0x0], $0xffff;
	v0 =	vadd.f32 v1, v0;
	v1 =	vmul.f32 v2, v44;
	v2 =	vmul.f32 v61, v11  }
0x2ae: {  	v54 =	vor.u32 $0x1D, v43;
	v52 =	vor.u32 $0x1D, v42;
	v5 =	vld.idx.msk [tilespmem:v5+s15+$0x0], $0xffff  }
0x2af: {  	v56 =	vld.idx.msk [tilespmem:v48+s19+$0x0], $0xffff;
	v0 =	vadd.f32 v1, v0;
	v1 =	vmul.f32 v2, v41;
	v2 =	vmul.f32 v47, v7  }
0x2b0: {  	v57 =	vor.u32 $0x1E, v43;
	v55 =	vor.u32 $0x1E, v42;
	v4 =	vld.idx.msk [tilespmem:v4+s15+$0x0], $0xffff  }
0x2b1: {  	v9 =	vld.idx.msk [tilespmem:v49+s15+$0x0], $0xffff;
	v0 =	vadd.f32 v1, v0;
	v1 =	vmul.f32 v2, v40;
	v2 =	vmul.f32 v50, v6  }
0x2b2: {  	v60 =	vld.idx.msk [tilespmem:v51+s19+$0x0], $0xffff;
	v59 =	vor.u32 $0x1F, v42;
	v61 =	vor.u32 $0x1F, v43  }
0x2b3: {  	v62 =	vld.idx.msk [tilespmem:v54+s19+$0x0], $0xffff;
	v0 =	vadd.f32 v1, v0;
	v1 =	vmul.f32 v2, v39;
	v2 =	vmul.f32 v53, v5  }
0x2b4: {  	v11 =	vld.idx.msk [tilespmem:v52+s15+$0x0], $0xffff;
	v5 =	vor.u32 $0x20, v42;
	v39 =	vor.u32 $0x20, v43  }
0x2b5: {  	v7 =	vld.idx.msk [tilespmem:v55+s15+$0x0], $0xffff;
	v0 =	vadd.f32 v1, v0;
	v1 =	vmul.f32 v2, v38;
	v2 =	vmul.f32 v56, v4  }
0x2b6: {  	v41 =	vor.u32 $0x21, v43;
	v40 =	vld.idx.msk [tilespmem:v57+s19+$0x0], $0xffff;
	v4 =	vor.u32 $0x21, v42  }
0x2b7: {  	v6 =	vld.idx.msk [tilespmem:v59+s15+$0x0], $0xffff;
	v0 =	vadd.f32 v1, v0;
	v1 =	vmul.f32 v2, v37;
	v2 =	vmul.f32 v60, v9  }
0x2b8: {  	v46 =	vor.u32 $0x22, v43;
	v44 =	vor.u32 $0x22, v42;
	v45 =	vld.idx.msk [tilespmem:v61+s19+$0x0], $0xffff  }
0x2b9: {  	v5 =	vld.idx.msk [tilespmem:v5+s15+$0x0], $0xffff;
	v0 =	vadd.f32 v1, v0;
	v1 =	vmul.f32 v2, v36;
	v2 =	vmul.f32 v62, v11  }
0x2ba: {  	v49 =	vor.u32 $0x23, v43;
	v47 =	vor.u32 $0x23, v42;
	v48 =	vld.idx.msk [tilespmem:v39+s19+$0x0], $0xffff  }
0x2bb: {  	v51 =	vld.idx.msk [tilespmem:v41+s19+$0x0], $0xffff;
	v0 =	vadd.f32 v1, v0;
	v1 =	vmul.f32 v2, v35;
	v2 =	vmul.f32 v40, v7  }
0x2bc: {  	v52 =	vor.u32 $0x24, v43;
	v50 =	vor.u32 $0x24, v42;
	v4 =	vld.idx.msk [tilespmem:v4+s15+$0x0], $0xffff  }
0x2bd: {  	v54 =	vld.idx.msk [tilespmem:v46+s19+$0x0], $0xffff;
	v0 =	vadd.f32 v1, v0;
	v1 =	vmul.f32 v2, v34;
	v2 =	vmul.f32 v45, v6  }
0x2be: {  	v55 =	vor.u32 $0x25, v43;
	v53 =	vor.u32 $0x25, v42;
	v9 =	vld.idx.msk [tilespmem:v44+s15+$0x0], $0xffff  }
0x2bf: {  	v56 =	vld.idx.msk [tilespmem:v49+s19+$0x0], $0xffff;
	v0 =	vadd.f32 v1, v0;
	v1 =	vmul.f32 v2, v33;
	v2 =	vmul.f32 v48, v5  }
0x2c0: {  	v57 =	vor.u32 $0x26, v43;
	v11 =	vld.idx.msk [tilespmem:v47+s15+$0x0], $0xffff;
	v5 =	vor.u32 $0x26, v42  }
0x2c1: {  	v59 =	vld.idx.msk [tilespmem:v52+s19+$0x0], $0xffff;
	v0 =	vadd.f32 v1, v0;
	v1 =	vmul.f32 v2, v32;
	v2 =	vmul.f32 v51, v4  }
0x2c2: {  	v60 =	vor.u32 $0x27, v43;
	v7 =	vld.idx.msk [tilespmem:v50+s15+$0x0], $0xffff;
	v4 =	vor.u32 $0x27, v42  }
0x2c3: {  	v62 =	vld.idx.msk [tilespmem:v55+s19+$0x0], $0xffff;
	v0 =	vadd.f32 v1, v0;
	v1 =	vmul.f32 v2, v31;
	v2 =	vmul.f32 v54, v9  }
0x2c4: {  	v61 =	vor.u32 $0x28, v42;
	v6 =	vld.idx.msk [tilespmem:v53+s15+$0x0], $0xffff;
	v32 =	vor.u32 $0x28, v43  }
0x2c5: {  	v34 =	vld.idx.msk [tilespmem:v57+s19+$0x0], $0xffff;
	v0 =	vadd.f32 v1, v0;
	v1 =	vmul.f32 v2, v30;
	v2 =	vmul.f32 v56, v11  }
0x2c6: {  	v35 =	vor.u32 $0x29, v43;
	v33 =	vor.u32 $0x29, v42;
	v5 =	vld.idx.msk [tilespmem:v5+s15+$0x0], $0xffff  }
0x2c7: {  	v37 =	vld.idx.msk [tilespmem:v60+s19+$0x0], $0xffff;
	v0 =	vadd.f32 v1, v0;
	v1 =	vmul.f32 v2, v29;
	v2 =	vmul.f32 v59, v7  }
0x2c8: {  	v38 =	vor.u32 $0x2A, v43;
	v36 =	vor.u32 $0x2A, v42;
	v4 =	vld.idx.msk [tilespmem:v4+s15+$0x0], $0xffff  }
0x2c9: {  	v9 =	vld.idx.msk [tilespmem:v61+s15+$0x0], $0xffff;
	v0 =	vadd.f32 v1, v0;
	v1 =	vmul.f32 v2, v28;
	v2 =	vmul.f32 v62, v6  }
0x2ca: {  	v41 =	vor.u32 $0x2B, v43;
	v39 =	vor.u32 $0x2B, v42;
	v40 =	vld.idx.msk [tilespmem:v32+s19+$0x0], $0xffff  }
0x2cb: {  	v44 =	vld.idx.msk [tilespmem:v35+s19+$0x0], $0xffff;
	v0 =	vadd.f32 v1, v0;
	v1 =	vmul.f32 v2, v27;
	v2 =	vmul.f32 v34, v5  }
0x2cc: {  	v45 =	vor.u32 $0x2C, v43;
	v11 =	vld.idx.msk [tilespmem:v33+s15+$0x0], $0xffff;
	v5 =	vor.u32 $0x2C, v42  }
0x2cd: {  	v46 =	vld.idx.msk [tilespmem:v38+s19+$0x0], $0xffff;
	v0 =	vadd.f32 v1, v0;
	v1 =	vmul.f32 v2, v26;
	v2 =	vmul.f32 v37, v4  }
0x2ce: {  	v47 =	vor.u32 $0x2D, v43;
	v7 =	vld.idx.msk [tilespmem:v36+s15+$0x0], $0xffff;
	v4 =	vor.u32 $0x2D, v42  }
0x2cf: {  	v49 =	vld.idx.msk [tilespmem:v41+s19+$0x0], $0xffff;
	v0 =	vadd.f32 v1, v0;
	v1 =	vmul.f32 v2, v25;
	v2 =	vmul.f32 v40, v9  }
0x2d0: {  	v50 =	vor.u32 $0x2E, v43;
	v48 =	vor.u32 $0x2E, v42;
	v6 =	vld.idx.msk [tilespmem:v39+s15+$0x0], $0xffff  }
0x2d1: {  	v52 =	vld.idx.msk [tilespmem:v45+s19+$0x0], $0xffff;
	v0 =	vadd.f32 v1, v0;
	v1 =	vmul.f32 v2, v24;
	v2 =	vmul.f32 v44, v11  }
0x2d2: {  	v5 =	vld.idx.msk [tilespmem:v5+s15+$0x0], $0xffff  }
0x2d3: {  	v55 =	vld.idx.msk [tilespmem:v47+s19+$0x0], $0xffff;
	v0 =	vadd.f32 v1, v0;
	v1 =	vmul.f32 v2, v23;
	v2 =	vmul.f32 v46, v7  }
0x2d4: {  	v4 =	vld.idx.msk [tilespmem:v4+s15+$0x0], $0xffff  }
0x2d5: {  	v59 =	vld.idx.msk [tilespmem:v50+s19+$0x0], $0xffff;
	v0 =	vadd.f32 v1, v0;
	v1 =	vmul.f32 v2, v22;
	v2 =	vmul.f32 v49, v6  }
0x2d6: {  	v53 =	vor.u32 $0x2F, v43;
	v9 =	vld.idx.msk [tilespmem:v48+s15+$0x0], $0xffff  }
0x2d7: {  	v0 =	vadd.f32 v1, v0;
	v1 =	vmul.f32 v2, v21;
	v2 =	vmul.f32 v52, v5  }
0x2d8: {  	v51 =	vor.u32 $0x2F, v42  }
0x2d9: {  	v0 =	vadd.f32 v1, v0;
	v1 =	vmul.f32 v2, v20;
	v2 =	vmul.f32 v55, v4;
	_ =	sdelay $0x1  }
0x2da: {  	v0 =	vadd.f32 v1, v0;
	v1 =	vmul.f32 v2, v19;
	v2 =	vmul.f32 v59, v9  }
0x2db: {  	v61 =	vld.idx.msk [tilespmem:v53+s19+$0x0], $0xffff  }
0x2dc: {  	v11 =	vld.idx.msk [tilespmem:v51+s15+$0x0], $0xffff;
	v0 =	vadd.f32 v1, v0;
	v1 =	vmul.f32 v2, v18  }
0x2dd: {  	v56 =	vor.u32 $0x30, v43  }
0x2de: {  	v54 =	vor.u32 $0x30, v42;
	v0 =	vadd.f32 v1, v0;
	v1 =	vld [tilespmem:$0x1FFE0];
	_ =	sdelay $0x2  }
0x2df: {  	v2 =	vmul.f32 v61, v11  }
0x2e0: {  	v32 =	vld.idx.msk [tilespmem:v56+s19+$0x0], $0xffff  }
0x2e1: {  	v7 =	vld.idx.msk [tilespmem:v54+s15+$0x0], $0xffff;
	v1 =	vmul.f32 v2, v1  }
0x2e2: {  	v60 =	vor.u32 $0x31, v43  }
0x2e3: {  	v57 =	vor.u32 $0x31, v42;
	v0 =	vadd.f32 v1, v0;
	v1 =	vld [tilespmem:$0x1FFD0];
	_ =	sdelay $0x2  }
0x2e4: {  	v2 =	vmul.f32 v32, v7  }
0x2e5: {  	v35 =	vld.idx.msk [tilespmem:v60+s19+$0x0], $0xffff  }
0x2e6: {  	v6 =	vld.idx.msk [tilespmem:v57+s15+$0x0], $0xffff;
	v1 =	vmul.f32 v2, v1  }
0x2e7: {  	v62 =	vor.u32 $0x32, v43  }
0x2e8: {  	v5 =	vor.u32 $0x32, v42;
	v0 =	vadd.f32 v1, v0;
	v1 =	vld [tilespmem:$0x1FFC0];
	_ =	sdelay $0x2  }
0x2e9: {  	v2 =	vmul.f32 v35, v6  }
0x2ea: {  	v38 =	vld.idx.msk [tilespmem:v62+s19+$0x0], $0xffff  }
0x2eb: {  	v5 =	vld.idx.msk [tilespmem:v5+s15+$0x0], $0xffff;
	v1 =	vmul.f32 v2, v1  }
0x2ec: {  	v33 =	vor.u32 $0x33, v43  }
0x2ed: {  	v4 =	vor.u32 $0x33, v42;
	v0 =	vadd.f32 v1, v0;
	v1 =	vld [tilespmem:$0x1FFB0];
	_ =	sdelay $0x2  }
0x2ee: {  	v2 =	vmul.f32 v38, v5  }
0x2ef: {  	v41 =	vld.idx.msk [tilespmem:v33+s19+$0x0], $0xffff  }
0x2f0: {  	v4 =	vld.idx.msk [tilespmem:v4+s15+$0x0], $0xffff;
	v1 =	vmul.f32 v2, v1  }
0x2f1: {  	v36 =	vor.u32 $0x34, v43  }
0x2f2: {  	v34 =	vor.u32 $0x34, v42;
	v0 =	vadd.f32 v1, v0;
	v1 =	vld [tilespmem:$0x1FFA0];
	_ =	sdelay $0x2  }
0x2f3: {  	v2 =	vmul.f32 v41, v4  }
0x2f4: {  	v46 =	vld.idx.msk [tilespmem:v36+s19+$0x0], $0xffff  }
0x2f5: {  	v9 =	vld.idx.msk [tilespmem:v34+s15+$0x0], $0xffff;
	v1 =	vmul.f32 v2, v1  }
0x2f6: {  	v39 =	vor.u32 $0x35, v43  }
0x2f7: {  	v37 =	vor.u32 $0x35, v42;
	v0 =	vadd.f32 v1, v0;
	v1 =	vld [tilespmem:$0x1FF90];
	_ =	sdelay $0x2  }
0x2f8: {  	v2 =	vmul.f32 v46, v9  }
0x2f9: {  	v48 =	vld.idx.msk [tilespmem:v39+s19+$0x0], $0xffff  }
0x2fa: {  	v11 =	vld.idx.msk [tilespmem:v37+s15+$0x0], $0xffff;
	v1 =	vmul.f32 v2, v1  }
0x2fb: {  	v44 =	vor.u32 $0x36, v43  }
0x2fc: {  	v40 =	vor.u32 $0x36, v42;
	v0 =	vadd.f32 v1, v0;
	v1 =	vld [tilespmem:$0x1FF80];
	_ =	sdelay $0x2  }
0x2fd: {  	v2 =	vmul.f32 v48, v11  }
0x2fe: {  	v50 =	vld.idx.msk [tilespmem:v44+s19+$0x0], $0xffff  }
0x2ff: {  	v7 =	vld.idx.msk [tilespmem:v40+s15+$0x0], $0xffff;
	v1 =	vmul.f32 v2, v1  }
0x300: {  	v47 =	vor.u32 $0x37, v43  }
0x301: {  	v45 =	vor.u32 $0x37, v42;
	v0 =	vadd.f32 v1, v0;
	v1 =	vld [tilespmem:$0x1FF70];
	_ =	sdelay $0x2  }
0x302: {  	v2 =	vmul.f32 v50, v7  }
0x303: {  	v53 =	vld.idx.msk [tilespmem:v47+s19+$0x0], $0xffff  }
0x304: {  	v6 =	vld.idx.msk [tilespmem:v45+s15+$0x0], $0xffff;
	v1 =	vmul.f32 v2, v1  }
0x305: {  	v49 =	vor.u32 $0x38, v43  }
0x306: {  	v5 =	vor.u32 $0x38, v42;
	v0 =	vadd.f32 v1, v0;
	v1 =	vld [tilespmem:$0x1FF60];
	_ =	sdelay $0x2  }
0x307: {  	v2 =	vmul.f32 v53, v6  }
0x308: {  	v56 =	vld.idx.msk [tilespmem:v49+s19+$0x0], $0xffff  }
0x309: {  	v5 =	vld.idx.msk [tilespmem:v5+s15+$0x0], $0xffff;
	v1 =	vmul.f32 v2, v1  }
0x30a: {  	v51 =	vor.u32 $0x39, v43  }
0x30b: {  	v4 =	vor.u32 $0x39, v42;
	v0 =	vadd.f32 v1, v0;
	v1 =	vld [tilespmem:$0x1FF50];
	_ =	sdelay $0x2  }
0x30c: {  	v2 =	vmul.f32 v56, v5  }
0x30d: {  	v60 =	vld.idx.msk [tilespmem:v51+s19+$0x0], $0xffff  }
0x30e: {  	v4 =	vld.idx.msk [tilespmem:v4+s15+$0x0], $0xffff;
	v1 =	vmul.f32 v2, v1  }
0x30f: {  	v54 =	vor.u32 $0x3A, v43  }
0x310: {  	v52 =	vor.u32 $0x3A, v42;
	v0 =	vadd.f32 v1, v0;
	v1 =	vld [tilespmem:$0x1FF40];
	_ =	sdelay $0x2  }
0x311: {  	v2 =	vmul.f32 v60, v4  }
0x312: {  	v32 =	vld.idx.msk [tilespmem:v54+s19+$0x0], $0xffff  }
0x313: {  	v9 =	vld.idx.msk [tilespmem:v52+s15+$0x0], $0xffff;
	v1 =	vmul.f32 v2, v1  }
0x314: {  	v57 =	vor.u32 $0x3B, v43  }
0x315: {  	v55 =	vor.u32 $0x3B, v42;
	v0 =	vadd.f32 v1, v0;
	v1 =	vld [tilespmem:$0x1FF30];
	_ =	sdelay $0x2  }
0x316: {  	v2 =	vmul.f32 v32, v9  }
0x317: {  	v34 =	vld.idx.msk [tilespmem:v57+s19+$0x0], $0xffff  }
0x318: {  	v61 =	vor.u32 $0x3C, v43;
	v11 =	vld.idx.msk [tilespmem:v55+s15+$0x0], $0xffff;
	v1 =	vmul.f32 v2, v1  }
0x319: {  	v33 =	vor.u32 $0x3D, v43  }
0x31a: {  	v59 =	vor.u32 $0x3C, v42;
	v0 =	vadd.f32 v1, v0;
	v1 =	vld [tilespmem:$0x1FF20]  }
0x31b: {  	v62 =	vor.u32 $0x3D, v42;
	_ =	sdelay $0x1  }
0x31c: {  	v36 =	vld.idx.msk [tilespmem:v61+s19+$0x0], $0xffff;
	v35 =	vor.u32 $0x3E, v43;
	v2 =	vmul.f32 v34, v11  }
0x31d: {  	v38 =	vld.idx.msk [tilespmem:v33+s19+$0x0], $0xffff;
	v5 =	vor.u32 $0x3E, v42  }
0x31e: {  	v37 =	vor.u32 $0x3F, v43;
	v7 =	vld.idx.msk [tilespmem:v59+s15+$0x0], $0xffff;
	v1 =	vmul.f32 v2, v1  }
0x31f: {  	v6 =	vld.idx.msk [tilespmem:v62+s15+$0x0], $0xffff;
	v4 =	vor.u32 $0x3F, v42  }
0x320: {  	v0 =	vadd.f32 v1, v0;
	v1 =	vld [tilespmem:$0x1FF10]  }
0x321: {  	v3 =	vor.u32 $0x3F, v3;
	v39 =	vld.idx.msk [tilespmem:v35+s19+$0x0], $0xffff  }
0x322: {  	v5 =	vld.idx.msk [tilespmem:v5+s15+$0x0], $0xffff  }
0x323: {  	v40 =	vld.idx.msk [tilespmem:v37+s19+$0x0], $0xffff;
	v2 =	vmul.f32 v36, v7  }
0x324: {  	v4 =	vld.idx.msk [tilespmem:v4+s15+$0x0], $0xffff  }
0x325: {  	v1 =	vmul.f32 v2, v1;
	v2 =	vmul.f32 v38, v6  }
0x326: {  	v3 =	vld.idx.msk [tilespmem:v3+s17+$0x0], $0xffff  }
0x327: {  	v0 =	vadd.f32 v1, v0;
	v1 =	vmul.f32 v2, v63;
	v2 =	vmul.f32 v39, v5;
	_ =	sdelay $0x1  }
0x328: {  	v0 =	vadd.f32 v1, v0;
	v1 =	vmul.f32 v2, v58;
	v2 =	vmul.f32 v40, v4;
	_ =	sdelay $0x1  }
0x329: {  	v0 =	vadd.f32 v1, v0;
	v1 =	vmul.f32 v2, v3;
	_ =	sdelay $0x1  }
0x32a: {  	v0 =	vadd.f32 v1, v0  }
0x32b: {  	s0 =	sadd.s32 $0x10, s29  }
0x32c: {  	[tilespmem:s0+$0x0] =	vst v0;
	s0 =	simm.s32 $0x100  }
0x32d: {  	[tilespmem:s15], [sflag:$0x1] =	stream.indirect.gather [hbm4b:s3+s0], $0x80, s23, s0, $0xb8;
	[tilespmem:$0x18E00] =	vst v63  }
0x32e: {  	_ = 	snop  }
0x32f: {  	[tilespmem:s17], [sflag:$0x2] =	stream.indirect.gather [hbm4b:s3+s0], $0x80, s24, s0, $0xb8;
	[tilespmem:$0x18E00] =	vst v63  }
0x330: {  	_ = 	snop  }
0x331: {  	[tilespmem:s19], [sflag:$0x3] =	stream.indirect.gather [hbm4b:s4+s0], $0x80, s25, s0, $0xb8;
	[tilespmem:$0x18E00] =	vst v63  }
0x332: {  	_ =	swait.ge [sflag:s20], $0x8000  }
0x333: {  	[sflag:s20] =	ssyncset.done $0x0  }
0x334: {  	[sflag:s20] =	ssyncadd.s32 $0xFFFF8000  }
0x335: {  	_ =	swait.ge [sflag:s21], $0x8000  }
0x336: {  	[sflag:s21] =	ssyncset.done $0x0  }
0x337: {  	[sflag:s21] =	ssyncadd.s32 $0xFFFF8000  }
0x338: {  	_ =	swait.ge [sflag:s22], $0x8000  }
0x339: {  	[sflag:s22] =	ssyncset.done $0x0  }
0x33a: {  	s1 =	simm.s32 $0x300;
	[sflag:s22] =	ssyncadd.s32 $0xFFFF8000  }
0x33b: {  	v0 =	vld [tilespmem:s1+$0x0]  }
0x33c: {  	v2 =	vld [tilespmem:$0x1FFF0];
	_ =	sdelay $0x1  }
0x33d: {  	s1 =	simm.s32 $0x0  }
0x33e: {  	v1 =	vmov s1  }
0x33f: {  	v1 =	vshll.u32 v1, $0x7;
	v0 =	vshrl.u32 v0, $0xD  }
0x340: {  	v20 =	vor.u32 v2, v1;
	v1 =	vand.u32 $0x7FF80, v0  }
0x341: {  	v0 =	vand.u32 $0x40, v0;
	v1 =	vadd.s32 v20, v1  }
0x342: {  	v4 =	vor.u32 v0, v1  }
0x343: {  	v0 =	vor.u32 $0x3E, v4  }
0x344: {  	v2 =	vor.u32 $0x3D, v4  }
0x345: {  	v42 =	vor.u32 $0x39, v4  }
0x346: {  	v60 =	vld [tilespmem:s0+$0x0];
	s1 =	simm.s32 $0x500;
	v43 =	vor.u32 $0x37, v4  }
0x347: {  	v62 =	vld [tilespmem:s1+$0x0];
	v44 =	vor.u32 $0x36, v4  }
0x348: {  	v45 =	vor.u32 $0x35, v4;
	v0 =	vld.idx.msk [tilespmem:v0+s17+$0x0], $0xffff  }
0x349: {  	v46 =	vor.u32 $0x34, v4;
	v1 =	vld.idx.msk [tilespmem:v2+s17+$0x0], $0xffff  }
0x34a: {  	v47 =	vor.u32 $0x33, v4;
	v7 =	vld.idx.msk [tilespmem:v42+s17+$0x0], $0xffff  }
0x34b: {  	v48 =	vor.u32 $0x31, v4;
	v9 =	vld.idx.msk [tilespmem:v43+s17+$0x0], $0xffff  }
0x34c: {  	v16 =	vor.u32 $0x30, v4;
	v10 =	vld.idx.msk [tilespmem:v44+s17+$0x0], $0xffff  }
0x34d: {  	v17 =	vor.u32 $0x2F, v4;
	v11 =	vld.idx.msk [tilespmem:v45+s17+$0x0], $0xffff  }
0x34e: {  	v18 =	vor.u32 $0x2E, v4;
	v12 =	vld.idx.msk [tilespmem:v46+s17+$0x0], $0xffff  }
0x34f: {  	v19 =	vor.u32 $0x2D, v4;
	v13 =	vld.idx.msk [tilespmem:v47+s17+$0x0], $0xffff  }
0x350: {  	v23 =	vor.u32 $0x2B, v4;
	v15 =	vld.idx.msk [tilespmem:v48+s17+$0x0], $0xffff  }
0x351: {  	v24 =	vor.u32 $0x2A, v4;
	v16 =	vld.idx.msk [tilespmem:v16+s17+$0x0], $0xffff  }
0x352: {  	v25 =	vor.u32 $0x29, v4;
	v17 =	vld.idx.msk [tilespmem:v17+s17+$0x0], $0xffff  }
0x353: {  	v26 =	vor.u32 $0x28, v4;
	v18 =	vld.idx.msk [tilespmem:v18+s17+$0x0], $0xffff  }
0x354: {  	v29 =	vor.u32 $0x25, v4;
	v21 =	vld.idx.msk [tilespmem:v19+s17+$0x0], $0xffff  }
0x355: {  	v30 =	vor.u32 $0x24, v4;
	v23 =	vld.idx.msk [tilespmem:v23+s17+$0x0], $0xffff  }
0x356: {  	v31 =	vor.u32 $0x23, v4;
	v24 =	vld.idx.msk [tilespmem:v24+s17+$0x0], $0xffff  }
0x357: {  	v49 =	vor.u32 $0x22, v4;
	v25 =	vld.idx.msk [tilespmem:v25+s17+$0x0], $0xffff  }
0x358: {  	v26 =	vld.idx.msk [tilespmem:v26+s17+$0x0], $0xffff;
	[tilespmem:$0x1FDA0] =	vst v0;
	v0 =	vor.u32 $0x38, v4  }
0x359: {  	v50 =	vor.u32 $0x1F, v4;
	v29 =	vld.idx.msk [tilespmem:v29+s17+$0x0], $0xffff  }
0x35a: {  	v51 =	vor.u32 $0x1E, v4;
	v30 =	vld.idx.msk [tilespmem:v30+s17+$0x0], $0xffff  }
0x35b: {  	v19 =	vor.u32 $0x27, v4;
	v31 =	vld.idx.msk [tilespmem:v31+s17+$0x0], $0xffff  }
0x35c: {  	v52 =	vor.u32 $0x1D, v4;
	v32 =	vld.idx.msk [tilespmem:v49+s17+$0x0], $0xffff  }
0x35d: {  	v8 =	vld.idx.msk [tilespmem:v0+s17+$0x0], $0xffff;
	v0 =	vor.u32 $0x32, v4  }
0x35e: {  	v53 =	vor.u32 $0x1C, v4;
	v35 =	vld.idx.msk [tilespmem:v50+s17+$0x0], $0xffff  }
0x35f: {  	v55 =	vor.u32 $0x18, v4;
	v36 =	vld.idx.msk [tilespmem:v51+s17+$0x0], $0xffff  }
0x360: {  	v27 =	vld.idx.msk [tilespmem:v19+s17+$0x0], $0xffff;
	v19 =	vor.u32 $0x21, v4  }
0x361: {  	v56 =	vor.u32 $0x17, v4;
	v37 =	vld.idx.msk [tilespmem:v52+s17+$0x0], $0xffff  }
0x362: {  	v14 =	vld.idx.msk [tilespmem:v0+s17+$0x0], $0xffff;
	v0 =	vor.u32 $0x2C, v4  }
0x363: {  	v3 =	vor.u32 $0x3C, v4;
	v38 =	vld.idx.msk [tilespmem:v53+s17+$0x0], $0xffff  }
0x364: {  	v57 =	vor.u32 $0x16, v4;
	v42 =	vld.idx.msk [tilespmem:v55+s17+$0x0], $0xffff  }
0x365: {  	v33 =	vld.idx.msk [tilespmem:v19+s17+$0x0], $0xffff;
	v19 =	vor.u32 $0x1B, v4  }
0x366: {  	v58 =	vor.u32 $0x13, v4;
	v43 =	vld.idx.msk [tilespmem:v56+s17+$0x0], $0xffff  }
0x367: {  	v22 =	vld.idx.msk [tilespmem:v0+s17+$0x0], $0xffff;
	v0 =	vor.u32 $0x26, v4  }
0x368: {  	v5 =	vor.u32 $0x3B, v4;
	[tilespmem:$0x1FD90] =	vst v1;
	v1 =	vld.idx.msk [tilespmem:v3+s17+$0x0], $0xffff  }
0x369: {  	v59 =	vor.u32 $0x11, v4;
	v44 =	vld.idx.msk [tilespmem:v57+s17+$0x0], $0xffff  }
0x36a: {  	v39 =	vld.idx.msk [tilespmem:v19+s17+$0x0], $0xffff;
	v19 =	vor.u32 $0x15, v4  }
0x36b: {  	v61 =	vor.u32 $0xD, v4;
	v47 =	vld.idx.msk [tilespmem:v58+s17+$0x0], $0xffff  }
0x36c: {  	v28 =	vld.idx.msk [tilespmem:v0+s17+$0x0], $0xffff;
	v0 =	vor.u32 $0x20, v4  }
0x36d: {  	v41 =	vor.u32 $0x3A, v4;
	[tilespmem:$0x1FD80] =	vst v1;
	v1 =	vld.idx.msk [tilespmem:v5+s17+$0x0], $0xffff  }
0x36e: {  	v54 =	vor.u32 $0x19, v4;
	v48 =	vld.idx.msk [tilespmem:v59+s17+$0x0], $0xffff  }
0x36f: {  	v45 =	vld.idx.msk [tilespmem:v19+s17+$0x0], $0xffff;
	v19 =	vor.u32 $0xF, v4  }
0x370: {  	v53 =	vor.u32 $0x9, v4;
	v50 =	vld.idx.msk [tilespmem:v61+s17+$0x0], $0xffff  }
0x371: {  	v34 =	vld.idx.msk [tilespmem:v0+s17+$0x0], $0xffff;
	v0 =	vor.u32 $0x1A, v4  }
0x372: {  	v61 =	vor.u32 $0x1, v4;
	[tilespmem:$0x1FD70] =	vst v1;
	v1 =	vld.idx.msk [tilespmem:v41+s17+$0x0], $0xffff  }
0x373: {  	v41 =	vld.idx.msk [tilespmem:v54+s17+$0x0], $0xffff;
	v54 =	vor.u32 $0x7, v4  }
0x374: {  	v63 =	vshrl.u32 v62, $0xD;
	v55 =	vor.u32 $0x5, v4;
	v49 =	vld.idx.msk [tilespmem:v19+s17+$0x0], $0xffff;
	v19 =	vshrl.u32 v60, $0xD  }
0x375: {  	v62 =	vand.u32 $0x7FF80, v63;
	v56 =	vor.u32 $0x3, v4;
	v53 =	vld.idx.msk [tilespmem:v53+s17+$0x0], $0xffff;
	v60 =	vand.u32 $0x7FF80, v19  }
0x376: {  	v19 =	vand.u32 $0x40, v19;
	v52 =	vadd.s32 v20, v60;
	v40 =	vld.idx.msk [tilespmem:v0+s17+$0x0], $0xffff;
	v0 =	vor.u32 $0x14, v4  }
0x377: {  	v51 =	vand.u32 $0x40, v63;
	v57 =	vld.idx.msk [tilespmem:v61+s17+$0x0], $0xffff;
	v20 =	vadd.s32 v20, v62;
	v19 =	vor.u32 v19, v52  }
0x378: {  	v52 =	vld.idx.msk [tilespmem:v54+s17+$0x0], $0xffff;
	v20 =	vor.u32 v51, v20  }
0x379: {  	v51 =	vld.idx.msk [tilespmem:v55+s17+$0x0], $0xffff;
	v54 =	vor.u32 $0x1, v19  }
0x37a: {  	v55 =	vld.idx.msk [tilespmem:v56+s17+$0x0], $0xffff;
	v56 =	vor.u32 $0x1, v20  }
0x37b: {  	v46 =	vld.idx.msk [tilespmem:v0+s17+$0x0], $0xffff;
	v0 =	vor.u32 $0xB, v4  }
0x37c: {  	v59 =	vld.idx.msk [tilespmem:v19+s15+$0x0], $0xffff  }
0x37d: {  	v58 =	vor.u32 $0x2, v19;
	v61 =	vld.idx.msk [tilespmem:v20+s19+$0x0], $0xffff  }
0x37e: {  	v60 =	vor.u32 $0x2, v20;
	v54 =	vld.idx.msk [tilespmem:v54+s15+$0x0], $0xffff  }
0x37f: {  	v62 =	vor.u32 $0x2, v4;
	v56 =	vld.idx.msk [tilespmem:v56+s19+$0x0], $0xffff  }
0x380: {  	v63 =	vor.u32 $0x3, v19;
	v6 =	vld.idx.msk [tilespmem:v0+s17+$0x0], $0xffff  }
0x381: {  	[tilespmem:$0x1FD60] =	vst v1;
	v1 =	vor.u32 $0x3, v20;
	v0 =	vld.idx.msk [tilespmem:v4+s17+$0x0], $0xffff  }
0x382: {  	v2 =	vor.u32 $0x4, v19;
	v58 =	vld.idx.msk [tilespmem:v58+s15+$0x0], $0xffff  }
0x383: {  	v3 =	vor.u32 $0x4, v20;
	v60 =	vld.idx.msk [tilespmem:v60+s19+$0x0], $0xffff  }
0x384: {  	v59 =	vmul.f32 v61, v59;
	v61 =	vld.idx.msk [tilespmem:v62+s17+$0x0], $0xffff;
	v62 =	vor.u32 $0x4, v4  }
0x385: {  	v54 =	vmul.f32 v56, v54;
	v56 =	vld.idx.msk [tilespmem:v63+s15+$0x0], $0xffff;
	v63 =	vor.u32 $0x5, v19  }
0x386: {  	v1 =	vld.idx.msk [tilespmem:v1+s19+$0x0], $0xffff;
	v0 =	vmul.f32 v59, v0;
	v59 =	vor.u32 $0x5, v20  }
0x387: {  	v5 =	vld.idx.msk [tilespmem:v2+s15+$0x0], $0xffff;
	v54 =	vmul.f32 v54, v57;
	v57 =	vor.u32 $0x6, v19  }
0x388: {  	v3 =	vld.idx.msk [tilespmem:v3+s19+$0x0], $0xffff;
	v58 =	vmul.f32 v60, v58;
	v60 =	vor.u32 $0x6, v20;
	v0 =	vadd.f32 $0.0e+00, v0  }
0x389: {  	v2 =	vor.u32 $0x6, v4;
	v62 =	vld.idx.msk [tilespmem:v62+s17+$0x0], $0xffff  }
0x38a: {  	v0 =	vadd.f32 v54, v0;
	v54 =	vmul.f32 v58, v61;
	v58 =	vld.idx.msk [tilespmem:v63+s15+$0x0], $0xffff;
	v61 =	vor.u32 $0x7, v19  }
0x38b: {  	v1 =	vmul.f32 v1, v56;
	v56 =	vld.idx.msk [tilespmem:v59+s19+$0x0], $0xffff;
	v59 =	vor.u32 $0x7, v20  }
0x38c: {  	v0 =	vadd.f32 v54, v0;
	v54 =	vld.idx.msk [tilespmem:v57+s15+$0x0], $0xffff;
	v57 =	vor.u32 $0x8, v19  }
0x38d: {  	v3 =	vmul.f32 v3, v5;
	v5 =	vld.idx.msk [tilespmem:v60+s19+$0x0], $0xffff;
	v1 =	vmul.f32 v1, v55;
	v55 =	vor.u32 $0x8, v20  }
0x38e: {  	v2 =	vld.idx.msk [tilespmem:v2+s17+$0x0], $0xffff;
	v60 =	vor.u32 $0x8, v4  }
0x38f: {  	v0 =	vadd.f32 v1, v0;
	v1 =	vmul.f32 v3, v62;
	v3 =	vld.idx.msk [tilespmem:v61+s15+$0x0], $0xffff;
	v61 =	vor.u32 $0x9, v19  }
0x390: {  	v56 =	vmul.f32 v56, v58;
	v58 =	vld.idx.msk [tilespmem:v59+s19+$0x0], $0xffff;
	v59 =	vor.u32 $0x9, v20  }
0x391: {  	v0 =	vadd.f32 v1, v0;
	v1 =	vld.idx.msk [tilespmem:v57+s15+$0x0], $0xffff;
	v57 =	vor.u32 $0xA, v19  }
0x392: {  	v5 =	vmul.f32 v5, v54;
	v54 =	vld.idx.msk [tilespmem:v55+s19+$0x0], $0xffff;
	v55 =	vor.u32 $0xA, v20;
	v51 =	vmul.f32 v56, v51  }
0x393: {  	v56 =	vld.idx.msk [tilespmem:v60+s17+$0x0], $0xffff;
	v60 =	vor.u32 $0xA, v4  }
0x394: {  	v2 =	vmul.f32 v5, v2;
	v0 =	vadd.f32 v51, v0;
	v5 =	vld.idx.msk [tilespmem:v61+s15+$0x0], $0xffff;
	v51 =	vor.u32 $0xB, v19  }
0x395: {  	v3 =	vmul.f32 v58, v3;
	v58 =	vld.idx.msk [tilespmem:v59+s19+$0x0], $0xffff;
	v59 =	vor.u32 $0xB, v20  }
0x396: {  	v0 =	vadd.f32 v2, v0;
	v2 =	vld.idx.msk [tilespmem:v57+s15+$0x0], $0xffff;
	v57 =	vor.u32 $0xC, v19  }
0x397: {  	v1 =	vmul.f32 v54, v1;
	v54 =	vor.u32 $0xC, v20;
	v3 =	vmul.f32 v3, v52;
	v52 =	vld.idx.msk [tilespmem:v55+s19+$0x0], $0xffff  }
0x398: {  	v63 =	vor.u32 $0xD, v20;
	v55 =	vld.idx.msk [tilespmem:v60+s17+$0x0], $0xffff  }
0x399: {  	v60 =	vor.u32 $0xC, v4;
	v1 =	vmul.f32 v1, v56;
	v0 =	vadd.f32 v3, v0;
	v3 =	vld.idx.msk [tilespmem:v51+s15+$0x0], $0xffff  }
0x39a: {  	v51 =	vor.u32 $0xD, v19;
	v5 =	vmul.f32 v58, v5;
	v56 =	vld.idx.msk [tilespmem:v59+s19+$0x0], $0xffff  }
0x39b: {  	v0 =	vadd.f32 v1, v0;
	v1 =	vld.idx.msk [tilespmem:v57+s15+$0x0], $0xffff;
	v57 =	vor.u32 $0xE, v19  }
0x39c: {  	v61 =	vld.idx.msk [tilespmem:v54+s19+$0x0], $0xffff;
	v5 =	vmul.f32 v5, v53;
	v2 =	vmul.f32 v52, v2;
	v52 =	vor.u32 $0xE, v20  }
0x39d: {  	v62 =	vor.u32 $0xE, v4;
	v63 =	vld.idx.msk [tilespmem:v63+s19+$0x0], $0xffff  }
0x39e: {  	v54 =	vld.idx.msk [tilespmem:v60+s17+$0x0], $0xffff;
	v0 =	vadd.f32 v5, v0;
	v2 =	vmul.f32 v2, v55;
	v5 =	vor.u32 $0xF, v19  }
0x39f: {  	v51 =	vld.idx.msk [tilespmem:v51+s15+$0x0], $0xffff;
	v55 =	vor.u32 $0xF, v20;
	v3 =	vmul.f32 v56, v3  }
0x3a0: {  	v60 =	vor.u32 $0x10, v20;
	v0 =	vadd.f32 v2, v0;
	v57 =	vld.idx.msk [tilespmem:v57+s15+$0x0], $0xffff  }
0x3a1: {  	v2 =	vor.u32 $0x10, v19;
	v1 =	vmul.f32 v61, v1;
	v3 =	vmul.f32 v3, v6;
	v52 =	vld.idx.msk [tilespmem:v52+s19+$0x0], $0xffff  }
0x3a2: {  	v62 =	vld.idx.msk [tilespmem:v62+s17+$0x0], $0xffff;
	v61 =	vor.u32 $0x10, v4  }
0x3a3: {  	v1 =	vmul.f32 v1, v54;
	v0 =	vadd.f32 v3, v0;
	v3 =	vor.u32 $0x11, v19;
	v5 =	vld.idx.msk [tilespmem:v5+s15+$0x0], $0xffff  }
0x3a4: {  	v51 =	vmul.f32 v63, v51;
	v63 =	vor.u32 $0x11, v20;
	v55 =	vld.idx.msk [tilespmem:v55+s19+$0x0], $0xffff  }
0x3a5: {  	v6 =	vld.idx.msk [tilespmem:v60+s19+$0x0], $0xffff;
	v0 =	vadd.f32 v1, v0;
	v1 =	vor.u32 $0x12, v19  }
0x3a6: {  	v2 =	vld.idx.msk [tilespmem:v2+s15+$0x0], $0xffff;
	v50 =	vmul.f32 v51, v50;
	v51 =	vor.u32 $0x12, v20;
	v52 =	vmul.f32 v52, v57  }
0x3a7: {  	v56 =	vor.u32 $0x12, v4;
	v53 =	vld.idx.msk [tilespmem:v61+s17+$0x0], $0xffff  }
0x3a8: {  	v61 =	vor.u32 $0x13, v19;
	v0 =	vadd.f32 v50, v0;
	v60 =	vmul.f32 v52, v62;
	v3 =	vld.idx.msk [tilespmem:v3+s15+$0x0], $0xffff  }
0x3a9: {  	v5 =	vmul.f32 v55, v5;
	v62 =	vor.u32 $0x13, v20;
	v54 =	vld.idx.msk [tilespmem:v63+s19+$0x0], $0xffff  }
0x3aa: {  	v63 =	vor.u32 $0x14, v19;
	v0 =	vadd.f32 v60, v0;
	v1 =	vld.idx.msk [tilespmem:v1+s15+$0x0], $0xffff  }
0x3ab: {  	v5 =	vmul.f32 v5, v49;
	v49 =	vor.u32 $0x14, v20;
	v51 =	vld.idx.msk [tilespmem:v51+s19+$0x0], $0xffff;
	v2 =	vmul.f32 v6, v2  }
0x3ac: {  	v6 =	vld.idx.msk [tilespmem:v56+s17+$0x0], $0xffff;
	v56 =	vor.u32 $0x15, v19  }
0x3ad: {  	v60 =	vor.u32 $0x15, v20;
	v0 =	vadd.f32 v5, v0;
	v5 =	vld.idx.msk [tilespmem:v61+s15+$0x0], $0xffff;
	v2 =	vmul.f32 v2, v53  }
0x3ae: {  	v61 =	vor.u32 $0x16, v19;
	v3 =	vmul.f32 v54, v3;
	v62 =	vld.idx.msk [tilespmem:v62+s19+$0x0], $0xffff  }
0x3af: {  	v50 =	vld.idx.msk [tilespmem:v63+s15+$0x0], $0xffff;
	v0 =	vadd.f32 v2, v0;
	v2 =	vor.u32 $0x16, v20  }
0x3b0: {  	v63 =	vor.u32 $0x17, v19;
	v3 =	vmul.f32 v3, v48;
	v49 =	vld.idx.msk [tilespmem:v49+s19+$0x0], $0xffff  }
0x3b1: {  	v58 =	vor.u32 $0x17, v20;
	v1 =	vmul.f32 v51, v1;
	v57 =	vld.idx.msk [tilespmem:v56+s15+$0x0], $0xffff  }
0x3b2: {  	v59 =	vor.u32 $0x18, v20;
	v52 =	vld.idx.msk [tilespmem:v60+s19+$0x0], $0xffff;
	v0 =	vadd.f32 v3, v0  }
0x3b3: {  	v3 =	vor.u32 $0x18, v19;
	v1 =	vmul.f32 v1, v6;
	v6 =	vld.idx.msk [tilespmem:v61+s15+$0x0], $0xffff;
	v5 =	vmul.f32 v62, v5  }
0x3b4: {  	v60 =	vor.u32 $0x19, v19;
	v61 =	vor.u32 $0x19, v20;
	v2 =	vld.idx.msk [tilespmem:v2+s19+$0x0], $0xffff  }
0x3b5: {  	v0 =	vadd.f32 v1, v0;
	v1 =	vld.idx.msk [tilespmem:v63+s15+$0x0], $0xffff;
	v5 =	vmul.f32 v5, v47;
	v62 =	vmul.f32 v49, v50  }
0x3b6: {  	v55 =	vor.u32 $0x1A, v20;
	v49 =	vor.u32 $0x1A, v19;
	v50 =	vld.idx.msk [tilespmem:v58+s19+$0x0], $0xffff  }
0x3b7: {  	v63 =	vmul.f32 v52, v57;
	v57 =	vld.idx.msk [tilespmem:v59+s19+$0x0], $0xffff;
	v0 =	vadd.f32 v5, v0;
	v5 =	vmul.f32 v62, v46  }
0x3b8: {  	v56 =	vor.u32 $0x1B, v19;
	v58 =	vor.u32 $0x1B, v20;
	v3 =	vld.idx.msk [tilespmem:v3+s15+$0x0], $0xffff  }
0x3b9: {  	v59 =	vld.idx.msk [tilespmem:v60+s15+$0x0], $0xffff;
	v0 =	vadd.f32 v5, v0;
	v5 =	vmul.f32 v63, v45;
	v2 =	vmul.f32 v2, v6  }
0x3ba: {  	v60 =	vor.u32 $0x1C, v19;
	v61 =	vld.idx.msk [tilespmem:v61+s19+$0x0], $0xffff;
	v62 =	vor.u32 $0x1C, v20  }
0x3bb: {  	v54 =	vld.idx.msk [tilespmem:v55+s19+$0x0], $0xffff;
	v1 =	vmul.f32 v50, v1;
	v0 =	vadd.f32 v5, v0;
	v2 =	vmul.f32 v2, v44  }
0x3bc: {  	v55 =	vor.u32 $0x1D, v20;
	v63 =	vld.idx.msk [tilespmem:v49+s15+$0x0], $0xffff;
	v5 =	vor.u32 $0x1D, v19  }
0x3bd: {  	v47 =	vld.idx.msk [tilespmem:v56+s15+$0x0], $0xffff;
	v1 =	vmul.f32 v1, v43;
	v0 =	vadd.f32 v2, v0;
	v2 =	vmul.f32 v57, v3  }
0x3be: {  	v56 =	vld.idx.msk [tilespmem:v58+s19+$0x0], $0xffff;
	v3 =	vor.u32 $0x1E, v19;
	v57 =	vor.u32 $0x1E, v20  }
0x3bf: {  	v6 =	vld.idx.msk [tilespmem:v60+s15+$0x0], $0xffff;
	v0 =	vadd.f32 v1, v0;
	v1 =	vmul.f32 v2, v42;
	v2 =	vmul.f32 v61, v59  }
0x3c0: {  	v58 =	vor.u32 $0x1F, v19;
	v60 =	vor.u32 $0x1F, v20;
	v59 =	vld.idx.msk [tilespmem:v62+s19+$0x0], $0xffff  }
0x3c1: {  	v62 =	vld.idx.msk [tilespmem:v55+s19+$0x0], $0xffff;
	v0 =	vadd.f32 v1, v0;
	v1 =	vmul.f32 v2, v41;
	v2 =	vmul.f32 v54, v63  }
0x3c2: {  	v61 =	vor.u32 $0x20, v19;
	v5 =	vld.idx.msk [tilespmem:v5+s15+$0x0], $0xffff;
	v63 =	vor.u32 $0x20, v20  }
0x3c3: {  	v3 =	vld.idx.msk [tilespmem:v3+s15+$0x0], $0xffff;
	v0 =	vadd.f32 v1, v0;
	v1 =	vmul.f32 v2, v40;
	v2 =	vmul.f32 v56, v47  }
0x3c4: {  	v52 =	vor.u32 $0x21, v20;
	v49 =	vor.u32 $0x21, v19;
	v51 =	vld.idx.msk [tilespmem:v57+s19+$0x0], $0xffff  }
0x3c5: {  	v42 =	vld.idx.msk [tilespmem:v58+s15+$0x0], $0xffff;
	v0 =	vadd.f32 v1, v0;
	v1 =	vmul.f32 v2, v39;
	v2 =	vmul.f32 v59, v6  }
0x3c6: {  	v53 =	vor.u32 $0x22, v19;
	v55 =	vor.u32 $0x22, v20;
	v54 =	vld.idx.msk [tilespmem:v60+s19+$0x0], $0xffff  }
0x3c7: {  	v41 =	vld.idx.msk [tilespmem:v61+s15+$0x0], $0xffff;
	v0 =	vadd.f32 v1, v0;
	v1 =	vmul.f32 v2, v38;
	v2 =	vmul.f32 v62, v5  }
0x3c8: {  	v57 =	vor.u32 $0x23, v20;
	v56 =	vld.idx.msk [tilespmem:v63+s19+$0x0], $0xffff;
	v5 =	vor.u32 $0x23, v19  }
0x3c9: {  	v58 =	vld.idx.msk [tilespmem:v52+s19+$0x0], $0xffff;
	v0 =	vadd.f32 v1, v0;
	v1 =	vmul.f32 v2, v37;
	v2 =	vmul.f32 v51, v3  }
0x3ca: {  	v40 =	vld.idx.msk [tilespmem:v49+s15+$0x0], $0xffff;
	v59 =	vor.u32 $0x24, v20;
	v3 =	vor.u32 $0x24, v19  }
0x3cb: {  	v61 =	vld.idx.msk [tilespmem:v55+s19+$0x0], $0xffff;
	v0 =	vadd.f32 v1, v0;
	v1 =	vmul.f32 v2, v36;
	v2 =	vmul.f32 v54, v42  }
0x3cc: {  	v60 =	vor.u32 $0x25, v19;
	v6 =	vld.idx.msk [tilespmem:v53+s15+$0x0], $0xffff;
	v62 =	vor.u32 $0x25, v20  }
0x3cd: {  	v44 =	vld.idx.msk [tilespmem:v57+s19+$0x0], $0xffff;
	v0 =	vadd.f32 v1, v0;
	v1 =	vmul.f32 v2, v35;
	v2 =	vmul.f32 v56, v41  }
0x3ce: {  	v45 =	vor.u32 $0x26, v20;
	v63 =	vor.u32 $0x26, v19;
	v5 =	vld.idx.msk [tilespmem:v5+s15+$0x0], $0xffff  }
0x3cf: {  	v47 =	vld.idx.msk [tilespmem:v59+s19+$0x0], $0xffff;
	v0 =	vadd.f32 v1, v0;
	v1 =	vmul.f32 v2, v34;
	v2 =	vmul.f32 v58, v40  }
0x3d0: {  	v48 =	vor.u32 $0x27, v20;
	v46 =	vor.u32 $0x27, v19;
	v3 =	vld.idx.msk [tilespmem:v3+s15+$0x0], $0xffff  }
0x3d1: {  	v36 =	vld.idx.msk [tilespmem:v60+s15+$0x0], $0xffff;
	v0 =	vadd.f32 v1, v0;
	v1 =	vmul.f32 v2, v33;
	v2 =	vmul.f32 v61, v6  }
0x3d2: {  	v49 =	vor.u32 $0x28, v19;
	v51 =	vor.u32 $0x28, v20;
	v50 =	vld.idx.msk [tilespmem:v62+s19+$0x0], $0xffff  }
0x3d3: {  	v52 =	vld.idx.msk [tilespmem:v45+s19+$0x0], $0xffff;
	v0 =	vadd.f32 v1, v0;
	v1 =	vmul.f32 v2, v32;
	v2 =	vmul.f32 v44, v5  }
0x3d4: {  	v53 =	vor.u32 $0x29, v20;
	v35 =	vld.idx.msk [tilespmem:v63+s15+$0x0], $0xffff;
	v5 =	vor.u32 $0x29, v19  }
0x3d5: {  	v34 =	vld.idx.msk [tilespmem:v46+s15+$0x0], $0xffff;
	v0 =	vadd.f32 v1, v0;
	v1 =	vmul.f32 v2, v31;
	v2 =	vmul.f32 v47, v3  }
0x3d6: {  	v54 =	vor.u32 $0x2A, v20;
	v3 =	vor.u32 $0x2A, v19;
	v31 =	vld.idx.msk [tilespmem:v48+s19+$0x0], $0xffff  }
0x3d7: {  	v55 =	vld.idx.msk [tilespmem:v51+s19+$0x0], $0xffff;
	v0 =	vadd.f32 v1, v0;
	v1 =	vmul.f32 v2, v30;
	v2 =	vmul.f32 v50, v36  }
0x3d8: {  	v56 =	vor.u32 $0x2B, v20;
	v6 =	vld.idx.msk [tilespmem:v49+s15+$0x0], $0xffff;
	v30 =	vor.u32 $0x2B, v19  }
0x3d9: {  	v57 =	vld.idx.msk [tilespmem:v53+s19+$0x0], $0xffff;
	v0 =	vadd.f32 v1, v0;
	v1 =	vmul.f32 v2, v29;
	v2 =	vmul.f32 v52, v35  }
0x3da: {  	v58 =	vor.u32 $0x2C, v20;
	v5 =	vld.idx.msk [tilespmem:v5+s15+$0x0], $0xffff;
	v29 =	vor.u32 $0x2C, v19  }
0x3db: {  	v3 =	vld.idx.msk [tilespmem:v3+s15+$0x0], $0xffff;
	v0 =	vadd.f32 v1, v0;
	v1 =	vmul.f32 v2, v28;
	v2 =	vmul.f32 v31, v34  }
0x3dc: {  	v59 =	vor.u32 $0x2D, v20;
	v28 =	vor.u32 $0x2D, v19;
	v31 =	vld.idx.msk [tilespmem:v54+s19+$0x0], $0xffff  }
0x3dd: {  	v30 =	vld.idx.msk [tilespmem:v30+s15+$0x0], $0xffff;
	v0 =	vadd.f32 v1, v0;
	v1 =	vmul.f32 v2, v27;
	v2 =	vmul.f32 v55, v6  }
0x3de: {  	v60 =	vor.u32 $0x2E, v19;
	v61 =	vor.u32 $0x2E, v20;
	v27 =	vld.idx.msk [tilespmem:v56+s19+$0x0], $0xffff  }
0x3df: {  	v29 =	vld.idx.msk [tilespmem:v29+s15+$0x0], $0xffff;
	v0 =	vadd.f32 v1, v0;
	v1 =	vmul.f32 v2, v26;
	v2 =	vmul.f32 v57, v5  }
0x3e0: {  	v62 =	vor.u32 $0x2F, v20;
	v5 =	vor.u32 $0x2F, v19;
	v26 =	vld.idx.msk [tilespmem:v58+s19+$0x0], $0xffff  }
0x3e1: {  	v28 =	vld.idx.msk [tilespmem:v28+s15+$0x0], $0xffff;
	v0 =	vadd.f32 v1, v0;
	v1 =	vmul.f32 v2, v25;
	v2 =	vmul.f32 v31, v3  }
0x3e2: {  	v3 =	vor.u32 $0x30, v19;
	v25 =	vld.idx.msk [tilespmem:v59+s19+$0x0], $0xffff;
	v31 =	vor.u32 $0x30, v20  }
0x3e3: {  	v6 =	vld.idx.msk [tilespmem:v60+s15+$0x0], $0xffff;
	v0 =	vadd.f32 v1, v0;
	v1 =	vmul.f32 v2, v24;
	v2 =	vmul.f32 v27, v30  }
0x3e4: {  	v24 =	vor.u32 $0x31, v19;
	v27 =	vld.idx.msk [tilespmem:v61+s19+$0x0], $0xffff;
	v30 =	vor.u32 $0x31, v20  }
0x3e5: {  	v5 =	vld.idx.msk [tilespmem:v5+s15+$0x0], $0xffff;
	v0 =	vadd.f32 v1, v0;
	v1 =	vmul.f32 v2, v23;
	v2 =	vmul.f32 v26, v29  }
0x3e6: {  	v23 =	vor.u32 $0x32, v19;
	v26 =	vld.idx.msk [tilespmem:v62+s19+$0x0], $0xffff;
	v29 =	vor.u32 $0x32, v20  }
0x3e7: {  	v3 =	vld.idx.msk [tilespmem:v3+s15+$0x0], $0xffff;
	v0 =	vadd.f32 v1, v0;
	v1 =	vmul.f32 v2, v22;
	v2 =	vmul.f32 v25, v28  }
0x3e8: {  	v22 =	vor.u32 $0x33, v19;
	v25 =	vld.idx.msk [tilespmem:v31+s19+$0x0], $0xffff;
	v28 =	vor.u32 $0x33, v20  }
0x3e9: {  	v24 =	vld.idx.msk [tilespmem:v24+s15+$0x0], $0xffff;
	v0 =	vadd.f32 v1, v0;
	v1 =	vmul.f32 v2, v21;
	v2 =	vmul.f32 v27, v6  }
0x3ea: {  	v63 =	vor.u32 $0x34, v19;
	v21 =	vld.idx.msk [tilespmem:v30+s19+$0x0], $0xffff;
	v27 =	vor.u32 $0x34, v20  }
0x3eb: {  	v23 =	vld.idx.msk [tilespmem:v23+s15+$0x0], $0xffff;
	v0 =	vadd.f32 v1, v0;
	v1 =	vmul.f32 v2, v18;
	v2 =	vmul.f32 v26, v5  }
0x3ec: {  	v5 =	vor.u32 $0x35, v19;
	v18 =	vld.idx.msk [tilespmem:v29+s19+$0x0], $0xffff;
	v26 =	vor.u32 $0x35, v20  }
0x3ed: {  	v22 =	vld.idx.msk [tilespmem:v22+s15+$0x0], $0xffff;
	v0 =	vadd.f32 v1, v0;
	v1 =	vmul.f32 v2, v17;
	v2 =	vmul.f32 v25, v3  }
0x3ee: {  	v3 =	vor.u32 $0x36, v19;
	v17 =	vld.idx.msk [tilespmem:v28+s19+$0x0], $0xffff;
	v25 =	vor.u32 $0x36, v20  }
0x3ef: {  	v6 =	vld.idx.msk [tilespmem:v63+s15+$0x0], $0xffff;
	v0 =	vadd.f32 v1, v0;
	v1 =	vmul.f32 v2, v16;
	v2 =	vmul.f32 v21, v24  }
0x3f0: {  	v16 =	vor.u32 $0x37, v19;
	v21 =	vld.idx.msk [tilespmem:v27+s19+$0x0], $0xffff;
	v24 =	vor.u32 $0x37, v20  }
0x3f1: {  	v5 =	vld.idx.msk [tilespmem:v5+s15+$0x0], $0xffff;
	v0 =	vadd.f32 v1, v0;
	v1 =	vmul.f32 v2, v15;
	v2 =	vmul.f32 v18, v23  }
0x3f2: {  	v32 =	vor.u32 $0x38, v19;
	v18 =	vld.idx.msk [tilespmem:v26+s19+$0x0], $0xffff;
	v23 =	vor.u32 $0x38, v20  }
0x3f3: {  	v3 =	vld.idx.msk [tilespmem:v3+s15+$0x0], $0xffff;
	v0 =	vadd.f32 v1, v0;
	v1 =	vmul.f32 v2, v14;
	v2 =	vmul.f32 v17, v22  }
0x3f4: {  	v33 =	vor.u32 $0x39, v19;
	v17 =	vld.idx.msk [tilespmem:v25+s19+$0x0], $0xffff;
	v22 =	vor.u32 $0x39, v20  }
0x3f5: {  	v16 =	vld.idx.msk [tilespmem:v16+s15+$0x0], $0xffff;
	v0 =	vadd.f32 v1, v0;
	v1 =	vmul.f32 v2, v13;
	v2 =	vmul.f32 v21, v6  }
0x3f6: {  	v35 =	vld.idx.msk [tilespmem:v24+s19+$0x0], $0xffff  }
0x3f7: {  	v15 =	vld.idx.msk [tilespmem:v32+s15+$0x0], $0xffff;
	v0 =	vadd.f32 v1, v0;
	v1 =	vmul.f32 v2, v12;
	v2 =	vmul.f32 v18, v5  }
0x3f8: {  	v36 =	vld.idx.msk [tilespmem:v23+s19+$0x0], $0xffff  }
0x3f9: {  	v14 =	vld.idx.msk [tilespmem:v33+s15+$0x0], $0xffff;
	v0 =	vadd.f32 v1, v0;
	v1 =	vmul.f32 v2, v11;
	v2 =	vmul.f32 v17, v3  }
0x3fa: {  	v34 =	vor.u32 $0x3A, v19;
	v37 =	vld.idx.msk [tilespmem:v22+s19+$0x0], $0xffff  }
0x3fb: {  	v0 =	vadd.f32 v1, v0;
	v1 =	vmul.f32 v2, v10;
	v2 =	vmul.f32 v35, v16  }
0x3fc: {  	v21 =	vor.u32 $0x3A, v20  }
0x3fd: {  	v0 =	vadd.f32 v1, v0;
	v1 =	vmul.f32 v2, v9;
	v2 =	vmul.f32 v36, v15;
	_ =	sdelay $0x1  }
0x3fe: {  	v0 =	vadd.f32 v1, v0;
	v1 =	vmul.f32 v2, v8;
	v2 =	vmul.f32 v37, v14  }
0x3ff: {  	v6 =	vld.idx.msk [tilespmem:v34+s15+$0x0], $0xffff  }
0x400: {  	v39 =	vld.idx.msk [tilespmem:v21+s19+$0x0], $0xffff;
	v0 =	vadd.f32 v1, v0;
	v1 =	vmul.f32 v2, v7  }
0x401: {  	v5 =	vor.u32 $0x3B, v19  }
0x402: {  	v18 =	vor.u32 $0x3B, v20;
	v0 =	vadd.f32 v1, v0;
	v1 =	vld [tilespmem:$0x1FD60];
	_ =	sdelay $0x2  }
0x403: {  	v2 =	vmul.f32 v39, v6  }
0x404: {  	v5 =	vld.idx.msk [tilespmem:v5+s15+$0x0], $0xffff  }
0x405: {  	v41 =	vld.idx.msk [tilespmem:v18+s19+$0x0], $0xffff;
	v1 =	vmul.f32 v2, v1  }
0x406: {  	v3 =	vor.u32 $0x3C, v19  }
0x407: {  	v17 =	vor.u32 $0x3C, v20;
	v0 =	vadd.f32 v1, v0;
	v1 =	vld [tilespmem:$0x1FD70];
	_ =	sdelay $0x2  }
0x408: {  	v2 =	vmul.f32 v41, v5  }
0x409: {  	v3 =	vld.idx.msk [tilespmem:v3+s15+$0x0], $0xffff  }
0x40a: {  	v44 =	vld.idx.msk [tilespmem:v17+s19+$0x0], $0xffff;
	v1 =	vmul.f32 v2, v1  }
0x40b: {  	v38 =	vor.u32 $0x3D, v19  }
0x40c: {  	v16 =	vor.u32 $0x3D, v20;
	v0 =	vadd.f32 v1, v0;
	v1 =	vld [tilespmem:$0x1FD80];
	_ =	sdelay $0x2  }
0x40d: {  	v2 =	vmul.f32 v44, v3  }
0x40e: {  	v10 =	vld.idx.msk [tilespmem:v38+s15+$0x0], $0xffff  }
0x40f: {  	v40 =	vor.u32 $0x3E, v19;
	v46 =	vld.idx.msk [tilespmem:v16+s19+$0x0], $0xffff;
	v1 =	vmul.f32 v2, v1  }
0x410: {  	v43 =	vor.u32 $0x3F, v19  }
0x411: {  	v42 =	vor.u32 $0x3E, v20;
	v0 =	vadd.f32 v1, v0;
	v1 =	vld [tilespmem:$0x1FD90]  }
0x412: {  	v45 =	vor.u32 $0x3F, v20;
	_ =	sdelay $0x1  }
0x413: {  	v47 =	vld.idx.msk [tilespmem:v40+s15+$0x0], $0xffff;
	v2 =	vmul.f32 v46, v10  }
0x414: {  	v4 =	vor.u32 $0x3F, v4;
	v8 =	vld.idx.msk [tilespmem:v43+s15+$0x0], $0xffff  }
0x415: {  	v5 =	vld.idx.msk [tilespmem:v42+s19+$0x0], $0xffff;
	v1 =	vmul.f32 v2, v1  }
0x416: {  	v3 =	vld.idx.msk [tilespmem:v45+s19+$0x0], $0xffff  }
0x417: {  	v0 =	vadd.f32 v1, v0;
	v1 =	vld [tilespmem:$0x1FDA0];
	_ =	sdelay $0x1  }
0x418: {  	v4 =	vld.idx.msk [tilespmem:v4+s17+$0x0], $0xffff  }
0x419: {  	v2 =	vmul.f32 v5, v47;
	_ =	sdelay $0x1  }
0x41a: {  	v1 =	vmul.f32 v2, v1;
	v2 =	vmul.f32 v3, v8;
	_ =	sdelay $0x1  }
0x41b: {  	v0 =	vadd.f32 v1, v0;
	v1 =	vmul.f32 v2, v4;
	_ =	sdelay $0x1  }
0x41c: {  	v0 =	vadd.f32 v1, v0  }
0x41d: {  	s29 =	simm.s32 $0x18D00  }
0x41e: {  	s30 =	simm.s32 $0x310;
	[tilespmem:s29+$0x0] =	vst v0  }
0x41f: {  	v0 =	vld [tilespmem:s30+$0x0]  }
0x420: {  	v2 =	vld [tilespmem:$0x1FFF0];
	_ =	sdelay $0x1  }
0x421: {  	s1 =	simm.s32 $0x10  }
0x422: {  	v1 =	vmov s1  }
0x423: {  	v1 =	vshll.u32 v1, $0x7;
	v0 =	vshrl.u32 v0, $0xD  }
0x424: {  	v55 =	vor.u32 v2, v1;
	v1 =	vand.u32 $0x7FF80, v0  }
0x425: {  	v0 =	vand.u32 $0x40, v0;
	v1 =	vadd.s32 v55, v1  }
0x426: {  	v3 =	vor.u32 v0, v1  }
0x427: {  	v4 =	vor.u32 $0x3C, v3;
	_ =	sdelay $0x4  }
0x428: {  	v5 =	vor.u32 $0x3B, v3;
	v1 =	vld.idx.msk [tilespmem:v4+s17+$0x0], $0xffff;
	_ =	sdelay $0x3  }
0x429: {  	v0 =	vor.u32 $0x3E, v3  }
0x42a: {  	v48 =	vor.u32 $0x3A, v3;
	[tilespmem:$0x1FDB0] =	vst v1;
	v1 =	vld.idx.msk [tilespmem:v5+s17+$0x0], $0xffff;
	_ =	sdelay $0x2  }
0x42b: {  	v2 =	vor.u32 $0x3D, v3  }
0x42c: {  	v58 =	vld.idx.msk [tilespmem:v0+s17+$0x0], $0xffff;
	v0 =	vor.u32 $0x38, v3  }
0x42d: {  	s31 =	simm.s32 $0x110;
	v49 =	vor.u32 $0x39, v3;
	[tilespmem:$0x1FDC0] =	vst v1;
	v1 =	vld.idx.msk [tilespmem:v48+s17+$0x0], $0xffff  }
0x42e: {  	v42 =	vld [tilespmem:s31+$0x0];
	v18 =	vor.u32 $0x2E, v3  }
0x42f: {  	v19 =	vor.u32 $0x2D, v3;
	v52 =	vld.idx.msk [tilespmem:v3+s17+$0x0], $0xffff  }
0x430: {  	v21 =	vor.u32 $0x2B, v3;
	v63 =	vld.idx.msk [tilespmem:v2+s17+$0x0], $0xffff  }
0x431: {  	v22 =	vor.u32 $0x2A, v3;
	v0 =	vld.idx.msk [tilespmem:v0+s17+$0x0], $0xffff  }
0x432: {  	v50 =	vor.u32 $0x37, v3;
	[tilespmem:$0x1FDD0] =	vst v1;
	v1 =	vld.idx.msk [tilespmem:v49+s17+$0x0], $0xffff  }
0x433: {  	v23 =	vor.u32 $0x29, v3;
	v18 =	vld.idx.msk [tilespmem:v18+s17+$0x0], $0xffff  }
0x434: {  	v24 =	vor.u32 $0x28, v3;
	v19 =	vld.idx.msk [tilespmem:v19+s17+$0x0], $0xffff  }
0x435: {  	v25 =	vor.u32 $0x27, v3;
	v21 =	vld.idx.msk [tilespmem:v21+s17+$0x0], $0xffff  }
0x436: {  	v22 =	vld.idx.msk [tilespmem:v22+s17+$0x0], $0xffff;
	[tilespmem:$0x1FDF0] =	vst v0;
	v0 =	vor.u32 $0x32, v3  }
0x437: {  	v51 =	vor.u32 $0x36, v3;
	[tilespmem:$0x1FDE0] =	vst v1;
	v1 =	vld.idx.msk [tilespmem:v50+s17+$0x0], $0xffff  }
0x438: {  	v27 =	vor.u32 $0x25, v3;
	v23 =	vld.idx.msk [tilespmem:v23+s17+$0x0], $0xffff  }
0x439: {  	v28 =	vor.u32 $0x24, v3;
	v24 =	vld.idx.msk [tilespmem:v24+s17+$0x0], $0xffff  }
0x43a: {  	v29 =	vor.u32 $0x23, v3;
	v25 =	vld.idx.msk [tilespmem:v25+s17+$0x0], $0xffff  }
0x43b: {  	v30 =	vor.u32 $0x22, v3;
	v0 =	vld.idx.msk [tilespmem:v0+s17+$0x0], $0xffff  }
0x43c: {  	v53 =	vor.u32 $0x35, v3;
	[tilespmem:$0x1FE00] =	vst v1;
	v1 =	vld.idx.msk [tilespmem:v51+s17+$0x0], $0xffff  }
0x43d: {  	v31 =	vor.u32 $0x21, v3;
	v27 =	vld.idx.msk [tilespmem:v27+s17+$0x0], $0xffff  }
0x43e: {  	v59 =	vor.u32 $0x1F, v3;
	v28 =	vld.idx.msk [tilespmem:v28+s17+$0x0], $0xffff  }
0x43f: {  	v60 =	vor.u32 $0x1E, v3;
	v29 =	vld.idx.msk [tilespmem:v29+s17+$0x0], $0xffff  }
0x440: {  	v30 =	vld.idx.msk [tilespmem:v30+s17+$0x0], $0xffff;
	[tilespmem:$0x1FE50] =	vst v0;
	v0 =	vor.u32 $0x2C, v3  }
0x441: {  	v54 =	vor.u32 $0x34, v3;
	[tilespmem:$0x1FE10] =	vst v1;
	v1 =	vld.idx.msk [tilespmem:v53+s17+$0x0], $0xffff  }
0x442: {  	v61 =	vor.u32 $0x1D, v3;
	v31 =	vld.idx.msk [tilespmem:v31+s17+$0x0], $0xffff  }
0x443: {  	v62 =	vor.u32 $0x1C, v3;
	v33 =	vld.idx.msk [tilespmem:v59+s17+$0x0], $0xffff  }
0x444: {  	v6 =	vor.u32 $0x1B, v3;
	v34 =	vld.idx.msk [tilespmem:v60+s17+$0x0], $0xffff  }
0x445: {  	v20 =	vld.idx.msk [tilespmem:v0+s17+$0x0], $0xffff;
	v0 =	vor.u32 $0x26, v3  }
0x446: {  	v56 =	vor.u32 $0x33, v3;
	[tilespmem:$0x1FE20] =	vst v1;
	v1 =	vld.idx.msk [tilespmem:v54+s17+$0x0], $0xffff  }
0x447: {  	v7 =	vor.u32 $0x19, v3;
	v35 =	vld.idx.msk [tilespmem:v61+s17+$0x0], $0xffff  }
0x448: {  	v8 =	vor.u32 $0x18, v3;
	v36 =	vld.idx.msk [tilespmem:v62+s17+$0x0], $0xffff  }
0x449: {  	v9 =	vor.u32 $0x17, v3;
	v37 =	vld.idx.msk [tilespmem:v6+s17+$0x0], $0xffff  }
0x44a: {  	v26 =	vld.idx.msk [tilespmem:v0+s17+$0x0], $0xffff;
	v0 =	vor.u32 $0x20, v3  }
0x44b: {  	v57 =	vor.u32 $0x31, v3;
	[tilespmem:$0x1FE30] =	vst v1;
	v1 =	vld.idx.msk [tilespmem:v56+s17+$0x0], $0xffff  }
0x44c: {  	v10 =	vor.u32 $0x16, v3;
	v39 =	vld.idx.msk [tilespmem:v7+s17+$0x0], $0xffff  }
0x44d: {  	v11 =	vor.u32 $0x15, v3;
	v40 =	vld.idx.msk [tilespmem:v8+s17+$0x0], $0xffff  }
0x44e: {  	v12 =	vor.u32 $0x13, v3;
	v41 =	vld.idx.msk [tilespmem:v9+s17+$0x0], $0xffff  }
0x44f: {  	v32 =	vld.idx.msk [tilespmem:v0+s17+$0x0], $0xffff;
	v0 =	vor.u32 $0x1A, v3  }
0x450: {  	v16 =	vor.u32 $0x30, v3;
	[tilespmem:$0x1FE40] =	vst v1;
	v1 =	vld.idx.msk [tilespmem:v57+s17+$0x0], $0xffff  }
0x451: {  	v13 =	vor.u32 $0x12, v3;
	v44 =	vld.idx.msk [tilespmem:v10+s17+$0x0], $0xffff  }
0x452: {  	v14 =	vor.u32 $0x11, v3;
	v45 =	vld.idx.msk [tilespmem:v11+s17+$0x0], $0xffff  }
0x453: {  	v15 =	vor.u32 $0x10, v3;
	v47 =	vld.idx.msk [tilespmem:v12+s17+$0x0], $0xffff  }
0x454: {  	v38 =	vld.idx.msk [tilespmem:v0+s17+$0x0], $0xffff;
	v0 =	vor.u32 $0x14, v3  }
0x455: {  	v17 =	vor.u32 $0x2F, v3;
	[tilespmem:$0x1FE60] =	vst v1;
	v1 =	vld.idx.msk [tilespmem:v16+s17+$0x0], $0xffff  }
0x456: {  	v60 =	vor.u32 $0xF, v3;
	v48 =	vld.idx.msk [tilespmem:v13+s17+$0x0], $0xffff  }
0x457: {  	v61 =	vor.u32 $0xD, v3;
	v49 =	vld.idx.msk [tilespmem:v14+s17+$0x0], $0xffff  }
0x458: {  	v62 =	vor.u32 $0xC, v3;
	v50 =	vld.idx.msk [tilespmem:v15+s17+$0x0], $0xffff  }
0x459: {  	v46 =	vld.idx.msk [tilespmem:v0+s17+$0x0], $0xffff  }
0x45a: {  	v0 =	vor.u32 $0xE, v3;
	[tilespmem:$0x1FE70] =	vst v1;
	v1 =	vld.idx.msk [tilespmem:v17+s17+$0x0], $0xffff  }
0x45b: {  	v51 =	vld.idx.msk [tilespmem:v60+s17+$0x0], $0xffff  }
0x45c: {  	v54 =	vld.idx.msk [tilespmem:v61+s17+$0x0], $0xffff  }
0x45d: {  	s0 =	simm.s32 $0x510;
	v56 =	vld.idx.msk [tilespmem:v62+s17+$0x0], $0xffff  }
0x45e: {  	v43 =	vor.u32 $0xA, v3;
	v62 =	vld [tilespmem:s0+$0x0];
	v57 =	vor.u32 $0xB, v3  }
0x45f: {  	s1 =	simm.s32 $0x20;
	v59 =	vor.u32 $0x9, v3;
	v60 =	vor.u32 $0x8, v3;
	v61 =	vor.u32 $0x7, v3;
	v53 =	vld.idx.msk [tilespmem:v0+s17+$0x0], $0xffff;
	[tilespmem:$0x1FE80] =	vst v1  }
.LBB2_6:
0x460: {  	_ =	sdelay $0x2  }
0x461: {  	v57 =	vld.idx.msk [tilespmem:v57+s17+$0x0], $0xffff;
	v1 =	vor.u32 $0x4, v3  }
0x462: {  	[tilespmem:$0x1FD50] =	vst v58;
	v58 =	vld.idx.msk [tilespmem:v43+s17+$0x0], $0xffff;
	v4 =	vor.u32 $0x3, v3  }
0x463: {  	v11 =	vor.u32 $0x5, v3;
	v59 =	vld.idx.msk [tilespmem:v59+s17+$0x0], $0xffff;
	v2 =	vor.u32 $0x2, v3;
	v42 =	vshrl.u32 v42, $0xD  }
0x464: {  	v60 =	vld.idx.msk [tilespmem:v60+s17+$0x0], $0xffff;
	v5 =	vor.u32 $0x1, v3;
	v62 =	vshrl.u32 v62, $0xD;
	v12 =	vand.u32 $0x7FF80, v42  }
0x465: {  	v61 =	vld.idx.msk [tilespmem:v61+s17+$0x0], $0xffff;
	v42 =	vand.u32 $0x40, v42;
	v6 =	vand.u32 $0x7FF80, v62;
	v43 =	vadd.s32 v55, v12  }
0x466: {  	v13 =	vand.u32 $0x40, v62;
	v1 =	vld.idx.msk [tilespmem:v1+s17+$0x0], $0xffff;
	v6 =	vadd.s32 v55, v6;
	v43 =	vor.u32 v42, v43  }
0x467: {  	v4 =	vld.idx.msk [tilespmem:v4+s17+$0x0], $0xffff;
	v42 =	vor.u32 v13, v6  }
0x468: {  	v2 =	vld.idx.msk [tilespmem:v2+s17+$0x0], $0xffff;
	v14 =	vor.u32 $0x1, v43  }
0x469: {  	v5 =	vld.idx.msk [tilespmem:v5+s17+$0x0], $0xffff;
	v15 =	vor.u32 $0x1, v42  }
0x46a: {  	[tilespmem:$0x1FD40] =	vst v63;
	v55 =	vld.idx.msk [tilespmem:v11+s17+$0x0], $0xffff;
	v63 =	vor.u32 $0x2, v43  }
0x46b: {  	v8 =	vor.u32 $0x2, v42;
	v7 =	vld.idx.msk [tilespmem:v43+s15+$0x0], $0xffff  }
0x46c: {  	v10 =	vor.u32 $0x3, v43;
	v9 =	vld.idx.msk [tilespmem:v42+s19+$0x0], $0xffff  }
0x46d: {  	v11 =	vor.u32 $0x3, v42;
	v6 =	vld.idx.msk [tilespmem:v14+s15+$0x0], $0xffff  }
0x46e: {  	v12 =	vor.u32 $0x4, v43;
	v62 =	vld.idx.msk [tilespmem:v15+s19+$0x0], $0xffff  }
0x46f: {  	v13 =	vor.u32 $0x4, v42;
	v63 =	vld.idx.msk [tilespmem:v63+s15+$0x0], $0xffff  }
0x470: {  	v8 =	vld.idx.msk [tilespmem:v8+s19+$0x0], $0xffff;
	v14 =	vor.u32 $0x5, v43  }
0x471: {  	v10 =	vld.idx.msk [tilespmem:v10+s15+$0x0], $0xffff;
	v15 =	vor.u32 $0x5, v42  }
0x472: {  	v7 =	vmul.f32 v9, v7;
	v9 =	vld.idx.msk [tilespmem:v11+s19+$0x0], $0xffff;
	v11 =	vor.u32 $0x6, v43  }
0x473: {  	v16 =	vor.u32 $0x6, v42;
	v12 =	vld.idx.msk [tilespmem:v12+s15+$0x0], $0xffff  }
0x474: {  	v13 =	vld.idx.msk [tilespmem:v13+s19+$0x0], $0xffff;
	v6 =	vmul.f32 v62, v6;
	v7 =	vmul.f32 v7, v52;
	v52 =	vor.u32 $0x7, v43  }
0x475: {  	v0 =	vor.u32 $0x6, v3;
	v14 =	vld.idx.msk [tilespmem:v14+s15+$0x0], $0xffff;
	v62 =	vor.u32 $0x7, v42  }
0x476: {  	v5 =	vmul.f32 v6, v5;
	v6 =	vmul.f32 v8, v63;
	v8 =	vld.idx.msk [tilespmem:v15+s19+$0x0], $0xffff;
	v7 =	vadd.f32 $0.0e+00, v7  }
0x477: {  	v17 =	vor.u32 $0x8, v43;
	v15 =	vor.u32 $0x8, v42;
	v11 =	vld.idx.msk [tilespmem:v11+s15+$0x0], $0xffff  }
0x478: {  	v2 =	vmul.f32 v6, v2;
	v6 =	vmul.f32 v9, v10;
	v5 =	vadd.f32 v5, v7;
	v7 =	vld.idx.msk [tilespmem:v16+s19+$0x0], $0xffff  }
0x479: {  	v63 =	vor.u32 $0x9, v43;
	v9 =	vld.idx.msk [tilespmem:v52+s15+$0x0], $0xffff;
	v52 =	vor.u32 $0x9, v42  }
0x47a: {  	v0 =	vld.idx.msk [tilespmem:v0+s17+$0x0], $0xffff;
	v4 =	vmul.f32 v6, v4;
	v2 =	vadd.f32 v2, v5;
	v5 =	vmul.f32 v13, v12  }
0x47b: {  	v16 =	vor.u32 $0xA, v43;
	v6 =	vld.idx.msk [tilespmem:v62+s19+$0x0], $0xffff;
	v13 =	vor.u32 $0xA, v42  }
0x47c: {  	v12 =	vld.idx.msk [tilespmem:v17+s15+$0x0], $0xffff;
	v2 =	vadd.f32 v4, v2;
	v1 =	vmul.f32 v5, v1;
	v4 =	vmul.f32 v8, v14  }
0x47d: {  	v62 =	vor.u32 $0xB, v42;
	v17 =	vor.u32 $0xB, v43;
	v5 =	vld.idx.msk [tilespmem:v15+s19+$0x0], $0xffff  }
0x47e: {  	v8 =	vld.idx.msk [tilespmem:v63+s15+$0x0], $0xffff;
	v1 =	vadd.f32 v1, v2;
	v2 =	vmul.f32 v4, v55;
	v4 =	vmul.f32 v7, v11  }
0x47f: {  	v63 =	vor.u32 $0xC, v43;
	v52 =	vld.idx.msk [tilespmem:v52+s19+$0x0], $0xffff;
	v55 =	vor.u32 $0xC, v42  }
0x480: {  	v10 =	vld.idx.msk [tilespmem:v16+s15+$0x0], $0xffff;
	v1 =	vadd.f32 v2, v1;
	v0 =	vmul.f32 v4, v0;
	v2 =	vmul.f32 v6, v9  }
0x481: {  	v16 =	vor.u32 $0xD, v43;
	v4 =	vld.idx.msk [tilespmem:v13+s19+$0x0], $0xffff;
	v9 =	vor.u32 $0xD, v42  }
0x482: {  	v6 =	vld.idx.msk [tilespmem:v17+s15+$0x0], $0xffff;
	v0 =	vadd.f32 v0, v1;
	v1 =	vmul.f32 v2, v61;
	v2 =	vmul.f32 v5, v12  }
0x483: {  	v13 =	vor.u32 $0xE, v43;
	v5 =	vld.idx.msk [tilespmem:v62+s19+$0x0], $0xffff;
	v62 =	vor.u32 $0xE, v42  }
0x484: {  	v12 =	vld.idx.msk [tilespmem:v63+s15+$0x0], $0xffff;
	v0 =	vadd.f32 v1, v0;
	v1 =	vmul.f32 v2, v60;
	v2 =	vmul.f32 v52, v8  }
0x485: {  	v63 =	vor.u32 $0xF, v43;
	v52 =	vld.idx.msk [tilespmem:v55+s19+$0x0], $0xffff;
	v55 =	vor.u32 $0xF, v42  }
0x486: {  	v8 =	vld.idx.msk [tilespmem:v16+s15+$0x0], $0xffff;
	v0 =	vadd.f32 v1, v0;
	v1 =	vmul.f32 v2, v59;
	v2 =	vmul.f32 v4, v10  }
0x487: {  	v16 =	vor.u32 $0x10, v43;
	v4 =	vld.idx.msk [tilespmem:v9+s19+$0x0], $0xffff;
	v59 =	vor.u32 $0x10, v42  }
0x488: {  	v9 =	vld.idx.msk [tilespmem:v13+s15+$0x0], $0xffff;
	v0 =	vadd.f32 v1, v0;
	v1 =	vmul.f32 v2, v58;
	v2 =	vmul.f32 v5, v6  }
0x489: {  	v61 =	vor.u32 $0x11, v42;
	v60 =	vor.u32 $0x11, v43;
	v5 =	vld.idx.msk [tilespmem:v62+s19+$0x0], $0xffff  }
0x48a: {  	v6 =	vld.idx.msk [tilespmem:v63+s15+$0x0], $0xffff;
	v0 =	vadd.f32 v1, v0;
	v1 =	vmul.f32 v2, v57;
	v2 =	vmul.f32 v52, v12  }
0x48b: {  	v62 =	vor.u32 $0x12, v43;
	v63 =	vld.idx.msk [tilespmem:v55+s19+$0x0], $0xffff;
	v52 =	vor.u32 $0x12, v42  }
0x48c: {  	v11 =	vld.idx.msk [tilespmem:v16+s15+$0x0], $0xffff;
	v0 =	vadd.f32 v1, v0;
	v1 =	vmul.f32 v2, v56;
	v2 =	vmul.f32 v4, v8  }
0x48d: {  	v16 =	vor.u32 $0x13, v43;
	v4 =	vld.idx.msk [tilespmem:v59+s19+$0x0], $0xffff;
	v56 =	vor.u32 $0x13, v42  }
0x48e: {  	v55 =	vld.idx.msk [tilespmem:v60+s15+$0x0], $0xffff;
	v0 =	vadd.f32 v1, v0;
	v1 =	vmul.f32 v2, v54;
	v2 =	vmul.f32 v5, v9  }
0x48f: {  	v57 =	vor.u32 $0x14, v43;
	v59 =	vor.u32 $0x14, v42;
	v5 =	vld.idx.msk [tilespmem:v61+s19+$0x0], $0xffff  }
0x490: {  	v58 =	vld.idx.msk [tilespmem:v62+s15+$0x0], $0xffff;
	v0 =	vadd.f32 v1, v0;
	v1 =	vmul.f32 v2, v53;
	v2 =	vmul.f32 v63, v6  }
0x491: {  	v60 =	vor.u32 $0x15, v43;
	v61 =	vld.idx.msk [tilespmem:v52+s19+$0x0], $0xffff;
	v63 =	vor.u32 $0x15, v42  }
0x492: {  	v62 =	vld.idx.msk [tilespmem:v16+s15+$0x0], $0xffff;
	v0 =	vadd.f32 v1, v0;
	v1 =	vmul.f32 v2, v51;
	v2 =	vmul.f32 v4, v11  }
0x493: {  	v16 =	vor.u32 $0x16, v43;
	v53 =	vor.u32 $0x16, v42;
	v4 =	vld.idx.msk [tilespmem:v56+s19+$0x0], $0xffff  }
0x494: {  	v52 =	vld.idx.msk [tilespmem:v57+s15+$0x0], $0xffff;
	v0 =	vadd.f32 v1, v0;
	v1 =	vmul.f32 v2, v50;
	v2 =	vmul.f32 v5, v55  }
0x495: {  	v54 =	vor.u32 $0x17, v43;
	v56 =	vor.u32 $0x17, v42;
	v5 =	vld.idx.msk [tilespmem:v59+s19+$0x0], $0xffff  }
0x496: {  	v55 =	vld.idx.msk [tilespmem:v60+s15+$0x0], $0xffff;
	v0 =	vadd.f32 v1, v0;
	v1 =	vmul.f32 v2, v49;
	v2 =	vmul.f32 v61, v58  }
0x497: {  	v57 =	vor.u32 $0x18, v43;
	v60 =	vor.u32 $0x18, v42;
	v58 =	vld.idx.msk [tilespmem:v63+s19+$0x0], $0xffff  }
0x498: {  	v59 =	vld.idx.msk [tilespmem:v16+s15+$0x0], $0xffff;
	v0 =	vadd.f32 v1, v0;
	v1 =	vmul.f32 v2, v48;
	v2 =	vmul.f32 v4, v62  }
0x499: {  	v16 =	vor.u32 $0x19, v43;
	v4 =	vld.idx.msk [tilespmem:v53+s19+$0x0], $0xffff;
	v62 =	vor.u32 $0x19, v42  }
0x49a: {  	v61 =	vld.idx.msk [tilespmem:v54+s15+$0x0], $0xffff;
	v0 =	vadd.f32 v1, v0;
	v1 =	vmul.f32 v2, v47;
	v2 =	vmul.f32 v5, v52  }
0x49b: {  	v63 =	vor.u32 $0x1A, v43;
	v48 =	vor.u32 $0x1A, v42;
	v5 =	vld.idx.msk [tilespmem:v56+s19+$0x0], $0xffff  }
0x49c: {  	v50 =	vld.idx.msk [tilespmem:v60+s19+$0x0], $0xffff;
	v0 =	vadd.f32 v1, v0;
	v1 =	vmul.f32 v2, v46;
	v2 =	vmul.f32 v58, v55  }
0x49d: {  	v49 =	vor.u32 $0x1B, v43;
	v47 =	vld.idx.msk [tilespmem:v57+s15+$0x0], $0xffff;
	v52 =	vor.u32 $0x1B, v42  }
0x49e: {  	v51 =	vld.idx.msk [tilespmem:v16+s15+$0x0], $0xffff;
	v0 =	vadd.f32 v1, v0;
	v1 =	vmul.f32 v2, v45;
	v2 =	vmul.f32 v4, v59  }
0x49f: {  	v54 =	vor.u32 $0x1C, v42;
	v16 =	vor.u32 $0x1C, v43;
	v4 =	vld.idx.msk [tilespmem:v62+s19+$0x0], $0xffff  }
0x4a0: {  	v53 =	vld.idx.msk [tilespmem:v63+s15+$0x0], $0xffff;
	v0 =	vadd.f32 v1, v0;
	v1 =	vmul.f32 v2, v44;
	v2 =	vmul.f32 v5, v61  }
0x4a1: {  	v57 =	vor.u32 $0x1D, v42;
	v55 =	vor.u32 $0x1D, v43;
	v5 =	vld.idx.msk [tilespmem:v48+s19+$0x0], $0xffff  }
0x4a2: {  	v56 =	vld.idx.msk [tilespmem:v49+s15+$0x0], $0xffff;
	v0 =	vadd.f32 v1, v0;
	v1 =	vmul.f32 v2, v41;
	v2 =	vmul.f32 v50, v47  }
0x4a3: {  	v58 =	vor.u32 $0x1E, v43;
	v59 =	vld.idx.msk [tilespmem:v52+s19+$0x0], $0xffff;
	v61 =	vor.u32 $0x1E, v42  }
0x4a4: {  	v60 =	vld.idx.msk [tilespmem:v16+s15+$0x0], $0xffff;
	v0 =	vadd.f32 v1, v0;
	v1 =	vmul.f32 v2, v40;
	v2 =	vmul.f32 v4, v51  }
0x4a5: {  	v63 =	vor.u32 $0x1F, v42;
	v16 =	vor.u32 $0x1F, v43;
	v4 =	vld.idx.msk [tilespmem:v54+s19+$0x0], $0xffff  }
0x4a6: {  	v62 =	vld.idx.msk [tilespmem:v55+s15+$0x0], $0xffff;
	v0 =	vadd.f32 v1, v0;
	v1 =	vmul.f32 v2, v39;
	v2 =	vmul.f32 v5, v53  }
0x4a7: {  	v44 =	vor.u32 $0x20, v42;
	v40 =	vor.u32 $0x20, v43;
	v5 =	vld.idx.msk [tilespmem:v57+s19+$0x0], $0xffff  }
0x4a8: {  	v41 =	vld.idx.msk [tilespmem:v58+s15+$0x0], $0xffff;
	v0 =	vadd.f32 v1, v0;
	v1 =	vmul.f32 v2, v38;
	v2 =	vmul.f32 v59, v56  }
0x4a9: {  	v45 =	vor.u32 $0x21, v43;
	v48 =	vor.u32 $0x21, v42;
	v46 =	vld.idx.msk [tilespmem:v61+s19+$0x0], $0xffff  }
0x4aa: {  	v47 =	vld.idx.msk [tilespmem:v16+s15+$0x0], $0xffff;
	v0 =	vadd.f32 v1, v0;
	v1 =	vmul.f32 v2, v37;
	v2 =	vmul.f32 v4, v60  }
0x4ab: {  	v50 =	vor.u32 $0x22, v42;
	v16 =	vor.u32 $0x22, v43;
	v4 =	vld.idx.msk [tilespmem:v63+s19+$0x0], $0xffff  }
0x4ac: {  	v49 =	vld.idx.msk [tilespmem:v40+s15+$0x0], $0xffff;
	v0 =	vadd.f32 v1, v0;
	v1 =	vmul.f32 v2, v36;
	v2 =	vmul.f32 v5, v62  }
0x4ad: {  	v51 =	vor.u32 $0x23, v43;
	v53 =	vor.u32 $0x23, v42;
	v5 =	vld.idx.msk [tilespmem:v44+s19+$0x0], $0xffff  }
0x4ae: {  	v52 =	vld.idx.msk [tilespmem:v45+s15+$0x0], $0xffff;
	v0 =	vadd.f32 v1, v0;
	v1 =	vmul.f32 v2, v35;
	v2 =	vmul.f32 v46, v41  }
0x4af: {  	v54 =	vor.u32 $0x24, v43;
	v55 =	vld.idx.msk [tilespmem:v48+s19+$0x0], $0xffff;
	v57 =	vor.u32 $0x24, v42  }
0x4b0: {  	v56 =	vld.idx.msk [tilespmem:v16+s15+$0x0], $0xffff;
	v0 =	vadd.f32 v1, v0;
	v1 =	vmul.f32 v2, v34;
	v2 =	vmul.f32 v4, v47  }
0x4b1: {  	v16 =	vor.u32 $0x25, v43;
	v59 =	vor.u32 $0x25, v42;
	v4 =	vld.idx.msk [tilespmem:v50+s19+$0x0], $0xffff  }
0x4b2: {  	v58 =	vld.idx.msk [tilespmem:v51+s15+$0x0], $0xffff;
	v0 =	vadd.f32 v1, v0;
	v1 =	vmul.f32 v2, v33;
	v2 =	vmul.f32 v5, v49  }
0x4b3: {  	v60 =	vor.u32 $0x26, v43;
	v62 =	vor.u32 $0x26, v42;
	v5 =	vld.idx.msk [tilespmem:v53+s19+$0x0], $0xffff  }
0x4b4: {  	v61 =	vld.idx.msk [tilespmem:v54+s15+$0x0], $0xffff;
	v0 =	vadd.f32 v1, v0;
	v1 =	vmul.f32 v2, v32;
	v2 =	vmul.f32 v55, v52  }
0x4b5: {  	v63 =	vor.u32 $0x27, v43;
	v35 =	vor.u32 $0x27, v42;
	v33 =	vld.idx.msk [tilespmem:v57+s19+$0x0], $0xffff  }
0x4b6: {  	v34 =	vld.idx.msk [tilespmem:v16+s15+$0x0], $0xffff;
	v0 =	vadd.f32 v1, v0;
	v1 =	vmul.f32 v2, v31;
	v2 =	vmul.f32 v4, v56  }
0x4b7: {  	v37 =	vor.u32 $0x28, v42;
	v16 =	vor.u32 $0x28, v43;
	v4 =	vld.idx.msk [tilespmem:v59+s19+$0x0], $0xffff  }
0x4b8: {  	v36 =	vld.idx.msk [tilespmem:v60+s15+$0x0], $0xffff;
	v0 =	vadd.f32 v1, v0;
	v1 =	vmul.f32 v2, v30;
	v2 =	vmul.f32 v5, v58  }
0x4b9: {  	v38 =	vor.u32 $0x29, v43;
	v40 =	vor.u32 $0x29, v42;
	v5 =	vld.idx.msk [tilespmem:v62+s19+$0x0], $0xffff  }
0x4ba: {  	v39 =	vld.idx.msk [tilespmem:v63+s15+$0x0], $0xffff;
	v0 =	vadd.f32 v1, v0;
	v1 =	vmul.f32 v2, v29;
	v2 =	vmul.f32 v33, v61  }
0x4bb: {  	v41 =	vor.u32 $0x2A, v43;
	v46 =	vor.u32 $0x2A, v42;
	v44 =	vld.idx.msk [tilespmem:v35+s19+$0x0], $0xffff  }
0x4bc: {  	v45 =	vld.idx.msk [tilespmem:v16+s15+$0x0], $0xffff;
	v0 =	vadd.f32 v1, v0;
	v1 =	vmul.f32 v2, v28;
	v2 =	vmul.f32 v4, v34  }
0x4bd: {  	v48 =	vor.u32 $0x2B, v42;
	v16 =	vor.u32 $0x2B, v43;
	v4 =	vld.idx.msk [tilespmem:v37+s19+$0x0], $0xffff  }
0x4be: {  	v47 =	vld.idx.msk [tilespmem:v38+s15+$0x0], $0xffff;
	v0 =	vadd.f32 v1, v0;
	v1 =	vmul.f32 v2, v27;
	v2 =	vmul.f32 v5, v36  }
0x4bf: {  	v51 =	vor.u32 $0x2C, v42;
	v49 =	vor.u32 $0x2C, v43;
	v5 =	vld.idx.msk [tilespmem:v40+s19+$0x0], $0xffff  }
0x4c0: {  	v50 =	vld.idx.msk [tilespmem:v41+s15+$0x0], $0xffff;
	v0 =	vadd.f32 v1, v0;
	v1 =	vmul.f32 v2, v26;
	v2 =	vmul.f32 v44, v39  }
0x4c1: {  	v53 =	vld.idx.msk [tilespmem:v46+s19+$0x0], $0xffff;
	v52 =	vor.u32 $0x2D, v43;
	v55 =	vor.u32 $0x2D, v42  }
0x4c2: {  	v54 =	vld.idx.msk [tilespmem:v16+s15+$0x0], $0xffff;
	v0 =	vadd.f32 v1, v0;
	v1 =	vmul.f32 v2, v25;
	v2 =	vmul.f32 v4, v45  }
0x4c3: {  	v57 =	vor.u32 $0x2E, v42;
	v16 =	vor.u32 $0x2E, v43;
	v4 =	vld.idx.msk [tilespmem:v48+s19+$0x0], $0xffff  }
0x4c4: {  	v56 =	vld.idx.msk [tilespmem:v49+s15+$0x0], $0xffff;
	v0 =	vadd.f32 v1, v0;
	v1 =	vmul.f32 v2, v24;
	v2 =	vmul.f32 v5, v47  }
0x4c5: {  	v5 =	vld.idx.msk [tilespmem:v51+s19+$0x0], $0xffff  }
0x4c6: {  	v59 =	vld.idx.msk [tilespmem:v52+s15+$0x0], $0xffff;
	v0 =	vadd.f32 v1, v0;
	v1 =	vmul.f32 v2, v23;
	v2 =	vmul.f32 v53, v50  }
0x4c7: {  	v62 =	vld.idx.msk [tilespmem:v55+s19+$0x0], $0xffff  }
0x4c8: {  	v63 =	vld.idx.msk [tilespmem:v16+s15+$0x0], $0xffff;
	v0 =	vadd.f32 v1, v0;
	v1 =	vmul.f32 v2, v22;
	v2 =	vmul.f32 v4, v54  }
0x4c9: {  	v58 =	vor.u32 $0x2F, v43;
	v4 =	vld.idx.msk [tilespmem:v57+s19+$0x0], $0xffff  }
0x4ca: {  	v0 =	vadd.f32 v1, v0;
	v1 =	vmul.f32 v2, v21;
	v2 =	vmul.f32 v5, v56  }
0x4cb: {  	v60 =	vor.u32 $0x2F, v42  }
0x4cc: {  	v0 =	vadd.f32 v1, v0;
	v1 =	vmul.f32 v2, v20;
	v2 =	vmul.f32 v62, v59;
	_ =	sdelay $0x1  }
0x4cd: {  	v0 =	vadd.f32 v1, v0;
	v1 =	vmul.f32 v2, v19;
	v2 =	vmul.f32 v4, v63  }
0x4ce: {  	v33 =	vld.idx.msk [tilespmem:v58+s15+$0x0], $0xffff  }
0x4cf: {  	v5 =	vld.idx.msk [tilespmem:v60+s19+$0x0], $0xffff;
	v0 =	vadd.f32 v1, v0;
	v1 =	vmul.f32 v2, v18  }
0x4d0: {  	v61 =	vor.u32 $0x30, v43  }
0x4d1: {  	v32 =	vor.u32 $0x30, v42;
	v0 =	vadd.f32 v1, v0;
	v1 =	vld [tilespmem:$0x1FE80];
	_ =	sdelay $0x2  }
0x4d2: {  	v2 =	vmul.f32 v5, v33  }
0x4d3: {  	v36 =	vld.idx.msk [tilespmem:v61+s15+$0x0], $0xffff  }
0x4d4: {  	v39 =	vld.idx.msk [tilespmem:v32+s19+$0x0], $0xffff;
	v1 =	vmul.f32 v2, v1  }
0x4d5: {  	v16 =	vor.u32 $0x31, v43  }
0x4d6: {  	v34 =	vor.u32 $0x31, v42;
	v0 =	vadd.f32 v1, v0;
	v1 =	vld [tilespmem:$0x1FE70];
	_ =	sdelay $0x2  }
0x4d7: {  	v2 =	vmul.f32 v39, v36  }
0x4d8: {  	v40 =	vld.idx.msk [tilespmem:v16+s15+$0x0], $0xffff  }
0x4d9: {  	v4 =	vld.idx.msk [tilespmem:v34+s19+$0x0], $0xffff;
	v1 =	vmul.f32 v2, v1  }
0x4da: {  	v35 =	vor.u32 $0x32, v43  }
0x4db: {  	v37 =	vor.u32 $0x32, v42;
	v0 =	vadd.f32 v1, v0;
	v1 =	vld [tilespmem:$0x1FE60];
	_ =	sdelay $0x2  }
0x4dc: {  	v2 =	vmul.f32 v4, v40  }
0x4dd: {  	v44 =	vld.idx.msk [tilespmem:v35+s15+$0x0], $0xffff  }
0x4de: {  	v5 =	vld.idx.msk [tilespmem:v37+s19+$0x0], $0xffff;
	v1 =	vmul.f32 v2, v1  }
0x4df: {  	v38 =	vor.u32 $0x33, v43  }
0x4e0: {  	v41 =	vor.u32 $0x33, v42;
	v0 =	vadd.f32 v1, v0;
	v1 =	vld [tilespmem:$0x1FE50];
	_ =	sdelay $0x2  }
0x4e1: {  	v2 =	vmul.f32 v5, v44  }
0x4e2: {  	v47 =	vld.idx.msk [tilespmem:v38+s15+$0x0], $0xffff  }
0x4e3: {  	v50 =	vld.idx.msk [tilespmem:v41+s19+$0x0], $0xffff;
	v1 =	vmul.f32 v2, v1  }
0x4e4: {  	v16 =	vor.u32 $0x34, v43  }
0x4e5: {  	v45 =	vor.u32 $0x34, v42;
	v0 =	vadd.f32 v1, v0;
	v1 =	vld [tilespmem:$0x1FE40];
	_ =	sdelay $0x2  }
0x4e6: {  	v2 =	vmul.f32 v50, v47  }
0x4e7: {  	v51 =	vld.idx.msk [tilespmem:v16+s15+$0x0], $0xffff  }
0x4e8: {  	v4 =	vld.idx.msk [tilespmem:v45+s19+$0x0], $0xffff;
	v1 =	vmul.f32 v2, v1  }
0x4e9: {  	v46 =	vor.u32 $0x35, v43  }
0x4ea: {  	v48 =	vor.u32 $0x35, v42;
	v0 =	vadd.f32 v1, v0;
	v1 =	vld [tilespmem:$0x1FE30];
	_ =	sdelay $0x2  }
0x4eb: {  	v2 =	vmul.f32 v4, v51  }
0x4ec: {  	v53 =	vld.idx.msk [tilespmem:v46+s15+$0x0], $0xffff  }
0x4ed: {  	v5 =	vld.idx.msk [tilespmem:v48+s19+$0x0], $0xffff;
	v1 =	vmul.f32 v2, v1  }
0x4ee: {  	v49 =	vor.u32 $0x36, v43  }
0x4ef: {  	v52 =	vor.u32 $0x36, v42;
	v0 =	vadd.f32 v1, v0;
	v1 =	vld [tilespmem:$0x1FE20];
	_ =	sdelay $0x2  }
0x4f0: {  	v2 =	vmul.f32 v5, v53  }
0x4f1: {  	v56 =	vld.idx.msk [tilespmem:v49+s15+$0x0], $0xffff  }
0x4f2: {  	v59 =	vld.idx.msk [tilespmem:v52+s19+$0x0], $0xffff;
	v1 =	vmul.f32 v2, v1  }
0x4f3: {  	v16 =	vor.u32 $0x37, v43  }
0x4f4: {  	v54 =	vor.u32 $0x37, v42;
	v0 =	vadd.f32 v1, v0;
	v1 =	vld [tilespmem:$0x1FE10];
	_ =	sdelay $0x2  }
0x4f5: {  	v2 =	vmul.f32 v59, v56  }
0x4f6: {  	v60 =	vld.idx.msk [tilespmem:v16+s15+$0x0], $0xffff  }
0x4f7: {  	v4 =	vld.idx.msk [tilespmem:v54+s19+$0x0], $0xffff;
	v1 =	vmul.f32 v2, v1  }
0x4f8: {  	v55 =	vor.u32 $0x38, v43  }
0x4f9: {  	v57 =	vor.u32 $0x38, v42;
	v0 =	vadd.f32 v1, v0;
	v1 =	vld [tilespmem:$0x1FE00];
	_ =	sdelay $0x2  }
0x4fa: {  	v2 =	vmul.f32 v4, v60  }
0x4fb: {  	v62 =	vld.idx.msk [tilespmem:v55+s15+$0x0], $0xffff  }
0x4fc: {  	v5 =	vld.idx.msk [tilespmem:v57+s19+$0x0], $0xffff;
	v1 =	vmul.f32 v2, v1  }
0x4fd: {  	v58 =	vor.u32 $0x39, v43  }
0x4fe: {  	v61 =	vor.u32 $0x39, v42;
	v0 =	vadd.f32 v1, v0;
	v1 =	vld [tilespmem:$0x1FDF0];
	_ =	sdelay $0x2  }
0x4ff: {  	v2 =	vmul.f32 v5, v62  }
0x500: {  	v33 =	vld.idx.msk [tilespmem:v58+s15+$0x0], $0xffff  }
0x501: {  	v36 =	vld.idx.msk [tilespmem:v61+s19+$0x0], $0xffff;
	v1 =	vmul.f32 v2, v1  }
0x502: {  	v16 =	vor.u32 $0x3A, v43  }
0x503: {  	v63 =	vor.u32 $0x3A, v42;
	v0 =	vadd.f32 v1, v0;
	v1 =	vld [tilespmem:$0x1FDE0];
	_ =	sdelay $0x2  }
0x504: {  	v2 =	vmul.f32 v36, v33  }
0x505: {  	v37 =	vld.idx.msk [tilespmem:v16+s15+$0x0], $0xffff  }
0x506: {  	v4 =	vld.idx.msk [tilespmem:v63+s19+$0x0], $0xffff;
	v1 =	vmul.f32 v2, v1  }
0x507: {  	v32 =	vor.u32 $0x3B, v43  }
0x508: {  	v34 =	vor.u32 $0x3B, v42;
	v0 =	vadd.f32 v1, v0;
	v1 =	vld [tilespmem:$0x1FDD0];
	_ =	sdelay $0x2  }
0x509: {  	v2 =	vmul.f32 v4, v37  }
0x50a: {  	v39 =	vld.idx.msk [tilespmem:v32+s15+$0x0], $0xffff  }
0x50b: {  	v5 =	vld.idx.msk [tilespmem:v34+s19+$0x0], $0xffff;
	v1 =	vmul.f32 v2, v1  }
0x50c: {  	v35 =	vor.u32 $0x3C, v43  }
0x50d: {  	v38 =	vor.u32 $0x3C, v42;
	v0 =	vadd.f32 v1, v0;
	v1 =	vld [tilespmem:$0x1FDC0];
	_ =	sdelay $0x2  }
0x50e: {  	v2 =	vmul.f32 v5, v39  }
0x50f: {  	v44 =	vld.idx.msk [tilespmem:v35+s15+$0x0], $0xffff  }
0x510: {  	v47 =	vld.idx.msk [tilespmem:v38+s19+$0x0], $0xffff;
	v1 =	vmul.f32 v2, v1  }
0x511: {  	v16 =	vor.u32 $0x3D, v43  }
0x512: {  	v40 =	vor.u32 $0x3D, v42;
	v0 =	vadd.f32 v1, v0;
	v1 =	vld [tilespmem:$0x1FDB0];
	_ =	sdelay $0x2  }
0x513: {  	v2 =	vmul.f32 v47, v44  }
0x514: {  	v48 =	vld.idx.msk [tilespmem:v16+s15+$0x0], $0xffff  }
0x515: {  	v49 =	vor.u32 $0x3F, v42;
	v4 =	vld.idx.msk [tilespmem:v40+s19+$0x0], $0xffff;
	v1 =	vmul.f32 v2, v1  }
0x516: {  	v41 =	vor.u32 $0x3E, v43  }
0x517: {  	v45 =	vor.u32 $0x3E, v42;
	v0 =	vadd.f32 v1, v0;
	v1 =	vld [tilespmem:$0x1FD40]  }
0x518: {  	v46 =	vor.u32 $0x3F, v43;
	_ =	sdelay $0x1  }
0x519: {  	v52 =	vld.idx.msk [tilespmem:v49+s19+$0x0], $0xffff;
	v2 =	vmul.f32 v4, v48  }
0x51a: {  	v3 =	vor.u32 $0x3F, v3;
	v50 =	vld.idx.msk [tilespmem:v41+s15+$0x0], $0xffff  }
0x51b: {  	v5 =	vld.idx.msk [tilespmem:v45+s19+$0x0], $0xffff;
	v1 =	vmul.f32 v2, v1  }
0x51c: {  	v51 =	vld.idx.msk [tilespmem:v46+s15+$0x0], $0xffff  }
0x51d: {  	v0 =	vadd.f32 v1, v0;
	v1 =	vld [tilespmem:$0x1FD50];
	_ =	sdelay $0x1  }
0x51e: {  	v3 =	vld.idx.msk [tilespmem:v3+s17+$0x0], $0xffff  }
0x51f: {  	v2 =	vmul.f32 v5, v50;
	_ =	sdelay $0x1  }
0x520: {  	v1 =	vmul.f32 v2, v1;
	v2 =	vmul.f32 v52, v51;
	_ =	sdelay $0x1  }
0x521: {  	v0 =	vadd.f32 v1, v0;
	v1 =	vmul.f32 v2, v3;
	_ =	sdelay $0x1  }
0x522: {  	v0 =	vadd.f32 v1, v0  }
0x523: {  	s29 =	sadd.s32 $0x10, s29  }
0x524: {  	s30 =	sadd.s32 $0x10, s30;
	[tilespmem:s29+$0x0] =	vst v0  }
0x525: {  	v0 =	vld [tilespmem:s30+$0x0]  }
0x526: {  	v2 =	vld [tilespmem:$0x1FFF0];
	_ =	sdelay $0x2  }
0x527: {  	v1 =	vmov s1  }
0x528: {  	v1 =	vshll.u32 v1, $0x7;
	v0 =	vshrl.u32 v0, $0xD  }
0x529: {  	v55 =	vor.u32 v2, v1;
	v1 =	vand.u32 $0x7FF80, v0  }
0x52a: {  	v0 =	vand.u32 $0x40, v0;
	v1 =	vadd.s32 v55, v1  }
0x52b: {  	v3 =	vor.u32 v0, v1  }
0x52c: {  	v2 =	vor.u32 $0x3C, v3;
	_ =	sdelay $0x1  }
0x52d: {  	v4 =	vor.u32 $0x3B, v3  }
0x52e: {  	v0 =	vor.u32 $0x3E, v3  }
0x52f: {  	v1 =	vor.u32 $0x3D, v3  }
0x530: {  	v2 =	vld.idx.msk [tilespmem:v2+s17+$0x0], $0xffff  }
0x531: {  	v5 =	vor.u32 $0x3A, v3  }
0x532: {  	v4 =	vld.idx.msk [tilespmem:v4+s17+$0x0], $0xffff  }
0x533: {  	v58 =	vld.idx.msk [tilespmem:v0+s17+$0x0], $0xffff;
	v0 =	vor.u32 $0x38, v3  }
0x534: {  	v63 =	vld.idx.msk [tilespmem:v1+s17+$0x0], $0xffff;
	v1 =	vor.u32 $0x37, v3  }
0x535: {  	[tilespmem:$0x1FDB0] =	vst v2;
	v2 =	vor.u32 $0x36, v3  }
0x536: {  	s31 =	sadd.s32 $0x10, s31;
	v5 =	vld.idx.msk [tilespmem:v5+s17+$0x0], $0xffff  }
0x537: {  	v42 =	vld [tilespmem:s31+$0x0];
	[tilespmem:$0x1FDC0] =	vst v4;
	v4 =	vor.u32 $0x35, v3  }
0x538: {  	v53 =	vor.u32 $0x39, v3;
	v0 =	vld.idx.msk [tilespmem:v0+s17+$0x0], $0xffff  }
0x539: {  	v56 =	vor.u32 $0x2D, v3;
	v1 =	vld.idx.msk [tilespmem:v1+s17+$0x0], $0xffff  }
0x53a: {  	v57 =	vor.u32 $0x27, v3;
	v2 =	vld.idx.msk [tilespmem:v2+s17+$0x0], $0xffff  }
0x53b: {  	v52 =	vld.idx.msk [tilespmem:v3+s17+$0x0], $0xffff;
	[tilespmem:$0x1FDD0] =	vst v5;
	v5 =	vor.u32 $0x34, v3  }
0x53c: {  	v59 =	vor.u32 $0x21, v3;
	v4 =	vld.idx.msk [tilespmem:v4+s17+$0x0], $0xffff  }
0x53d: {  	v6 =	vld.idx.msk [tilespmem:v53+s17+$0x0], $0xffff;
	[tilespmem:$0x1FDF0] =	vst v0;
	v0 =	vor.u32 $0x32, v3  }
0x53e: {  	v19 =	vld.idx.msk [tilespmem:v56+s17+$0x0], $0xffff;
	[tilespmem:$0x1FE00] =	vst v1;
	v1 =	vor.u32 $0x31, v3  }
0x53f: {  	v25 =	vld.idx.msk [tilespmem:v57+s17+$0x0], $0xffff;
	[tilespmem:$0x1FE10] =	vst v2;
	v2 =	vor.u32 $0x30, v3  }
0x540: {  	v60 =	vor.u32 $0x1B, v3;
	v5 =	vld.idx.msk [tilespmem:v5+s17+$0x0], $0xffff  }
0x541: {  	v31 =	vld.idx.msk [tilespmem:v59+s17+$0x0], $0xffff;
	[tilespmem:$0x1FE20] =	vst v4;
	v4 =	vor.u32 $0x2F, v3  }
0x542: {  	v61 =	vor.u32 $0x15, v3;
	v0 =	vld.idx.msk [tilespmem:v0+s17+$0x0], $0xffff  }
0x543: {  	v62 =	vor.u32 $0xF, v3;
	v1 =	vld.idx.msk [tilespmem:v1+s17+$0x0], $0xffff  }
0x544: {  	v2 =	vld.idx.msk [tilespmem:v2+s17+$0x0], $0xffff  }
0x545: {  	v37 =	vld.idx.msk [tilespmem:v60+s17+$0x0], $0xffff;
	[tilespmem:$0x1FE30] =	vst v5;
	v5 =	vor.u32 $0x2E, v3  }
0x546: {  	v54 =	vor.u32 $0x33, v3;
	v4 =	vld.idx.msk [tilespmem:v4+s17+$0x0], $0xffff  }
0x547: {  	v45 =	vld.idx.msk [tilespmem:v61+s17+$0x0], $0xffff;
	[tilespmem:$0x1FE50] =	vst v0;
	v0 =	vor.u32 $0x2C, v3  }
0x548: {  	s0 =	sadd.s32 $0x10, s0;
	v51 =	vld.idx.msk [tilespmem:v62+s17+$0x0], $0xffff;
	[tilespmem:$0x1FE60] =	vst v1;
	v1 =	vor.u32 $0x2B, v3  }
0x549: {  	v62 =	vld [tilespmem:s0+$0x0];
	[tilespmem:$0x1FE70] =	vst v2;
	v2 =	vor.u32 $0x2A, v3  }
0x54a: {  	[tilespmem:$0x1FDE0] =	vst v6;
	v18 =	vld.idx.msk [tilespmem:v5+s17+$0x0], $0xffff;
	v5 =	vor.u32 $0x28, v3  }
0x54b: {  	v6 =	vld.idx.msk [tilespmem:v54+s17+$0x0], $0xffff;
	[tilespmem:$0x1FE80] =	vst v4;
	v4 =	vor.u32 $0x29, v3  }
0x54c: {  	v20 =	vld.idx.msk [tilespmem:v0+s17+$0x0], $0xffff;
	v0 =	vor.u32 $0x26, v3  }
0x54d: {  	v21 =	vld.idx.msk [tilespmem:v1+s17+$0x0], $0xffff;
	v1 =	vor.u32 $0x25, v3  }
0x54e: {  	v22 =	vld.idx.msk [tilespmem:v2+s17+$0x0], $0xffff;
	v2 =	vor.u32 $0x24, v3  }
0x54f: {  	v24 =	vld.idx.msk [tilespmem:v5+s17+$0x0], $0xffff;
	v5 =	vor.u32 $0x22, v3  }
0x550: {  	v23 =	vld.idx.msk [tilespmem:v4+s17+$0x0], $0xffff;
	v4 =	vor.u32 $0x23, v3  }
0x551: {  	v26 =	vld.idx.msk [tilespmem:v0+s17+$0x0], $0xffff;
	v0 =	vor.u32 $0x20, v3  }
0x552: {  	v27 =	vld.idx.msk [tilespmem:v1+s17+$0x0], $0xffff;
	v1 =	vor.u32 $0x1F, v3  }
0x553: {  	v28 =	vld.idx.msk [tilespmem:v2+s17+$0x0], $0xffff;
	v2 =	vor.u32 $0x1E, v3  }
0x554: {  	v30 =	vld.idx.msk [tilespmem:v5+s17+$0x0], $0xffff;
	v5 =	vor.u32 $0x1C, v3  }
0x555: {  	v29 =	vld.idx.msk [tilespmem:v4+s17+$0x0], $0xffff;
	v4 =	vor.u32 $0x1D, v3  }
0x556: {  	v32 =	vld.idx.msk [tilespmem:v0+s17+$0x0], $0xffff;
	v0 =	vor.u32 $0x1A, v3  }
0x557: {  	v33 =	vld.idx.msk [tilespmem:v1+s17+$0x0], $0xffff;
	v1 =	vor.u32 $0x19, v3  }
0x558: {  	v34 =	vld.idx.msk [tilespmem:v2+s17+$0x0], $0xffff;
	v2 =	vor.u32 $0x18, v3  }
0x559: {  	v36 =	vld.idx.msk [tilespmem:v5+s17+$0x0], $0xffff;
	v5 =	vor.u32 $0x16, v3  }
0x55a: {  	v35 =	vld.idx.msk [tilespmem:v4+s17+$0x0], $0xffff;
	v4 =	vor.u32 $0x17, v3  }
0x55b: {  	v38 =	vld.idx.msk [tilespmem:v0+s17+$0x0], $0xffff;
	v0 =	vor.u32 $0x14, v3  }
0x55c: {  	v39 =	vld.idx.msk [tilespmem:v1+s17+$0x0], $0xffff;
	v1 =	vor.u32 $0x13, v3  }
0x55d: {  	v40 =	vld.idx.msk [tilespmem:v2+s17+$0x0], $0xffff;
	v2 =	vor.u32 $0x12, v3  }
0x55e: {  	v44 =	vld.idx.msk [tilespmem:v5+s17+$0x0], $0xffff;
	v5 =	vor.u32 $0x10, v3  }
0x55f: {  	v41 =	vld.idx.msk [tilespmem:v4+s17+$0x0], $0xffff;
	v4 =	vor.u32 $0x11, v3  }
0x560: {  	v46 =	vld.idx.msk [tilespmem:v0+s17+$0x0], $0xffff;
	v0 =	vor.u32 $0xE, v3  }
0x561: {  	v47 =	vld.idx.msk [tilespmem:v1+s17+$0x0], $0xffff;
	v1 =	vor.u32 $0xD, v3  }
0x562: {  	p0 =	sne.s32 s1, $0xF0;
	v48 =	vld.idx.msk [tilespmem:v2+s17+$0x0], $0xffff;
	v2 =	vor.u32 $0xC, v3  }
.Ltmp2:
0x563: {  	v50 =	vld.idx.msk [tilespmem:v5+s17+$0x0], $0xffff;
	(pc) =	sbr.rel @p0 .LBB2_6-.Ltmp2, $4  }
0x564: {  	v49 =	vld.idx.msk [tilespmem:v4+s17+$0x0], $0xffff  }
0x565: {  	v53 =	vld.idx.msk [tilespmem:v0+s17+$0x0], $0xffff  }
0x566: {  	v43 =	vor.u32 $0xA, v3;
	v57 =	vor.u32 $0xB, v3;
	v54 =	vld.idx.msk [tilespmem:v1+s17+$0x0], $0xffff  }
0x567: {  	s1 =	sadd.s32 $0x10, s1;
	v59 =	vor.u32 $0x9, v3;
	v60 =	vor.u32 $0x8, v3;
	v61 =	vor.u32 $0x7, v3;
	[tilespmem:$0x1FE40] =	vst v6;
	v56 =	vld.idx.msk [tilespmem:v2+s17+$0x0], $0xffff  }
0x568: {  	_ = 	snop  }
0x569: {  	v0 =	vor.u32 $0x6, v3;
	v1 =	vor.u32 $0x4, v3;
	v2 =	vshrl.u32 v42, $0xD  }
0x56a: {  	v4 =	vshrl.u32 v62, $0xD;
	v6 =	vor.u32 $0x2, v3;
	v5 =	vand.u32 $0x7FF80, v2  }
0x56b: {  	v2 =	vand.u32 $0x40, v2;
	v7 =	vand.u32 $0x7FF80, v4;
	v5 =	vadd.s32 v55, v5  }
0x56c: {  	v4 =	vand.u32 $0x40, v4;
	v42 =	vor.u32 v2, v5;
	v2 =	vadd.s32 v55, v7;
	v5 =	vld.idx.msk [tilespmem:v43+s17+$0x0], $0xffff  }
0x56d: {  	v7 =	vld.idx.msk [tilespmem:v60+s17+$0x0], $0xffff;
	v43 =	vor.u32 v4, v2  }
0x56e: {  	v2 =	vor.u32 $0x1, v42;
	v0 =	vld.idx.msk [tilespmem:v0+s17+$0x0], $0xffff  }
0x56f: {  	v1 =	vld.idx.msk [tilespmem:v1+s17+$0x0], $0xffff;
	v4 =	vor.u32 $0x1, v43  }
0x570: {  	v8 =	vor.u32 $0x1, v3;
	v6 =	vld.idx.msk [tilespmem:v6+s17+$0x0], $0xffff  }
0x571: {  	v9 =	vor.u32 $0x2, v42;
	v10 =	vld.idx.msk [tilespmem:v42+s15+$0x0], $0xffff  }
0x572: {  	v11 =	vor.u32 $0x2, v43;
	v12 =	vld.idx.msk [tilespmem:v43+s19+$0x0], $0xffff  }
0x573: {  	v13 =	vor.u32 $0x3, v42;
	v2 =	vld.idx.msk [tilespmem:v2+s15+$0x0], $0xffff  }
0x574: {  	v14 =	vor.u32 $0x3, v43;
	v4 =	vld.idx.msk [tilespmem:v4+s19+$0x0], $0xffff  }
0x575: {  	v15 =	vor.u32 $0x3, v3;
	v8 =	vld.idx.msk [tilespmem:v8+s17+$0x0], $0xffff  }
0x576: {  	v16 =	vor.u32 $0x4, v42;
	v9 =	vld.idx.msk [tilespmem:v9+s15+$0x0], $0xffff  }
0x577: {  	v62 =	vor.u32 $0x4, v43;
	v11 =	vld.idx.msk [tilespmem:v11+s19+$0x0], $0xffff;
	v10 =	vmul.f32 v12, v10  }
0x578: {  	v17 =	vor.u32 $0x5, v42;
	v13 =	vld.idx.msk [tilespmem:v13+s15+$0x0], $0xffff  }
0x579: {  	v60 =	vor.u32 $0x5, v43;
	v2 =	vmul.f32 v4, v2;
	v4 =	vld.idx.msk [tilespmem:v14+s19+$0x0], $0xffff;
	v10 =	vmul.f32 v10, v52  }
0x57a: {  	v15 =	vld.idx.msk [tilespmem:v15+s17+$0x0], $0xffff;
	v52 =	vor.u32 $0x5, v3  }
0x57b: {  	v2 =	vmul.f32 v2, v8;
	v8 =	vld.idx.msk [tilespmem:v16+s15+$0x0], $0xffff;
	v16 =	vor.u32 $0x6, v42;
	v10 =	vadd.f32 $0.0e+00, v10  }
0x57c: {  	v9 =	vmul.f32 v11, v9;
	v11 =	vld.idx.msk [tilespmem:v62+s19+$0x0], $0xffff;
	v62 =	vor.u32 $0x6, v43  }
0x57d: {  	v2 =	vadd.f32 v2, v10;
	v10 =	vld.idx.msk [tilespmem:v17+s15+$0x0], $0xffff;
	v17 =	vor.u32 $0x7, v42  }
0x57e: {  	v55 =	vld.idx.msk [tilespmem:v60+s19+$0x0], $0xffff;
	v60 =	vor.u32 $0x7, v43;
	v6 =	vmul.f32 v9, v6;
	v4 =	vmul.f32 v4, v13  }
0x57f: {  	v14 =	vld.idx.msk [tilespmem:v52+s17+$0x0], $0xffff  }
0x580: {  	v2 =	vadd.f32 v6, v2;
	v4 =	vmul.f32 v4, v15;
	v6 =	vld.idx.msk [tilespmem:v16+s15+$0x0], $0xffff;
	v15 =	vor.u32 $0x8, v42  }
0x581: {  	v8 =	vmul.f32 v11, v8;
	v11 =	vld.idx.msk [tilespmem:v62+s19+$0x0], $0xffff;
	v62 =	vor.u32 $0x8, v43  }
0x582: {  	v16 =	vor.u32 $0x9, v42;
	v2 =	vadd.f32 v4, v2;
	v4 =	vld.idx.msk [tilespmem:v17+s15+$0x0], $0xffff  }
0x583: {  	v1 =	vmul.f32 v8, v1;
	v52 =	vmul.f32 v55, v10;
	v55 =	vld.idx.msk [tilespmem:v60+s19+$0x0], $0xffff;
	v60 =	vor.u32 $0x9, v43  }
0x584: {  	v13 =	vld.idx.msk [tilespmem:v61+s17+$0x0], $0xffff  }
0x585: {  	v61 =	vor.u32 $0xA, v42;
	v1 =	vadd.f32 v1, v2;
	v2 =	vmul.f32 v52, v14;
	v8 =	vld.idx.msk [tilespmem:v15+s15+$0x0], $0xffff  }
0x586: {  	v6 =	vmul.f32 v11, v6;
	v11 =	vld.idx.msk [tilespmem:v62+s19+$0x0], $0xffff;
	v62 =	vor.u32 $0xA, v43  }
0x587: {  	v15 =	vor.u32 $0xB, v42;
	v1 =	vadd.f32 v2, v1;
	v2 =	vld.idx.msk [tilespmem:v16+s15+$0x0], $0xffff  }
0x588: {  	v0 =	vmul.f32 v6, v0;
	v4 =	vmul.f32 v55, v4;
	v52 =	vld.idx.msk [tilespmem:v60+s19+$0x0], $0xffff;
	v55 =	vor.u32 $0xB, v43  }
0x589: {  	v60 =	vld.idx.msk [tilespmem:v59+s17+$0x0], $0xffff  }
0x58a: {  	v0 =	vadd.f32 v0, v1;
	v1 =	vmul.f32 v4, v13;
	v4 =	vld.idx.msk [tilespmem:v61+s15+$0x0], $0xffff;
	v61 =	vor.u32 $0xC, v42  }
0x58b: {  	v16 =	vor.u32 $0xC, v43;
	v8 =	vmul.f32 v11, v8;
	v62 =	vld.idx.msk [tilespmem:v62+s19+$0x0], $0xffff  }
0x58c: {  	v17 =	vor.u32 $0xD, v42;
	v0 =	vadd.f32 v1, v0;
	v1 =	vld.idx.msk [tilespmem:v15+s15+$0x0], $0xffff  }
0x58d: {  	v7 =	vmul.f32 v8, v7;
	v2 =	vmul.f32 v52, v2;
	v52 =	vld.idx.msk [tilespmem:v55+s19+$0x0], $0xffff;
	v55 =	vor.u32 $0xD, v43  }
0x58e: {  	v57 =	vld.idx.msk [tilespmem:v57+s17+$0x0], $0xffff  }
0x58f: {  	v0 =	vadd.f32 v7, v0;
	v2 =	vmul.f32 v2, v60;
	v59 =	vld.idx.msk [tilespmem:v61+s15+$0x0], $0xffff;
	v60 =	vor.u32 $0xE, v42  }
0x590: {  	v4 =	vmul.f32 v62, v4;
	v61 =	vld.idx.msk [tilespmem:v16+s19+$0x0], $0xffff;
	v62 =	vor.u32 $0xE, v43  }
0x591: {  	v16 =	vor.u32 $0xF, v42;
	v0 =	vadd.f32 v2, v0;
	v2 =	vld.idx.msk [tilespmem:v17+s15+$0x0], $0xffff  }
0x592: {  	v4 =	vmul.f32 v4, v5;
	v1 =	vmul.f32 v52, v1;
	v17 =	vld.idx.msk [tilespmem:v55+s19+$0x0], $0xffff;
	v52 =	vor.u32 $0xF, v43  }
0x593: {  	v13 =	vor.u32 $0x12, v43  }
0x594: {  	v0 =	vadd.f32 v4, v0;
	v1 =	vmul.f32 v1, v57;
	v55 =	vld.idx.msk [tilespmem:v60+s15+$0x0], $0xffff;
	v57 =	vor.u32 $0x10, v42  }
0x595: {  	v7 =	vmul.f32 v61, v59;
	v59 =	vld.idx.msk [tilespmem:v62+s19+$0x0], $0xffff;
	v60 =	vor.u32 $0x10, v43  }
0x596: {  	v61 =	vor.u32 $0x11, v42;
	v0 =	vadd.f32 v1, v0;
	v1 =	vld.idx.msk [tilespmem:v16+s15+$0x0], $0xffff  }
0x597: {  	v62 =	vor.u32 $0x11, v43;
	v7 =	vmul.f32 v7, v56;
	v2 =	vmul.f32 v17, v2;
	v6 =	vld.idx.msk [tilespmem:v52+s19+$0x0], $0xffff  }
0x598: {  	v12 =	vor.u32 $0x12, v42;
	v9 =	vld.idx.msk [tilespmem:v13+s19+$0x0], $0xffff  }
0x599: {  	v0 =	vadd.f32 v7, v0;
	v2 =	vmul.f32 v2, v54;
	v8 =	vld.idx.msk [tilespmem:v57+s15+$0x0], $0xffff  }
0x59a: {  	v14 =	vor.u32 $0x13, v43;
	v4 =	vmul.f32 v59, v55;
	v10 =	vld.idx.msk [tilespmem:v60+s19+$0x0], $0xffff  }
0x59b: {  	v11 =	vld.idx.msk [tilespmem:v61+s15+$0x0], $0xffff;
	v0 =	vadd.f32 v2, v0;
	v2 =	vor.u32 $0x13, v42  }
0x59c: {  	v15 =	vor.u32 $0x14, v42;
	v5 =	vld.idx.msk [tilespmem:v62+s19+$0x0], $0xffff;
	v4 =	vmul.f32 v4, v53;
	v1 =	vmul.f32 v6, v1  }
0x59d: {  	v16 =	vor.u32 $0x14, v43;
	v7 =	vld.idx.msk [tilespmem:v12+s15+$0x0], $0xffff  }
0x59e: {  	v0 =	vadd.f32 v4, v0;
	v1 =	vmul.f32 v1, v51  }
0x59f: {  	v17 =	vor.u32 $0x15, v43;
	v6 =	vld.idx.msk [tilespmem:v14+s19+$0x0], $0xffff;
	v8 =	vmul.f32 v10, v8  }
0x5a0: {  	v0 =	vadd.f32 v1, v0;
	v1 =	vor.u32 $0x15, v42;
	v2 =	vld.idx.msk [tilespmem:v2+s15+$0x0], $0xffff  }
0x5a1: {  	v4 =	vld.idx.msk [tilespmem:v15+s15+$0x0], $0xffff;
	v5 =	vmul.f32 v5, v11;
	v51 =	vor.u32 $0x16, v43;
	v8 =	vmul.f32 v8, v50  }
0x5a2: {  	v55 =	vor.u32 $0x18, v43;
	v7 =	vmul.f32 v9, v7;
	v10 =	vld.idx.msk [tilespmem:v16+s19+$0x0], $0xffff  }
0x5a3: {  	v5 =	vmul.f32 v5, v49;
	v50 =	vor.u32 $0x16, v42;
	v0 =	vadd.f32 v8, v0  }
0x5a4: {  	v52 =	vor.u32 $0x17, v42;
	v53 =	vor.u32 $0x17, v43;
	v11 =	vld.idx.msk [tilespmem:v17+s19+$0x0], $0xffff  }
0x5a5: {  	v7 =	vmul.f32 v7, v48;
	v0 =	vadd.f32 v5, v0;
	v1 =	vld.idx.msk [tilespmem:v1+s15+$0x0], $0xffff;
	v2 =	vmul.f32 v6, v2  }
0x5a6: {  	v56 =	vor.u32 $0x19, v43;
	v54 =	vor.u32 $0x18, v42;
	v9 =	vld.idx.msk [tilespmem:v51+s19+$0x0], $0xffff  }
0x5a7: {  	v4 =	vmul.f32 v10, v4;
	v10 =	vld.idx.msk [tilespmem:v55+s19+$0x0], $0xffff;
	v0 =	vadd.f32 v7, v0;
	v2 =	vmul.f32 v2, v47  }
0x5a8: {  	v59 =	vor.u32 $0x1A, v43;
	v8 =	vld.idx.msk [tilespmem:v50+s15+$0x0], $0xffff  }
0x5a9: {  	v5 =	vld.idx.msk [tilespmem:v52+s15+$0x0], $0xffff;
	v0 =	vadd.f32 v2, v0;
	v2 =	vor.u32 $0x19, v42  }
0x5aa: {  	v57 =	vor.u32 $0x1A, v42;
	v4 =	vmul.f32 v4, v46;
	v6 =	vld.idx.msk [tilespmem:v53+s19+$0x0], $0xffff;
	v1 =	vmul.f32 v11, v1  }
0x5ab: {  	v7 =	vld.idx.msk [tilespmem:v54+s15+$0x0], $0xffff  }
0x5ac: {  	v60 =	vor.u32 $0x1B, v43;
	v11 =	vld.idx.msk [tilespmem:v56+s19+$0x0], $0xffff;
	v0 =	vadd.f32 v4, v0;
	v1 =	vmul.f32 v1, v45  }
0x5ad: {  	v62 =	vor.u32 $0x1C, v43;
	v8 =	vmul.f32 v9, v8;
	v9 =	vld.idx.msk [tilespmem:v59+s19+$0x0], $0xffff  }
0x5ae: {  	v0 =	vadd.f32 v1, v0;
	v1 =	vor.u32 $0x1B, v42;
	v2 =	vld.idx.msk [tilespmem:v2+s15+$0x0], $0xffff  }
0x5af: {  	v61 =	vor.u32 $0x1C, v42;
	v5 =	vmul.f32 v6, v5;
	v4 =	vld.idx.msk [tilespmem:v57+s15+$0x0], $0xffff;
	v8 =	vmul.f32 v8, v44  }
0x5b0: {  	v13 =	vor.u32 $0x1D, v43;
	v12 =	vor.u32 $0x1D, v42  }
0x5b1: {  	v6 =	vld.idx.msk [tilespmem:v60+s19+$0x0], $0xffff;
	v7 =	vmul.f32 v10, v7;
	v5 =	vmul.f32 v5, v41;
	v0 =	vadd.f32 v8, v0  }
0x5b2: {  	v15 =	vor.u32 $0x1E, v43;
	v10 =	vld.idx.msk [tilespmem:v62+s19+$0x0], $0xffff  }
0x5b3: {  	v7 =	vmul.f32 v7, v40;
	v0 =	vadd.f32 v5, v0;
	v1 =	vld.idx.msk [tilespmem:v1+s15+$0x0], $0xffff;
	v2 =	vmul.f32 v11, v2  }
0x5b4: {  	v14 =	vor.u32 $0x1E, v42;
	v8 =	vld.idx.msk [tilespmem:v61+s15+$0x0], $0xffff;
	v4 =	vmul.f32 v9, v4  }
0x5b5: {  	v16 =	vor.u32 $0x1F, v43;
	v5 =	vld.idx.msk [tilespmem:v12+s15+$0x0], $0xffff;
	v0 =	vadd.f32 v7, v0;
	v2 =	vmul.f32 v2, v39  }
0x5b6: {  	v4 =	vmul.f32 v4, v38;
	v38 =	vor.u32 $0x21, v43;
	v11 =	vld.idx.msk [tilespmem:v13+s19+$0x0], $0xffff  }
0x5b7: {  	v0 =	vadd.f32 v2, v0;
	v2 =	vor.u32 $0x1F, v42  }
0x5b8: {  	v17 =	vor.u32 $0x20, v42;
	v9 =	vld.idx.msk [tilespmem:v15+s19+$0x0], $0xffff;
	v1 =	vmul.f32 v6, v1  }
0x5b9: {  	v40 =	vor.u32 $0x22, v43;
	v7 =	vld.idx.msk [tilespmem:v14+s15+$0x0], $0xffff  }
0x5ba: {  	v6 =	vld.idx.msk [tilespmem:v16+s19+$0x0], $0xffff;
	v0 =	vadd.f32 v4, v0;
	v1 =	vmul.f32 v1, v37;
	v37 =	vor.u32 $0x20, v43  }
0x5bb: {  	v8 =	vmul.f32 v10, v8;
	v5 =	vmul.f32 v11, v5;
	v11 =	vld.idx.msk [tilespmem:v38+s19+$0x0], $0xffff  }
0x5bc: {  	v0 =	vadd.f32 v1, v0;
	v1 =	vor.u32 $0x21, v42;
	v2 =	vld.idx.msk [tilespmem:v2+s15+$0x0], $0xffff  }
0x5bd: {  	v39 =	vor.u32 $0x22, v42;
	v8 =	vmul.f32 v8, v36;
	v4 =	vld.idx.msk [tilespmem:v17+s15+$0x0], $0xffff  }
0x5be: {  	v7 =	vmul.f32 v9, v7;
	v9 =	vld.idx.msk [tilespmem:v40+s19+$0x0], $0xffff  }
0x5bf: {  	v5 =	vmul.f32 v5, v35;
	v0 =	vadd.f32 v8, v0;
	v10 =	vld.idx.msk [tilespmem:v37+s19+$0x0], $0xffff  }
0x5c0: {  	v41 =	vor.u32 $0x23, v42;
	v7 =	vmul.f32 v7, v34;
	v34 =	vld [tilespmem:$0x1FE40]  }
0x5c1: {  	v44 =	vor.u32 $0x23, v43;
	v0 =	vadd.f32 v5, v0;
	v1 =	vld.idx.msk [tilespmem:v1+s15+$0x0], $0xffff;
	v2 =	vmul.f32 v6, v2  }
0x5c2: {  	v45 =	vor.u32 $0x24, v42;
	v8 =	vld.idx.msk [tilespmem:v39+s15+$0x0], $0xffff  }
0x5c3: {  	v46 =	vor.u32 $0x24, v43;
	v39 =	vld [tilespmem:$0x1FE20];
	v0 =	vadd.f32 v7, v0;
	v2 =	vmul.f32 v2, v33  }
0x5c4: {  	v47 =	vor.u32 $0x25, v43;
	v37 =	vld [tilespmem:$0x1FE30];
	v4 =	vmul.f32 v10, v4  }
0x5c5: {  	v5 =	vld.idx.msk [tilespmem:v41+s15+$0x0], $0xffff;
	v0 =	vadd.f32 v2, v0;
	v2 =	vor.u32 $0x25, v42  }
0x5c6: {  	v6 =	vld.idx.msk [tilespmem:v44+s19+$0x0], $0xffff;
	v4 =	vmul.f32 v4, v32;
	v1 =	vmul.f32 v11, v1  }
0x5c7: {  	v49 =	vor.u32 $0x26, v43;
	v7 =	vld.idx.msk [tilespmem:v45+s15+$0x0], $0xffff  }
0x5c8: {  	v48 =	vor.u32 $0x26, v42;
	v10 =	vld.idx.msk [tilespmem:v46+s19+$0x0], $0xffff;
	v0 =	vadd.f32 v4, v0;
	v1 =	vmul.f32 v1, v31  }
0x5c9: {  	v50 =	vor.u32 $0x27, v43;
	v8 =	vmul.f32 v9, v8;
	v11 =	vld.idx.msk [tilespmem:v47+s19+$0x0], $0xffff  }
0x5ca: {  	v0 =	vadd.f32 v1, v0;
	v1 =	vor.u32 $0x27, v42;
	v2 =	vld.idx.msk [tilespmem:v2+s15+$0x0], $0xffff  }
0x5cb: {  	v45 =	vld [tilespmem:$0x1FE10];
	v8 =	vmul.f32 v8, v30;
	v5 =	vmul.f32 v6, v5  }
0x5cc: {  	v51 =	vor.u32 $0x28, v42;
	v52 =	vor.u32 $0x28, v43;
	v9 =	vld.idx.msk [tilespmem:v49+s19+$0x0], $0xffff  }
0x5cd: {  	v5 =	vmul.f32 v5, v29;
	v4 =	vld.idx.msk [tilespmem:v48+s15+$0x0], $0xffff;
	v7 =	vmul.f32 v10, v7;
	v0 =	vadd.f32 v8, v0  }
0x5ce: {  	v53 =	vor.u32 $0x29, v42;
	v54 =	vor.u32 $0x29, v43;
	v6 =	vld.idx.msk [tilespmem:v50+s19+$0x0], $0xffff  }
0x5cf: {  	v7 =	vmul.f32 v7, v28;
	v0 =	vadd.f32 v5, v0;
	v1 =	vld.idx.msk [tilespmem:v1+s15+$0x0], $0xffff;
	v2 =	vmul.f32 v11, v2  }
0x5d0: {  	v56 =	vor.u32 $0x2A, v43;
	v32 =	vld [tilespmem:$0x1FE50]  }
0x5d1: {  	v55 =	vor.u32 $0x2A, v42;
	v10 =	vld.idx.msk [tilespmem:v52+s19+$0x0], $0xffff;
	v0 =	vadd.f32 v7, v0;
	v2 =	vmul.f32 v2, v27  }
0x5d2: {  	v57 =	vor.u32 $0x2B, v43;
	v8 =	vld.idx.msk [tilespmem:v51+s15+$0x0], $0xffff;
	v4 =	vmul.f32 v9, v4  }
0x5d3: {  	v5 =	vld.idx.msk [tilespmem:v53+s15+$0x0], $0xffff;
	v0 =	vadd.f32 v2, v0;
	v2 =	vor.u32 $0x2B, v42  }
0x5d4: {  	v60 =	vor.u32 $0x2C, v43;
	v4 =	vmul.f32 v4, v26;
	v11 =	vld.idx.msk [tilespmem:v54+s19+$0x0], $0xffff;
	v1 =	vmul.f32 v6, v1  }
0x5d5: {  	v9 =	vld.idx.msk [tilespmem:v56+s19+$0x0], $0xffff  }
0x5d6: {  	v59 =	vor.u32 $0x2C, v42;
	v7 =	vld.idx.msk [tilespmem:v55+s15+$0x0], $0xffff;
	v0 =	vadd.f32 v4, v0;
	v1 =	vmul.f32 v1, v25  }
0x5d7: {  	v61 =	vor.u32 $0x2D, v43;
	v8 =	vmul.f32 v10, v8;
	v6 =	vld.idx.msk [tilespmem:v57+s19+$0x0], $0xffff  }
0x5d8: {  	v0 =	vadd.f32 v1, v0;
	v1 =	vor.u32 $0x2D, v42;
	v2 =	vld.idx.msk [tilespmem:v2+s15+$0x0], $0xffff  }
0x5d9: {  	v12 =	vor.u32 $0x2E, v43;
	v10 =	vld.idx.msk [tilespmem:v60+s19+$0x0], $0xffff;
	v8 =	vmul.f32 v8, v24;
	v5 =	vmul.f32 v11, v5  }
0x5da: {  	v62 =	vor.u32 $0x2E, v42;
	v27 =	vld [tilespmem:$0x1FE70]  }
0x5db: {  	v4 =	vld.idx.msk [tilespmem:v59+s15+$0x0], $0xffff;
	v7 =	vmul.f32 v9, v7;
	v5 =	vmul.f32 v5, v23;
	v0 =	vadd.f32 v8, v0  }
0x5dc: {  	v13 =	vor.u32 $0x2F, v42;
	v14 =	vor.u32 $0x2F, v43;
	v11 =	vld.idx.msk [tilespmem:v61+s19+$0x0], $0xffff  }
0x5dd: {  	v7 =	vmul.f32 v7, v22;
	v0 =	vadd.f32 v5, v0;
	v1 =	vld.idx.msk [tilespmem:v1+s15+$0x0], $0xffff;
	v2 =	vmul.f32 v6, v2  }
0x5de: {  	v16 =	vor.u32 $0x30, v43;
	v9 =	vld.idx.msk [tilespmem:v12+s19+$0x0], $0xffff  }
0x5df: {  	v15 =	vor.u32 $0x30, v42;
	v23 =	vld [tilespmem:$0x1FE80];
	v0 =	vadd.f32 v7, v0;
	v2 =	vmul.f32 v2, v21  }
0x5e0: {  	v17 =	vor.u32 $0x31, v43;
	v8 =	vld.idx.msk [tilespmem:v62+s15+$0x0], $0xffff;
	v4 =	vmul.f32 v10, v4  }
0x5e1: {  	v5 =	vld.idx.msk [tilespmem:v13+s15+$0x0], $0xffff;
	v0 =	vadd.f32 v2, v0;
	v2 =	vor.u32 $0x31, v42  }
0x5e2: {  	v4 =	vmul.f32 v4, v20;
	v6 =	vld.idx.msk [tilespmem:v14+s19+$0x0], $0xffff;
	v1 =	vmul.f32 v11, v1  }
0x5e3: {  	v10 =	vld.idx.msk [tilespmem:v16+s19+$0x0], $0xffff;
	v20 =	vor.u32 $0x32, v42  }
0x5e4: {  	v7 =	vld.idx.msk [tilespmem:v15+s15+$0x0], $0xffff;
	v21 =	vor.u32 $0x32, v43;
	v0 =	vadd.f32 v4, v0;
	v1 =	vmul.f32 v1, v19  }
0x5e5: {  	v22 =	vor.u32 $0x33, v43;
	v8 =	vmul.f32 v9, v8;
	v11 =	vld.idx.msk [tilespmem:v17+s19+$0x0], $0xffff  }
0x5e6: {  	v0 =	vadd.f32 v1, v0;
	v1 =	vor.u32 $0x33, v42;
	v2 =	vld.idx.msk [tilespmem:v2+s15+$0x0], $0xffff  }
0x5e7: {  	v29 =	vld [tilespmem:$0x1FE60];
	v8 =	vmul.f32 v8, v18;
	v5 =	vmul.f32 v6, v5  }
0x5e8: {  	v24 =	vor.u32 $0x34, v42;
	v25 =	vor.u32 $0x34, v43;
	v4 =	vld.idx.msk [tilespmem:v20+s15+$0x0], $0xffff  }
0x5e9: {  	v7 =	vmul.f32 v10, v7;
	v5 =	vmul.f32 v5, v23;
	v9 =	vld.idx.msk [tilespmem:v21+s19+$0x0], $0xffff;
	v0 =	vadd.f32 v8, v0  }
0x5ea: {  	v28 =	vor.u32 $0x35, v43;
	v26 =	vor.u32 $0x35, v42;
	v6 =	vld.idx.msk [tilespmem:v22+s19+$0x0], $0xffff  }
0x5eb: {  	v7 =	vmul.f32 v7, v27;
	v0 =	vadd.f32 v5, v0;
	v1 =	vld.idx.msk [tilespmem:v1+s15+$0x0], $0xffff;
	v2 =	vmul.f32 v11, v2  }
0x5ec: {  	v49 =	vld [tilespmem:$0x1FE00];
	v31 =	vor.u32 $0x36, v43  }
0x5ed: {  	v30 =	vor.u32 $0x36, v42;
	v10 =	vld.idx.msk [tilespmem:v25+s19+$0x0], $0xffff;
	v0 =	vadd.f32 v7, v0;
	v2 =	vmul.f32 v2, v29  }
0x5ee: {  	v33 =	vor.u32 $0x37, v43;
	v8 =	vld.idx.msk [tilespmem:v24+s15+$0x0], $0xffff;
	v4 =	vmul.f32 v9, v4  }
0x5ef: {  	v5 =	vld.idx.msk [tilespmem:v26+s15+$0x0], $0xffff;
	v0 =	vadd.f32 v2, v0;
	v2 =	vor.u32 $0x37, v42  }
0x5f0: {  	v4 =	vmul.f32 v4, v32;
	v11 =	vld.idx.msk [tilespmem:v28+s19+$0x0], $0xffff;
	v1 =	vmul.f32 v6, v1  }
0x5f1: {  	v36 =	vor.u32 $0x38, v43;
	v9 =	vld.idx.msk [tilespmem:v31+s19+$0x0], $0xffff  }
0x5f2: {  	v35 =	vor.u32 $0x38, v42;
	v7 =	vld.idx.msk [tilespmem:v30+s15+$0x0], $0xffff;
	v0 =	vadd.f32 v4, v0;
	v1 =	vmul.f32 v1, v34  }
0x5f3: {  	v38 =	vor.u32 $0x39, v43;
	v8 =	vmul.f32 v10, v8;
	v6 =	vld.idx.msk [tilespmem:v33+s19+$0x0], $0xffff  }
0x5f4: {  	v0 =	vadd.f32 v1, v0;
	v1 =	vor.u32 $0x39, v42;
	v2 =	vld.idx.msk [tilespmem:v2+s15+$0x0], $0xffff  }
0x5f5: {  	v52 =	vld [tilespmem:$0x1FDF0];
	v8 =	vmul.f32 v8, v37;
	v5 =	vmul.f32 v11, v5  }
0x5f6: {  	v10 =	vld.idx.msk [tilespmem:v36+s19+$0x0], $0xffff  }
0x5f7: {  	v4 =	vld.idx.msk [tilespmem:v35+s15+$0x0], $0xffff;
	v7 =	vmul.f32 v9, v7;
	v5 =	vmul.f32 v5, v39;
	v0 =	vadd.f32 v8, v0  }
0x5f8: {  	v11 =	vld.idx.msk [tilespmem:v38+s19+$0x0], $0xffff  }
0x5f9: {  	v7 =	vmul.f32 v7, v45;
	v0 =	vadd.f32 v5, v0;
	v1 =	vld.idx.msk [tilespmem:v1+s15+$0x0], $0xffff;
	v2 =	vmul.f32 v6, v2;
	_ =	sdelay $0x1  }
0x5fa: {  	v40 =	vor.u32 $0x3A, v42;
	v55 =	vld [tilespmem:$0x1FDE0];
	v0 =	vadd.f32 v7, v0;
	v2 =	vmul.f32 v2, v49  }
0x5fb: {  	v41 =	vor.u32 $0x3A, v43;
	v4 =	vmul.f32 v10, v4  }
0x5fc: {  	v0 =	vadd.f32 v2, v0;
	v2 =	vor.u32 $0x3D, v43  }
0x5fd: {  	v4 =	vmul.f32 v4, v52;
	v1 =	vmul.f32 v11, v1;
	_ =	sdelay $0x1  }
0x5fe: {  	v48 =	vld.idx.msk [tilespmem:v40+s15+$0x0], $0xffff;
	v0 =	vadd.f32 v4, v0;
	v1 =	vmul.f32 v1, v55  }
0x5ff: {  	v9 =	vld.idx.msk [tilespmem:v41+s19+$0x0], $0xffff  }
0x600: {  	v46 =	vor.u32 $0x3B, v43;
	v0 =	vadd.f32 v1, v0;
	v1 =	vld.idx.msk [tilespmem:v2+s19+$0x0], $0xffff  }
0x601: {  	v44 =	vor.u32 $0x3B, v42;
	v2 =	vld [tilespmem:$0x1FDD0];
	_ =	sdelay $0x2  }
0x602: {  	v7 =	vmul.f32 v9, v48  }
0x603: {  	v12 =	vld.idx.msk [tilespmem:v46+s19+$0x0], $0xffff  }
0x604: {  	v5 =	vld.idx.msk [tilespmem:v44+s15+$0x0], $0xffff;
	v2 =	vmul.f32 v7, v2  }
0x605: {  	v50 =	vor.u32 $0x3C, v43  }
0x606: {  	v47 =	vor.u32 $0x3C, v42;
	v0 =	vadd.f32 v2, v0;
	v2 =	vld [tilespmem:$0x1FDC0]  }
0x607: {  	v51 =	vor.u32 $0x3D, v42;
	_ =	sdelay $0x1  }
0x608: {  	v53 =	vor.u32 $0x3E, v42;
	v5 =	vmul.f32 v12, v5  }
0x609: {  	v54 =	vor.u32 $0x3E, v43;
	v8 =	vld.idx.msk [tilespmem:v50+s19+$0x0], $0xffff  }
0x60a: {  	v59 =	vor.u32 $0x3F, v43;
	v6 =	vld.idx.msk [tilespmem:v47+s15+$0x0], $0xffff;
	v2 =	vmul.f32 v5, v2  }
0x60b: {  	v56 =	vor.u32 $0x3F, v42;
	v57 =	vld.idx.msk [tilespmem:v51+s15+$0x0], $0xffff  }
0x60c: {  	v0 =	vadd.f32 v2, v0;
	v2 =	vld [tilespmem:$0x1FDB0]  }
0x60d: {  	v3 =	vor.u32 $0x3F, v3;
	v60 =	vld.idx.msk [tilespmem:v53+s15+$0x0], $0xffff  }
0x60e: {  	v11 =	vld.idx.msk [tilespmem:v54+s19+$0x0], $0xffff  }
0x60f: {  	v62 =	vld.idx.msk [tilespmem:v59+s19+$0x0], $0xffff;
	v61 =	vmul.f32 v8, v6  }
0x610: {  	v4 =	vld.idx.msk [tilespmem:v56+s15+$0x0], $0xffff  }
0x611: {  	v1 =	vmul.f32 v1, v57;
	v2 =	vmul.f32 v61, v2  }
0x612: {  	v3 =	vld.idx.msk [tilespmem:v3+s17+$0x0], $0xffff  }
0x613: {  	v1 =	vmul.f32 v1, v63;
	v0 =	vadd.f32 v2, v0;
	v2 =	vmul.f32 v11, v60;
	_ =	sdelay $0x1  }
0x614: {  	v0 =	vadd.f32 v1, v0;
	v1 =	vmul.f32 v2, v58;
	v2 =	vmul.f32 v62, v4;
	_ =	sdelay $0x1  }
0x615: {  	v0 =	vadd.f32 v1, v0;
	v1 =	vmul.f32 v2, v3;
	_ =	sdelay $0x1  }
0x616: {  	s28 =	sadd.s32 $0x1, s28;
	v0 =	vadd.f32 v1, v0  }
0x617: {  	s0 =	sadd.s32 $0x10, s29;
	p0 =	sne.s32 s28, s9  }
.Ltmp3:
0x618: {  	[tilespmem:s0+$0x0] =	vst v0;
	(pc) =	sbr.rel @p0 .LBB2_1-.Ltmp3, $4  }
0x619: {  	[hbm4b:s8+s2] =	stream.linear.scatter [tilespmem:s26], [sflag:$0x4], $0x200, $0x38;
	[tilespmem:$0x18E00] =	vst v63  }
0x61a: {  	_ =	swait.ge [sflag:s10], $0x200  }
0x61b: {  	[sflag:s10] =	ssyncset.done $0x0  }
0x61c: {  	v0 =	vld [tilespmem:$0x1FFF0];
	[sflag:s10] =	ssyncadd.s32 $0xFFFFFE00  }
0x61d: {  	_ =	sfence.sel $0x180000  }
0x61e: {  	[bflag:$0x0] =	sbarrier.arrive $0xFFFF  }
0x61f: {  	_ =	strace $0x90000047  }
0x620: {  	s0 =	stileid.u32;
	[bflag:$0x2] =	sbarrier.arrive $0xFFFF  }
0x621: {  	p0 =	sne.s32 s0, $0x0;
	s0 =	rddreg [dreg:$0x2]  }
0x622: {  	s0 =	sadd.s32 @!p0 $0x100000, s0  }
0x623: {  	[sflag:s0] =	ssyncadd.tile.s32 @!p0 $0x1;
	_ =	shalt  }
.Lfunc_end2:
_tile_overlayer_lowered:
.L_overlay_start_2:
0x624: {  	(tag) =	ssettag $0x2  }
0x625: {  	s0 =	rddreg [dreg:$0x0];
	s2 =	stileid.u32  }
0x626: {  	s1 =	rddreg [dreg:$0x1];
	p0 =	sne.s32 s2, $0x0  }
0x627: {  	s3 =	rddreg [dreg:$0x2];
	[bflag:$0x3] =	sbarrier.arrive $0xFFFF;
	s2 =	simm.s32 @!p0 $0x1C04  }
0x628: {  	[timem:s3], [sflag:s2] =	dma.local @!p0 [hbm:s0], s1  }
0x629: {  	s0 =	simm.s32 @!p0 $0x4  }
0x62a: {  	_ =	swait.ge @!p0 [sflag:s0], s1  }
0x62b: {  	s1 =	ssub.s32 @!p0 $0x0, s1;
	[sflag:s0] =	ssyncset.done @!p0 $0x0  }
0x62c: {  	[sflag:s0] =	ssyncadd.s32 @!p0 s1  }
0x62d: {  	[bflag:$0x3] =	sbarrier.arrive $0xFFFF  }
0x62e: {  	_ =	shalt  }

</sc_bundles>
